<compile_context>
chip_gen: v7x
topology: tpu7x:2x2x1
jax: 0.10.2.dev20260603
libtpu: 0.0.44.dev20260713+nightly
codegen_flags: <defaults>
</compile_context>

<pallas_src>
import functools
import math

import jax
import jax.numpy as jnp
from jax import lax
from jax.experimental import pallas as pl
from jax.experimental.pallas import tpu as pltpu
from jax.experimental.pallas import tpu_sc as plsc

_LANES = 16
_PADW = 128
_CH = 256


def _mesh():
    return plsc.VectorSubcoreMesh(core_axis_name="c", subcore_axis_name="s")


def _wid():
    return lax.axis_index("s") * plsc.get_sparse_core_info().num_cores + \
        lax.axis_index("c")


@functools.lru_cache(maxsize=None)
def _build_flatten(batch: int, hist: int, hist_p: int):
    info = plsc.get_sparse_core_info()
    nw = info.num_cores * info.num_subcores
    tr_per_worker = batch // nw
    tr_half = tr_per_worker // 2
    n_half = tr_half * hist
    assert n_half % _PADW == 0
    fr_half = n_half // _PADW

    @functools.partial(
        pl.kernel,
        out_type=jax.ShapeDtypeStruct((batch * hist // _PADW, _PADW),
                                      jnp.int32),
        mesh=_mesh(),
        scratch_types=[
            pltpu.VMEM((tr_half, hist_p), jnp.int32),
            pltpu.VMEM((2 * fr_half, _PADW), jnp.int32),
        ],
        compiler_params=pltpu.CompilerParams(
            use_tc_tiling_on_sc=True, needs_layout_passes=False
        ),
    )
    def flatten(tok_hbm, idx_hbm, tok_v, flat_v):
        wid = _wid()
        base_tr = wid * tr_per_worker
        for half in range(2):
            pltpu.sync_copy(
                tok_hbm.at[pl.ds(base_tr + half * tr_half, tr_half)], tok_v
            )

            def row_body(fr, _):
                for j in range(_PADW // _LANES):
                    p = fr * _PADW + j * _LANES + lax.iota(jnp.int32, _LANES)
                    r = p // hist - half * tr_half
                    c = p - (p // hist) * hist
                    v = plsc.load_gather(tok_v, [r, c])
                    flat_v[fr, pl.ds(j * _LANES, _LANES)] = v
                return 0

            lax.fori_loop(half * fr_half, (half + 1) * fr_half, row_body, 0)
        pltpu.sync_copy(
            flat_v, idx_hbm.at[pl.ds(wid * 2 * fr_half, 2 * fr_half)]
        )

    return flatten


@functools.lru_cache(maxsize=None)
def _build_widen(vocab: int, d_model: int):
    info = plsc.get_sparse_core_info()
    nw = info.num_cores * info.num_subcores
    n_blocks = vocab // 8
    bpw = -(-n_blocks // nw)
    cblk = 32
    n_ch = -(-bpw // cblk)
    assert n_ch % 2 == 1
    rows = cblk * 8
    d_vecs = d_model // _LANES

    @functools.partial(
        pl.kernel,
        out_type=jax.ShapeDtypeStruct((vocab, _PADW), jnp.float32),
        mesh=_mesh(),
        scratch_types=[
            pltpu.VMEM((2, rows, d_model), jnp.float32),
            pltpu.VMEM((2, rows, _PADW), jnp.float32),
            [pltpu.SemaphoreType.DMA] * 2,
            [pltpu.SemaphoreType.DMA] * 2,
        ],
        compiler_params=pltpu.CompilerParams(
            use_tc_tiling_on_sc=True, needs_layout_passes=False
        ),
    )
    def widen(table_hbm, t128_hbm, in_v, out_v, rsems, wsems):
        wid = _wid()
        blk0 = jnp.minimum(wid * bpw, n_blocks - bpw)
        blk_last = blk0 + bpw - cblk

        def row0(c):
            return pl.multiple_of(jnp.minimum(blk0 + c * cblk, blk_last) * 8,
                                  8)

        def read(c, b):
            return pltpu.make_async_copy(
                table_hbm.at[pl.ds(row0(c), rows)], in_v.at[b], rsems[b]
            )

        def write(c, b):
            return pltpu.make_async_copy(
                out_v.at[b], t128_hbm.at[pl.ds(row0(c), rows)], wsems[b]
            )

        read(0, 0).start()

        def chunk(c, b):
            @pl.when(c + 1 < n_ch)
            def _():
                read(c + 1, 1 - b).start()

            read(c, b).wait()

            @pl.when(c >= 2)
            def _():
                write(c - 2, b).wait()

            @plsc.parallel_loop(0, rows, unroll=8)
            def _(r):
                for d in range(d_vecs):
                    sl = pl.ds(d * _LANES, _LANES)
                    out_v[b, r, sl] = in_v[b, r, sl]

            write(c, b).start()

        def pair(c0, _):
            for b in range(2):
                chunk(c0 * 2 + b, b)
            return 0

        lax.fori_loop(0, n_ch // 2, pair, 0)
        chunk(n_ch - 1, 0)
        write(n_ch - 2, 1).wait()
        write(n_ch - 1, 0).wait()

    return widen


@functools.lru_cache(maxsize=None)
def _build_gather(n_rows: int, vocab: int, d_model: int, scale: float):
    info = plsc.get_sparse_core_info()
    nw = info.num_cores * info.num_subcores
    rows_per_worker = n_rows // nw
    ch = _PADW
    assert rows_per_worker % ch == 0
    n_chunks = rows_per_worker // ch
    nbuf = 4
    assert n_chunks % nbuf == 0
    n_groups = n_chunks // nbuf
    d_vecs = d_model // _LANES

    @functools.partial(
        pl.kernel,
        out_type=jax.ShapeDtypeStruct((n_rows, d_model), jnp.float32),
        mesh=_mesh(),
        scratch_types=[
            pltpu.VMEM((rows_per_worker // ch, _PADW), jnp.int32),
            pltpu.VMEM((nbuf, ch, _PADW), jnp.float32),
            pltpu.VMEM((ch, d_model), jnp.float32),
            pltpu.VMEM((ch, d_model), jnp.float32),
            [pltpu.SemaphoreType.DMA] * nbuf,
            [pltpu.SemaphoreType.DMA] * 2,
        ],
        compiler_params=pltpu.CompilerParams(
            use_tc_tiling_on_sc=True, needs_layout_passes=False
        ),
    )
    def gather_scale(t128_hbm, idx_hbm, out_hbm, idx_v, rows_v, pk0_v, pk1_v,
                     gsems, wsems):
        wid = _wid()
        base_ir = wid * n_chunks
        base_row = wid * rows_per_worker
        pltpu.sync_copy(idx_hbm.at[pl.ds(base_ir, n_chunks)], idx_v)

        def gather(g, b):
            return pltpu.make_async_copy(
                t128_hbm.at[idx_v.at[g]], rows_v.at[b],
                gsems[b],
            )

        def write(g, pk, bp):
            off = pl.multiple_of(base_row + g * ch, ch)
            return pltpu.make_async_copy(
                pk, out_hbm.at[pl.ds(off, ch)], wsems[bp]
            )

        gather(0, 0).start()
        gather(1, 1).start()

        def group_body(g0, _):
            for b in range(nbuf):
                g = g0 * nbuf + b
                pk = pk0_v if b % 2 == 0 else pk1_v

                @pl.when(g >= 2)
                def _():
                    write(g - 2, pk, b % 2).wait()

                @pl.when(g + 2 < n_chunks)
                def _():
                    gather(g + 2, (b + 2) % nbuf).start()

                gather(g, b).wait()

                @plsc.parallel_loop(0, ch, unroll=8)
                def _(r):
                    for d in range(d_vecs):
                        sl = pl.ds(d * _LANES, _LANES)
                        pk[r, sl] = rows_v[b, r, sl] * scale

                write(g, pk, b % 2).start()
            return 0

        lax.fori_loop(0, n_groups, group_body, 0)
        write(n_chunks - 2, pk0_v, 0).wait()
        write(n_chunks - 1, pk1_v, 1).wait()

    return gather_scale


@functools.lru_cache(maxsize=None)
def _build_unpack(batch: int, hist: int, d_model: int):
    info = plsc.get_sparse_core_info()
    nw = info.num_cores * info.num_subcores
    tr_per_worker = batch // nw
    assert tr_per_worker % 2 == 0
    n_steps = tr_per_worker // 2
    pk_step = hist
    fl_step = 2 * hist
    d_vecs = d_model // _LANES

    @functools.partial(
        pl.kernel,
        out_type=jax.ShapeDtypeStruct((batch * hist, d_model), jnp.float32),
        mesh=_mesh(),
        scratch_types=[
            pltpu.VMEM((2, pk_step, _PADW), jnp.float32),
            pltpu.VMEM((fl_step, d_model), jnp.float32),
            [pltpu.SemaphoreType.DMA] * 2,
            pltpu.SemaphoreType.DMA,
        ],
        compiler_params=pltpu.CompilerParams(
            use_tc_tiling_on_sc=True, needs_layout_passes=False
        ),
    )
    def unpack(pk_hbm, out_hbm, in_v, out_v, rsems, wsem):
        wid = _wid()
        base_pk = wid * tr_per_worker * hist * d_model // _PADW
        base_fl = wid * tr_per_worker * hist

        def read(s, b):
            off = pl.multiple_of(base_pk + s * pk_step, 8)
            return pltpu.make_async_copy(
                pk_hbm.at[pl.ds(off, pk_step)], in_v.at[b], rsems[b]
            )

        def write(s):
            off = pl.multiple_of(base_fl + s * fl_step, 8)
            return pltpu.make_async_copy(
                out_v, out_hbm.at[pl.ds(off, fl_step)], wsem
            )

        read(0, 0).start()

        def pair_body(s0, _):
            for b in range(2):
                s = s0 * 2 + b

                @pl.when(s + 1 < n_steps)
                def _():
                    read(s + 1, (b + 1) % 2).start()

                read(s, b).wait()

                @pl.when(s >= 1)
                def _():
                    write(s - 1).wait()

                @plsc.parallel_loop(0, fl_step, unroll=8)
                def _(fl):
                    src_r = fl // 2
                    src_h = (fl - src_r * 2) * d_model
                    for d in range(d_vecs):
                        out_v[fl, pl.ds(d * _LANES, _LANES)] = in_v[
                            b, src_r, pl.ds(src_h + d * _LANES, _LANES)
                        ]

                write(s).start()
            return 0

        lax.fori_loop(0, n_steps // 2, pair_body, 0)
        write(n_steps - 1).wait()

    return unpack


def kernel(token, lookup_table):
    batch, hist = token.shape
    vocab, d_model = lookup_table.shape
    scale = math.sqrt(d_model)
    hist_p = -(-hist // _PADW) * _PADW
    tok_p = jnp.pad(token.astype(jnp.int32), ((0, 0), (0, hist_p - hist)))
    t128 = _build_widen(vocab, d_model)(lookup_table)
    idx = _build_flatten(batch, hist, hist_p)(tok_p)
    out = _build_gather(batch * hist, vocab, d_model, scale)(t128, idx)
    return out.reshape(batch, hist, d_model)

# --- scband reference (transcript-rebuilt; emitter-appended) ---
"""Pipeline reference for scband-embedding-layer-764504179120 (READ-ONLY COPY).

The authoritative reference and input builder live on the scoring server;
editing this copy changes nothing except your own understanding.
"""

import jax, jax.numpy as jnp
import numpy as np
import math

VOCAB = 1000000
D_MODEL = 64
BATCH = 4096
HIST = 200

def setup_inputs(seed: int = 0) -> dict:
    key = jax.random.key(seed)
    k1, k2 = jax.random.split(key)
    token = jax.random.randint(k1, (BATCH, HIST), 0, VOCAB, dtype=jnp.int64 if jax.config.jax_enable_x64 else jnp.int32)
    lookup_table = jax.random.normal(k2, (VOCAB, D_MODEL), dtype=jnp.float32)
    return {"token": token, "lookup_table": lookup_table}

def reference(token, lookup_table):
    # nn.Embedding lookup -> gather rows
    embedding_vector = jnp.take(lookup_table, token, axis=0)
    scale_factor = math.sqrt(D_MODEL)
    scaled_embedding_vector = embedding_vector * scale_factor
    return scaled_embedding_vector

if __name__ == "__main__":
    import jax
    _d = setup_inputs()
    print(jax.jit(kernel)(*tuple(_d.values())))

</pallas_src>

<mosaic_0001>
#map = affine_map<(d0, d1) -> (0, 0)>
module attributes {stable_mosaic.version = 14 : i64} {
  func.func @flatten(%arg0: i32, %arg1: i32, %arg2: memref<4096x256xi32, #tpu.memory_space<hbm>>, %arg3: memref<6400x128xi32, #tpu.memory_space<hbm>>, %arg4: memref<64x256xi32, #tpu.memory_space<vmem>>, %arg5: memref<200x128xi32, #tpu.memory_space<vmem>>) attributes {dimension_semantics = [#tpu.dimension_semantics<core_parallel>, #tpu.dimension_semantics<subcore_parallel>], iteration_bounds = array<i64: 2, 16>, scalar_prefetch = 0 : i64, scratch_operands = 2 : i64, tpu.core_type = #tpu.core_type<sc_vector_subcore>, window_params = [{transform_indices = #map}, {transform_indices = #map}]} {
    %mul3A = arith.constant 2 : i32
    %mul3A_0 = arith.muli %arg1, %mul3A : i32
    %add3A = arith.addi %mul3A_0, %arg0 : i32
    %mul3A_1 = arith.constant 128 : i32
    %mul3A_2 = arith.muli %add3A, %mul3A_1 : i32
    %add3A_3 = arith.constant 0 : i32
    %add3A_4 = arith.addi %mul3A_2, %add3A_3 : i32
    "tpu.region"() ({
      %run_scoped3A = tpu.sem_alloc : memref<!tpu.dma_semaphore, #tpu.memory_space<semaphore_mem>>
      %dma_start3A = arith.constant 0 : i32
      %dma_start3A_24 = tpu.memref_slice %arg2[%add3A_4, %dma_start3A] : memref<4096x256xi32, #tpu.memory_space<hbm>> -> memref<64x256xi32, #tpu.memory_space<hbm>>
      %dma_start3A_25 = arith.constant 0 : i32
      %dma_start3A_26 = tpu.memref_slice %arg2[%add3A_4, %dma_start3A_25] : memref<4096x256xi32, #tpu.memory_space<hbm>> -> memref<64x256xi32, #tpu.memory_space<hbm>>
      tpu.enqueue_dma source(%dma_start3A_26 : memref<64x256xi32, #tpu.memory_space<hbm>>) target(%arg4 : memref<64x256xi32, #tpu.memory_space<vmem>>) target_semaphore(%run_scoped3A : memref<!tpu.dma_semaphore, #tpu.memory_space<semaphore_mem>>)
      %dma_wait3A = arith.constant 0 : i32
      %dma_wait3A_27 = tpu.memref_slice %arg2[%add3A_4, %dma_wait3A] : memref<4096x256xi32, #tpu.memory_space<hbm>> -> memref<64x256xi32, #tpu.memory_space<hbm>>
      %dma_wait3A_28 = arith.constant 0 : i32
      %dma_wait3A_29 = tpu.memref_slice %arg2[%add3A_4, %dma_wait3A_28] : memref<4096x256xi32, #tpu.memory_space<hbm>> -> memref<64x256xi32, #tpu.memory_space<hbm>>
      tpu.wait_dma2 semaphore(%run_scoped3A : memref<!tpu.dma_semaphore, #tpu.memory_space<semaphore_mem>>) src(%dma_wait3A_29 : memref<64x256xi32, #tpu.memory_space<hbm>>) dst(%arg4 : memref<64x256xi32, #tpu.memory_space<vmem>>)
      tpu.yield
    }) : () -> ()
    %scan3A = arith.constant 0 : i32
    %scan3A_5 = arith.constant 0 : i32
    %scan3A_6 = arith.constant 100 : i32
    %scan3A_7 = arith.addi %scan3A_5, %scan3A_6 : i32
    %scan3A_8 = arith.constant 1 : i32
    %scan3A_9 = scf.for %scan3A_24 = %scan3A_5 to %scan3A_7 step %scan3A_8 iter_args(%scan3A_25 = %scan3A) -> (i32)  : i32 {
      %mul3A_26 = arith.constant 128 : i32
      %mul3A_27 = arith.muli %scan3A_24, %mul3A_26 : i32
      %add3A_28 = arith.constant 0 : i32
      %add3A_29 = arith.addi %mul3A_27, %add3A_28 : i32
      %iota3A = tpu.iota {dimensions = array<i32: 0>} : vector<16xi32>
      %add3A_30 = vector.broadcast %add3A_29 : i32 to vector<16xi32>
      %add3A_31 = arith.addi %add3A_30, %iota3A : vector<16xi32>
      %jit3A = arith.constant 200 : i32
      %div3A = vector.broadcast %jit3A : i32 to vector<16xi32>
      %div3A_32 = arith.divsi %add3A_31, %div3A : vector<16xi32>
      %sign3A = arith.constant 0 : i32
      %sign3A_33 = vector.broadcast %sign3A : i32 to vector<16xi32>
      %sign3A_34 = arith.cmpi sgt, %add3A_31, %sign3A_33 : vector<16xi32>
      %sign3A_35 = arith.extui %sign3A_34 : vector<16xi1> to vector<16xi32>
      %sign3A_36 = arith.constant 0 : i32
      %sign3A_37 = vector.broadcast %sign3A_36 : i32 to vector<16xi32>
      %sign3A_38 = arith.cmpi slt, %add3A_31, %sign3A_37 : vector<16xi32>
      %sign3A_39 = arith.extui %sign3A_38 : vector<16xi1> to vector<16xi32>
      %sign3A_40 = arith.subi %sign3A_35, %sign3A_39 : vector<16xi32>
      %sign3A_41 = arith.constant 0 : i32
      %sign3A_42 = arith.cmpi sgt, %jit3A, %sign3A_41 : i32
      %sign3A_43 = arith.extui %sign3A_42 : i1 to i32
      %sign3A_44 = arith.constant 0 : i32
      %sign3A_45 = arith.cmpi slt, %jit3A, %sign3A_44 : i32
      %sign3A_46 = arith.extui %sign3A_45 : i1 to i32
      %sign3A_47 = arith.subi %sign3A_43, %sign3A_46 : i32
      %ne3A = vector.broadcast %sign3A_47 : i32 to vector<16xi32>
      %ne3A_48 = arith.cmpi ne, %sign3A_40, %ne3A : vector<16xi32>
      %rem3A = vector.broadcast %jit3A : i32 to vector<16xi32>
      %rem3A_49 = arith.remsi %add3A_31, %rem3A : vector<16xi32>
      %ne3A_50 = arith.constant 0 : i32
      %ne3A_51 = vector.broadcast %ne3A_50 : i32 to vector<16xi32>
      %ne3A_52 = arith.cmpi ne, %rem3A_49, %ne3A_51 : vector<16xi32>
      %and3A = arith.andi %ne3A_48, %ne3A_52 : vector<16xi1>
      %sub3A = arith.constant 1 : i32
      %sub3A_53 = vector.broadcast %sub3A : i32 to vector<16xi32>
      %sub3A_54 = arith.subi %div3A_32, %sub3A_53 : vector<16xi32>
      %select_n3A = arith.select %and3A, %sub3A_54, %div3A_32 : vector<16xi1>, vector<16xi32>
      %sub3A_55 = arith.constant 0 : i32
      %sub3A_56 = vector.broadcast %sub3A_55 : i32 to vector<16xi32>
      %sub3A_57 = arith.subi %select_n3A, %sub3A_56 : vector<16xi32>
      %jit3A_58 = arith.constant 200 : i32
      %div3A_59 = vector.broadcast %jit3A_58 : i32 to vector<16xi32>
      %div3A_60 = arith.divsi %add3A_31, %div3A_59 : vector<16xi32>
      %sign3A_61 = arith.constant 0 : i32
      %sign3A_62 = vector.broadcast %sign3A_61 : i32 to vector<16xi32>
      %sign3A_63 = arith.cmpi sgt, %add3A_31, %sign3A_62 : vector<16xi32>
      %sign3A_64 = arith.extui %sign3A_63 : vector<16xi1> to vector<16xi32>
      %sign3A_65 = arith.constant 0 : i32
      %sign3A_66 = vector.broadcast %sign3A_65 : i32 to vector<16xi32>
      %sign3A_67 = arith.cmpi slt, %add3A_31, %sign3A_66 : vector<16xi32>
      %sign3A_68 = arith.extui %sign3A_67 : vector<16xi1> to vector<16xi32>
      %sign3A_69 = arith.subi %sign3A_64, %sign3A_68 : vector<16xi32>
      %sign3A_70 = arith.constant 0 : i32
      %sign3A_71 = arith.cmpi sgt, %jit3A_58, %sign3A_70 : i32
      %sign3A_72 = arith.extui %sign3A_71 : i1 to i32
      %sign3A_73 = arith.constant 0 : i32
      %sign3A_74 = arith.cmpi slt, %jit3A_58, %sign3A_73 : i32
      %sign3A_75 = arith.extui %sign3A_74 : i1 to i32
      %sign3A_76 = arith.subi %sign3A_72, %sign3A_75 : i32
      %ne3A_77 = vector.broadcast %sign3A_76 : i32 to vector<16xi32>
      %ne3A_78 = arith.cmpi ne, %sign3A_69, %ne3A_77 : vector<16xi32>
      %rem3A_79 = vector.broadcast %jit3A_58 : i32 to vector<16xi32>
      %rem3A_80 = arith.remsi %add3A_31, %rem3A_79 : vector<16xi32>
      %ne3A_81 = arith.constant 0 : i32
      %ne3A_82 = vector.broadcast %ne3A_81 : i32 to vector<16xi32>
      %ne3A_83 = arith.cmpi ne, %rem3A_80, %ne3A_82 : vector<16xi32>
      %and3A_84 = arith.andi %ne3A_78, %ne3A_83 : vector<16xi1>
      %sub3A_85 = arith.constant 1 : i32
      %sub3A_86 = vector.broadcast %sub3A_85 : i32 to vector<16xi32>
      %sub3A_87 = arith.subi %div3A_60, %sub3A_86 : vector<16xi32>
      %select_n3A_88 = arith.select %and3A_84, %sub3A_87, %div3A_60 : vector<16xi1>, vector<16xi32>
      %mul3A_89 = arith.constant 200 : i32
      %mul3A_90 = vector.broadcast %mul3A_89 : i32 to vector<16xi32>
      %mul3A_91 = arith.muli %select_n3A_88, %mul3A_90 : vector<16xi32>
      %sub3A_92 = arith.subi %add3A_31, %mul3A_91 : vector<16xi32>
      %gather3A = tpu.vector_load_idx %arg4[%sub3A_57, %sub3A_92] : memref<64x256xi32, #tpu.memory_space<vmem>>[vector<16xi32>, vector<16xi32>], vector<16xi32>,
      %swap3A = arith.index_cast %scan3A_24 : i32 to index
      %swap3A_93 = arith.constant 0 : index
      %swap3A_94 = tpu.vector_load %arg5[%swap3A, %swap3A_93] {strides = array<i32>} : memref<200x128xi32, #tpu.memory_space<vmem>>, vector<16xi32>,
      tpu.vector_store %arg5[%swap3A, %swap3A_93], %gather3A {strides = array<i32>} : memref<200x128xi32, #tpu.memory_space<vmem>>, vector<16xi32>,
      %mul3A_95 = arith.constant 128 : i32
      %mul3A_96 = arith.muli %scan3A_24, %mul3A_95 : i32
      %add3A_97 = arith.constant 16 : i32
      %add3A_98 = arith.addi %mul3A_96, %add3A_97 : i32
      %iota3A_99 = tpu.iota {dimensions = array<i32: 0>} : vector<16xi32>
      %add3A_100 = vector.broadcast %add3A_98 : i32 to vector<16xi32>
      %add3A_101 = arith.addi %add3A_100, %iota3A_99 : vector<16xi32>
      %jit3A_102 = arith.constant 200 : i32
      %div3A_103 = vector.broadcast %jit3A_102 : i32 to vector<16xi32>
      %div3A_104 = arith.divsi %add3A_101, %div3A_103 : vector<16xi32>
      %sign3A_105 = arith.constant 0 : i32
      %sign3A_106 = vector.broadcast %sign3A_105 : i32 to vector<16xi32>
      %sign3A_107 = arith.cmpi sgt, %add3A_101, %sign3A_106 : vector<16xi32>
      %sign3A_108 = arith.extui %sign3A_107 : vector<16xi1> to vector<16xi32>
      %sign3A_109 = arith.constant 0 : i32
      %sign3A_110 = vector.broadcast %sign3A_109 : i32 to vector<16xi32>
      %sign3A_111 = arith.cmpi slt, %add3A_101, %sign3A_110 : vector<16xi32>
      %sign3A_112 = arith.extui %sign3A_111 : vector<16xi1> to vector<16xi32>
      %sign3A_113 = arith.subi %sign3A_108, %sign3A_112 : vector<16xi32>
      %sign3A_114 = arith.constant 0 : i32
      %sign3A_115 = arith.cmpi sgt, %jit3A_102, %sign3A_114 : i32
      %sign3A_116 = arith.extui %sign3A_115 : i1 to i32
      %sign3A_117 = arith.constant 0 : i32
      %sign3A_118 = arith.cmpi slt, %jit3A_102, %sign3A_117 : i32
      %sign3A_119 = arith.extui %sign3A_118 : i1 to i32
      %sign3A_120 = arith.subi %sign3A_116, %sign3A_119 : i32
      %ne3A_121 = vector.broadcast %sign3A_120 : i32 to vector<16xi32>
      %ne3A_122 = arith.cmpi ne, %sign3A_113, %ne3A_121 : vector<16xi32>
      %rem3A_123 = vector.broadcast %jit3A_102 : i32 to vector<16xi32>
      %rem3A_124 = arith.remsi %add3A_101, %rem3A_123 : vector<16xi32>
      %ne3A_125 = arith.constant 0 : i32
      %ne3A_126 = vector.broadcast %ne3A_125 : i32 to vector<16xi32>
      %ne3A_127 = arith.cmpi ne, %rem3A_124, %ne3A_126 : vector<16xi32>
      %and3A_128 = arith.andi %ne3A_122, %ne3A_127 : vector<16xi1>
      %sub3A_129 = arith.constant 1 : i32
      %sub3A_130 = vector.broadcast %sub3A_129 : i32 to vector<16xi32>
      %sub3A_131 = arith.subi %div3A_104, %sub3A_130 : vector<16xi32>
      %select_n3A_132 = arith.select %and3A_128, %sub3A_131, %div3A_104 : vector<16xi1>, vector<16xi32>
      %sub3A_133 = arith.constant 0 : i32
      %sub3A_134 = vector.broadcast %sub3A_133 : i32 to vector<16xi32>
      %sub3A_135 = arith.subi %select_n3A_132, %sub3A_134 : vector<16xi32>
      %jit3A_136 = arith.constant 200 : i32
      %div3A_137 = vector.broadcast %jit3A_136 : i32 to vector<16xi32>
      %div3A_138 = arith.divsi %add3A_101, %div3A_137 : vector<16xi32>
      %sign3A_139 = arith.constant 0 : i32
      %sign3A_140 = vector.broadcast %sign3A_139 : i32 to vector<16xi32>
      %sign3A_141 = arith.cmpi sgt, %add3A_101, %sign3A_140 : vector<16xi32>
      %sign3A_142 = arith.extui %sign3A_141 : vector<16xi1> to vector<16xi32>
      %sign3A_143 = arith.constant 0 : i32
      %sign3A_144 = vector.broadcast %sign3A_143 : i32 to vector<16xi32>
      %sign3A_145 = arith.cmpi slt, %add3A_101, %sign3A_144 : vector<16xi32>
      %sign3A_146 = arith.extui %sign3A_145 : vector<16xi1> to vector<16xi32>
      %sign3A_147 = arith.subi %sign3A_142, %sign3A_146 : vector<16xi32>
      %sign3A_148 = arith.constant 0 : i32
      %sign3A_149 = arith.cmpi sgt, %jit3A_136, %sign3A_148 : i32
      %sign3A_150 = arith.extui %sign3A_149 : i1 to i32
      %sign3A_151 = arith.constant 0 : i32
      %sign3A_152 = arith.cmpi slt, %jit3A_136, %sign3A_151 : i32
      %sign3A_153 = arith.extui %sign3A_152 : i1 to i32
      %sign3A_154 = arith.subi %sign3A_150, %sign3A_153 : i32
      %ne3A_155 = vector.broadcast %sign3A_154 : i32 to vector<16xi32>
      %ne3A_156 = arith.cmpi ne, %sign3A_147, %ne3A_155 : vector<16xi32>
      %rem3A_157 = vector.broadcast %jit3A_136 : i32 to vector<16xi32>
      %rem3A_158 = arith.remsi %add3A_101, %rem3A_157 : vector<16xi32>
      %ne3A_159 = arith.constant 0 : i32
      %ne3A_160 = vector.broadcast %ne3A_159 : i32 to vector<16xi32>
      %ne3A_161 = arith.cmpi ne, %rem3A_158, %ne3A_160 : vector<16xi32>
      %and3A_162 = arith.andi %ne3A_156, %ne3A_161 : vector<16xi1>
      %sub3A_163 = arith.constant 1 : i32
      %sub3A_164 = vector.broadcast %sub3A_163 : i32 to vector<16xi32>
      %sub3A_165 = arith.subi %div3A_138, %sub3A_164 : vector<16xi32>
      %select_n3A_166 = arith.select %and3A_162, %sub3A_165, %div3A_138 : vector<16xi1>, vector<16xi32>
      %mul3A_167 = arith.constant 200 : i32
      %mul3A_168 = vector.broadcast %mul3A_167 : i32 to vector<16xi32>
      %mul3A_169 = arith.muli %select_n3A_166, %mul3A_168 : vector<16xi32>
      %sub3A_170 = arith.subi %add3A_101, %mul3A_169 : vector<16xi32>
      %gather3A_171 = tpu.vector_load_idx %arg4[%sub3A_135, %sub3A_170] : memref<64x256xi32, #tpu.memory_space<vmem>>[vector<16xi32>, vector<16xi32>], vector<16xi32>,
      %swap3A_172 = arith.index_cast %scan3A_24 : i32 to index
      %swap3A_173 = arith.constant 16 : index
      %swap3A_174 = tpu.vector_load %arg5[%swap3A_172, %swap3A_173] {strides = array<i32>} : memref<200x128xi32, #tpu.memory_space<vmem>>, vector<16xi32>,
      tpu.vector_store %arg5[%swap3A_172, %swap3A_173], %gather3A_171 {strides = array<i32>} : memref<200x128xi32, #tpu.memory_space<vmem>>, vector<16xi32>,
      %mul3A_175 = arith.constant 128 : i32
      %mul3A_176 = arith.muli %scan3A_24, %mul3A_175 : i32
      %add3A_177 = arith.constant 32 : i32
      %add3A_178 = arith.addi %mul3A_176, %add3A_177 : i32
      %iota3A_179 = tpu.iota {dimensions = array<i32: 0>} : vector<16xi32>
      %add3A_180 = vector.broadcast %add3A_178 : i32 to vector<16xi32>
      %add3A_181 = arith.addi %add3A_180, %iota3A_179 : vector<16xi32>
      %jit3A_182 = arith.constant 200 : i32
      %div3A_183 = vector.broadcast %jit3A_182 : i32 to vector<16xi32>
      %div3A_184 = arith.divsi %add3A_181, %div3A_183 : vector<16xi32>
      %sign3A_185 = arith.constant 0 : i32
      %sign3A_186 = vector.broadcast %sign3A_185 : i32 to vector<16xi32>
      %sign3A_187 = arith.cmpi sgt, %add3A_181, %sign3A_186 : vector<16xi32>
      %sign3A_188 = arith.extui %sign3A_187 : vector<16xi1> to vector<16xi32>
      %sign3A_189 = arith.constant 0 : i32
      %sign3A_190 = vector.broadcast %sign3A_189 : i32 to vector<16xi32>
      %sign3A_191 = arith.cmpi slt, %add3A_181, %sign3A_190 : vector<16xi32>
      %sign3A_192 = arith.extui %sign3A_191 : vector<16xi1> to vector<16xi32>
      %sign3A_193 = arith.subi %sign3A_188, %sign3A_192 : vector<16xi32>
      %sign3A_194 = arith.constant 0 : i32
      %sign3A_195 = arith.cmpi sgt, %jit3A_182, %sign3A_194 : i32
      %sign3A_196 = arith.extui %sign3A_195 : i1 to i32
      %sign3A_197 = arith.constant 0 : i32
      %sign3A_198 = arith.cmpi slt, %jit3A_182, %sign3A_197 : i32
      %sign3A_199 = arith.extui %sign3A_198 : i1 to i32
      %sign3A_200 = arith.subi %sign3A_196, %sign3A_199 : i32
      %ne3A_201 = vector.broadcast %sign3A_200 : i32 to vector<16xi32>
      %ne3A_202 = arith.cmpi ne, %sign3A_193, %ne3A_201 : vector<16xi32>
      %rem3A_203 = vector.broadcast %jit3A_182 : i32 to vector<16xi32>
      %rem3A_204 = arith.remsi %add3A_181, %rem3A_203 : vector<16xi32>
      %ne3A_205 = arith.constant 0 : i32
      %ne3A_206 = vector.broadcast %ne3A_205 : i32 to vector<16xi32>
      %ne3A_207 = arith.cmpi ne, %rem3A_204, %ne3A_206 : vector<16xi32>
      %and3A_208 = arith.andi %ne3A_202, %ne3A_207 : vector<16xi1>
      %sub3A_209 = arith.constant 1 : i32
      %sub3A_210 = vector.broadcast %sub3A_209 : i32 to vector<16xi32>
      %sub3A_211 = arith.subi %div3A_184, %sub3A_210 : vector<16xi32>
      %select_n3A_212 = arith.select %and3A_208, %sub3A_211, %div3A_184 : vector<16xi1>, vector<16xi32>
      %sub3A_213 = arith.constant 0 : i32
      %sub3A_214 = vector.broadcast %sub3A_213 : i32 to vector<16xi32>
      %sub3A_215 = arith.subi %select_n3A_212, %sub3A_214 : vector<16xi32>
      %jit3A_216 = arith.constant 200 : i32
      %div3A_217 = vector.broadcast %jit3A_216 : i32 to vector<16xi32>
      %div3A_218 = arith.divsi %add3A_181, %div3A_217 : vector<16xi32>
      %sign3A_219 = arith.constant 0 : i32
      %sign3A_220 = vector.broadcast %sign3A_219 : i32 to vector<16xi32>
      %sign3A_221 = arith.cmpi sgt, %add3A_181, %sign3A_220 : vector<16xi32>
      %sign3A_222 = arith.extui %sign3A_221 : vector<16xi1> to vector<16xi32>
      %sign3A_223 = arith.constant 0 : i32
      %sign3A_224 = vector.broadcast %sign3A_223 : i32 to vector<16xi32>
      %sign3A_225 = arith.cmpi slt, %add3A_181, %sign3A_224 : vector<16xi32>
      %sign3A_226 = arith.extui %sign3A_225 : vector<16xi1> to vector<16xi32>
      %sign3A_227 = arith.subi %sign3A_222, %sign3A_226 : vector<16xi32>
      %sign3A_228 = arith.constant 0 : i32
      %sign3A_229 = arith.cmpi sgt, %jit3A_216, %sign3A_228 : i32
      %sign3A_230 = arith.extui %sign3A_229 : i1 to i32
      %sign3A_231 = arith.constant 0 : i32
      %sign3A_232 = arith.cmpi slt, %jit3A_216, %sign3A_231 : i32
      %sign3A_233 = arith.extui %sign3A_232 : i1 to i32
      %sign3A_234 = arith.subi %sign3A_230, %sign3A_233 : i32
      %ne3A_235 = vector.broadcast %sign3A_234 : i32 to vector<16xi32>
      %ne3A_236 = arith.cmpi ne, %sign3A_227, %ne3A_235 : vector<16xi32>
      %rem3A_237 = vector.broadcast %jit3A_216 : i32 to vector<16xi32>
      %rem3A_238 = arith.remsi %add3A_181, %rem3A_237 : vector<16xi32>
      %ne3A_239 = arith.constant 0 : i32
      %ne3A_240 = vector.broadcast %ne3A_239 : i32 to vector<16xi32>
      %ne3A_241 = arith.cmpi ne, %rem3A_238, %ne3A_240 : vector<16xi32>
      %and3A_242 = arith.andi %ne3A_236, %ne3A_241 : vector<16xi1>
      %sub3A_243 = arith.constant 1 : i32
      %sub3A_244 = vector.broadcast %sub3A_243 : i32 to vector<16xi32>
      %sub3A_245 = arith.subi %div3A_218, %sub3A_244 : vector<16xi32>
      %select_n3A_246 = arith.select %and3A_242, %sub3A_245, %div3A_218 : vector<16xi1>, vector<16xi32>
      %mul3A_247 = arith.constant 200 : i32
      %mul3A_248 = vector.broadcast %mul3A_247 : i32 to vector<16xi32>
      %mul3A_249 = arith.muli %select_n3A_246, %mul3A_248 : vector<16xi32>
      %sub3A_250 = arith.subi %add3A_181, %mul3A_249 : vector<16xi32>
      %gather3A_251 = tpu.vector_load_idx %arg4[%sub3A_215, %sub3A_250] : memref<64x256xi32, #tpu.memory_space<vmem>>[vector<16xi32>, vector<16xi32>], vector<16xi32>,
      %swap3A_252 = arith.index_cast %scan3A_24 : i32 to index
      %swap3A_253 = arith.constant 32 : index
      %swap3A_254 = tpu.vector_load %arg5[%swap3A_252, %swap3A_253] {strides = array<i32>} : memref<200x128xi32, #tpu.memory_space<vmem>>, vector<16xi32>,
      tpu.vector_store %arg5[%swap3A_252, %swap3A_253], %gather3A_251 {strides = array<i32>} : memref<200x128xi32, #tpu.memory_space<vmem>>, vector<16xi32>,
      %mul3A_255 = arith.constant 128 : i32
      %mul3A_256 = arith.muli %scan3A_24, %mul3A_255 : i32
      %add3A_257 = arith.constant 48 : i32
      %add3A_258 = arith.addi %mul3A_256, %add3A_257 : i32
      %iota3A_259 = tpu.iota {dimensions = array<i32: 0>} : vector<16xi32>
      %add3A_260 = vector.broadcast %add3A_258 : i32 to vector<16xi32>
      %add3A_261 = arith.addi %add3A_260, %iota3A_259 : vector<16xi32>
      %jit3A_262 = arith.constant 200 : i32
      %div3A_263 = vector.broadcast %jit3A_262 : i32 to vector<16xi32>
      %div3A_264 = arith.divsi %add3A_261, %div3A_263 : vector<16xi32>
      %sign3A_265 = arith.constant 0 : i32
      %sign3A_266 = vector.broadcast %sign3A_265 : i32 to vector<16xi32>
      %sign3A_267 = arith.cmpi sgt, %add3A_261, %sign3A_266 : vector<16xi32>
      %sign3A_268 = arith.extui %sign3A_267 : vector<16xi1> to vector<16xi32>
      %sign3A_269 = arith.constant 0 : i32
      %sign3A_270 = vector.broadcast %sign3A_269 : i32 to vector<16xi32>
      %sign3A_271 = arith.cmpi slt, %add3A_261, %sign3A_270 : vector<16xi32>
      %sign3A_272 = arith.extui %sign3A_271 : vector<16xi1> to vector<16xi32>
      %sign3A_273 = arith.subi %sign3A_268, %sign3A_272 : vector<16xi32>
      %sign3A_274 = arith.constant 0 : i32
      %sign3A_275 = arith.cmpi sgt, %jit3A_262, %sign3A_274 : i32
      %sign3A_276 = arith.extui %sign3A_275 : i1 to i32
      %sign3A_277 = arith.constant 0 : i32
      %sign3A_278 = arith.cmpi slt, %jit3A_262, %sign3A_277 : i32
      %sign3A_279 = arith.extui %sign3A_278 : i1 to i32
      %sign3A_280 = arith.subi %sign3A_276, %sign3A_279 : i32
      %ne3A_281 = vector.broadcast %sign3A_280 : i32 to vector<16xi32>
      %ne3A_282 = arith.cmpi ne, %sign3A_273, %ne3A_281 : vector<16xi32>
      %rem3A_283 = vector.broadcast %jit3A_262 : i32 to vector<16xi32>
      %rem3A_284 = arith.remsi %add3A_261, %rem3A_283 : vector<16xi32>
      %ne3A_285 = arith.constant 0 : i32
      %ne3A_286 = vector.broadcast %ne3A_285 : i32 to vector<16xi32>
      %ne3A_287 = arith.cmpi ne, %rem3A_284, %ne3A_286 : vector<16xi32>
      %and3A_288 = arith.andi %ne3A_282, %ne3A_287 : vector<16xi1>
      %sub3A_289 = arith.constant 1 : i32
      %sub3A_290 = vector.broadcast %sub3A_289 : i32 to vector<16xi32>
      %sub3A_291 = arith.subi %div3A_264, %sub3A_290 : vector<16xi32>
      %select_n3A_292 = arith.select %and3A_288, %sub3A_291, %div3A_264 : vector<16xi1>, vector<16xi32>
      %sub3A_293 = arith.constant 0 : i32
      %sub3A_294 = vector.broadcast %sub3A_293 : i32 to vector<16xi32>
      %sub3A_295 = arith.subi %select_n3A_292, %sub3A_294 : vector<16xi32>
      %jit3A_296 = arith.constant 200 : i32
      %div3A_297 = vector.broadcast %jit3A_296 : i32 to vector<16xi32>
      %div3A_298 = arith.divsi %add3A_261, %div3A_297 : vector<16xi32>
      %sign3A_299 = arith.constant 0 : i32
      %sign3A_300 = vector.broadcast %sign3A_299 : i32 to vector<16xi32>
      %sign3A_301 = arith.cmpi sgt, %add3A_261, %sign3A_300 : vector<16xi32>
      %sign3A_302 = arith.extui %sign3A_301 : vector<16xi1> to vector<16xi32>
      %sign3A_303 = arith.constant 0 : i32
      %sign3A_304 = vector.broadcast %sign3A_303 : i32 to vector<16xi32>
      %sign3A_305 = arith.cmpi slt, %add3A_261, %sign3A_304 : vector<16xi32>
      %sign3A_306 = arith.extui %sign3A_305 : vector<16xi1> to vector<16xi32>
      %sign3A_307 = arith.subi %sign3A_302, %sign3A_306 : vector<16xi32>
      %sign3A_308 = arith.constant 0 : i32
      %sign3A_309 = arith.cmpi sgt, %jit3A_296, %sign3A_308 : i32
      %sign3A_310 = arith.extui %sign3A_309 : i1 to i32
      %sign3A_311 = arith.constant 0 : i32
      %sign3A_312 = arith.cmpi slt, %jit3A_296, %sign3A_311 : i32
      %sign3A_313 = arith.extui %sign3A_312 : i1 to i32
      %sign3A_314 = arith.subi %sign3A_310, %sign3A_313 : i32
      %ne3A_315 = vector.broadcast %sign3A_314 : i32 to vector<16xi32>
      %ne3A_316 = arith.cmpi ne, %sign3A_307, %ne3A_315 : vector<16xi32>
      %rem3A_317 = vector.broadcast %jit3A_296 : i32 to vector<16xi32>
      %rem3A_318 = arith.remsi %add3A_261, %rem3A_317 : vector<16xi32>
      %ne3A_319 = arith.constant 0 : i32
      %ne3A_320 = vector.broadcast %ne3A_319 : i32 to vector<16xi32>
      %ne3A_321 = arith.cmpi ne, %rem3A_318, %ne3A_320 : vector<16xi32>
      %and3A_322 = arith.andi %ne3A_316, %ne3A_321 : vector<16xi1>
      %sub3A_323 = arith.constant 1 : i32
      %sub3A_324 = vector.broadcast %sub3A_323 : i32 to vector<16xi32>
      %sub3A_325 = arith.subi %div3A_298, %sub3A_324 : vector<16xi32>
      %select_n3A_326 = arith.select %and3A_322, %sub3A_325, %div3A_298 : vector<16xi1>, vector<16xi32>
      %mul3A_327 = arith.constant 200 : i32
      %mul3A_328 = vector.broadcast %mul3A_327 : i32 to vector<16xi32>
      %mul3A_329 = arith.muli %select_n3A_326, %mul3A_328 : vector<16xi32>
      %sub3A_330 = arith.subi %add3A_261, %mul3A_329 : vector<16xi32>
      %gather3A_331 = tpu.vector_load_idx %arg4[%sub3A_295, %sub3A_330] : memref<64x256xi32, #tpu.memory_space<vmem>>[vector<16xi32>, vector<16xi32>], vector<16xi32>,
      %swap3A_332 = arith.index_cast %scan3A_24 : i32 to index
      %swap3A_333 = arith.constant 48 : index
      %swap3A_334 = tpu.vector_load %arg5[%swap3A_332, %swap3A_333] {strides = array<i32>} : memref<200x128xi32, #tpu.memory_space<vmem>>, vector<16xi32>,
      tpu.vector_store %arg5[%swap3A_332, %swap3A_333], %gather3A_331 {strides = array<i32>} : memref<200x128xi32, #tpu.memory_space<vmem>>, vector<16xi32>,
      %mul3A_335 = arith.constant 128 : i32
      %mul3A_336 = arith.muli %scan3A_24, %mul3A_335 : i32
      %add3A_337 = arith.constant 64 : i32
      %add3A_338 = arith.addi %mul3A_336, %add3A_337 : i32
      %iota3A_339 = tpu.iota {dimensions = array<i32: 0>} : vector<16xi32>
      %add3A_340 = vector.broadcast %add3A_338 : i32 to vector<16xi32>
      %add3A_341 = arith.addi %add3A_340, %iota3A_339 : vector<16xi32>
      %jit3A_342 = arith.constant 200 : i32
      %div3A_343 = vector.broadcast %jit3A_342 : i32 to vector<16xi32>
      %div3A_344 = arith.divsi %add3A_341, %div3A_343 : vector<16xi32>
      %sign3A_345 = arith.constant 0 : i32
      %sign3A_346 = vector.broadcast %sign3A_345 : i32 to vector<16xi32>
      %sign3A_347 = arith.cmpi sgt, %add3A_341, %sign3A_346 : vector<16xi32>
      %sign3A_348 = arith.extui %sign3A_347 : vector<16xi1> to vector<16xi32>
      %sign3A_349 = arith.constant 0 : i32
      %sign3A_350 = vector.broadcast %sign3A_349 : i32 to vector<16xi32>
      %sign3A_351 = arith.cmpi slt, %add3A_341, %sign3A_350 : vector<16xi32>
      %sign3A_352 = arith.extui %sign3A_351 : vector<16xi1> to vector<16xi32>
      %sign3A_353 = arith.subi %sign3A_348, %sign3A_352 : vector<16xi32>
      %sign3A_354 = arith.constant 0 : i32
      %sign3A_355 = arith.cmpi sgt, %jit3A_342, %sign3A_354 : i32
      %sign3A_356 = arith.extui %sign3A_355 : i1 to i32
      %sign3A_357 = arith.constant 0 : i32
      %sign3A_358 = arith.cmpi slt, %jit3A_342, %sign3A_357 : i32
      %sign3A_359 = arith.extui %sign3A_358 : i1 to i32
      %sign3A_360 = arith.subi %sign3A_356, %sign3A_359 : i32
      %ne3A_361 = vector.broadcast %sign3A_360 : i32 to vector<16xi32>
      %ne3A_362 = arith.cmpi ne, %sign3A_353, %ne3A_361 : vector<16xi32>
      %rem3A_363 = vector.broadcast %jit3A_342 : i32 to vector<16xi32>
      %rem3A_364 = arith.remsi %add3A_341, %rem3A_363 : vector<16xi32>
      %ne3A_365 = arith.constant 0 : i32
      %ne3A_366 = vector.broadcast %ne3A_365 : i32 to vector<16xi32>
      %ne3A_367 = arith.cmpi ne, %rem3A_364, %ne3A_366 : vector<16xi32>
      %and3A_368 = arith.andi %ne3A_362, %ne3A_367 : vector<16xi1>
      %sub3A_369 = arith.constant 1 : i32
      %sub3A_370 = vector.broadcast %sub3A_369 : i32 to vector<16xi32>
      %sub3A_371 = arith.subi %div3A_344, %sub3A_370 : vector<16xi32>
      %select_n3A_372 = arith.select %and3A_368, %sub3A_371, %div3A_344 : vector<16xi1>, vector<16xi32>
      %sub3A_373 = arith.constant 0 : i32
      %sub3A_374 = vector.broadcast %sub3A_373 : i32 to vector<16xi32>
      %sub3A_375 = arith.subi %select_n3A_372, %sub3A_374 : vector<16xi32>
      %jit3A_376 = arith.constant 200 : i32
      %div3A_377 = vector.broadcast %jit3A_376 : i32 to vector<16xi32>
      %div3A_378 = arith.divsi %add3A_341, %div3A_377 : vector<16xi32>
      %sign3A_379 = arith.constant 0 : i32
      %sign3A_380 = vector.broadcast %sign3A_379 : i32 to vector<16xi32>
      %sign3A_381 = arith.cmpi sgt, %add3A_341, %sign3A_380 : vector<16xi32>
      %sign3A_382 = arith.extui %sign3A_381 : vector<16xi1> to vector<16xi32>
      %sign3A_383 = arith.constant 0 : i32
      %sign3A_384 = vector.broadcast %sign3A_383 : i32 to vector<16xi32>
      %sign3A_385 = arith.cmpi slt, %add3A_341, %sign3A_384 : vector<16xi32>
      %sign3A_386 = arith.extui %sign3A_385 : vector<16xi1> to vector<16xi32>
      %sign3A_387 = arith.subi %sign3A_382, %sign3A_386 : vector<16xi32>
      %sign3A_388 = arith.constant 0 : i32
      %sign3A_389 = arith.cmpi sgt, %jit3A_376, %sign3A_388 : i32
      %sign3A_390 = arith.extui %sign3A_389 : i1 to i32
      %sign3A_391 = arith.constant 0 : i32
      %sign3A_392 = arith.cmpi slt, %jit3A_376, %sign3A_391 : i32
      %sign3A_393 = arith.extui %sign3A_392 : i1 to i32
      %sign3A_394 = arith.subi %sign3A_390, %sign3A_393 : i32
      %ne3A_395 = vector.broadcast %sign3A_394 : i32 to vector<16xi32>
      %ne3A_396 = arith.cmpi ne, %sign3A_387, %ne3A_395 : vector<16xi32>
      %rem3A_397 = vector.broadcast %jit3A_376 : i32 to vector<16xi32>
      %rem3A_398 = arith.remsi %add3A_341, %rem3A_397 : vector<16xi32>
      %ne3A_399 = arith.constant 0 : i32
      %ne3A_400 = vector.broadcast %ne3A_399 : i32 to vector<16xi32>
      %ne3A_401 = arith.cmpi ne, %rem3A_398, %ne3A_400 : vector<16xi32>
      %and3A_402 = arith.andi %ne3A_396, %ne3A_401 : vector<16xi1>
      %sub3A_403 = arith.constant 1 : i32
      %sub3A_404 = vector.broadcast %sub3A_403 : i32 to vector<16xi32>
      %sub3A_405 = arith.subi %div3A_378, %sub3A_404 : vector<16xi32>
      %select_n3A_406 = arith.select %and3A_402, %sub3A_405, %div3A_378 : vector<16xi1>, vector<16xi32>
      %mul3A_407 = arith.constant 200 : i32
      %mul3A_408 = vector.broadcast %mul3A_407 : i32 to vector<16xi32>
      %mul3A_409 = arith.muli %select_n3A_406, %mul3A_408 : vector<16xi32>
      %sub3A_410 = arith.subi %add3A_341, %mul3A_409 : vector<16xi32>
      %gather3A_411 = tpu.vector_load_idx %arg4[%sub3A_375, %sub3A_410] : memref<64x256xi32, #tpu.memory_space<vmem>>[vector<16xi32>, vector<16xi32>], vector<16xi32>,
      %swap3A_412 = arith.index_cast %scan3A_24 : i32 to index
      %swap3A_413 = arith.constant 64 : index
      %swap3A_414 = tpu.vector_load %arg5[%swap3A_412, %swap3A_413] {strides = array<i32>} : memref<200x128xi32, #tpu.memory_space<vmem>>, vector<16xi32>,
      tpu.vector_store %arg5[%swap3A_412, %swap3A_413], %gather3A_411 {strides = array<i32>} : memref<200x128xi32, #tpu.memory_space<vmem>>, vector<16xi32>,
      %mul3A_415 = arith.constant 128 : i32
      %mul3A_416 = arith.muli %scan3A_24, %mul3A_415 : i32
      %add3A_417 = arith.constant 80 : i32
      %add3A_418 = arith.addi %mul3A_416, %add3A_417 : i32
      %iota3A_419 = tpu.iota {dimensions = array<i32: 0>} : vector<16xi32>
      %add3A_420 = vector.broadcast %add3A_418 : i32 to vector<16xi32>
      %add3A_421 = arith.addi %add3A_420, %iota3A_419 : vector<16xi32>
      %jit3A_422 = arith.constant 200 : i32
      %div3A_423 = vector.broadcast %jit3A_422 : i32 to vector<16xi32>
      %div3A_424 = arith.divsi %add3A_421, %div3A_423 : vector<16xi32>
      %sign3A_425 = arith.constant 0 : i32
      %sign3A_426 = vector.broadcast %sign3A_425 : i32 to vector<16xi32>
      %sign3A_427 = arith.cmpi sgt, %add3A_421, %sign3A_426 : vector<16xi32>
      %sign3A_428 = arith.extui %sign3A_427 : vector<16xi1> to vector<16xi32>
      %sign3A_429 = arith.constant 0 : i32
      %sign3A_430 = vector.broadcast %sign3A_429 : i32 to vector<16xi32>
      %sign3A_431 = arith.cmpi slt, %add3A_421, %sign3A_430 : vector<16xi32>
      %sign3A_432 = arith.extui %sign3A_431 : vector<16xi1> to vector<16xi32>
      %sign3A_433 = arith.subi %sign3A_428, %sign3A_432 : vector<16xi32>
      %sign3A_434 = arith.constant 0 : i32
      %sign3A_435 = arith.cmpi sgt, %jit3A_422, %sign3A_434 : i32
      %sign3A_436 = arith.extui %sign3A_435 : i1 to i32
      %sign3A_437 = arith.constant 0 : i32
      %sign3A_438 = arith.cmpi slt, %jit3A_422, %sign3A_437 : i32
      %sign3A_439 = arith.extui %sign3A_438 : i1 to i32
      %sign3A_440 = arith.subi %sign3A_436, %sign3A_439 : i32
      %ne3A_441 = vector.broadcast %sign3A_440 : i32 to vector<16xi32>
      %ne3A_442 = arith.cmpi ne, %sign3A_433, %ne3A_441 : vector<16xi32>
      %rem3A_443 = vector.broadcast %jit3A_422 : i32 to vector<16xi32>
      %rem3A_444 = arith.remsi %add3A_421, %rem3A_443 : vector<16xi32>
      %ne3A_445 = arith.constant 0 : i32
      %ne3A_446 = vector.broadcast %ne3A_445 : i32 to vector<16xi32>
      %ne3A_447 = arith.cmpi ne, %rem3A_444, %ne3A_446 : vector<16xi32>
      %and3A_448 = arith.andi %ne3A_442, %ne3A_447 : vector<16xi1>
      %sub3A_449 = arith.constant 1 : i32
      %sub3A_450 = vector.broadcast %sub3A_449 : i32 to vector<16xi32>
      %sub3A_451 = arith.subi %div3A_424, %sub3A_450 : vector<16xi32>
      %select_n3A_452 = arith.select %and3A_448, %sub3A_451, %div3A_424 : vector<16xi1>, vector<16xi32>
      %sub3A_453 = arith.constant 0 : i32
      %sub3A_454 = vector.broadcast %sub3A_453 : i32 to vector<16xi32>
      %sub3A_455 = arith.subi %select_n3A_452, %sub3A_454 : vector<16xi32>
      %jit3A_456 = arith.constant 200 : i32
      %div3A_457 = vector.broadcast %jit3A_456 : i32 to vector<16xi32>
      %div3A_458 = arith.divsi %add3A_421, %div3A_457 : vector<16xi32>
      %sign3A_459 = arith.constant 0 : i32
      %sign3A_460 = vector.broadcast %sign3A_459 : i32 to vector<16xi32>
      %sign3A_461 = arith.cmpi sgt, %add3A_421, %sign3A_460 : vector<16xi32>
      %sign3A_462 = arith.extui %sign3A_461 : vector<16xi1> to vector<16xi32>
      %sign3A_463 = arith.constant 0 : i32
      %sign3A_464 = vector.broadcast %sign3A_463 : i32 to vector<16xi32>
      %sign3A_465 = arith.cmpi slt, %add3A_421, %sign3A_464 : vector<16xi32>
      %sign3A_466 = arith.extui %sign3A_465 : vector<16xi1> to vector<16xi32>
      %sign3A_467 = arith.subi %sign3A_462, %sign3A_466 : vector<16xi32>
      %sign3A_468 = arith.constant 0 : i32
      %sign3A_469 = arith.cmpi sgt, %jit3A_456, %sign3A_468 : i32
      %sign3A_470 = arith.extui %sign3A_469 : i1 to i32
      %sign3A_471 = arith.constant 0 : i32
      %sign3A_472 = arith.cmpi slt, %jit3A_456, %sign3A_471 : i32
      %sign3A_473 = arith.extui %sign3A_472 : i1 to i32
      %sign3A_474 = arith.subi %sign3A_470, %sign3A_473 : i32
      %ne3A_475 = vector.broadcast %sign3A_474 : i32 to vector<16xi32>
      %ne3A_476 = arith.cmpi ne, %sign3A_467, %ne3A_475 : vector<16xi32>
      %rem3A_477 = vector.broadcast %jit3A_456 : i32 to vector<16xi32>
      %rem3A_478 = arith.remsi %add3A_421, %rem3A_477 : vector<16xi32>
      %ne3A_479 = arith.constant 0 : i32
      %ne3A_480 = vector.broadcast %ne3A_479 : i32 to vector<16xi32>
      %ne3A_481 = arith.cmpi ne, %rem3A_478, %ne3A_480 : vector<16xi32>
      %and3A_482 = arith.andi %ne3A_476, %ne3A_481 : vector<16xi1>
      %sub3A_483 = arith.constant 1 : i32
      %sub3A_484 = vector.broadcast %sub3A_483 : i32 to vector<16xi32>
      %sub3A_485 = arith.subi %div3A_458, %sub3A_484 : vector<16xi32>
      %select_n3A_486 = arith.select %and3A_482, %sub3A_485, %div3A_458 : vector<16xi1>, vector<16xi32>
      %mul3A_487 = arith.constant 200 : i32
      %mul3A_488 = vector.broadcast %mul3A_487 : i32 to vector<16xi32>
      %mul3A_489 = arith.muli %select_n3A_486, %mul3A_488 : vector<16xi32>
      %sub3A_490 = arith.subi %add3A_421, %mul3A_489 : vector<16xi32>
      %gather3A_491 = tpu.vector_load_idx %arg4[%sub3A_455, %sub3A_490] : memref<64x256xi32, #tpu.memory_space<vmem>>[vector<16xi32>, vector<16xi32>], vector<16xi32>,
      %swap3A_492 = arith.index_cast %scan3A_24 : i32 to index
      %swap3A_493 = arith.constant 80 : index
      %swap3A_494 = tpu.vector_load %arg5[%swap3A_492, %swap3A_493] {strides = array<i32>} : memref<200x128xi32, #tpu.memory_space<vmem>>, vector<16xi32>,
      tpu.vector_store %arg5[%swap3A_492, %swap3A_493], %gather3A_491 {strides = array<i32>} : memref<200x128xi32, #tpu.memory_space<vmem>>, vector<16xi32>,
      %mul3A_495 = arith.constant 128 : i32
      %mul3A_496 = arith.muli %scan3A_24, %mul3A_495 : i32
      %add3A_497 = arith.constant 96 : i32
      %add3A_498 = arith.addi %mul3A_496, %add3A_497 : i32
      %iota3A_499 = tpu.iota {dimensions = array<i32: 0>} : vector<16xi32>
      %add3A_500 = vector.broadcast %add3A_498 : i32 to vector<16xi32>
      %add3A_501 = arith.addi %add3A_500, %iota3A_499 : vector<16xi32>
      %jit3A_502 = arith.constant 200 : i32
      %div3A_503 = vector.broadcast %jit3A_502 : i32 to vector<16xi32>
      %div3A_504 = arith.divsi %add3A_501, %div3A_503 : vector<16xi32>
      %sign3A_505 = arith.constant 0 : i32
      %sign3A_506 = vector.broadcast %sign3A_505 : i32 to vector<16xi32>
      %sign3A_507 = arith.cmpi sgt, %add3A_501, %sign3A_506 : vector<16xi32>
      %sign3A_508 = arith.extui %sign3A_507 : vector<16xi1> to vector<16xi32>
      %sign3A_509 = arith.constant 0 : i32
      %sign3A_510 = vector.broadcast %sign3A_509 : i32 to vector<16xi32>
      %sign3A_511 = arith.cmpi slt, %add3A_501, %sign3A_510 : vector<16xi32>
      %sign3A_512 = arith.extui %sign3A_511 : vector<16xi1> to vector<16xi32>
      %sign3A_513 = arith.subi %sign3A_508, %sign3A_512 : vector<16xi32>
      %sign3A_514 = arith.constant 0 : i32
      %sign3A_515 = arith.cmpi sgt, %jit3A_502, %sign3A_514 : i32
      %sign3A_516 = arith.extui %sign3A_515 : i1 to i32
      %sign3A_517 = arith.constant 0 : i32
      %sign3A_518 = arith.cmpi slt, %jit3A_502, %sign3A_517 : i32
      %sign3A_519 = arith.extui %sign3A_518 : i1 to i32
      %sign3A_520 = arith.subi %sign3A_516, %sign3A_519 : i32
      %ne3A_521 = vector.broadcast %sign3A_520 : i32 to vector<16xi32>
      %ne3A_522 = arith.cmpi ne, %sign3A_513, %ne3A_521 : vector<16xi32>
      %rem3A_523 = vector.broadcast %jit3A_502 : i32 to vector<16xi32>
      %rem3A_524 = arith.remsi %add3A_501, %rem3A_523 : vector<16xi32>
      %ne3A_525 = arith.constant 0 : i32
      %ne3A_526 = vector.broadcast %ne3A_525 : i32 to vector<16xi32>
      %ne3A_527 = arith.cmpi ne, %rem3A_524, %ne3A_526 : vector<16xi32>
      %and3A_528 = arith.andi %ne3A_522, %ne3A_527 : vector<16xi1>
      %sub3A_529 = arith.constant 1 : i32
      %sub3A_530 = vector.broadcast %sub3A_529 : i32 to vector<16xi32>
      %sub3A_531 = arith.subi %div3A_504, %sub3A_530 : vector<16xi32>
      %select_n3A_532 = arith.select %and3A_528, %sub3A_531, %div3A_504 : vector<16xi1>, vector<16xi32>
      %sub3A_533 = arith.constant 0 : i32
      %sub3A_534 = vector.broadcast %sub3A_533 : i32 to vector<16xi32>
      %sub3A_535 = arith.subi %select_n3A_532, %sub3A_534 : vector<16xi32>
      %jit3A_536 = arith.constant 200 : i32
      %div3A_537 = vector.broadcast %jit3A_536 : i32 to vector<16xi32>
      %div3A_538 = arith.divsi %add3A_501, %div3A_537 : vector<16xi32>
      %sign3A_539 = arith.constant 0 : i32
      %sign3A_540 = vector.broadcast %sign3A_539 : i32 to vector<16xi32>
      %sign3A_541 = arith.cmpi sgt, %add3A_501, %sign3A_540 : vector<16xi32>
      %sign3A_542 = arith.extui %sign3A_541 : vector<16xi1> to vector<16xi32>
      %sign3A_543 = arith.constant 0 : i32
      %sign3A_544 = vector.broadcast %sign3A_543 : i32 to vector<16xi32>
      %sign3A_545 = arith.cmpi slt, %add3A_501, %sign3A_544 : vector<16xi32>
      %sign3A_546 = arith.extui %sign3A_545 : vector<16xi1> to vector<16xi32>
      %sign3A_547 = arith.subi %sign3A_542, %sign3A_546 : vector<16xi32>
      %sign3A_548 = arith.constant 0 : i32
      %sign3A_549 = arith.cmpi sgt, %jit3A_536, %sign3A_548 : i32
      %sign3A_550 = arith.extui %sign3A_549 : i1 to i32
      %sign3A_551 = arith.constant 0 : i32
      %sign3A_552 = arith.cmpi slt, %jit3A_536, %sign3A_551 : i32
      %sign3A_553 = arith.extui %sign3A_552 : i1 to i32
      %sign3A_554 = arith.subi %sign3A_550, %sign3A_553 : i32
      %ne3A_555 = vector.broadcast %sign3A_554 : i32 to vector<16xi32>
      %ne3A_556 = arith.cmpi ne, %sign3A_547, %ne3A_555 : vector<16xi32>
      %rem3A_557 = vector.broadcast %jit3A_536 : i32 to vector<16xi32>
      %rem3A_558 = arith.remsi %add3A_501, %rem3A_557 : vector<16xi32>
      %ne3A_559 = arith.constant 0 : i32
      %ne3A_560 = vector.broadcast %ne3A_559 : i32 to vector<16xi32>
      %ne3A_561 = arith.cmpi ne, %rem3A_558, %ne3A_560 : vector<16xi32>
      %and3A_562 = arith.andi %ne3A_556, %ne3A_561 : vector<16xi1>
      %sub3A_563 = arith.constant 1 : i32
      %sub3A_564 = vector.broadcast %sub3A_563 : i32 to vector<16xi32>
      %sub3A_565 = arith.subi %div3A_538, %sub3A_564 : vector<16xi32>
      %select_n3A_566 = arith.select %and3A_562, %sub3A_565, %div3A_538 : vector<16xi1>, vector<16xi32>
      %mul3A_567 = arith.constant 200 : i32
      %mul3A_568 = vector.broadcast %mul3A_567 : i32 to vector<16xi32>
      %mul3A_569 = arith.muli %select_n3A_566, %mul3A_568 : vector<16xi32>
      %sub3A_570 = arith.subi %add3A_501, %mul3A_569 : vector<16xi32>
      %gather3A_571 = tpu.vector_load_idx %arg4[%sub3A_535, %sub3A_570] : memref<64x256xi32, #tpu.memory_space<vmem>>[vector<16xi32>, vector<16xi32>], vector<16xi32>,
      %swap3A_572 = arith.index_cast %scan3A_24 : i32 to index
      %swap3A_573 = arith.constant 96 : index
      %swap3A_574 = tpu.vector_load %arg5[%swap3A_572, %swap3A_573] {strides = array<i32>} : memref<200x128xi32, #tpu.memory_space<vmem>>, vector<16xi32>,
      tpu.vector_store %arg5[%swap3A_572, %swap3A_573], %gather3A_571 {strides = array<i32>} : memref<200x128xi32, #tpu.memory_space<vmem>>, vector<16xi32>,
      %mul3A_575 = arith.constant 128 : i32
      %mul3A_576 = arith.muli %scan3A_24, %mul3A_575 : i32
      %add3A_577 = arith.constant 112 : i32
      %add3A_578 = arith.addi %mul3A_576, %add3A_577 : i32
      %iota3A_579 = tpu.iota {dimensions = array<i32: 0>} : vector<16xi32>
      %add3A_580 = vector.broadcast %add3A_578 : i32 to vector<16xi32>
      %add3A_581 = arith.addi %add3A_580, %iota3A_579 : vector<16xi32>
      %jit3A_582 = arith.constant 200 : i32
      %div3A_583 = vector.broadcast %jit3A_582 : i32 to vector<16xi32>
      %div3A_584 = arith.divsi %add3A_581, %div3A_583 : vector<16xi32>
      %sign3A_585 = arith.constant 0 : i32
      %sign3A_586 = vector.broadcast %sign3A_585 : i32 to vector<16xi32>
      %sign3A_587 = arith.cmpi sgt, %add3A_581, %sign3A_586 : vector<16xi32>
      %sign3A_588 = arith.extui %sign3A_587 : vector<16xi1> to vector<16xi32>
      %sign3A_589 = arith.constant 0 : i32
      %sign3A_590 = vector.broadcast %sign3A_589 : i32 to vector<16xi32>
      %sign3A_591 = arith.cmpi slt, %add3A_581, %sign3A_590 : vector<16xi32>
      %sign3A_592 = arith.extui %sign3A_591 : vector<16xi1> to vector<16xi32>
      %sign3A_593 = arith.subi %sign3A_588, %sign3A_592 : vector<16xi32>
      %sign3A_594 = arith.constant 0 : i32
      %sign3A_595 = arith.cmpi sgt, %jit3A_582, %sign3A_594 : i32
      %sign3A_596 = arith.extui %sign3A_595 : i1 to i32
      %sign3A_597 = arith.constant 0 : i32
      %sign3A_598 = arith.cmpi slt, %jit3A_582, %sign3A_597 : i32
      %sign3A_599 = arith.extui %sign3A_598 : i1 to i32
      %sign3A_600 = arith.subi %sign3A_596, %sign3A_599 : i32
      %ne3A_601 = vector.broadcast %sign3A_600 : i32 to vector<16xi32>
      %ne3A_602 = arith.cmpi ne, %sign3A_593, %ne3A_601 : vector<16xi32>
      %rem3A_603 = vector.broadcast %jit3A_582 : i32 to vector<16xi32>
      %rem3A_604 = arith.remsi %add3A_581, %rem3A_603 : vector<16xi32>
      %ne3A_605 = arith.constant 0 : i32
      %ne3A_606 = vector.broadcast %ne3A_605 : i32 to vector<16xi32>
      %ne3A_607 = arith.cmpi ne, %rem3A_604, %ne3A_606 : vector<16xi32>
      %and3A_608 = arith.andi %ne3A_602, %ne3A_607 : vector<16xi1>
      %sub3A_609 = arith.constant 1 : i32
      %sub3A_610 = vector.broadcast %sub3A_609 : i32 to vector<16xi32>
      %sub3A_611 = arith.subi %div3A_584, %sub3A_610 : vector<16xi32>
      %select_n3A_612 = arith.select %and3A_608, %sub3A_611, %div3A_584 : vector<16xi1>, vector<16xi32>
      %sub3A_613 = arith.constant 0 : i32
      %sub3A_614 = vector.broadcast %sub3A_613 : i32 to vector<16xi32>
      %sub3A_615 = arith.subi %select_n3A_612, %sub3A_614 : vector<16xi32>
      %jit3A_616 = arith.constant 200 : i32
      %div3A_617 = vector.broadcast %jit3A_616 : i32 to vector<16xi32>
      %div3A_618 = arith.divsi %add3A_581, %div3A_617 : vector<16xi32>
      %sign3A_619 = arith.constant 0 : i32
      %sign3A_620 = vector.broadcast %sign3A_619 : i32 to vector<16xi32>
      %sign3A_621 = arith.cmpi sgt, %add3A_581, %sign3A_620 : vector<16xi32>
      %sign3A_622 = arith.extui %sign3A_621 : vector<16xi1> to vector<16xi32>
      %sign3A_623 = arith.constant 0 : i32
      %sign3A_624 = vector.broadcast %sign3A_623 : i32 to vector<16xi32>
      %sign3A_625 = arith.cmpi slt, %add3A_581, %sign3A_624 : vector<16xi32>
      %sign3A_626 = arith.extui %sign3A_625 : vector<16xi1> to vector<16xi32>
      %sign3A_627 = arith.subi %sign3A_622, %sign3A_626 : vector<16xi32>
      %sign3A_628 = arith.constant 0 : i32
      %sign3A_629 = arith.cmpi sgt, %jit3A_616, %sign3A_628 : i32
      %sign3A_630 = arith.extui %sign3A_629 : i1 to i32
      %sign3A_631 = arith.constant 0 : i32
      %sign3A_632 = arith.cmpi slt, %jit3A_616, %sign3A_631 : i32
      %sign3A_633 = arith.extui %sign3A_632 : i1 to i32
      %sign3A_634 = arith.subi %sign3A_630, %sign3A_633 : i32
      %ne3A_635 = vector.broadcast %sign3A_634 : i32 to vector<16xi32>
      %ne3A_636 = arith.cmpi ne, %sign3A_627, %ne3A_635 : vector<16xi32>
      %rem3A_637 = vector.broadcast %jit3A_616 : i32 to vector<16xi32>
      %rem3A_638 = arith.remsi %add3A_581, %rem3A_637 : vector<16xi32>
      %ne3A_639 = arith.constant 0 : i32
      %ne3A_640 = vector.broadcast %ne3A_639 : i32 to vector<16xi32>
      %ne3A_641 = arith.cmpi ne, %rem3A_638, %ne3A_640 : vector<16xi32>
      %and3A_642 = arith.andi %ne3A_636, %ne3A_641 : vector<16xi1>
      %sub3A_643 = arith.constant 1 : i32
      %sub3A_644 = vector.broadcast %sub3A_643 : i32 to vector<16xi32>
      %sub3A_645 = arith.subi %div3A_618, %sub3A_644 : vector<16xi32>
      %select_n3A_646 = arith.select %and3A_642, %sub3A_645, %div3A_618 : vector<16xi1>, vector<16xi32>
      %mul3A_647 = arith.constant 200 : i32
      %mul3A_648 = vector.broadcast %mul3A_647 : i32 to vector<16xi32>
      %mul3A_649 = arith.muli %select_n3A_646, %mul3A_648 : vector<16xi32>
      %sub3A_650 = arith.subi %add3A_581, %mul3A_649 : vector<16xi32>
      %gather3A_651 = tpu.vector_load_idx %arg4[%sub3A_615, %sub3A_650] : memref<64x256xi32, #tpu.memory_space<vmem>>[vector<16xi32>, vector<16xi32>], vector<16xi32>,
      %swap3A_652 = arith.index_cast %scan3A_24 : i32 to index
      %swap3A_653 = arith.constant 112 : index
      %swap3A_654 = tpu.vector_load %arg5[%swap3A_652, %swap3A_653] {strides = array<i32>} : memref<200x128xi32, #tpu.memory_space<vmem>>, vector<16xi32>,
      tpu.vector_store %arg5[%swap3A_652, %swap3A_653], %gather3A_651 {strides = array<i32>} : memref<200x128xi32, #tpu.memory_space<vmem>>, vector<16xi32>,
      %scan3A_655 = arith.constant 0 : i32
      scf.yield %scan3A_655 : i32
    }
    %scan3A_10 = arith.constant 100 : i32
    %add3A_11 = arith.constant 64 : i32
    %add3A_12 = arith.addi %mul3A_2, %add3A_11 : i32
    "tpu.region"() ({
      %run_scoped3A = tpu.sem_alloc : memref<!tpu.dma_semaphore, #tpu.memory_space<semaphore_mem>>
      %dma_start3A = arith.constant 0 : i32
      %dma_start3A_24 = tpu.memref_slice %arg2[%add3A_12, %dma_start3A] : memref<4096x256xi32, #tpu.memory_space<hbm>> -> memref<64x256xi32, #tpu.memory_space<hbm>>
      %dma_start3A_25 = arith.constant 0 : i32
      %dma_start3A_26 = tpu.memref_slice %arg2[%add3A_12, %dma_start3A_25] : memref<4096x256xi32, #tpu.memory_space<hbm>> -> memref<64x256xi32, #tpu.memory_space<hbm>>
      tpu.enqueue_dma source(%dma_start3A_26 : memref<64x256xi32, #tpu.memory_space<hbm>>) target(%arg4 : memref<64x256xi32, #tpu.memory_space<vmem>>) target_semaphore(%run_scoped3A : memref<!tpu.dma_semaphore, #tpu.memory_space<semaphore_mem>>)
      %dma_wait3A = arith.constant 0 : i32
      %dma_wait3A_27 = tpu.memref_slice %arg2[%add3A_12, %dma_wait3A] : memref<4096x256xi32, #tpu.memory_space<hbm>> -> memref<64x256xi32, #tpu.memory_space<hbm>>
      %dma_wait3A_28 = arith.constant 0 : i32
      %dma_wait3A_29 = tpu.memref_slice %arg2[%add3A_12, %dma_wait3A_28] : memref<4096x256xi32, #tpu.memory_space<hbm>> -> memref<64x256xi32, #tpu.memory_space<hbm>>
      tpu.wait_dma2 semaphore(%run_scoped3A : memref<!tpu.dma_semaphore, #tpu.memory_space<semaphore_mem>>) src(%dma_wait3A_29 : memref<64x256xi32, #tpu.memory_space<hbm>>) dst(%arg4 : memref<64x256xi32, #tpu.memory_space<vmem>>)
      tpu.yield
    }) : () -> ()
    %scan3A_13 = arith.constant 0 : i32
    %scan3A_14 = arith.constant 100 : i32
    %scan3A_15 = arith.constant 100 : i32
    %scan3A_16 = arith.addi %scan3A_14, %scan3A_15 : i32
    %scan3A_17 = arith.constant 1 : i32
    %scan3A_18 = scf.for %scan3A_24 = %scan3A_14 to %scan3A_16 step %scan3A_17 iter_args(%scan3A_25 = %scan3A_13) -> (i32)  : i32 {
      %mul3A_26 = arith.constant 128 : i32
      %mul3A_27 = arith.muli %scan3A_24, %mul3A_26 : i32
      %add3A_28 = arith.constant 0 : i32
      %add3A_29 = arith.addi %mul3A_27, %add3A_28 : i32
      %iota3A = tpu.iota {dimensions = array<i32: 0>} : vector<16xi32>
      %add3A_30 = vector.broadcast %add3A_29 : i32 to vector<16xi32>
      %add3A_31 = arith.addi %add3A_30, %iota3A : vector<16xi32>
      %jit3A = arith.constant 200 : i32
      %div3A = vector.broadcast %jit3A : i32 to vector<16xi32>
      %div3A_32 = arith.divsi %add3A_31, %div3A : vector<16xi32>
      %sign3A = arith.constant 0 : i32
      %sign3A_33 = vector.broadcast %sign3A : i32 to vector<16xi32>
      %sign3A_34 = arith.cmpi sgt, %add3A_31, %sign3A_33 : vector<16xi32>
      %sign3A_35 = arith.extui %sign3A_34 : vector<16xi1> to vector<16xi32>
      %sign3A_36 = arith.constant 0 : i32
      %sign3A_37 = vector.broadcast %sign3A_36 : i32 to vector<16xi32>
      %sign3A_38 = arith.cmpi slt, %add3A_31, %sign3A_37 : vector<16xi32>
      %sign3A_39 = arith.extui %sign3A_38 : vector<16xi1> to vector<16xi32>
      %sign3A_40 = arith.subi %sign3A_35, %sign3A_39 : vector<16xi32>
      %sign3A_41 = arith.constant 0 : i32
      %sign3A_42 = arith.cmpi sgt, %jit3A, %sign3A_41 : i32
      %sign3A_43 = arith.extui %sign3A_42 : i1 to i32
      %sign3A_44 = arith.constant 0 : i32
      %sign3A_45 = arith.cmpi slt, %jit3A, %sign3A_44 : i32
      %sign3A_46 = arith.extui %sign3A_45 : i1 to i32
      %sign3A_47 = arith.subi %sign3A_43, %sign3A_46 : i32
      %ne3A = vector.broadcast %sign3A_47 : i32 to vector<16xi32>
      %ne3A_48 = arith.cmpi ne, %sign3A_40, %ne3A : vector<16xi32>
      %rem3A = vector.broadcast %jit3A : i32 to vector<16xi32>
      %rem3A_49 = arith.remsi %add3A_31, %rem3A : vector<16xi32>
      %ne3A_50 = arith.constant 0 : i32
      %ne3A_51 = vector.broadcast %ne3A_50 : i32 to vector<16xi32>
      %ne3A_52 = arith.cmpi ne, %rem3A_49, %ne3A_51 : vector<16xi32>
      %and3A = arith.andi %ne3A_48, %ne3A_52 : vector<16xi1>
      %sub3A = arith.constant 1 : i32
      %sub3A_53 = vector.broadcast %sub3A : i32 to vector<16xi32>
      %sub3A_54 = arith.subi %div3A_32, %sub3A_53 : vector<16xi32>
      %select_n3A = arith.select %and3A, %sub3A_54, %div3A_32 : vector<16xi1>, vector<16xi32>
      %sub3A_55 = arith.constant 64 : i32
      %sub3A_56 = vector.broadcast %sub3A_55 : i32 to vector<16xi32>
      %sub3A_57 = arith.subi %select_n3A, %sub3A_56 : vector<16xi32>
      %jit3A_58 = arith.constant 200 : i32
      %div3A_59 = vector.broadcast %jit3A_58 : i32 to vector<16xi32>
      %div3A_60 = arith.divsi %add3A_31, %div3A_59 : vector<16xi32>
      %sign3A_61 = arith.constant 0 : i32
      %sign3A_62 = vector.broadcast %sign3A_61 : i32 to vector<16xi32>
      %sign3A_63 = arith.cmpi sgt, %add3A_31, %sign3A_62 : vector<16xi32>
      %sign3A_64 = arith.extui %sign3A_63 : vector<16xi1> to vector<16xi32>
      %sign3A_65 = arith.constant 0 : i32
      %sign3A_66 = vector.broadcast %sign3A_65 : i32 to vector<16xi32>
      %sign3A_67 = arith.cmpi slt, %add3A_31, %sign3A_66 : vector<16xi32>
      %sign3A_68 = arith.extui %sign3A_67 : vector<16xi1> to vector<16xi32>
      %sign3A_69 = arith.subi %sign3A_64, %sign3A_68 : vector<16xi32>
      %sign3A_70 = arith.constant 0 : i32
      %sign3A_71 = arith.cmpi sgt, %jit3A_58, %sign3A_70 : i32
      %sign3A_72 = arith.extui %sign3A_71 : i1 to i32
      %sign3A_73 = arith.constant 0 : i32
      %sign3A_74 = arith.cmpi slt, %jit3A_58, %sign3A_73 : i32
      %sign3A_75 = arith.extui %sign3A_74 : i1 to i32
      %sign3A_76 = arith.subi %sign3A_72, %sign3A_75 : i32
      %ne3A_77 = vector.broadcast %sign3A_76 : i32 to vector<16xi32>
      %ne3A_78 = arith.cmpi ne, %sign3A_69, %ne3A_77 : vector<16xi32>
      %rem3A_79 = vector.broadcast %jit3A_58 : i32 to vector<16xi32>
      %rem3A_80 = arith.remsi %add3A_31, %rem3A_79 : vector<16xi32>
      %ne3A_81 = arith.constant 0 : i32
      %ne3A_82 = vector.broadcast %ne3A_81 : i32 to vector<16xi32>
      %ne3A_83 = arith.cmpi ne, %rem3A_80, %ne3A_82 : vector<16xi32>
      %and3A_84 = arith.andi %ne3A_78, %ne3A_83 : vector<16xi1>
      %sub3A_85 = arith.constant 1 : i32
      %sub3A_86 = vector.broadcast %sub3A_85 : i32 to vector<16xi32>
      %sub3A_87 = arith.subi %div3A_60, %sub3A_86 : vector<16xi32>
      %select_n3A_88 = arith.select %and3A_84, %sub3A_87, %div3A_60 : vector<16xi1>, vector<16xi32>
      %mul3A_89 = arith.constant 200 : i32
      %mul3A_90 = vector.broadcast %mul3A_89 : i32 to vector<16xi32>
      %mul3A_91 = arith.muli %select_n3A_88, %mul3A_90 : vector<16xi32>
      %sub3A_92 = arith.subi %add3A_31, %mul3A_91 : vector<16xi32>
      %gather3A = tpu.vector_load_idx %arg4[%sub3A_57, %sub3A_92] : memref<64x256xi32, #tpu.memory_space<vmem>>[vector<16xi32>, vector<16xi32>], vector<16xi32>,
      %swap3A = arith.index_cast %scan3A_24 : i32 to index
      %swap3A_93 = arith.constant 0 : index
      %swap3A_94 = tpu.vector_load %arg5[%swap3A, %swap3A_93] {strides = array<i32>} : memref<200x128xi32, #tpu.memory_space<vmem>>, vector<16xi32>,
      tpu.vector_store %arg5[%swap3A, %swap3A_93], %gather3A {strides = array<i32>} : memref<200x128xi32, #tpu.memory_space<vmem>>, vector<16xi32>,
      %mul3A_95 = arith.constant 128 : i32
      %mul3A_96 = arith.muli %scan3A_24, %mul3A_95 : i32
      %add3A_97 = arith.constant 16 : i32
      %add3A_98 = arith.addi %mul3A_96, %add3A_97 : i32
      %iota3A_99 = tpu.iota {dimensions = array<i32: 0>} : vector<16xi32>
      %add3A_100 = vector.broadcast %add3A_98 : i32 to vector<16xi32>
      %add3A_101 = arith.addi %add3A_100, %iota3A_99 : vector<16xi32>
      %jit3A_102 = arith.constant 200 : i32
      %div3A_103 = vector.broadcast %jit3A_102 : i32 to vector<16xi32>
      %div3A_104 = arith.divsi %add3A_101, %div3A_103 : vector<16xi32>
      %sign3A_105 = arith.constant 0 : i32
      %sign3A_106 = vector.broadcast %sign3A_105 : i32 to vector<16xi32>
      %sign3A_107 = arith.cmpi sgt, %add3A_101, %sign3A_106 : vector<16xi32>
      %sign3A_108 = arith.extui %sign3A_107 : vector<16xi1> to vector<16xi32>
      %sign3A_109 = arith.constant 0 : i32
      %sign3A_110 = vector.broadcast %sign3A_109 : i32 to vector<16xi32>
      %sign3A_111 = arith.cmpi slt, %add3A_101, %sign3A_110 : vector<16xi32>
      %sign3A_112 = arith.extui %sign3A_111 : vector<16xi1> to vector<16xi32>
      %sign3A_113 = arith.subi %sign3A_108, %sign3A_112 : vector<16xi32>
      %sign3A_114 = arith.constant 0 : i32
      %sign3A_115 = arith.cmpi sgt, %jit3A_102, %sign3A_114 : i32
      %sign3A_116 = arith.extui %sign3A_115 : i1 to i32
      %sign3A_117 = arith.constant 0 : i32
      %sign3A_118 = arith.cmpi slt, %jit3A_102, %sign3A_117 : i32
      %sign3A_119 = arith.extui %sign3A_118 : i1 to i32
      %sign3A_120 = arith.subi %sign3A_116, %sign3A_119 : i32
      %ne3A_121 = vector.broadcast %sign3A_120 : i32 to vector<16xi32>
      %ne3A_122 = arith.cmpi ne, %sign3A_113, %ne3A_121 : vector<16xi32>
      %rem3A_123 = vector.broadcast %jit3A_102 : i32 to vector<16xi32>
      %rem3A_124 = arith.remsi %add3A_101, %rem3A_123 : vector<16xi32>
      %ne3A_125 = arith.constant 0 : i32
      %ne3A_126 = vector.broadcast %ne3A_125 : i32 to vector<16xi32>
      %ne3A_127 = arith.cmpi ne, %rem3A_124, %ne3A_126 : vector<16xi32>
      %and3A_128 = arith.andi %ne3A_122, %ne3A_127 : vector<16xi1>
      %sub3A_129 = arith.constant 1 : i32
      %sub3A_130 = vector.broadcast %sub3A_129 : i32 to vector<16xi32>
      %sub3A_131 = arith.subi %div3A_104, %sub3A_130 : vector<16xi32>
      %select_n3A_132 = arith.select %and3A_128, %sub3A_131, %div3A_104 : vector<16xi1>, vector<16xi32>
      %sub3A_133 = arith.constant 64 : i32
      %sub3A_134 = vector.broadcast %sub3A_133 : i32 to vector<16xi32>
      %sub3A_135 = arith.subi %select_n3A_132, %sub3A_134 : vector<16xi32>
      %jit3A_136 = arith.constant 200 : i32
      %div3A_137 = vector.broadcast %jit3A_136 : i32 to vector<16xi32>
      %div3A_138 = arith.divsi %add3A_101, %div3A_137 : vector<16xi32>
      %sign3A_139 = arith.constant 0 : i32
      %sign3A_140 = vector.broadcast %sign3A_139 : i32 to vector<16xi32>
      %sign3A_141 = arith.cmpi sgt, %add3A_101, %sign3A_140 : vector<16xi32>
      %sign3A_142 = arith.extui %sign3A_141 : vector<16xi1> to vector<16xi32>
      %sign3A_143 = arith.constant 0 : i32
      %sign3A_144 = vector.broadcast %sign3A_143 : i32 to vector<16xi32>
      %sign3A_145 = arith.cmpi slt, %add3A_101, %sign3A_144 : vector<16xi32>
      %sign3A_146 = arith.extui %sign3A_145 : vector<16xi1> to vector<16xi32>
      %sign3A_147 = arith.subi %sign3A_142, %sign3A_146 : vector<16xi32>
      %sign3A_148 = arith.constant 0 : i32
      %sign3A_149 = arith.cmpi sgt, %jit3A_136, %sign3A_148 : i32
      %sign3A_150 = arith.extui %sign3A_149 : i1 to i32
      %sign3A_151 = arith.constant 0 : i32
      %sign3A_152 = arith.cmpi slt, %jit3A_136, %sign3A_151 : i32
      %sign3A_153 = arith.extui %sign3A_152 : i1 to i32
      %sign3A_154 = arith.subi %sign3A_150, %sign3A_153 : i32
      %ne3A_155 = vector.broadcast %sign3A_154 : i32 to vector<16xi32>
      %ne3A_156 = arith.cmpi ne, %sign3A_147, %ne3A_155 : vector<16xi32>
      %rem3A_157 = vector.broadcast %jit3A_136 : i32 to vector<16xi32>
      %rem3A_158 = arith.remsi %add3A_101, %rem3A_157 : vector<16xi32>
      %ne3A_159 = arith.constant 0 : i32
      %ne3A_160 = vector.broadcast %ne3A_159 : i32 to vector<16xi32>
      %ne3A_161 = arith.cmpi ne, %rem3A_158, %ne3A_160 : vector<16xi32>
      %and3A_162 = arith.andi %ne3A_156, %ne3A_161 : vector<16xi1>
      %sub3A_163 = arith.constant 1 : i32
      %sub3A_164 = vector.broadcast %sub3A_163 : i32 to vector<16xi32>
      %sub3A_165 = arith.subi %div3A_138, %sub3A_164 : vector<16xi32>
      %select_n3A_166 = arith.select %and3A_162, %sub3A_165, %div3A_138 : vector<16xi1>, vector<16xi32>
      %mul3A_167 = arith.constant 200 : i32
      %mul3A_168 = vector.broadcast %mul3A_167 : i32 to vector<16xi32>
      %mul3A_169 = arith.muli %select_n3A_166, %mul3A_168 : vector<16xi32>
      %sub3A_170 = arith.subi %add3A_101, %mul3A_169 : vector<16xi32>
      %gather3A_171 = tpu.vector_load_idx %arg4[%sub3A_135, %sub3A_170] : memref<64x256xi32, #tpu.memory_space<vmem>>[vector<16xi32>, vector<16xi32>], vector<16xi32>,
      %swap3A_172 = arith.index_cast %scan3A_24 : i32 to index
      %swap3A_173 = arith.constant 16 : index
      %swap3A_174 = tpu.vector_load %arg5[%swap3A_172, %swap3A_173] {strides = array<i32>} : memref<200x128xi32, #tpu.memory_space<vmem>>, vector<16xi32>,
      tpu.vector_store %arg5[%swap3A_172, %swap3A_173], %gather3A_171 {strides = array<i32>} : memref<200x128xi32, #tpu.memory_space<vmem>>, vector<16xi32>,
      %mul3A_175 = arith.constant 128 : i32
      %mul3A_176 = arith.muli %scan3A_24, %mul3A_175 : i32
      %add3A_177 = arith.constant 32 : i32
      %add3A_178 = arith.addi %mul3A_176, %add3A_177 : i32
      %iota3A_179 = tpu.iota {dimensions = array<i32: 0>} : vector<16xi32>
      %add3A_180 = vector.broadcast %add3A_178 : i32 to vector<16xi32>
      %add3A_181 = arith.addi %add3A_180, %iota3A_179 : vector<16xi32>
      %jit3A_182 = arith.constant 200 : i32
      %div3A_183 = vector.broadcast %jit3A_182 : i32 to vector<16xi32>
      %div3A_184 = arith.divsi %add3A_181, %div3A_183 : vector<16xi32>
      %sign3A_185 = arith.constant 0 : i32
      %sign3A_186 = vector.broadcast %sign3A_185 : i32 to vector<16xi32>
      %sign3A_187 = arith.cmpi sgt, %add3A_181, %sign3A_186 : vector<16xi32>
      %sign3A_188 = arith.extui %sign3A_187 : vector<16xi1> to vector<16xi32>
      %sign3A_189 = arith.constant 0 : i32
      %sign3A_190 = vector.broadcast %sign3A_189 : i32 to vector<16xi32>
      %sign3A_191 = arith.cmpi slt, %add3A_181, %sign3A_190 : vector<16xi32>
      %sign3A_192 = arith.extui %sign3A_191 : vector<16xi1> to vector<16xi32>
      %sign3A_193 = arith.subi %sign3A_188, %sign3A_192 : vector<16xi32>
      %sign3A_194 = arith.constant 0 : i32
      %sign3A_195 = arith.cmpi sgt, %jit3A_182, %sign3A_194 : i32
      %sign3A_196 = arith.extui %sign3A_195 : i1 to i32
      %sign3A_197 = arith.constant 0 : i32
      %sign3A_198 = arith.cmpi slt, %jit3A_182, %sign3A_197 : i32
      %sign3A_199 = arith.extui %sign3A_198 : i1 to i32
      %sign3A_200 = arith.subi %sign3A_196, %sign3A_199 : i32
      %ne3A_201 = vector.broadcast %sign3A_200 : i32 to vector<16xi32>
      %ne3A_202 = arith.cmpi ne, %sign3A_193, %ne3A_201 : vector<16xi32>
      %rem3A_203 = vector.broadcast %jit3A_182 : i32 to vector<16xi32>
      %rem3A_204 = arith.remsi %add3A_181, %rem3A_203 : vector<16xi32>
      %ne3A_205 = arith.constant 0 : i32
      %ne3A_206 = vector.broadcast %ne3A_205 : i32 to vector<16xi32>
      %ne3A_207 = arith.cmpi ne, %rem3A_204, %ne3A_206 : vector<16xi32>
      %and3A_208 = arith.andi %ne3A_202, %ne3A_207 : vector<16xi1>
      %sub3A_209 = arith.constant 1 : i32
      %sub3A_210 = vector.broadcast %sub3A_209 : i32 to vector<16xi32>
      %sub3A_211 = arith.subi %div3A_184, %sub3A_210 : vector<16xi32>
      %select_n3A_212 = arith.select %and3A_208, %sub3A_211, %div3A_184 : vector<16xi1>, vector<16xi32>
      %sub3A_213 = arith.constant 64 : i32
      %sub3A_214 = vector.broadcast %sub3A_213 : i32 to vector<16xi32>
      %sub3A_215 = arith.subi %select_n3A_212, %sub3A_214 : vector<16xi32>
      %jit3A_216 = arith.constant 200 : i32
      %div3A_217 = vector.broadcast %jit3A_216 : i32 to vector<16xi32>
      %div3A_218 = arith.divsi %add3A_181, %div3A_217 : vector<16xi32>
      %sign3A_219 = arith.constant 0 : i32
      %sign3A_220 = vector.broadcast %sign3A_219 : i32 to vector<16xi32>
      %sign3A_221 = arith.cmpi sgt, %add3A_181, %sign3A_220 : vector<16xi32>
      %sign3A_222 = arith.extui %sign3A_221 : vector<16xi1> to vector<16xi32>
      %sign3A_223 = arith.constant 0 : i32
      %sign3A_224 = vector.broadcast %sign3A_223 : i32 to vector<16xi32>
      %sign3A_225 = arith.cmpi slt, %add3A_181, %sign3A_224 : vector<16xi32>
      %sign3A_226 = arith.extui %sign3A_225 : vector<16xi1> to vector<16xi32>
      %sign3A_227 = arith.subi %sign3A_222, %sign3A_226 : vector<16xi32>
      %sign3A_228 = arith.constant 0 : i32
      %sign3A_229 = arith.cmpi sgt, %jit3A_216, %sign3A_228 : i32
      %sign3A_230 = arith.extui %sign3A_229 : i1 to i32
      %sign3A_231 = arith.constant 0 : i32
      %sign3A_232 = arith.cmpi slt, %jit3A_216, %sign3A_231 : i32
      %sign3A_233 = arith.extui %sign3A_232 : i1 to i32
      %sign3A_234 = arith.subi %sign3A_230, %sign3A_233 : i32
      %ne3A_235 = vector.broadcast %sign3A_234 : i32 to vector<16xi32>
      %ne3A_236 = arith.cmpi ne, %sign3A_227, %ne3A_235 : vector<16xi32>
      %rem3A_237 = vector.broadcast %jit3A_216 : i32 to vector<16xi32>
      %rem3A_238 = arith.remsi %add3A_181, %rem3A_237 : vector<16xi32>
      %ne3A_239 = arith.constant 0 : i32
      %ne3A_240 = vector.broadcast %ne3A_239 : i32 to vector<16xi32>
      %ne3A_241 = arith.cmpi ne, %rem3A_238, %ne3A_240 : vector<16xi32>
      %and3A_242 = arith.andi %ne3A_236, %ne3A_241 : vector<16xi1>
      %sub3A_243 = arith.constant 1 : i32
      %sub3A_244 = vector.broadcast %sub3A_243 : i32 to vector<16xi32>
      %sub3A_245 = arith.subi %div3A_218, %sub3A_244 : vector<16xi32>
      %select_n3A_246 = arith.select %and3A_242, %sub3A_245, %div3A_218 : vector<16xi1>, vector<16xi32>
      %mul3A_247 = arith.constant 200 : i32
      %mul3A_248 = vector.broadcast %mul3A_247 : i32 to vector<16xi32>
      %mul3A_249 = arith.muli %select_n3A_246, %mul3A_248 : vector<16xi32>
      %sub3A_250 = arith.subi %add3A_181, %mul3A_249 : vector<16xi32>
      %gather3A_251 = tpu.vector_load_idx %arg4[%sub3A_215, %sub3A_250] : memref<64x256xi32, #tpu.memory_space<vmem>>[vector<16xi32>, vector<16xi32>], vector<16xi32>,
      %swap3A_252 = arith.index_cast %scan3A_24 : i32 to index
      %swap3A_253 = arith.constant 32 : index
      %swap3A_254 = tpu.vector_load %arg5[%swap3A_252, %swap3A_253] {strides = array<i32>} : memref<200x128xi32, #tpu.memory_space<vmem>>, vector<16xi32>,
      tpu.vector_store %arg5[%swap3A_252, %swap3A_253], %gather3A_251 {strides = array<i32>} : memref<200x128xi32, #tpu.memory_space<vmem>>, vector<16xi32>,
      %mul3A_255 = arith.constant 128 : i32
      %mul3A_256 = arith.muli %scan3A_24, %mul3A_255 : i32
      %add3A_257 = arith.constant 48 : i32
      %add3A_258 = arith.addi %mul3A_256, %add3A_257 : i32
      %iota3A_259 = tpu.iota {dimensions = array<i32: 0>} : vector<16xi32>
      %add3A_260 = vector.broadcast %add3A_258 : i32 to vector<16xi32>
      %add3A_261 = arith.addi %add3A_260, %iota3A_259 : vector<16xi32>
      %jit3A_262 = arith.constant 200 : i32
      %div3A_263 = vector.broadcast %jit3A_262 : i32 to vector<16xi32>
      %div3A_264 = arith.divsi %add3A_261, %div3A_263 : vector<16xi32>
      %sign3A_265 = arith.constant 0 : i32
      %sign3A_266 = vector.broadcast %sign3A_265 : i32 to vector<16xi32>
      %sign3A_267 = arith.cmpi sgt, %add3A_261, %sign3A_266 : vector<16xi32>
      %sign3A_268 = arith.extui %sign3A_267 : vector<16xi1> to vector<16xi32>
      %sign3A_269 = arith.constant 0 : i32
      %sign3A_270 = vector.broadcast %sign3A_269 : i32 to vector<16xi32>
      %sign3A_271 = arith.cmpi slt, %add3A_261, %sign3A_270 : vector<16xi32>
      %sign3A_272 = arith.extui %sign3A_271 : vector<16xi1> to vector<16xi32>
      %sign3A_273 = arith.subi %sign3A_268, %sign3A_272 : vector<16xi32>
      %sign3A_274 = arith.constant 0 : i32
      %sign3A_275 = arith.cmpi sgt, %jit3A_262, %sign3A_274 : i32
      %sign3A_276 = arith.extui %sign3A_275 : i1 to i32
      %sign3A_277 = arith.constant 0 : i32
      %sign3A_278 = arith.cmpi slt, %jit3A_262, %sign3A_277 : i32
      %sign3A_279 = arith.extui %sign3A_278 : i1 to i32
      %sign3A_280 = arith.subi %sign3A_276, %sign3A_279 : i32
      %ne3A_281 = vector.broadcast %sign3A_280 : i32 to vector<16xi32>
      %ne3A_282 = arith.cmpi ne, %sign3A_273, %ne3A_281 : vector<16xi32>
      %rem3A_283 = vector.broadcast %jit3A_262 : i32 to vector<16xi32>
      %rem3A_284 = arith.remsi %add3A_261, %rem3A_283 : vector<16xi32>
      %ne3A_285 = arith.constant 0 : i32
      %ne3A_286 = vector.broadcast %ne3A_285 : i32 to vector<16xi32>
      %ne3A_287 = arith.cmpi ne, %rem3A_284, %ne3A_286 : vector<16xi32>
      %and3A_288 = arith.andi %ne3A_282, %ne3A_287 : vector<16xi1>
      %sub3A_289 = arith.constant 1 : i32
      %sub3A_290 = vector.broadcast %sub3A_289 : i32 to vector<16xi32>
      %sub3A_291 = arith.subi %div3A_264, %sub3A_290 : vector<16xi32>
      %select_n3A_292 = arith.select %and3A_288, %sub3A_291, %div3A_264 : vector<16xi1>, vector<16xi32>
      %sub3A_293 = arith.constant 64 : i32
      %sub3A_294 = vector.broadcast %sub3A_293 : i32 to vector<16xi32>
      %sub3A_295 = arith.subi %select_n3A_292, %sub3A_294 : vector<16xi32>
      %jit3A_296 = arith.constant 200 : i32
      %div3A_297 = vector.broadcast %jit3A_296 : i32 to vector<16xi32>
      %div3A_298 = arith.divsi %add3A_261, %div3A_297 : vector<16xi32>
      %sign3A_299 = arith.constant 0 : i32
      %sign3A_300 = vector.broadcast %sign3A_299 : i32 to vector<16xi32>
      %sign3A_301 = arith.cmpi sgt, %add3A_261, %sign3A_300 : vector<16xi32>
      %sign3A_302 = arith.extui %sign3A_301 : vector<16xi1> to vector<16xi32>
      %sign3A_303 = arith.constant 0 : i32
      %sign3A_304 = vector.broadcast %sign3A_303 : i32 to vector<16xi32>
      %sign3A_305 = arith.cmpi slt, %add3A_261, %sign3A_304 : vector<16xi32>
      %sign3A_306 = arith.extui %sign3A_305 : vector<16xi1> to vector<16xi32>
      %sign3A_307 = arith.subi %sign3A_302, %sign3A_306 : vector<16xi32>
      %sign3A_308 = arith.constant 0 : i32
      %sign3A_309 = arith.cmpi sgt, %jit3A_296, %sign3A_308 : i32
      %sign3A_310 = arith.extui %sign3A_309 : i1 to i32
      %sign3A_311 = arith.constant 0 : i32
      %sign3A_312 = arith.cmpi slt, %jit3A_296, %sign3A_311 : i32
      %sign3A_313 = arith.extui %sign3A_312 : i1 to i32
      %sign3A_314 = arith.subi %sign3A_310, %sign3A_313 : i32
      %ne3A_315 = vector.broadcast %sign3A_314 : i32 to vector<16xi32>
      %ne3A_316 = arith.cmpi ne, %sign3A_307, %ne3A_315 : vector<16xi32>
      %rem3A_317 = vector.broadcast %jit3A_296 : i32 to vector<16xi32>
      %rem3A_318 = arith.remsi %add3A_261, %rem3A_317 : vector<16xi32>
      %ne3A_319 = arith.constant 0 : i32
      %ne3A_320 = vector.broadcast %ne3A_319 : i32 to vector<16xi32>
      %ne3A_321 = arith.cmpi ne, %rem3A_318, %ne3A_320 : vector<16xi32>
      %and3A_322 = arith.andi %ne3A_316, %ne3A_321 : vector<16xi1>
      %sub3A_323 = arith.constant 1 : i32
      %sub3A_324 = vector.broadcast %sub3A_323 : i32 to vector<16xi32>
      %sub3A_325 = arith.subi %div3A_298, %sub3A_324 : vector<16xi32>
      %select_n3A_326 = arith.select %and3A_322, %sub3A_325, %div3A_298 : vector<16xi1>, vector<16xi32>
      %mul3A_327 = arith.constant 200 : i32
      %mul3A_328 = vector.broadcast %mul3A_327 : i32 to vector<16xi32>
      %mul3A_329 = arith.muli %select_n3A_326, %mul3A_328 : vector<16xi32>
      %sub3A_330 = arith.subi %add3A_261, %mul3A_329 : vector<16xi32>
      %gather3A_331 = tpu.vector_load_idx %arg4[%sub3A_295, %sub3A_330] : memref<64x256xi32, #tpu.memory_space<vmem>>[vector<16xi32>, vector<16xi32>], vector<16xi32>,
      %swap3A_332 = arith.index_cast %scan3A_24 : i32 to index
      %swap3A_333 = arith.constant 48 : index
      %swap3A_334 = tpu.vector_load %arg5[%swap3A_332, %swap3A_333] {strides = array<i32>} : memref<200x128xi32, #tpu.memory_space<vmem>>, vector<16xi32>,
      tpu.vector_store %arg5[%swap3A_332, %swap3A_333], %gather3A_331 {strides = array<i32>} : memref<200x128xi32, #tpu.memory_space<vmem>>, vector<16xi32>,
      %mul3A_335 = arith.constant 128 : i32
      %mul3A_336 = arith.muli %scan3A_24, %mul3A_335 : i32
      %add3A_337 = arith.constant 64 : i32
      %add3A_338 = arith.addi %mul3A_336, %add3A_337 : i32
      %iota3A_339 = tpu.iota {dimensions = array<i32: 0>} : vector<16xi32>
      %add3A_340 = vector.broadcast %add3A_338 : i32 to vector<16xi32>
      %add3A_341 = arith.addi %add3A_340, %iota3A_339 : vector<16xi32>
      %jit3A_342 = arith.constant 200 : i32
      %div3A_343 = vector.broadcast %jit3A_342 : i32 to vector<16xi32>
      %div3A_344 = arith.divsi %add3A_341, %div3A_343 : vector<16xi32>
      %sign3A_345 = arith.constant 0 : i32
      %sign3A_346 = vector.broadcast %sign3A_345 : i32 to vector<16xi32>
      %sign3A_347 = arith.cmpi sgt, %add3A_341, %sign3A_346 : vector<16xi32>
      %sign3A_348 = arith.extui %sign3A_347 : vector<16xi1> to vector<16xi32>
      %sign3A_349 = arith.constant 0 : i32
      %sign3A_350 = vector.broadcast %sign3A_349 : i32 to vector<16xi32>
      %sign3A_351 = arith.cmpi slt, %add3A_341, %sign3A_350 : vector<16xi32>
      %sign3A_352 = arith.extui %sign3A_351 : vector<16xi1> to vector<16xi32>
      %sign3A_353 = arith.subi %sign3A_348, %sign3A_352 : vector<16xi32>
      %sign3A_354 = arith.constant 0 : i32
      %sign3A_355 = arith.cmpi sgt, %jit3A_342, %sign3A_354 : i32
      %sign3A_356 = arith.extui %sign3A_355 : i1 to i32
      %sign3A_357 = arith.constant 0 : i32
      %sign3A_358 = arith.cmpi slt, %jit3A_342, %sign3A_357 : i32
      %sign3A_359 = arith.extui %sign3A_358 : i1 to i32
      %sign3A_360 = arith.subi %sign3A_356, %sign3A_359 : i32
      %ne3A_361 = vector.broadcast %sign3A_360 : i32 to vector<16xi32>
      %ne3A_362 = arith.cmpi ne, %sign3A_353, %ne3A_361 : vector<16xi32>
      %rem3A_363 = vector.broadcast %jit3A_342 : i32 to vector<16xi32>
      %rem3A_364 = arith.remsi %add3A_341, %rem3A_363 : vector<16xi32>
      %ne3A_365 = arith.constant 0 : i32
      %ne3A_366 = vector.broadcast %ne3A_365 : i32 to vector<16xi32>
      %ne3A_367 = arith.cmpi ne, %rem3A_364, %ne3A_366 : vector<16xi32>
      %and3A_368 = arith.andi %ne3A_362, %ne3A_367 : vector<16xi1>
      %sub3A_369 = arith.constant 1 : i32
      %sub3A_370 = vector.broadcast %sub3A_369 : i32 to vector<16xi32>
      %sub3A_371 = arith.subi %div3A_344, %sub3A_370 : vector<16xi32>
      %select_n3A_372 = arith.select %and3A_368, %sub3A_371, %div3A_344 : vector<16xi1>, vector<16xi32>
      %sub3A_373 = arith.constant 64 : i32
      %sub3A_374 = vector.broadcast %sub3A_373 : i32 to vector<16xi32>
      %sub3A_375 = arith.subi %select_n3A_372, %sub3A_374 : vector<16xi32>
      %jit3A_376 = arith.constant 200 : i32
      %div3A_377 = vector.broadcast %jit3A_376 : i32 to vector<16xi32>
      %div3A_378 = arith.divsi %add3A_341, %div3A_377 : vector<16xi32>
      %sign3A_379 = arith.constant 0 : i32
      %sign3A_380 = vector.broadcast %sign3A_379 : i32 to vector<16xi32>
      %sign3A_381 = arith.cmpi sgt, %add3A_341, %sign3A_380 : vector<16xi32>
      %sign3A_382 = arith.extui %sign3A_381 : vector<16xi1> to vector<16xi32>
      %sign3A_383 = arith.constant 0 : i32
      %sign3A_384 = vector.broadcast %sign3A_383 : i32 to vector<16xi32>
      %sign3A_385 = arith.cmpi slt, %add3A_341, %sign3A_384 : vector<16xi32>
      %sign3A_386 = arith.extui %sign3A_385 : vector<16xi1> to vector<16xi32>
      %sign3A_387 = arith.subi %sign3A_382, %sign3A_386 : vector<16xi32>
      %sign3A_388 = arith.constant 0 : i32
      %sign3A_389 = arith.cmpi sgt, %jit3A_376, %sign3A_388 : i32
      %sign3A_390 = arith.extui %sign3A_389 : i1 to i32
      %sign3A_391 = arith.constant 0 : i32
      %sign3A_392 = arith.cmpi slt, %jit3A_376, %sign3A_391 : i32
      %sign3A_393 = arith.extui %sign3A_392 : i1 to i32
      %sign3A_394 = arith.subi %sign3A_390, %sign3A_393 : i32
      %ne3A_395 = vector.broadcast %sign3A_394 : i32 to vector<16xi32>
      %ne3A_396 = arith.cmpi ne, %sign3A_387, %ne3A_395 : vector<16xi32>
      %rem3A_397 = vector.broadcast %jit3A_376 : i32 to vector<16xi32>
      %rem3A_398 = arith.remsi %add3A_341, %rem3A_397 : vector<16xi32>
      %ne3A_399 = arith.constant 0 : i32
      %ne3A_400 = vector.broadcast %ne3A_399 : i32 to vector<16xi32>
      %ne3A_401 = arith.cmpi ne, %rem3A_398, %ne3A_400 : vector<16xi32>
      %and3A_402 = arith.andi %ne3A_396, %ne3A_401 : vector<16xi1>
      %sub3A_403 = arith.constant 1 : i32
      %sub3A_404 = vector.broadcast %sub3A_403 : i32 to vector<16xi32>
      %sub3A_405 = arith.subi %div3A_378, %sub3A_404 : vector<16xi32>
      %select_n3A_406 = arith.select %and3A_402, %sub3A_405, %div3A_378 : vector<16xi1>, vector<16xi32>
      %mul3A_407 = arith.constant 200 : i32
      %mul3A_408 = vector.broadcast %mul3A_407 : i32 to vector<16xi32>
      %mul3A_409 = arith.muli %select_n3A_406, %mul3A_408 : vector<16xi32>
      %sub3A_410 = arith.subi %add3A_341, %mul3A_409 : vector<16xi32>
      %gather3A_411 = tpu.vector_load_idx %arg4[%sub3A_375, %sub3A_410] : memref<64x256xi32, #tpu.memory_space<vmem>>[vector<16xi32>, vector<16xi32>], vector<16xi32>,
      %swap3A_412 = arith.index_cast %scan3A_24 : i32 to index
      %swap3A_413 = arith.constant 64 : index
      %swap3A_414 = tpu.vector_load %arg5[%swap3A_412, %swap3A_413] {strides = array<i32>} : memref<200x128xi32, #tpu.memory_space<vmem>>, vector<16xi32>,
      tpu.vector_store %arg5[%swap3A_412, %swap3A_413], %gather3A_411 {strides = array<i32>} : memref<200x128xi32, #tpu.memory_space<vmem>>, vector<16xi32>,
      %mul3A_415 = arith.constant 128 : i32
      %mul3A_416 = arith.muli %scan3A_24, %mul3A_415 : i32
      %add3A_417 = arith.constant 80 : i32
      %add3A_418 = arith.addi %mul3A_416, %add3A_417 : i32
      %iota3A_419 = tpu.iota {dimensions = array<i32: 0>} : vector<16xi32>
      %add3A_420 = vector.broadcast %add3A_418 : i32 to vector<16xi32>
      %add3A_421 = arith.addi %add3A_420, %iota3A_419 : vector<16xi32>
      %jit3A_422 = arith.constant 200 : i32
      %div3A_423 = vector.broadcast %jit3A_422 : i32 to vector<16xi32>
      %div3A_424 = arith.divsi %add3A_421, %div3A_423 : vector<16xi32>
      %sign3A_425 = arith.constant 0 : i32
      %sign3A_426 = vector.broadcast %sign3A_425 : i32 to vector<16xi32>
      %sign3A_427 = arith.cmpi sgt, %add3A_421, %sign3A_426 : vector<16xi32>
      %sign3A_428 = arith.extui %sign3A_427 : vector<16xi1> to vector<16xi32>
      %sign3A_429 = arith.constant 0 : i32
      %sign3A_430 = vector.broadcast %sign3A_429 : i32 to vector<16xi32>
      %sign3A_431 = arith.cmpi slt, %add3A_421, %sign3A_430 : vector<16xi32>
      %sign3A_432 = arith.extui %sign3A_431 : vector<16xi1> to vector<16xi32>
      %sign3A_433 = arith.subi %sign3A_428, %sign3A_432 : vector<16xi32>
      %sign3A_434 = arith.constant 0 : i32
      %sign3A_435 = arith.cmpi sgt, %jit3A_422, %sign3A_434 : i32
      %sign3A_436 = arith.extui %sign3A_435 : i1 to i32
      %sign3A_437 = arith.constant 0 : i32
      %sign3A_438 = arith.cmpi slt, %jit3A_422, %sign3A_437 : i32
      %sign3A_439 = arith.extui %sign3A_438 : i1 to i32
      %sign3A_440 = arith.subi %sign3A_436, %sign3A_439 : i32
      %ne3A_441 = vector.broadcast %sign3A_440 : i32 to vector<16xi32>
      %ne3A_442 = arith.cmpi ne, %sign3A_433, %ne3A_441 : vector<16xi32>
      %rem3A_443 = vector.broadcast %jit3A_422 : i32 to vector<16xi32>
      %rem3A_444 = arith.remsi %add3A_421, %rem3A_443 : vector<16xi32>
      %ne3A_445 = arith.constant 0 : i32
      %ne3A_446 = vector.broadcast %ne3A_445 : i32 to vector<16xi32>
      %ne3A_447 = arith.cmpi ne, %rem3A_444, %ne3A_446 : vector<16xi32>
      %and3A_448 = arith.andi %ne3A_442, %ne3A_447 : vector<16xi1>
      %sub3A_449 = arith.constant 1 : i32
      %sub3A_450 = vector.broadcast %sub3A_449 : i32 to vector<16xi32>
      %sub3A_451 = arith.subi %div3A_424, %sub3A_450 : vector<16xi32>
      %select_n3A_452 = arith.select %and3A_448, %sub3A_451, %div3A_424 : vector<16xi1>, vector<16xi32>
      %sub3A_453 = arith.constant 64 : i32
      %sub3A_454 = vector.broadcast %sub3A_453 : i32 to vector<16xi32>
      %sub3A_455 = arith.subi %select_n3A_452, %sub3A_454 : vector<16xi32>
      %jit3A_456 = arith.constant 200 : i32
      %div3A_457 = vector.broadcast %jit3A_456 : i32 to vector<16xi32>
      %div3A_458 = arith.divsi %add3A_421, %div3A_457 : vector<16xi32>
      %sign3A_459 = arith.constant 0 : i32
      %sign3A_460 = vector.broadcast %sign3A_459 : i32 to vector<16xi32>
      %sign3A_461 = arith.cmpi sgt, %add3A_421, %sign3A_460 : vector<16xi32>
      %sign3A_462 = arith.extui %sign3A_461 : vector<16xi1> to vector<16xi32>
      %sign3A_463 = arith.constant 0 : i32
      %sign3A_464 = vector.broadcast %sign3A_463 : i32 to vector<16xi32>
      %sign3A_465 = arith.cmpi slt, %add3A_421, %sign3A_464 : vector<16xi32>
      %sign3A_466 = arith.extui %sign3A_465 : vector<16xi1> to vector<16xi32>
      %sign3A_467 = arith.subi %sign3A_462, %sign3A_466 : vector<16xi32>
      %sign3A_468 = arith.constant 0 : i32
      %sign3A_469 = arith.cmpi sgt, %jit3A_456, %sign3A_468 : i32
      %sign3A_470 = arith.extui %sign3A_469 : i1 to i32
      %sign3A_471 = arith.constant 0 : i32
      %sign3A_472 = arith.cmpi slt, %jit3A_456, %sign3A_471 : i32
      %sign3A_473 = arith.extui %sign3A_472 : i1 to i32
      %sign3A_474 = arith.subi %sign3A_470, %sign3A_473 : i32
      %ne3A_475 = vector.broadcast %sign3A_474 : i32 to vector<16xi32>
      %ne3A_476 = arith.cmpi ne, %sign3A_467, %ne3A_475 : vector<16xi32>
      %rem3A_477 = vector.broadcast %jit3A_456 : i32 to vector<16xi32>
      %rem3A_478 = arith.remsi %add3A_421, %rem3A_477 : vector<16xi32>
      %ne3A_479 = arith.constant 0 : i32
      %ne3A_480 = vector.broadcast %ne3A_479 : i32 to vector<16xi32>
      %ne3A_481 = arith.cmpi ne, %rem3A_478, %ne3A_480 : vector<16xi32>
      %and3A_482 = arith.andi %ne3A_476, %ne3A_481 : vector<16xi1>
      %sub3A_483 = arith.constant 1 : i32
      %sub3A_484 = vector.broadcast %sub3A_483 : i32 to vector<16xi32>
      %sub3A_485 = arith.subi %div3A_458, %sub3A_484 : vector<16xi32>
      %select_n3A_486 = arith.select %and3A_482, %sub3A_485, %div3A_458 : vector<16xi1>, vector<16xi32>
      %mul3A_487 = arith.constant 200 : i32
      %mul3A_488 = vector.broadcast %mul3A_487 : i32 to vector<16xi32>
      %mul3A_489 = arith.muli %select_n3A_486, %mul3A_488 : vector<16xi32>
      %sub3A_490 = arith.subi %add3A_421, %mul3A_489 : vector<16xi32>
      %gather3A_491 = tpu.vector_load_idx %arg4[%sub3A_455, %sub3A_490] : memref<64x256xi32, #tpu.memory_space<vmem>>[vector<16xi32>, vector<16xi32>], vector<16xi32>,
      %swap3A_492 = arith.index_cast %scan3A_24 : i32 to index
      %swap3A_493 = arith.constant 80 : index
      %swap3A_494 = tpu.vector_load %arg5[%swap3A_492, %swap3A_493] {strides = array<i32>} : memref<200x128xi32, #tpu.memory_space<vmem>>, vector<16xi32>,
      tpu.vector_store %arg5[%swap3A_492, %swap3A_493], %gather3A_491 {strides = array<i32>} : memref<200x128xi32, #tpu.memory_space<vmem>>, vector<16xi32>,
      %mul3A_495 = arith.constant 128 : i32
      %mul3A_496 = arith.muli %scan3A_24, %mul3A_495 : i32
      %add3A_497 = arith.constant 96 : i32
      %add3A_498 = arith.addi %mul3A_496, %add3A_497 : i32
      %iota3A_499 = tpu.iota {dimensions = array<i32: 0>} : vector<16xi32>
      %add3A_500 = vector.broadcast %add3A_498 : i32 to vector<16xi32>
      %add3A_501 = arith.addi %add3A_500, %iota3A_499 : vector<16xi32>
      %jit3A_502 = arith.constant 200 : i32
      %div3A_503 = vector.broadcast %jit3A_502 : i32 to vector<16xi32>
      %div3A_504 = arith.divsi %add3A_501, %div3A_503 : vector<16xi32>
      %sign3A_505 = arith.constant 0 : i32
      %sign3A_506 = vector.broadcast %sign3A_505 : i32 to vector<16xi32>
      %sign3A_507 = arith.cmpi sgt, %add3A_501, %sign3A_506 : vector<16xi32>
      %sign3A_508 = arith.extui %sign3A_507 : vector<16xi1> to vector<16xi32>
      %sign3A_509 = arith.constant 0 : i32
      %sign3A_510 = vector.broadcast %sign3A_509 : i32 to vector<16xi32>
      %sign3A_511 = arith.cmpi slt, %add3A_501, %sign3A_510 : vector<16xi32>
      %sign3A_512 = arith.extui %sign3A_511 : vector<16xi1> to vector<16xi32>
      %sign3A_513 = arith.subi %sign3A_508, %sign3A_512 : vector<16xi32>
      %sign3A_514 = arith.constant 0 : i32
      %sign3A_515 = arith.cmpi sgt, %jit3A_502, %sign3A_514 : i32
      %sign3A_516 = arith.extui %sign3A_515 : i1 to i32
      %sign3A_517 = arith.constant 0 : i32
      %sign3A_518 = arith.cmpi slt, %jit3A_502, %sign3A_517 : i32
      %sign3A_519 = arith.extui %sign3A_518 : i1 to i32
      %sign3A_520 = arith.subi %sign3A_516, %sign3A_519 : i32
      %ne3A_521 = vector.broadcast %sign3A_520 : i32 to vector<16xi32>
      %ne3A_522 = arith.cmpi ne, %sign3A_513, %ne3A_521 : vector<16xi32>
      %rem3A_523 = vector.broadcast %jit3A_502 : i32 to vector<16xi32>
      %rem3A_524 = arith.remsi %add3A_501, %rem3A_523 : vector<16xi32>
      %ne3A_525 = arith.constant 0 : i32
      %ne3A_526 = vector.broadcast %ne3A_525 : i32 to vector<16xi32>
      %ne3A_527 = arith.cmpi ne, %rem3A_524, %ne3A_526 : vector<16xi32>
      %and3A_528 = arith.andi %ne3A_522, %ne3A_527 : vector<16xi1>
      %sub3A_529 = arith.constant 1 : i32
      %sub3A_530 = vector.broadcast %sub3A_529 : i32 to vector<16xi32>
      %sub3A_531 = arith.subi %div3A_504, %sub3A_530 : vector<16xi32>
      %select_n3A_532 = arith.select %and3A_528, %sub3A_531, %div3A_504 : vector<16xi1>, vector<16xi32>
      %sub3A_533 = arith.constant 64 : i32
      %sub3A_534 = vector.broadcast %sub3A_533 : i32 to vector<16xi32>
      %sub3A_535 = arith.subi %select_n3A_532, %sub3A_534 : vector<16xi32>
      %jit3A_536 = arith.constant 200 : i32
      %div3A_537 = vector.broadcast %jit3A_536 : i32 to vector<16xi32>
      %div3A_538 = arith.divsi %add3A_501, %div3A_537 : vector<16xi32>
      %sign3A_539 = arith.constant 0 : i32
      %sign3A_540 = vector.broadcast %sign3A_539 : i32 to vector<16xi32>
      %sign3A_541 = arith.cmpi sgt, %add3A_501, %sign3A_540 : vector<16xi32>
      %sign3A_542 = arith.extui %sign3A_541 : vector<16xi1> to vector<16xi32>
      %sign3A_543 = arith.constant 0 : i32
      %sign3A_544 = vector.broadcast %sign3A_543 : i32 to vector<16xi32>
      %sign3A_545 = arith.cmpi slt, %add3A_501, %sign3A_544 : vector<16xi32>
      %sign3A_546 = arith.extui %sign3A_545 : vector<16xi1> to vector<16xi32>
      %sign3A_547 = arith.subi %sign3A_542, %sign3A_546 : vector<16xi32>
      %sign3A_548 = arith.constant 0 : i32
      %sign3A_549 = arith.cmpi sgt, %jit3A_536, %sign3A_548 : i32
      %sign3A_550 = arith.extui %sign3A_549 : i1 to i32
      %sign3A_551 = arith.constant 0 : i32
      %sign3A_552 = arith.cmpi slt, %jit3A_536, %sign3A_551 : i32
      %sign3A_553 = arith.extui %sign3A_552 : i1 to i32
      %sign3A_554 = arith.subi %sign3A_550, %sign3A_553 : i32
      %ne3A_555 = vector.broadcast %sign3A_554 : i32 to vector<16xi32>
      %ne3A_556 = arith.cmpi ne, %sign3A_547, %ne3A_555 : vector<16xi32>
      %rem3A_557 = vector.broadcast %jit3A_536 : i32 to vector<16xi32>
      %rem3A_558 = arith.remsi %add3A_501, %rem3A_557 : vector<16xi32>
      %ne3A_559 = arith.constant 0 : i32
      %ne3A_560 = vector.broadcast %ne3A_559 : i32 to vector<16xi32>
      %ne3A_561 = arith.cmpi ne, %rem3A_558, %ne3A_560 : vector<16xi32>
      %and3A_562 = arith.andi %ne3A_556, %ne3A_561 : vector<16xi1>
      %sub3A_563 = arith.constant 1 : i32
      %sub3A_564 = vector.broadcast %sub3A_563 : i32 to vector<16xi32>
      %sub3A_565 = arith.subi %div3A_538, %sub3A_564 : vector<16xi32>
      %select_n3A_566 = arith.select %and3A_562, %sub3A_565, %div3A_538 : vector<16xi1>, vector<16xi32>
      %mul3A_567 = arith.constant 200 : i32
      %mul3A_568 = vector.broadcast %mul3A_567 : i32 to vector<16xi32>
      %mul3A_569 = arith.muli %select_n3A_566, %mul3A_568 : vector<16xi32>
      %sub3A_570 = arith.subi %add3A_501, %mul3A_569 : vector<16xi32>
      %gather3A_571 = tpu.vector_load_idx %arg4[%sub3A_535, %sub3A_570] : memref<64x256xi32, #tpu.memory_space<vmem>>[vector<16xi32>, vector<16xi32>], vector<16xi32>,
      %swap3A_572 = arith.index_cast %scan3A_24 : i32 to index
      %swap3A_573 = arith.constant 96 : index
      %swap3A_574 = tpu.vector_load %arg5[%swap3A_572, %swap3A_573] {strides = array<i32>} : memref<200x128xi32, #tpu.memory_space<vmem>>, vector<16xi32>,
      tpu.vector_store %arg5[%swap3A_572, %swap3A_573], %gather3A_571 {strides = array<i32>} : memref<200x128xi32, #tpu.memory_space<vmem>>, vector<16xi32>,
      %mul3A_575 = arith.constant 128 : i32
      %mul3A_576 = arith.muli %scan3A_24, %mul3A_575 : i32
      %add3A_577 = arith.constant 112 : i32
      %add3A_578 = arith.addi %mul3A_576, %add3A_577 : i32
      %iota3A_579 = tpu.iota {dimensions = array<i32: 0>} : vector<16xi32>
      %add3A_580 = vector.broadcast %add3A_578 : i32 to vector<16xi32>
      %add3A_581 = arith.addi %add3A_580, %iota3A_579 : vector<16xi32>
      %jit3A_582 = arith.constant 200 : i32
      %div3A_583 = vector.broadcast %jit3A_582 : i32 to vector<16xi32>
      %div3A_584 = arith.divsi %add3A_581, %div3A_583 : vector<16xi32>
      %sign3A_585 = arith.constant 0 : i32
      %sign3A_586 = vector.broadcast %sign3A_585 : i32 to vector<16xi32>
      %sign3A_587 = arith.cmpi sgt, %add3A_581, %sign3A_586 : vector<16xi32>
      %sign3A_588 = arith.extui %sign3A_587 : vector<16xi1> to vector<16xi32>
      %sign3A_589 = arith.constant 0 : i32
      %sign3A_590 = vector.broadcast %sign3A_589 : i32 to vector<16xi32>
      %sign3A_591 = arith.cmpi slt, %add3A_581, %sign3A_590 : vector<16xi32>
      %sign3A_592 = arith.extui %sign3A_591 : vector<16xi1> to vector<16xi32>
      %sign3A_593 = arith.subi %sign3A_588, %sign3A_592 : vector<16xi32>
      %sign3A_594 = arith.constant 0 : i32
      %sign3A_595 = arith.cmpi sgt, %jit3A_582, %sign3A_594 : i32
      %sign3A_596 = arith.extui %sign3A_595 : i1 to i32
      %sign3A_597 = arith.constant 0 : i32
      %sign3A_598 = arith.cmpi slt, %jit3A_582, %sign3A_597 : i32
      %sign3A_599 = arith.extui %sign3A_598 : i1 to i32
      %sign3A_600 = arith.subi %sign3A_596, %sign3A_599 : i32
      %ne3A_601 = vector.broadcast %sign3A_600 : i32 to vector<16xi32>
      %ne3A_602 = arith.cmpi ne, %sign3A_593, %ne3A_601 : vector<16xi32>
      %rem3A_603 = vector.broadcast %jit3A_582 : i32 to vector<16xi32>
      %rem3A_604 = arith.remsi %add3A_581, %rem3A_603 : vector<16xi32>
      %ne3A_605 = arith.constant 0 : i32
      %ne3A_606 = vector.broadcast %ne3A_605 : i32 to vector<16xi32>
      %ne3A_607 = arith.cmpi ne, %rem3A_604, %ne3A_606 : vector<16xi32>
      %and3A_608 = arith.andi %ne3A_602, %ne3A_607 : vector<16xi1>
      %sub3A_609 = arith.constant 1 : i32
      %sub3A_610 = vector.broadcast %sub3A_609 : i32 to vector<16xi32>
      %sub3A_611 = arith.subi %div3A_584, %sub3A_610 : vector<16xi32>
      %select_n3A_612 = arith.select %and3A_608, %sub3A_611, %div3A_584 : vector<16xi1>, vector<16xi32>
      %sub3A_613 = arith.constant 64 : i32
      %sub3A_614 = vector.broadcast %sub3A_613 : i32 to vector<16xi32>
      %sub3A_615 = arith.subi %select_n3A_612, %sub3A_614 : vector<16xi32>
      %jit3A_616 = arith.constant 200 : i32
      %div3A_617 = vector.broadcast %jit3A_616 : i32 to vector<16xi32>
      %div3A_618 = arith.divsi %add3A_581, %div3A_617 : vector<16xi32>
      %sign3A_619 = arith.constant 0 : i32
      %sign3A_620 = vector.broadcast %sign3A_619 : i32 to vector<16xi32>
      %sign3A_621 = arith.cmpi sgt, %add3A_581, %sign3A_620 : vector<16xi32>
      %sign3A_622 = arith.extui %sign3A_621 : vector<16xi1> to vector<16xi32>
      %sign3A_623 = arith.constant 0 : i32
      %sign3A_624 = vector.broadcast %sign3A_623 : i32 to vector<16xi32>
      %sign3A_625 = arith.cmpi slt, %add3A_581, %sign3A_624 : vector<16xi32>
      %sign3A_626 = arith.extui %sign3A_625 : vector<16xi1> to vector<16xi32>
      %sign3A_627 = arith.subi %sign3A_622, %sign3A_626 : vector<16xi32>
      %sign3A_628 = arith.constant 0 : i32
      %sign3A_629 = arith.cmpi sgt, %jit3A_616, %sign3A_628 : i32
      %sign3A_630 = arith.extui %sign3A_629 : i1 to i32
      %sign3A_631 = arith.constant 0 : i32
      %sign3A_632 = arith.cmpi slt, %jit3A_616, %sign3A_631 : i32
      %sign3A_633 = arith.extui %sign3A_632 : i1 to i32
      %sign3A_634 = arith.subi %sign3A_630, %sign3A_633 : i32
      %ne3A_635 = vector.broadcast %sign3A_634 : i32 to vector<16xi32>
      %ne3A_636 = arith.cmpi ne, %sign3A_627, %ne3A_635 : vector<16xi32>
      %rem3A_637 = vector.broadcast %jit3A_616 : i32 to vector<16xi32>
      %rem3A_638 = arith.remsi %add3A_581, %rem3A_637 : vector<16xi32>
      %ne3A_639 = arith.constant 0 : i32
      %ne3A_640 = vector.broadcast %ne3A_639 : i32 to vector<16xi32>
      %ne3A_641 = arith.cmpi ne, %rem3A_638, %ne3A_640 : vector<16xi32>
      %and3A_642 = arith.andi %ne3A_636, %ne3A_641 : vector<16xi1>
      %sub3A_643 = arith.constant 1 : i32
      %sub3A_644 = vector.broadcast %sub3A_643 : i32 to vector<16xi32>
      %sub3A_645 = arith.subi %div3A_618, %sub3A_644 : vector<16xi32>
      %select_n3A_646 = arith.select %and3A_642, %sub3A_645, %div3A_618 : vector<16xi1>, vector<16xi32>
      %mul3A_647 = arith.constant 200 : i32
      %mul3A_648 = vector.broadcast %mul3A_647 : i32 to vector<16xi32>
      %mul3A_649 = arith.muli %select_n3A_646, %mul3A_648 : vector<16xi32>
      %sub3A_650 = arith.subi %add3A_581, %mul3A_649 : vector<16xi32>
      %gather3A_651 = tpu.vector_load_idx %arg4[%sub3A_615, %sub3A_650] : memref<64x256xi32, #tpu.memory_space<vmem>>[vector<16xi32>, vector<16xi32>], vector<16xi32>,
      %swap3A_652 = arith.index_cast %scan3A_24 : i32 to index
      %swap3A_653 = arith.constant 112 : index
      %swap3A_654 = tpu.vector_load %arg5[%swap3A_652, %swap3A_653] {strides = array<i32>} : memref<200x128xi32, #tpu.memory_space<vmem>>, vector<16xi32>,
      tpu.vector_store %arg5[%swap3A_652, %swap3A_653], %gather3A_651 {strides = array<i32>} : memref<200x128xi32, #tpu.memory_space<vmem>>, vector<16xi32>,
      %scan3A_655 = arith.constant 0 : i32
      scf.yield %scan3A_655 : i32
    }
    %scan3A_19 = arith.constant 100 : i32
    %mul3A_20 = arith.constant 2 : i32
    %mul3A_21 = arith.muli %add3A, %mul3A_20 : i32
    %mul3A_22 = arith.constant 100 : i32
    %mul3A_23 = arith.muli %mul3A_21, %mul3A_22 : i32
    "tpu.region"() ({
      %run_scoped3A = tpu.sem_alloc : memref<!tpu.dma_semaphore, #tpu.memory_space<semaphore_mem>>
      %dma_start3A = arith.constant 0 : i32
      %dma_start3A_24 = tpu.memref_slice %arg3[%mul3A_23, %dma_start3A] : memref<6400x128xi32, #tpu.memory_space<hbm>> -> memref<200x128xi32, #tpu.memory_space<hbm>>
      %dma_start3A_25 = arith.constant 0 : i32
      %dma_start3A_26 = tpu.memref_slice %arg3[%mul3A_23, %dma_start3A_25] : memref<6400x128xi32, #tpu.memory_space<hbm>> -> memref<200x128xi32, #tpu.memory_space<hbm>>
      tpu.enqueue_dma source(%arg5 : memref<200x128xi32, #tpu.memory_space<vmem>>) target(%dma_start3A_26 : memref<200x128xi32, #tpu.memory_space<hbm>>) target_semaphore(%run_scoped3A : memref<!tpu.dma_semaphore, #tpu.memory_space<semaphore_mem>>)
      %dma_wait3A = arith.constant 0 : i32
      %dma_wait3A_27 = tpu.memref_slice %arg3[%mul3A_23, %dma_wait3A] : memref<6400x128xi32, #tpu.memory_space<hbm>> -> memref<200x128xi32, #tpu.memory_space<hbm>>
      %dma_wait3A_28 = arith.constant 0 : i32
      %dma_wait3A_29 = tpu.memref_slice %arg3[%mul3A_23, %dma_wait3A_28] : memref<6400x128xi32, #tpu.memory_space<hbm>> -> memref<200x128xi32, #tpu.memory_space<hbm>>
      tpu.wait_dma2 semaphore(%run_scoped3A : memref<!tpu.dma_semaphore, #tpu.memory_space<semaphore_mem>>) src(%arg5 : memref<200x128xi32, #tpu.memory_space<vmem>>) dst(%dma_wait3A_29 : memref<200x128xi32, #tpu.memory_space<hbm>>)
      tpu.yield
    }) : () -> ()
    return
  }
}

#map = affine_map<(d0, d1) -> (0, 0)>
module attributes {stable_mosaic.version = 14 : i64} {
  func.func @widen(%arg0: i32, %arg1: i32, %arg2: memref<1000000x64xf32, #tpu.memory_space<hbm>>, %arg3: memref<1000000x128xf32, #tpu.memory_space<hbm>>, %arg4: memref<2x256x64xf32, #tpu.memory_space<vmem>>, %arg5: memref<2x256x128xf32, #tpu.memory_space<vmem>>, %arg6: memref<!tpu.dma_semaphore, #tpu.memory_space<semaphore_mem>>, %arg7: memref<!tpu.dma_semaphore, #tpu.memory_space<semaphore_mem>>, %arg8: memref<!tpu.dma_semaphore, #tpu.memory_space<semaphore_mem>>, %arg9: memref<!tpu.dma_semaphore, #tpu.memory_space<semaphore_mem>>) attributes {dimension_semantics = [#tpu.dimension_semantics<core_parallel>, #tpu.dimension_semantics<subcore_parallel>], iteration_bounds = array<i64: 2, 16>, scalar_prefetch = 0 : i64, scratch_operands = 6 : i64, tpu.core_type = #tpu.core_type<sc_vector_subcore>, window_params = [{transform_indices = #map}, {transform_indices = #map}]} {
    %mul3A = arith.constant 2 : i32
    %mul3A_0 = arith.muli %arg1, %mul3A : i32
    %add3A = arith.addi %mul3A_0, %arg0 : i32
    %mul3A_1 = arith.constant 3907 : i32
    %mul3A_2 = arith.muli %add3A, %mul3A_1 : i32
    %min3A = arith.constant 121093 : i32
    %min3A_3 = arith.minsi %mul3A_2, %min3A : i32
    %add3A_4 = arith.constant 3907 : i32
    %add3A_5 = arith.addi %min3A_3, %add3A_4 : i32
    %sub3A = arith.constant 32 : i32
    %sub3A_6 = arith.subi %add3A_5, %sub3A : i32
    %add3A_7 = arith.constant 0 : i32
    %add3A_8 = arith.addi %min3A_3, %add3A_7 : i32
    %min3A_9 = arith.minsi %add3A_8, %sub3A_6 : i32
    %mul3A_10 = arith.constant 8 : i32
    %mul3A_11 = arith.muli %min3A_9, %mul3A_10 : i32
    %multiple_of3A = tpu.assume_multiple %mul3A_11, 8 : i32
    %dma_start3A = arith.constant 0 : i32
    %dma_start3A_12 = arith.constant 0 : i32
    %dma_start3A_13 = arith.constant 0 : i32
    %dma_start3A_14 = tpu.memref_slice %arg4[%dma_start3A, %dma_start3A_12, %dma_start3A_13] : memref<2x256x64xf32, #tpu.memory_space<vmem>> -> memref<1x256x64xf32, #tpu.memory_space<vmem>>
    %dma_start3A_15 = tpu.memref_squeeze %dma_start3A_14 : memref<1x256x64xf32, #tpu.memory_space<vmem>> -> memref<256x64xf32, #tpu.memory_space<vmem>>
    %dma_start3A_16 = arith.constant 0 : i32
    %dma_start3A_17 = tpu.memref_slice %arg2[%multiple_of3A, %dma_start3A_16] : memref<1000000x64xf32, #tpu.memory_space<hbm>> -> memref<256x64xf32, #tpu.memory_space<hbm>>
    %dma_start3A_18 = arith.constant 0 : i32
    %dma_start3A_19 = arith.constant 0 : i32
    %dma_start3A_20 = tpu.memref_slice %arg4[%dma_start3A, %dma_start3A_18, %dma_start3A_19] : memref<2x256x64xf32, #tpu.memory_space<vmem>> -> memref<1x256x64xf32, #tpu.memory_space<vmem>>
    %dma_start3A_21 = tpu.memref_squeeze %dma_start3A_20 : memref<1x256x64xf32, #tpu.memory_space<vmem>> -> memref<256x64xf32, #tpu.memory_space<vmem>>
    %dma_start3A_22 = arith.constant 0 : i32
    %dma_start3A_23 = tpu.memref_slice %arg2[%multiple_of3A, %dma_start3A_22] : memref<1000000x64xf32, #tpu.memory_space<hbm>> -> memref<256x64xf32, #tpu.memory_space<hbm>>
    tpu.enqueue_dma source(%dma_start3A_23 : memref<256x64xf32, #tpu.memory_space<hbm>>) target(%dma_start3A_21 : memref<256x64xf32, #tpu.memory_space<vmem>>) target_semaphore(%arg6 : memref<!tpu.dma_semaphore, #tpu.memory_space<semaphore_mem>>)
    %scan3A = arith.constant 0 : i32
    %scan3A_24 = arith.constant 0 : i32
    %scan3A_25 = arith.constant 61 : i32
    %scan3A_26 = arith.addi %scan3A_24, %scan3A_25 : i32
    %scan3A_27 = arith.constant 1 : i32
    %scan3A_28 = scf.for %scan3A_126 = %scan3A_24 to %scan3A_26 step %scan3A_27 iter_args(%scan3A_127 = %scan3A) -> (i32)  : i32 {
      %mul3A_128 = arith.constant 2 : i32
      %mul3A_129 = arith.muli %scan3A_126, %mul3A_128 : i32
      %add3A_130 = arith.constant 0 : i32
      %add3A_131 = arith.addi %mul3A_129, %add3A_130 : i32
      %add3A_132 = arith.constant 1 : i32
      %add3A_133 = arith.addi %add3A_131, %add3A_132 : i32
      %lt3A = arith.constant 123 : i32
      %lt3A_134 = arith.cmpi slt, %add3A_133, %lt3A : i32
      %convert_element_type3A = arith.extui %lt3A_134 : i1 to i32
      %cond3A = arith.constant 0 : i32
      %cond3A_135 = arith.cmpi ne, %convert_element_type3A, %cond3A : i32
      scf.if %cond3A_135 {
        %add3A_243 = arith.constant 1 : i32
        %add3A_244 = arith.addi %add3A_131, %add3A_243 : i32
        %mul3A_245 = arith.constant 32 : i32
        %mul3A_246 = arith.muli %add3A_244, %mul3A_245 : i32
        %add3A_247 = arith.addi %min3A_3, %mul3A_246 : i32
        %min3A_248 = arith.minsi %add3A_247, %sub3A_6 : i32
        %mul3A_249 = arith.constant 8 : i32
        %mul3A_250 = arith.muli %min3A_248, %mul3A_249 : i32
        %multiple_of3A_251 = tpu.assume_multiple %mul3A_250, 8 : i32
        %dma_start3A_252 = arith.constant 1 : i32
        %dma_start3A_253 = arith.constant 0 : i32
        %dma_start3A_254 = arith.constant 0 : i32
        %dma_start3A_255 = tpu.memref_slice %arg4[%dma_start3A_252, %dma_start3A_253, %dma_start3A_254] : memref<2x256x64xf32, #tpu.memory_space<vmem>> -> memref<1x256x64xf32, #tpu.memory_space<vmem>>
        %dma_start3A_256 = tpu.memref_squeeze %dma_start3A_255 : memref<1x256x64xf32, #tpu.memory_space<vmem>> -> memref<256x64xf32, #tpu.memory_space<vmem>>
        %dma_start3A_257 = arith.constant 0 : i32
        %dma_start3A_258 = tpu.memref_slice %arg2[%multiple_of3A_251, %dma_start3A_257] : memref<1000000x64xf32, #tpu.memory_space<hbm>> -> memref<256x64xf32, #tpu.memory_space<hbm>>
        %dma_start3A_259 = arith.constant 0 : i32
        %dma_start3A_260 = arith.constant 0 : i32
        %dma_start3A_261 = tpu.memref_slice %arg4[%dma_start3A_252, %dma_start3A_259, %dma_start3A_260] : memref<2x256x64xf32, #tpu.memory_space<vmem>> -> memref<1x256x64xf32, #tpu.memory_space<vmem>>
        %dma_start3A_262 = tpu.memref_squeeze %dma_start3A_261 : memref<1x256x64xf32, #tpu.memory_space<vmem>> -> memref<256x64xf32, #tpu.memory_space<vmem>>
        %dma_start3A_263 = arith.constant 0 : i32
        %dma_start3A_264 = tpu.memref_slice %arg2[%multiple_of3A_251, %dma_start3A_263] : memref<1000000x64xf32, #tpu.memory_space<hbm>> -> memref<256x64xf32, #tpu.memory_space<hbm>>
        tpu.enqueue_dma source(%dma_start3A_264 : memref<256x64xf32, #tpu.memory_space<hbm>>) target(%dma_start3A_262 : memref<256x64xf32, #tpu.memory_space<vmem>>) target_semaphore(%arg7 : memref<!tpu.dma_semaphore, #tpu.memory_space<semaphore_mem>>)
      } else {
      }
      %mul3A_136 = arith.constant 32 : i32
      %mul3A_137 = arith.muli %add3A_131, %mul3A_136 : i32
      %add3A_138 = arith.addi %min3A_3, %mul3A_137 : i32
      %min3A_139 = arith.minsi %add3A_138, %sub3A_6 : i32
      %mul3A_140 = arith.constant 8 : i32
      %mul3A_141 = arith.muli %min3A_139, %mul3A_140 : i32
      %multiple_of3A_142 = tpu.assume_multiple %mul3A_141, 8 : i32
      %dma_wait3A_143 = arith.constant 0 : i32
      %dma_wait3A_144 = arith.constant 0 : i32
      %dma_wait3A_145 = arith.constant 0 : i32
      %dma_wait3A_146 = tpu.memref_slice %arg4[%dma_wait3A_143, %dma_wait3A_144, %dma_wait3A_145] : memref<2x256x64xf32, #tpu.memory_space<vmem>> -> memref<1x256x64xf32, #tpu.memory_space<vmem>>
      %dma_wait3A_147 = tpu.memref_squeeze %dma_wait3A_146 : memref<1x256x64xf32, #tpu.memory_space<vmem>> -> memref<256x64xf32, #tpu.memory_space<vmem>>
      %dma_wait3A_148 = arith.constant 0 : i32
      %dma_wait3A_149 = tpu.memref_slice %arg2[%multiple_of3A_142, %dma_wait3A_148] : memref<1000000x64xf32, #tpu.memory_space<hbm>> -> memref<256x64xf32, #tpu.memory_space<hbm>>
      %dma_wait3A_150 = arith.constant 0 : i32
      %dma_wait3A_151 = arith.constant 0 : i32
      %dma_wait3A_152 = tpu.memref_slice %arg4[%dma_wait3A_143, %dma_wait3A_150, %dma_wait3A_151] : memref<2x256x64xf32, #tpu.memory_space<vmem>> -> memref<1x256x64xf32, #tpu.memory_space<vmem>>
      %dma_wait3A_153 = tpu.memref_squeeze %dma_wait3A_152 : memref<1x256x64xf32, #tpu.memory_space<vmem>> -> memref<256x64xf32, #tpu.memory_space<vmem>>
      %dma_wait3A_154 = arith.constant 0 : i32
      %dma_wait3A_155 = tpu.memref_slice %arg2[%multiple_of3A_142, %dma_wait3A_154] : memref<1000000x64xf32, #tpu.memory_space<hbm>> -> memref<256x64xf32, #tpu.memory_space<hbm>>
      tpu.wait_dma2 semaphore(%arg6 : memref<!tpu.dma_semaphore, #tpu.memory_space<semaphore_mem>>) src(%dma_wait3A_155 : memref<256x64xf32, #tpu.memory_space<hbm>>) dst(%dma_wait3A_153 : memref<256x64xf32, #tpu.memory_space<vmem>>)
      %ge3A = arith.constant 2 : i32
      %ge3A_156 = arith.cmpi sge, %add3A_131, %ge3A : i32
      %convert_element_type3A_157 = arith.extui %ge3A_156 : i1 to i32
      %cond3A_158 = arith.constant 0 : i32
      %cond3A_159 = arith.cmpi ne, %convert_element_type3A_157, %cond3A_158 : i32
      scf.if %cond3A_159 {
        %sub3A_243 = arith.constant 2 : i32
        %sub3A_244 = arith.subi %add3A_131, %sub3A_243 : i32
        %mul3A_245 = arith.constant 32 : i32
        %mul3A_246 = arith.muli %sub3A_244, %mul3A_245 : i32
        %add3A_247 = arith.addi %min3A_3, %mul3A_246 : i32
        %min3A_248 = arith.minsi %add3A_247, %sub3A_6 : i32
        %mul3A_249 = arith.constant 8 : i32
        %mul3A_250 = arith.muli %min3A_248, %mul3A_249 : i32
        %multiple_of3A_251 = tpu.assume_multiple %mul3A_250, 8 : i32
        %dma_wait3A_252 = arith.constant 0 : i32
        %dma_wait3A_253 = arith.constant 0 : i32
        %dma_wait3A_254 = arith.constant 0 : i32
        %dma_wait3A_255 = tpu.memref_slice %arg5[%dma_wait3A_252, %dma_wait3A_253, %dma_wait3A_254] : memref<2x256x128xf32, #tpu.memory_space<vmem>> -> memref<1x256x128xf32, #tpu.memory_space<vmem>>
        %dma_wait3A_256 = tpu.memref_squeeze %dma_wait3A_255 : memref<1x256x128xf32, #tpu.memory_space<vmem>> -> memref<256x128xf32, #tpu.memory_space<vmem>>
        %dma_wait3A_257 = arith.constant 0 : i32
        %dma_wait3A_258 = tpu.memref_slice %arg3[%multiple_of3A_251, %dma_wait3A_257] : memref<1000000x128xf32, #tpu.memory_space<hbm>> -> memref<256x128xf32, #tpu.memory_space<hbm>>
        %dma_wait3A_259 = arith.constant 0 : i32
        %dma_wait3A_260 = tpu.memref_slice %arg3[%multiple_of3A_251, %dma_wait3A_259] : memref<1000000x128xf32, #tpu.memory_space<hbm>> -> memref<256x128xf32, #tpu.memory_space<hbm>>
        %dma_wait3A_261 = arith.constant 0 : i32
        %dma_wait3A_262 = arith.constant 0 : i32
        %dma_wait3A_263 = tpu.memref_slice %arg5[%dma_wait3A_252, %dma_wait3A_261, %dma_wait3A_262] : memref<2x256x128xf32, #tpu.memory_space<vmem>> -> memref<1x256x128xf32, #tpu.memory_space<vmem>>
        %dma_wait3A_264 = tpu.memref_squeeze %dma_wait3A_263 : memref<1x256x128xf32, #tpu.memory_space<vmem>> -> memref<256x128xf32, #tpu.memory_space<vmem>>
        tpu.wait_dma2 semaphore(%arg8 : memref<!tpu.dma_semaphore, #tpu.memory_space<semaphore_mem>>) src(%dma_wait3A_264 : memref<256x128xf32, #tpu.memory_space<vmem>>) dst(%dma_wait3A_260 : memref<256x128xf32, #tpu.memory_space<hbm>>)
      } else {
      }
      %parallel_loop3A_160 = arith.constant 0 : i32
      %parallel_loop3A_161 = arith.constant 256 : i32
      %parallel_loop3A_162 = arith.constant 1 : i32
      scf.for %parallel_loop3A_243 = %parallel_loop3A_160 to %parallel_loop3A_161 step %parallel_loop3A_162  : i32 {
        %parallel_loop3A_244 = arith.constant 0 : i32
        %parallel_loop3A_245 = arith.index_cast %parallel_loop3A_244 : i32 to index
        %parallel_loop3A_246 = arith.index_cast %parallel_loop3A_243 : i32 to index
        %parallel_loop3A_247 = arith.constant 0 : index
        %parallel_loop3A_248 = tpu.vector_load %arg4[%parallel_loop3A_245, %parallel_loop3A_246, %parallel_loop3A_247] {strides = array<i32>} : memref<2x256x64xf32, #tpu.memory_space<vmem>>, vector<16xf32>,
        %parallel_loop3A_249 = arith.constant 0 : i32
        %parallel_loop3A_250 = arith.index_cast %parallel_loop3A_249 : i32 to index
        %parallel_loop3A_251 = arith.index_cast %parallel_loop3A_243 : i32 to index
        %parallel_loop3A_252 = arith.constant 0 : index
        %parallel_loop3A_253 = tpu.vector_load %arg5[%parallel_loop3A_250, %parallel_loop3A_251, %parallel_loop3A_252] {strides = array<i32>} : memref<2x256x128xf32, #tpu.memory_space<vmem>>, vector<16xf32>,
        tpu.vector_store %arg5[%parallel_loop3A_250, %parallel_loop3A_251, %parallel_loop3A_252], %parallel_loop3A_248 {strides = array<i32>} : memref<2x256x128xf32, #tpu.memory_space<vmem>>, vector<16xf32>,
        %parallel_loop3A_254 = arith.constant 0 : i32
        %parallel_loop3A_255 = arith.index_cast %parallel_loop3A_254 : i32 to index
        %parallel_loop3A_256 = arith.index_cast %parallel_loop3A_243 : i32 to index
        %parallel_loop3A_257 = arith.constant 16 : index
        %parallel_loop3A_258 = tpu.vector_load %arg4[%parallel_loop3A_255, %parallel_loop3A_256, %parallel_loop3A_257] {strides = array<i32>} : memref<2x256x64xf32, #tpu.memory_space<vmem>>, vector<16xf32>,
        %parallel_loop3A_259 = arith.constant 0 : i32
        %parallel_loop3A_260 = arith.index_cast %parallel_loop3A_259 : i32 to index
        %parallel_loop3A_261 = arith.index_cast %parallel_loop3A_243 : i32 to index
        %parallel_loop3A_262 = arith.constant 16 : index
        %parallel_loop3A_263 = tpu.vector_load %arg5[%parallel_loop3A_260, %parallel_loop3A_261, %parallel_loop3A_262] {strides = array<i32>} : memref<2x256x128xf32, #tpu.memory_space<vmem>>, vector<16xf32>,
        tpu.vector_store %arg5[%parallel_loop3A_260, %parallel_loop3A_261, %parallel_loop3A_262], %parallel_loop3A_258 {strides = array<i32>} : memref<2x256x128xf32, #tpu.memory_space<vmem>>, vector<16xf32>,
        %parallel_loop3A_264 = arith.constant 0 : i32
        %parallel_loop3A_265 = arith.index_cast %parallel_loop3A_264 : i32 to index
        %parallel_loop3A_266 = arith.index_cast %parallel_loop3A_243 : i32 to index
        %parallel_loop3A_267 = arith.constant 32 : index
        %parallel_loop3A_268 = tpu.vector_load %arg4[%parallel_loop3A_265, %parallel_loop3A_266, %parallel_loop3A_267] {strides = array<i32>} : memref<2x256x64xf32, #tpu.memory_space<vmem>>, vector<16xf32>,
        %parallel_loop3A_269 = arith.constant 0 : i32
        %parallel_loop3A_270 = arith.index_cast %parallel_loop3A_269 : i32 to index
        %parallel_loop3A_271 = arith.index_cast %parallel_loop3A_243 : i32 to index
        %parallel_loop3A_272 = arith.constant 32 : index
        %parallel_loop3A_273 = tpu.vector_load %arg5[%parallel_loop3A_270, %parallel_loop3A_271, %parallel_loop3A_272] {strides = array<i32>} : memref<2x256x128xf32, #tpu.memory_space<vmem>>, vector<16xf32>,
        tpu.vector_store %arg5[%parallel_loop3A_270, %parallel_loop3A_271, %parallel_loop3A_272], %parallel_loop3A_268 {strides = array<i32>} : memref<2x256x128xf32, #tpu.memory_space<vmem>>, vector<16xf32>,
        %parallel_loop3A_274 = arith.constant 0 : i32
        %parallel_loop3A_275 = arith.index_cast %parallel_loop3A_274 : i32 to index
        %parallel_loop3A_276 = arith.index_cast %parallel_loop3A_243 : i32 to index
        %parallel_loop3A_277 = arith.constant 48 : index
        %parallel_loop3A_278 = tpu.vector_load %arg4[%parallel_loop3A_275, %parallel_loop3A_276, %parallel_loop3A_277] {strides = array<i32>} : memref<2x256x64xf32, #tpu.memory_space<vmem>>, vector<16xf32>,
        %parallel_loop3A_279 = arith.constant 0 : i32
        %parallel_loop3A_280 = arith.index_cast %parallel_loop3A_279 : i32 to index
        %parallel_loop3A_281 = arith.index_cast %parallel_loop3A_243 : i32 to index
        %parallel_loop3A_282 = arith.constant 48 : index
        %parallel_loop3A_283 = tpu.vector_load %arg5[%parallel_loop3A_280, %parallel_loop3A_281, %parallel_loop3A_282] {strides = array<i32>} : memref<2x256x128xf32, #tpu.memory_space<vmem>>, vector<16xf32>,
        tpu.vector_store %arg5[%parallel_loop3A_280, %parallel_loop3A_281, %parallel_loop3A_282], %parallel_loop3A_278 {strides = array<i32>} : memref<2x256x128xf32, #tpu.memory_space<vmem>>, vector<16xf32>,
      } {sc.loop_unroll_factor = 8 : i64, sc.parallel_access}
      %mul3A_163 = arith.constant 32 : i32
      %mul3A_164 = arith.muli %add3A_131, %mul3A_163 : i32
      %add3A_165 = arith.addi %min3A_3, %mul3A_164 : i32
      %min3A_166 = arith.minsi %add3A_165, %sub3A_6 : i32
      %mul3A_167 = arith.constant 8 : i32
      %mul3A_168 = arith.muli %min3A_166, %mul3A_167 : i32
      %multiple_of3A_169 = tpu.assume_multiple %mul3A_168, 8 : i32
      %dma_start3A_170 = arith.constant 0 : i32
      %dma_start3A_171 = arith.constant 0 : i32
      %dma_start3A_172 = arith.constant 0 : i32
      %dma_start3A_173 = tpu.memref_slice %arg5[%dma_start3A_170, %dma_start3A_171, %dma_start3A_172] : memref<2x256x128xf32, #tpu.memory_space<vmem>> -> memref<1x256x128xf32, #tpu.memory_space<vmem>>
      %dma_start3A_174 = tpu.memref_squeeze %dma_start3A_173 : memref<1x256x128xf32, #tpu.memory_space<vmem>> -> memref<256x128xf32, #tpu.memory_space<vmem>>
      %dma_start3A_175 = arith.constant 0 : i32
      %dma_start3A_176 = tpu.memref_slice %arg3[%multiple_of3A_169, %dma_start3A_175] : memref<1000000x128xf32, #tpu.memory_space<hbm>> -> memref<256x128xf32, #tpu.memory_space<hbm>>
      %dma_start3A_177 = arith.constant 0 : i32
      %dma_start3A_178 = tpu.memref_slice %arg3[%multiple_of3A_169, %dma_start3A_177] : memref<1000000x128xf32, #tpu.memory_space<hbm>> -> memref<256x128xf32, #tpu.memory_space<hbm>>
      %dma_start3A_179 = arith.constant 0 : i32
      %dma_start3A_180 = arith.constant 0 : i32
      %dma_start3A_181 = tpu.memref_slice %arg5[%dma_start3A_170, %dma_start3A_179, %dma_start3A_180] : memref<2x256x128xf32, #tpu.memory_space<vmem>> -> memref<1x256x128xf32, #tpu.memory_space<vmem>>
      %dma_start3A_182 = tpu.memref_squeeze %dma_start3A_181 : memref<1x256x128xf32, #tpu.memory_space<vmem>> -> memref<256x128xf32, #tpu.memory_space<vmem>>
      tpu.enqueue_dma source(%dma_start3A_182 : memref<256x128xf32, #tpu.memory_space<vmem>>) target(%dma_start3A_178 : memref<256x128xf32, #tpu.memory_space<hbm>>) target_semaphore(%arg8 : memref<!tpu.dma_semaphore, #tpu.memory_space<semaphore_mem>>)
      %mul3A_183 = arith.constant 2 : i32
      %mul3A_184 = arith.muli %scan3A_126, %mul3A_183 : i32
      %add3A_185 = arith.constant 1 : i32
      %add3A_186 = arith.addi %mul3A_184, %add3A_185 : i32
      %add3A_187 = arith.constant 1 : i32
      %add3A_188 = arith.addi %add3A_186, %add3A_187 : i32
      %lt3A_189 = arith.constant 123 : i32
      %lt3A_190 = arith.cmpi slt, %add3A_188, %lt3A_189 : i32
      %convert_element_type3A_191 = arith.extui %lt3A_190 : i1 to i32
      %cond3A_192 = arith.constant 0 : i32
      %cond3A_193 = arith.cmpi ne, %convert_element_type3A_191, %cond3A_192 : i32
      scf.if %cond3A_193 {
        %add3A_243 = arith.constant 1 : i32
        %add3A_244 = arith.addi %add3A_186, %add3A_243 : i32
        %mul3A_245 = arith.constant 32 : i32
        %mul3A_246 = arith.muli %add3A_244, %mul3A_245 : i32
        %add3A_247 = arith.addi %min3A_3, %mul3A_246 : i32
        %min3A_248 = arith.minsi %add3A_247, %sub3A_6 : i32
        %mul3A_249 = arith.constant 8 : i32
        %mul3A_250 = arith.muli %min3A_248, %mul3A_249 : i32
        %multiple_of3A_251 = tpu.assume_multiple %mul3A_250, 8 : i32
        %dma_start3A_252 = arith.constant 0 : i32
        %dma_start3A_253 = arith.constant 0 : i32
        %dma_start3A_254 = arith.constant 0 : i32
        %dma_start3A_255 = tpu.memref_slice %arg4[%dma_start3A_252, %dma_start3A_253, %dma_start3A_254] : memref<2x256x64xf32, #tpu.memory_space<vmem>> -> memref<1x256x64xf32, #tpu.memory_space<vmem>>
        %dma_start3A_256 = tpu.memref_squeeze %dma_start3A_255 : memref<1x256x64xf32, #tpu.memory_space<vmem>> -> memref<256x64xf32, #tpu.memory_space<vmem>>
        %dma_start3A_257 = arith.constant 0 : i32
        %dma_start3A_258 = tpu.memref_slice %arg2[%multiple_of3A_251, %dma_start3A_257] : memref<1000000x64xf32, #tpu.memory_space<hbm>> -> memref<256x64xf32, #tpu.memory_space<hbm>>
        %dma_start3A_259 = arith.constant 0 : i32
        %dma_start3A_260 = arith.constant 0 : i32
        %dma_start3A_261 = tpu.memref_slice %arg4[%dma_start3A_252, %dma_start3A_259, %dma_start3A_260] : memref<2x256x64xf32, #tpu.memory_space<vmem>> -> memref<1x256x64xf32, #tpu.memory_space<vmem>>
        %dma_start3A_262 = tpu.memref_squeeze %dma_start3A_261 : memref<1x256x64xf32, #tpu.memory_space<vmem>> -> memref<256x64xf32, #tpu.memory_space<vmem>>
        %dma_start3A_263 = arith.constant 0 : i32
        %dma_start3A_264 = tpu.memref_slice %arg2[%multiple_of3A_251, %dma_start3A_263] : memref<1000000x64xf32, #tpu.memory_space<hbm>> -> memref<256x64xf32, #tpu.memory_space<hbm>>
        tpu.enqueue_dma source(%dma_start3A_264 : memref<256x64xf32, #tpu.memory_space<hbm>>) target(%dma_start3A_262 : memref<256x64xf32, #tpu.memory_space<vmem>>) target_semaphore(%arg6 : memref<!tpu.dma_semaphore, #tpu.memory_space<semaphore_mem>>)
      } else {
      }
      %mul3A_194 = arith.constant 32 : i32
      %mul3A_195 = arith.muli %add3A_186, %mul3A_194 : i32
      %add3A_196 = arith.addi %min3A_3, %mul3A_195 : i32
      %min3A_197 = arith.minsi %add3A_196, %sub3A_6 : i32
      %mul3A_198 = arith.constant 8 : i32
      %mul3A_199 = arith.muli %min3A_197, %mul3A_198 : i32
      %multiple_of3A_200 = tpu.assume_multiple %mul3A_199, 8 : i32
      %dma_wait3A_201 = arith.constant 1 : i32
      %dma_wait3A_202 = arith.constant 0 : i32
      %dma_wait3A_203 = arith.constant 0 : i32
      %dma_wait3A_204 = tpu.memref_slice %arg4[%dma_wait3A_201, %dma_wait3A_202, %dma_wait3A_203] : memref<2x256x64xf32, #tpu.memory_space<vmem>> -> memref<1x256x64xf32, #tpu.memory_space<vmem>>
      %dma_wait3A_205 = tpu.memref_squeeze %dma_wait3A_204 : memref<1x256x64xf32, #tpu.memory_space<vmem>> -> memref<256x64xf32, #tpu.memory_space<vmem>>
      %dma_wait3A_206 = arith.constant 0 : i32
      %dma_wait3A_207 = tpu.memref_slice %arg2[%multiple_of3A_200, %dma_wait3A_206] : memref<1000000x64xf32, #tpu.memory_space<hbm>> -> memref<256x64xf32, #tpu.memory_space<hbm>>
      %dma_wait3A_208 = arith.constant 0 : i32
      %dma_wait3A_209 = arith.constant 0 : i32
      %dma_wait3A_210 = tpu.memref_slice %arg4[%dma_wait3A_201, %dma_wait3A_208, %dma_wait3A_209] : memref<2x256x64xf32, #tpu.memory_space<vmem>> -> memref<1x256x64xf32, #tpu.memory_space<vmem>>
      %dma_wait3A_211 = tpu.memref_squeeze %dma_wait3A_210 : memref<1x256x64xf32, #tpu.memory_space<vmem>> -> memref<256x64xf32, #tpu.memory_space<vmem>>
      %dma_wait3A_212 = arith.constant 0 : i32
      %dma_wait3A_213 = tpu.memref_slice %arg2[%multiple_of3A_200, %dma_wait3A_212] : memref<1000000x64xf32, #tpu.memory_space<hbm>> -> memref<256x64xf32, #tpu.memory_space<hbm>>
      tpu.wait_dma2 semaphore(%arg7 : memref<!tpu.dma_semaphore, #tpu.memory_space<semaphore_mem>>) src(%dma_wait3A_213 : memref<256x64xf32, #tpu.memory_space<hbm>>) dst(%dma_wait3A_211 : memref<256x64xf32, #tpu.memory_space<vmem>>)
      %ge3A_214 = arith.constant 2 : i32
      %ge3A_215 = arith.cmpi sge, %add3A_186, %ge3A_214 : i32
      %convert_element_type3A_216 = arith.extui %ge3A_215 : i1 to i32
      %cond3A_217 = arith.constant 0 : i32
      %cond3A_218 = arith.cmpi ne, %convert_element_type3A_216, %cond3A_217 : i32
      scf.if %cond3A_218 {
        %sub3A_243 = arith.constant 2 : i32
        %sub3A_244 = arith.subi %add3A_186, %sub3A_243 : i32
        %mul3A_245 = arith.constant 32 : i32
        %mul3A_246 = arith.muli %sub3A_244, %mul3A_245 : i32
        %add3A_247 = arith.addi %min3A_3, %mul3A_246 : i32
        %min3A_248 = arith.minsi %add3A_247, %sub3A_6 : i32
        %mul3A_249 = arith.constant 8 : i32
        %mul3A_250 = arith.muli %min3A_248, %mul3A_249 : i32
        %multiple_of3A_251 = tpu.assume_multiple %mul3A_250, 8 : i32
        %dma_wait3A_252 = arith.constant 1 : i32
        %dma_wait3A_253 = arith.constant 0 : i32
        %dma_wait3A_254 = arith.constant 0 : i32
        %dma_wait3A_255 = tpu.memref_slice %arg5[%dma_wait3A_252, %dma_wait3A_253, %dma_wait3A_254] : memref<2x256x128xf32, #tpu.memory_space<vmem>> -> memref<1x256x128xf32, #tpu.memory_space<vmem>>
        %dma_wait3A_256 = tpu.memref_squeeze %dma_wait3A_255 : memref<1x256x128xf32, #tpu.memory_space<vmem>> -> memref<256x128xf32, #tpu.memory_space<vmem>>
        %dma_wait3A_257 = arith.constant 0 : i32
        %dma_wait3A_258 = tpu.memref_slice %arg3[%multiple_of3A_251, %dma_wait3A_257] : memref<1000000x128xf32, #tpu.memory_space<hbm>> -> memref<256x128xf32, #tpu.memory_space<hbm>>
        %dma_wait3A_259 = arith.constant 0 : i32
        %dma_wait3A_260 = tpu.memref_slice %arg3[%multiple_of3A_251, %dma_wait3A_259] : memref<1000000x128xf32, #tpu.memory_space<hbm>> -> memref<256x128xf32, #tpu.memory_space<hbm>>
        %dma_wait3A_261 = arith.constant 0 : i32
        %dma_wait3A_262 = arith.constant 0 : i32
        %dma_wait3A_263 = tpu.memref_slice %arg5[%dma_wait3A_252, %dma_wait3A_261, %dma_wait3A_262] : memref<2x256x128xf32, #tpu.memory_space<vmem>> -> memref<1x256x128xf32, #tpu.memory_space<vmem>>
        %dma_wait3A_264 = tpu.memref_squeeze %dma_wait3A_263 : memref<1x256x128xf32, #tpu.memory_space<vmem>> -> memref<256x128xf32, #tpu.memory_space<vmem>>
        tpu.wait_dma2 semaphore(%arg9 : memref<!tpu.dma_semaphore, #tpu.memory_space<semaphore_mem>>) src(%dma_wait3A_264 : memref<256x128xf32, #tpu.memory_space<vmem>>) dst(%dma_wait3A_260 : memref<256x128xf32, #tpu.memory_space<hbm>>)
      } else {
      }
      %parallel_loop3A_219 = arith.constant 0 : i32
      %parallel_loop3A_220 = arith.constant 256 : i32
      %parallel_loop3A_221 = arith.constant 1 : i32
      scf.for %parallel_loop3A_243 = %parallel_loop3A_219 to %parallel_loop3A_220 step %parallel_loop3A_221  : i32 {
        %parallel_loop3A_244 = arith.constant 1 : i32
        %parallel_loop3A_245 = arith.index_cast %parallel_loop3A_244 : i32 to index
        %parallel_loop3A_246 = arith.index_cast %parallel_loop3A_243 : i32 to index
        %parallel_loop3A_247 = arith.constant 0 : index
        %parallel_loop3A_248 = tpu.vector_load %arg4[%parallel_loop3A_245, %parallel_loop3A_246, %parallel_loop3A_247] {strides = array<i32>} : memref<2x256x64xf32, #tpu.memory_space<vmem>>, vector<16xf32>,
        %parallel_loop3A_249 = arith.constant 1 : i32
        %parallel_loop3A_250 = arith.index_cast %parallel_loop3A_249 : i32 to index
        %parallel_loop3A_251 = arith.index_cast %parallel_loop3A_243 : i32 to index
        %parallel_loop3A_252 = arith.constant 0 : index
        %parallel_loop3A_253 = tpu.vector_load %arg5[%parallel_loop3A_250, %parallel_loop3A_251, %parallel_loop3A_252] {strides = array<i32>} : memref<2x256x128xf32, #tpu.memory_space<vmem>>, vector<16xf32>,
        tpu.vector_store %arg5[%parallel_loop3A_250, %parallel_loop3A_251, %parallel_loop3A_252], %parallel_loop3A_248 {strides = array<i32>} : memref<2x256x128xf32, #tpu.memory_space<vmem>>, vector<16xf32>,
        %parallel_loop3A_254 = arith.constant 1 : i32
        %parallel_loop3A_255 = arith.index_cast %parallel_loop3A_254 : i32 to index
        %parallel_loop3A_256 = arith.index_cast %parallel_loop3A_243 : i32 to index
        %parallel_loop3A_257 = arith.constant 16 : index
        %parallel_loop3A_258 = tpu.vector_load %arg4[%parallel_loop3A_255, %parallel_loop3A_256, %parallel_loop3A_257] {strides = array<i32>} : memref<2x256x64xf32, #tpu.memory_space<vmem>>, vector<16xf32>,
        %parallel_loop3A_259 = arith.constant 1 : i32
        %parallel_loop3A_260 = arith.index_cast %parallel_loop3A_259 : i32 to index
        %parallel_loop3A_261 = arith.index_cast %parallel_loop3A_243 : i32 to index
        %parallel_loop3A_262 = arith.constant 16 : index
        %parallel_loop3A_263 = tpu.vector_load %arg5[%parallel_loop3A_260, %parallel_loop3A_261, %parallel_loop3A_262] {strides = array<i32>} : memref<2x256x128xf32, #tpu.memory_space<vmem>>, vector<16xf32>,
        tpu.vector_store %arg5[%parallel_loop3A_260, %parallel_loop3A_261, %parallel_loop3A_262], %parallel_loop3A_258 {strides = array<i32>} : memref<2x256x128xf32, #tpu.memory_space<vmem>>, vector<16xf32>,
        %parallel_loop3A_264 = arith.constant 1 : i32
        %parallel_loop3A_265 = arith.index_cast %parallel_loop3A_264 : i32 to index
        %parallel_loop3A_266 = arith.index_cast %parallel_loop3A_243 : i32 to index
        %parallel_loop3A_267 = arith.constant 32 : index
        %parallel_loop3A_268 = tpu.vector_load %arg4[%parallel_loop3A_265, %parallel_loop3A_266, %parallel_loop3A_267] {strides = array<i32>} : memref<2x256x64xf32, #tpu.memory_space<vmem>>, vector<16xf32>,
        %parallel_loop3A_269 = arith.constant 1 : i32
        %parallel_loop3A_270 = arith.index_cast %parallel_loop3A_269 : i32 to index
        %parallel_loop3A_271 = arith.index_cast %parallel_loop3A_243 : i32 to index
        %parallel_loop3A_272 = arith.constant 32 : index
        %parallel_loop3A_273 = tpu.vector_load %arg5[%parallel_loop3A_270, %parallel_loop3A_271, %parallel_loop3A_272] {strides = array<i32>} : memref<2x256x128xf32, #tpu.memory_space<vmem>>, vector<16xf32>,
        tpu.vector_store %arg5[%parallel_loop3A_270, %parallel_loop3A_271, %parallel_loop3A_272], %parallel_loop3A_268 {strides = array<i32>} : memref<2x256x128xf32, #tpu.memory_space<vmem>>, vector<16xf32>,
        %parallel_loop3A_274 = arith.constant 1 : i32
        %parallel_loop3A_275 = arith.index_cast %parallel_loop3A_274 : i32 to index
        %parallel_loop3A_276 = arith.index_cast %parallel_loop3A_243 : i32 to index
        %parallel_loop3A_277 = arith.constant 48 : index
        %parallel_loop3A_278 = tpu.vector_load %arg4[%parallel_loop3A_275, %parallel_loop3A_276, %parallel_loop3A_277] {strides = array<i32>} : memref<2x256x64xf32, #tpu.memory_space<vmem>>, vector<16xf32>,
        %parallel_loop3A_279 = arith.constant 1 : i32
        %parallel_loop3A_280 = arith.index_cast %parallel_loop3A_279 : i32 to index
        %parallel_loop3A_281 = arith.index_cast %parallel_loop3A_243 : i32 to index
        %parallel_loop3A_282 = arith.constant 48 : index
        %parallel_loop3A_283 = tpu.vector_load %arg5[%parallel_loop3A_280, %parallel_loop3A_281, %parallel_loop3A_282] {strides = array<i32>} : memref<2x256x128xf32, #tpu.memory_space<vmem>>, vector<16xf32>,
        tpu.vector_store %arg5[%parallel_loop3A_280, %parallel_loop3A_281, %parallel_loop3A_282], %parallel_loop3A_278 {strides = array<i32>} : memref<2x256x128xf32, #tpu.memory_space<vmem>>, vector<16xf32>,
      } {sc.loop_unroll_factor = 8 : i64, sc.parallel_access}
      %mul3A_222 = arith.constant 32 : i32
      %mul3A_223 = arith.muli %add3A_186, %mul3A_222 : i32
      %add3A_224 = arith.addi %min3A_3, %mul3A_223 : i32
      %min3A_225 = arith.minsi %add3A_224, %sub3A_6 : i32
      %mul3A_226 = arith.constant 8 : i32
      %mul3A_227 = arith.muli %min3A_225, %mul3A_226 : i32
      %multiple_of3A_228 = tpu.assume_multiple %mul3A_227, 8 : i32
      %dma_start3A_229 = arith.constant 1 : i32
      %dma_start3A_230 = arith.constant 0 : i32
      %dma_start3A_231 = arith.constant 0 : i32
      %dma_start3A_232 = tpu.memref_slice %arg5[%dma_start3A_229, %dma_start3A_230, %dma_start3A_231] : memref<2x256x128xf32, #tpu.memory_space<vmem>> -> memref<1x256x128xf32, #tpu.memory_space<vmem>>
      %dma_start3A_233 = tpu.memref_squeeze %dma_start3A_232 : memref<1x256x128xf32, #tpu.memory_space<vmem>> -> memref<256x128xf32, #tpu.memory_space<vmem>>
      %dma_start3A_234 = arith.constant 0 : i32
      %dma_start3A_235 = tpu.memref_slice %arg3[%multiple_of3A_228, %dma_start3A_234] : memref<1000000x128xf32, #tpu.memory_space<hbm>> -> memref<256x128xf32, #tpu.memory_space<hbm>>
      %dma_start3A_236 = arith.constant 0 : i32
      %dma_start3A_237 = tpu.memref_slice %arg3[%multiple_of3A_228, %dma_start3A_236] : memref<1000000x128xf32, #tpu.memory_space<hbm>> -> memref<256x128xf32, #tpu.memory_space<hbm>>
      %dma_start3A_238 = arith.constant 0 : i32
      %dma_start3A_239 = arith.constant 0 : i32
      %dma_start3A_240 = tpu.memref_slice %arg5[%dma_start3A_229, %dma_start3A_238, %dma_start3A_239] : memref<2x256x128xf32, #tpu.memory_space<vmem>> -> memref<1x256x128xf32, #tpu.memory_space<vmem>>
      %dma_start3A_241 = tpu.memref_squeeze %dma_start3A_240 : memref<1x256x128xf32, #tpu.memory_space<vmem>> -> memref<256x128xf32, #tpu.memory_space<vmem>>
      tpu.enqueue_dma source(%dma_start3A_241 : memref<256x128xf32, #tpu.memory_space<vmem>>) target(%dma_start3A_237 : memref<256x128xf32, #tpu.memory_space<hbm>>) target_semaphore(%arg9 : memref<!tpu.dma_semaphore, #tpu.memory_space<semaphore_mem>>)
      %scan3A_242 = arith.constant 0 : i32
      scf.yield %scan3A_242 : i32
    }
    %scan3A_29 = arith.constant 61 : i32
    %add3A_30 = arith.constant 3904 : i32
    %add3A_31 = arith.addi %min3A_3, %add3A_30 : i32
    %min3A_32 = arith.minsi %add3A_31, %sub3A_6 : i32
    %mul3A_33 = arith.constant 8 : i32
    %mul3A_34 = arith.muli %min3A_32, %mul3A_33 : i32
    %multiple_of3A_35 = tpu.assume_multiple %mul3A_34, 8 : i32
    %dma_wait3A = arith.constant 0 : i32
    %dma_wait3A_36 = arith.constant 0 : i32
    %dma_wait3A_37 = arith.constant 0 : i32
    %dma_wait3A_38 = tpu.memref_slice %arg4[%dma_wait3A, %dma_wait3A_36, %dma_wait3A_37] : memref<2x256x64xf32, #tpu.memory_space<vmem>> -> memref<1x256x64xf32, #tpu.memory_space<vmem>>
    %dma_wait3A_39 = tpu.memref_squeeze %dma_wait3A_38 : memref<1x256x64xf32, #tpu.memory_space<vmem>> -> memref<256x64xf32, #tpu.memory_space<vmem>>
    %dma_wait3A_40 = arith.constant 0 : i32
    %dma_wait3A_41 = tpu.memref_slice %arg2[%multiple_of3A_35, %dma_wait3A_40] : memref<1000000x64xf32, #tpu.memory_space<hbm>> -> memref<256x64xf32, #tpu.memory_space<hbm>>
    %dma_wait3A_42 = arith.constant 0 : i32
    %dma_wait3A_43 = arith.constant 0 : i32
    %dma_wait3A_44 = tpu.memref_slice %arg4[%dma_wait3A, %dma_wait3A_42, %dma_wait3A_43] : memref<2x256x64xf32, #tpu.memory_space<vmem>> -> memref<1x256x64xf32, #tpu.memory_space<vmem>>
    %dma_wait3A_45 = tpu.memref_squeeze %dma_wait3A_44 : memref<1x256x64xf32, #tpu.memory_space<vmem>> -> memref<256x64xf32, #tpu.memory_space<vmem>>
    %dma_wait3A_46 = arith.constant 0 : i32
    %dma_wait3A_47 = tpu.memref_slice %arg2[%multiple_of3A_35, %dma_wait3A_46] : memref<1000000x64xf32, #tpu.memory_space<hbm>> -> memref<256x64xf32, #tpu.memory_space<hbm>>
    tpu.wait_dma2 semaphore(%arg6 : memref<!tpu.dma_semaphore, #tpu.memory_space<semaphore_mem>>) src(%dma_wait3A_47 : memref<256x64xf32, #tpu.memory_space<hbm>>) dst(%dma_wait3A_45 : memref<256x64xf32, #tpu.memory_space<vmem>>)
    %add3A_48 = arith.constant 3840 : i32
    %add3A_49 = arith.addi %min3A_3, %add3A_48 : i32
    %min3A_50 = arith.minsi %add3A_49, %sub3A_6 : i32
    %mul3A_51 = arith.constant 8 : i32
    %mul3A_52 = arith.muli %min3A_50, %mul3A_51 : i32
    %multiple_of3A_53 = tpu.assume_multiple %mul3A_52, 8 : i32
    %dma_wait3A_54 = arith.constant 0 : i32
    %dma_wait3A_55 = arith.constant 0 : i32
    %dma_wait3A_56 = arith.constant 0 : i32
    %dma_wait3A_57 = tpu.memref_slice %arg5[%dma_wait3A_54, %dma_wait3A_55, %dma_wait3A_56] : memref<2x256x128xf32, #tpu.memory_space<vmem>> -> memref<1x256x128xf32, #tpu.memory_space<vmem>>
    %dma_wait3A_58 = tpu.memref_squeeze %dma_wait3A_57 : memref<1x256x128xf32, #tpu.memory_space<vmem>> -> memref<256x128xf32, #tpu.memory_space<vmem>>
    %dma_wait3A_59 = arith.constant 0 : i32
    %dma_wait3A_60 = tpu.memref_slice %arg3[%multiple_of3A_53, %dma_wait3A_59] : memref<1000000x128xf32, #tpu.memory_space<hbm>> -> memref<256x128xf32, #tpu.memory_space<hbm>>
    %dma_wait3A_61 = arith.constant 0 : i32
    %dma_wait3A_62 = tpu.memref_slice %arg3[%multiple_of3A_53, %dma_wait3A_61] : memref<1000000x128xf32, #tpu.memory_space<hbm>> -> memref<256x128xf32, #tpu.memory_space<hbm>>
    %dma_wait3A_63 = arith.constant 0 : i32
    %dma_wait3A_64 = arith.constant 0 : i32
    %dma_wait3A_65 = tpu.memref_slice %arg5[%dma_wait3A_54, %dma_wait3A_63, %dma_wait3A_64] : memref<2x256x128xf32, #tpu.memory_space<vmem>> -> memref<1x256x128xf32, #tpu.memory_space<vmem>>
    %dma_wait3A_66 = tpu.memref_squeeze %dma_wait3A_65 : memref<1x256x128xf32, #tpu.memory_space<vmem>> -> memref<256x128xf32, #tpu.memory_space<vmem>>
    tpu.wait_dma2 semaphore(%arg8 : memref<!tpu.dma_semaphore, #tpu.memory_space<semaphore_mem>>) src(%dma_wait3A_66 : memref<256x128xf32, #tpu.memory_space<vmem>>) dst(%dma_wait3A_62 : memref<256x128xf32, #tpu.memory_space<hbm>>)
    %parallel_loop3A = arith.constant 0 : i32
    %parallel_loop3A_67 = arith.constant 256 : i32
    %parallel_loop3A_68 = arith.constant 1 : i32
    scf.for %parallel_loop3A_126 = %parallel_loop3A to %parallel_loop3A_67 step %parallel_loop3A_68  : i32 {
      %parallel_loop3A_127 = arith.constant 0 : i32
      %parallel_loop3A_128 = arith.index_cast %parallel_loop3A_127 : i32 to index
      %parallel_loop3A_129 = arith.index_cast %parallel_loop3A_126 : i32 to index
      %parallel_loop3A_130 = arith.constant 0 : index
      %parallel_loop3A_131 = tpu.vector_load %arg4[%parallel_loop3A_128, %parallel_loop3A_129, %parallel_loop3A_130] {strides = array<i32>} : memref<2x256x64xf32, #tpu.memory_space<vmem>>, vector<16xf32>,
      %parallel_loop3A_132 = arith.constant 0 : i32
      %parallel_loop3A_133 = arith.index_cast %parallel_loop3A_132 : i32 to index
      %parallel_loop3A_134 = arith.index_cast %parallel_loop3A_126 : i32 to index
      %parallel_loop3A_135 = arith.constant 0 : index
      %parallel_loop3A_136 = tpu.vector_load %arg5[%parallel_loop3A_133, %parallel_loop3A_134, %parallel_loop3A_135] {strides = array<i32>} : memref<2x256x128xf32, #tpu.memory_space<vmem>>, vector<16xf32>,
      tpu.vector_store %arg5[%parallel_loop3A_133, %parallel_loop3A_134, %parallel_loop3A_135], %parallel_loop3A_131 {strides = array<i32>} : memref<2x256x128xf32, #tpu.memory_space<vmem>>, vector<16xf32>,
      %parallel_loop3A_137 = arith.constant 0 : i32
      %parallel_loop3A_138 = arith.index_cast %parallel_loop3A_137 : i32 to index
      %parallel_loop3A_139 = arith.index_cast %parallel_loop3A_126 : i32 to index
      %parallel_loop3A_140 = arith.constant 16 : index
      %parallel_loop3A_141 = tpu.vector_load %arg4[%parallel_loop3A_138, %parallel_loop3A_139, %parallel_loop3A_140] {strides = array<i32>} : memref<2x256x64xf32, #tpu.memory_space<vmem>>, vector<16xf32>,
      %parallel_loop3A_142 = arith.constant 0 : i32
      %parallel_loop3A_143 = arith.index_cast %parallel_loop3A_142 : i32 to index
      %parallel_loop3A_144 = arith.index_cast %parallel_loop3A_126 : i32 to index
      %parallel_loop3A_145 = arith.constant 16 : index
      %parallel_loop3A_146 = tpu.vector_load %arg5[%parallel_loop3A_143, %parallel_loop3A_144, %parallel_loop3A_145] {strides = array<i32>} : memref<2x256x128xf32, #tpu.memory_space<vmem>>, vector<16xf32>,
      tpu.vector_store %arg5[%parallel_loop3A_143, %parallel_loop3A_144, %parallel_loop3A_145], %parallel_loop3A_141 {strides = array<i32>} : memref<2x256x128xf32, #tpu.memory_space<vmem>>, vector<16xf32>,
      %parallel_loop3A_147 = arith.constant 0 : i32
      %parallel_loop3A_148 = arith.index_cast %parallel_loop3A_147 : i32 to index
      %parallel_loop3A_149 = arith.index_cast %parallel_loop3A_126 : i32 to index
      %parallel_loop3A_150 = arith.constant 32 : index
      %parallel_loop3A_151 = tpu.vector_load %arg4[%parallel_loop3A_148, %parallel_loop3A_149, %parallel_loop3A_150] {strides = array<i32>} : memref<2x256x64xf32, #tpu.memory_space<vmem>>, vector<16xf32>,
      %parallel_loop3A_152 = arith.constant 0 : i32
      %parallel_loop3A_153 = arith.index_cast %parallel_loop3A_152 : i32 to index
      %parallel_loop3A_154 = arith.index_cast %parallel_loop3A_126 : i32 to index
      %parallel_loop3A_155 = arith.constant 32 : index
      %parallel_loop3A_156 = tpu.vector_load %arg5[%parallel_loop3A_153, %parallel_loop3A_154, %parallel_loop3A_155] {strides = array<i32>} : memref<2x256x128xf32, #tpu.memory_space<vmem>>, vector<16xf32>,
      tpu.vector_store %arg5[%parallel_loop3A_153, %parallel_loop3A_154, %parallel_loop3A_155], %parallel_loop3A_151 {strides = array<i32>} : memref<2x256x128xf32, #tpu.memory_space<vmem>>, vector<16xf32>,
      %parallel_loop3A_157 = arith.constant 0 : i32
      %parallel_loop3A_158 = arith.index_cast %parallel_loop3A_157 : i32 to index
      %parallel_loop3A_159 = arith.index_cast %parallel_loop3A_126 : i32 to index
      %parallel_loop3A_160 = arith.constant 48 : index
      %parallel_loop3A_161 = tpu.vector_load %arg4[%parallel_loop3A_158, %parallel_loop3A_159, %parallel_loop3A_160] {strides = array<i32>} : memref<2x256x64xf32, #tpu.memory_space<vmem>>, vector<16xf32>,
      %parallel_loop3A_162 = arith.constant 0 : i32
      %parallel_loop3A_163 = arith.index_cast %parallel_loop3A_162 : i32 to index
      %parallel_loop3A_164 = arith.index_cast %parallel_loop3A_126 : i32 to index
      %parallel_loop3A_165 = arith.constant 48 : index
      %parallel_loop3A_166 = tpu.vector_load %arg5[%parallel_loop3A_163, %parallel_loop3A_164, %parallel_loop3A_165] {strides = array<i32>} : memref<2x256x128xf32, #tpu.memory_space<vmem>>, vector<16xf32>,
      tpu.vector_store %arg5[%parallel_loop3A_163, %parallel_loop3A_164, %parallel_loop3A_165], %parallel_loop3A_161 {strides = array<i32>} : memref<2x256x128xf32, #tpu.memory_space<vmem>>, vector<16xf32>,
    } {sc.loop_unroll_factor = 8 : i64, sc.parallel_access}
    %add3A_69 = arith.constant 3904 : i32
    %add3A_70 = arith.addi %min3A_3, %add3A_69 : i32
    %min3A_71 = arith.minsi %add3A_70, %sub3A_6 : i32
    %mul3A_72 = arith.constant 8 : i32
    %mul3A_73 = arith.muli %min3A_71, %mul3A_72 : i32
    %multiple_of3A_74 = tpu.assume_multiple %mul3A_73, 8 : i32
    %dma_start3A_75 = arith.constant 0 : i32
    %dma_start3A_76 = arith.constant 0 : i32
    %dma_start3A_77 = arith.constant 0 : i32
    %dma_start3A_78 = tpu.memref_slice %arg5[%dma_start3A_75, %dma_start3A_76, %dma_start3A_77] : memref<2x256x128xf32, #tpu.memory_space<vmem>> -> memref<1x256x128xf32, #tpu.memory_space<vmem>>
    %dma_start3A_79 = tpu.memref_squeeze %dma_start3A_78 : memref<1x256x128xf32, #tpu.memory_space<vmem>> -> memref<256x128xf32, #tpu.memory_space<vmem>>
    %dma_start3A_80 = arith.constant 0 : i32
    %dma_start3A_81 = tpu.memref_slice %arg3[%multiple_of3A_74, %dma_start3A_80] : memref<1000000x128xf32, #tpu.memory_space<hbm>> -> memref<256x128xf32, #tpu.memory_space<hbm>>
    %dma_start3A_82 = arith.constant 0 : i32
    %dma_start3A_83 = tpu.memref_slice %arg3[%multiple_of3A_74, %dma_start3A_82] : memref<1000000x128xf32, #tpu.memory_space<hbm>> -> memref<256x128xf32, #tpu.memory_space<hbm>>
    %dma_start3A_84 = arith.constant 0 : i32
    %dma_start3A_85 = arith.constant 0 : i32
    %dma_start3A_86 = tpu.memref_slice %arg5[%dma_start3A_75, %dma_start3A_84, %dma_start3A_85] : memref<2x256x128xf32, #tpu.memory_space<vmem>> -> memref<1x256x128xf32, #tpu.memory_space<vmem>>
    %dma_start3A_87 = tpu.memref_squeeze %dma_start3A_86 : memref<1x256x128xf32, #tpu.memory_space<vmem>> -> memref<256x128xf32, #tpu.memory_space<vmem>>
    tpu.enqueue_dma source(%dma_start3A_87 : memref<256x128xf32, #tpu.memory_space<vmem>>) target(%dma_start3A_83 : memref<256x128xf32, #tpu.memory_space<hbm>>) target_semaphore(%arg8 : memref<!tpu.dma_semaphore, #tpu.memory_space<semaphore_mem>>)
    %add3A_88 = arith.constant 3872 : i32
    %add3A_89 = arith.addi %min3A_3, %add3A_88 : i32
    %min3A_90 = arith.minsi %add3A_89, %sub3A_6 : i32
    %mul3A_91 = arith.constant 8 : i32
    %mul3A_92 = arith.muli %min3A_90, %mul3A_91 : i32
    %multiple_of3A_93 = tpu.assume_multiple %mul3A_92, 8 : i32
    %dma_wait3A_94 = arith.constant 1 : i32
    %dma_wait3A_95 = arith.constant 0 : i32
    %dma_wait3A_96 = arith.constant 0 : i32
    %dma_wait3A_97 = tpu.memref_slice %arg5[%dma_wait3A_94, %dma_wait3A_95, %dma_wait3A_96] : memref<2x256x128xf32, #tpu.memory_space<vmem>> -> memref<1x256x128xf32, #tpu.memory_space<vmem>>
    %dma_wait3A_98 = tpu.memref_squeeze %dma_wait3A_97 : memref<1x256x128xf32, #tpu.memory_space<vmem>> -> memref<256x128xf32, #tpu.memory_space<vmem>>
    %dma_wait3A_99 = arith.constant 0 : i32
    %dma_wait3A_100 = tpu.memref_slice %arg3[%multiple_of3A_93, %dma_wait3A_99] : memref<1000000x128xf32, #tpu.memory_space<hbm>> -> memref<256x128xf32, #tpu.memory_space<hbm>>
    %dma_wait3A_101 = arith.constant 0 : i32
    %dma_wait3A_102 = tpu.memref_slice %arg3[%multiple_of3A_93, %dma_wait3A_101] : memref<1000000x128xf32, #tpu.memory_space<hbm>> -> memref<256x128xf32, #tpu.memory_space<hbm>>
    %dma_wait3A_103 = arith.constant 0 : i32
    %dma_wait3A_104 = arith.constant 0 : i32
    %dma_wait3A_105 = tpu.memref_slice %arg5[%dma_wait3A_94, %dma_wait3A_103, %dma_wait3A_104] : memref<2x256x128xf32, #tpu.memory_space<vmem>> -> memref<1x256x128xf32, #tpu.memory_space<vmem>>
    %dma_wait3A_106 = tpu.memref_squeeze %dma_wait3A_105 : memref<1x256x128xf32, #tpu.memory_space<vmem>> -> memref<256x128xf32, #tpu.memory_space<vmem>>
    tpu.wait_dma2 semaphore(%arg9 : memref<!tpu.dma_semaphore, #tpu.memory_space<semaphore_mem>>) src(%dma_wait3A_106 : memref<256x128xf32, #tpu.memory_space<vmem>>) dst(%dma_wait3A_102 : memref<256x128xf32, #tpu.memory_space<hbm>>)
    %add3A_107 = arith.constant 3904 : i32
    %add3A_108 = arith.addi %min3A_3, %add3A_107 : i32
    %min3A_109 = arith.minsi %add3A_108, %sub3A_6 : i32
    %mul3A_110 = arith.constant 8 : i32
    %mul3A_111 = arith.muli %min3A_109, %mul3A_110 : i32
    %multiple_of3A_112 = tpu.assume_multiple %mul3A_111, 8 : i32
    %dma_wait3A_113 = arith.constant 0 : i32
    %dma_wait3A_114 = arith.constant 0 : i32
    %dma_wait3A_115 = arith.constant 0 : i32
    %dma_wait3A_116 = tpu.memref_slice %arg5[%dma_wait3A_113, %dma_wait3A_114, %dma_wait3A_115] : memref<2x256x128xf32, #tpu.memory_space<vmem>> -> memref<1x256x128xf32, #tpu.memory_space<vmem>>
    %dma_wait3A_117 = tpu.memref_squeeze %dma_wait3A_116 : memref<1x256x128xf32, #tpu.memory_space<vmem>> -> memref<256x128xf32, #tpu.memory_space<vmem>>
    %dma_wait3A_118 = arith.constant 0 : i32
    %dma_wait3A_119 = tpu.memref_slice %arg3[%multiple_of3A_112, %dma_wait3A_118] : memref<1000000x128xf32, #tpu.memory_space<hbm>> -> memref<256x128xf32, #tpu.memory_space<hbm>>
    %dma_wait3A_120 = arith.constant 0 : i32
    %dma_wait3A_121 = tpu.memref_slice %arg3[%multiple_of3A_112, %dma_wait3A_120] : memref<1000000x128xf32, #tpu.memory_space<hbm>> -> memref<256x128xf32, #tpu.memory_space<hbm>>
    %dma_wait3A_122 = arith.constant 0 : i32
    %dma_wait3A_123 = arith.constant 0 : i32
    %dma_wait3A_124 = tpu.memref_slice %arg5[%dma_wait3A_113, %dma_wait3A_122, %dma_wait3A_123] : memref<2x256x128xf32, #tpu.memory_space<vmem>> -> memref<1x256x128xf32, #tpu.memory_space<vmem>>
    %dma_wait3A_125 = tpu.memref_squeeze %dma_wait3A_124 : memref<1x256x128xf32, #tpu.memory_space<vmem>> -> memref<256x128xf32, #tpu.memory_space<vmem>>
    tpu.wait_dma2 semaphore(%arg8 : memref<!tpu.dma_semaphore, #tpu.memory_space<semaphore_mem>>) src(%dma_wait3A_125 : memref<256x128xf32, #tpu.memory_space<vmem>>) dst(%dma_wait3A_121 : memref<256x128xf32, #tpu.memory_space<hbm>>)
    return
  }
}

#map = affine_map<(d0, d1) -> (0, 0)>
module attributes {stable_mosaic.version = 14 : i64} {
  func.func @gather_scale(%arg0: i32, %arg1: i32, %arg2: memref<1000000x128xf32, #tpu.memory_space<hbm>>, %arg3: memref<6400x128xi32, #tpu.memory_space<hbm>>, %arg4: memref<819200x64xf32, #tpu.memory_space<hbm>>, %arg5: memref<200x128xi32, #tpu.memory_space<vmem>>, %arg6: memref<4x128x128xf32, #tpu.memory_space<vmem>>, %arg7: memref<128x64xf32, #tpu.memory_space<vmem>>, %arg8: memref<128x64xf32, #tpu.memory_space<vmem>>, %arg9: memref<!tpu.dma_semaphore, #tpu.memory_space<semaphore_mem>>, %arg10: memref<!tpu.dma_semaphore, #tpu.memory_space<semaphore_mem>>, %arg11: memref<!tpu.dma_semaphore, #tpu.memory_space<semaphore_mem>>, %arg12: memref<!tpu.dma_semaphore, #tpu.memory_space<semaphore_mem>>, %arg13: memref<!tpu.dma_semaphore, #tpu.memory_space<semaphore_mem>>, %arg14: memref<!tpu.dma_semaphore, #tpu.memory_space<semaphore_mem>>) attributes {dimension_semantics = [#tpu.dimension_semantics<core_parallel>, #tpu.dimension_semantics<subcore_parallel>], iteration_bounds = array<i64: 2, 16>, scalar_prefetch = 0 : i64, scratch_operands = 10 : i64, tpu.core_type = #tpu.core_type<sc_vector_subcore>, window_params = [{transform_indices = #map}, {transform_indices = #map}, {transform_indices = #map}]} {
    %mul3A = arith.constant 2 : i32
    %mul3A_0 = arith.muli %arg1, %mul3A : i32
    %add3A = arith.addi %mul3A_0, %arg0 : i32
    %mul3A_1 = arith.constant 200 : i32
    %mul3A_2 = arith.muli %add3A, %mul3A_1 : i32
    %mul3A_3 = arith.constant 25600 : i32
    %mul3A_4 = arith.muli %add3A, %mul3A_3 : i32
    "tpu.region"() ({
      %run_scoped3A = tpu.sem_alloc : memref<!tpu.dma_semaphore, #tpu.memory_space<semaphore_mem>>
      %dma_start3A_46 = arith.constant 0 : i32
      %dma_start3A_47 = tpu.memref_slice %arg3[%mul3A_2, %dma_start3A_46] : memref<6400x128xi32, #tpu.memory_space<hbm>> -> memref<200x128xi32, #tpu.memory_space<hbm>>
      %dma_start3A_48 = arith.constant 0 : i32
      %dma_start3A_49 = tpu.memref_slice %arg3[%mul3A_2, %dma_start3A_48] : memref<6400x128xi32, #tpu.memory_space<hbm>> -> memref<200x128xi32, #tpu.memory_space<hbm>>
      tpu.enqueue_dma source(%dma_start3A_49 : memref<200x128xi32, #tpu.memory_space<hbm>>) target(%arg5 : memref<200x128xi32, #tpu.memory_space<vmem>>) target_semaphore(%run_scoped3A : memref<!tpu.dma_semaphore, #tpu.memory_space<semaphore_mem>>)
      %dma_wait3A_50 = arith.constant 0 : i32
      %dma_wait3A_51 = tpu.memref_slice %arg3[%mul3A_2, %dma_wait3A_50] : memref<6400x128xi32, #tpu.memory_space<hbm>> -> memref<200x128xi32, #tpu.memory_space<hbm>>
      %dma_wait3A_52 = arith.constant 0 : i32
      %dma_wait3A_53 = tpu.memref_slice %arg3[%mul3A_2, %dma_wait3A_52] : memref<6400x128xi32, #tpu.memory_space<hbm>> -> memref<200x128xi32, #tpu.memory_space<hbm>>
      tpu.wait_dma2 semaphore(%run_scoped3A : memref<!tpu.dma_semaphore, #tpu.memory_space<semaphore_mem>>) src(%dma_wait3A_53 : memref<200x128xi32, #tpu.memory_space<hbm>>) dst(%arg5 : memref<200x128xi32, #tpu.memory_space<vmem>>)
      tpu.yield
    }) : () -> ()
    %dma_start3A = arith.constant 0 : i32
    %dma_start3A_5 = arith.constant 0 : i32
    %dma_start3A_6 = arith.constant 0 : i32
    %dma_start3A_7 = arith.constant 0 : i32
    %dma_start3A_8 = tpu.memref_slice %arg6[%dma_start3A_5, %dma_start3A_6, %dma_start3A_7] : memref<4x128x128xf32, #tpu.memory_space<vmem>> -> memref<1x128x128xf32, #tpu.memory_space<vmem>>
    %dma_start3A_9 = tpu.memref_squeeze %dma_start3A_8 : memref<1x128x128xf32, #tpu.memory_space<vmem>> -> memref<128x128xf32, #tpu.memory_space<vmem>>
    %dma_start3A_10 = arith.constant 0 : i32
    %dma_start3A_11 = tpu.memref_slice %arg5[%dma_start3A, %dma_start3A_10] : memref<200x128xi32, #tpu.memory_space<vmem>> -> memref<1x128xi32, #tpu.memory_space<vmem>>
    %dma_start3A_12 = tpu.memref_squeeze %dma_start3A_11 : memref<1x128xi32, #tpu.memory_space<vmem>> -> memref<128xi32, #tpu.memory_space<vmem>>
    %dma_start3A_13 = arith.constant 0 : i32
    %dma_start3A_14 = arith.constant 0 : i32
    %dma_start3A_15 = tpu.memref_slice %arg2[%dma_start3A_13, %dma_start3A_14] : memref<1000000x128xf32, #tpu.memory_space<hbm>> -> memref<1000000x128xf32, #tpu.memory_space<hbm>>
    tpu.enqueue_indirect_dma source(%dma_start3A_15 : memref<1000000x128xf32, #tpu.memory_space<hbm>>) target(%dma_start3A_9 : memref<128x128xf32, #tpu.memory_space<vmem>>) offsets(%dma_start3A_12 : memref<128xi32, #tpu.memory_space<vmem>>) semaphore(%arg9 : memref<!tpu.dma_semaphore, #tpu.memory_space<semaphore_mem>>)
    %dma_start3A_16 = arith.constant 1 : i32
    %dma_start3A_17 = arith.constant 1 : i32
    %dma_start3A_18 = arith.constant 0 : i32
    %dma_start3A_19 = arith.constant 0 : i32
    %dma_start3A_20 = tpu.memref_slice %arg6[%dma_start3A_17, %dma_start3A_18, %dma_start3A_19] : memref<4x128x128xf32, #tpu.memory_space<vmem>> -> memref<1x128x128xf32, #tpu.memory_space<vmem>>
    %dma_start3A_21 = tpu.memref_squeeze %dma_start3A_20 : memref<1x128x128xf32, #tpu.memory_space<vmem>> -> memref<128x128xf32, #tpu.memory_space<vmem>>
    %dma_start3A_22 = arith.constant 0 : i32
    %dma_start3A_23 = tpu.memref_slice %arg5[%dma_start3A_16, %dma_start3A_22] : memref<200x128xi32, #tpu.memory_space<vmem>> -> memref<1x128xi32, #tpu.memory_space<vmem>>
    %dma_start3A_24 = tpu.memref_squeeze %dma_start3A_23 : memref<1x128xi32, #tpu.memory_space<vmem>> -> memref<128xi32, #tpu.memory_space<vmem>>
    %dma_start3A_25 = arith.constant 0 : i32
    %dma_start3A_26 = arith.constant 0 : i32
    %dma_start3A_27 = tpu.memref_slice %arg2[%dma_start3A_25, %dma_start3A_26] : memref<1000000x128xf32, #tpu.memory_space<hbm>> -> memref<1000000x128xf32, #tpu.memory_space<hbm>>
    tpu.enqueue_indirect_dma source(%dma_start3A_27 : memref<1000000x128xf32, #tpu.memory_space<hbm>>) target(%dma_start3A_21 : memref<128x128xf32, #tpu.memory_space<vmem>>) offsets(%dma_start3A_24 : memref<128xi32, #tpu.memory_space<vmem>>) semaphore(%arg10 : memref<!tpu.dma_semaphore, #tpu.memory_space<semaphore_mem>>)
    %scan3A = arith.constant 0 : i32
    %scan3A_28 = arith.constant 0 : i32
    %scan3A_29 = arith.constant 50 : i32
    %scan3A_30 = arith.addi %scan3A_28, %scan3A_29 : i32
    %scan3A_31 = arith.constant 1 : i32
    %scan3A_32 = scf.for %scan3A_46 = %scan3A_28 to %scan3A_30 step %scan3A_31 iter_args(%scan3A_47 = %scan3A) -> (i32)  : i32 {
      %mul3A_48 = arith.constant 4 : i32
      %mul3A_49 = arith.muli %scan3A_46, %mul3A_48 : i32
      %add3A_50 = arith.constant 0 : i32
      %add3A_51 = arith.addi %mul3A_49, %add3A_50 : i32
      %ge3A = arith.constant 2 : i32
      %ge3A_52 = arith.cmpi sge, %add3A_51, %ge3A : i32
      %convert_element_type3A = arith.extui %ge3A_52 : i1 to i32
      %cond3A = arith.constant 0 : i32
      %cond3A_53 = arith.cmpi ne, %convert_element_type3A, %cond3A : i32
      scf.if %cond3A_53 {
        %sub3A = arith.constant 2 : i32
        %sub3A_196 = arith.subi %add3A_51, %sub3A : i32
        %mul3A_197 = arith.constant 128 : i32
        %mul3A_198 = arith.muli %sub3A_196, %mul3A_197 : i32
        %add3A_199 = arith.addi %mul3A_4, %mul3A_198 : i32
        %multiple_of3A_200 = tpu.assume_multiple %add3A_199, 128 : i32
        %dma_wait3A_201 = arith.constant 0 : i32
        %dma_wait3A_202 = tpu.memref_slice %arg4[%multiple_of3A_200, %dma_wait3A_201] : memref<819200x64xf32, #tpu.memory_space<hbm>> -> memref<128x64xf32, #tpu.memory_space<hbm>>
        %dma_wait3A_203 = arith.constant 0 : i32
        %dma_wait3A_204 = tpu.memref_slice %arg4[%multiple_of3A_200, %dma_wait3A_203] : memref<819200x64xf32, #tpu.memory_space<hbm>> -> memref<128x64xf32, #tpu.memory_space<hbm>>
        tpu.wait_dma2 semaphore(%arg13 : memref<!tpu.dma_semaphore, #tpu.memory_space<semaphore_mem>>) src(%arg7 : memref<128x64xf32, #tpu.memory_space<vmem>>) dst(%dma_wait3A_204 : memref<128x64xf32, #tpu.memory_space<hbm>>)
      } else {
      }
      %add3A_54 = arith.constant 2 : i32
      %add3A_55 = arith.addi %add3A_51, %add3A_54 : i32
      %lt3A = arith.constant 200 : i32
      %lt3A_56 = arith.cmpi slt, %add3A_55, %lt3A : i32
      %convert_element_type3A_57 = arith.extui %lt3A_56 : i1 to i32
      %cond3A_58 = arith.constant 0 : i32
      %cond3A_59 = arith.cmpi ne, %convert_element_type3A_57, %cond3A_58 : i32
      scf.if %cond3A_59 {
        %add3A_196 = arith.constant 2 : i32
        %add3A_197 = arith.addi %add3A_51, %add3A_196 : i32
        %dma_start3A_198 = arith.constant 2 : i32
        %dma_start3A_199 = arith.constant 0 : i32
        %dma_start3A_200 = arith.constant 0 : i32
        %dma_start3A_201 = tpu.memref_slice %arg6[%dma_start3A_198, %dma_start3A_199, %dma_start3A_200] : memref<4x128x128xf32, #tpu.memory_space<vmem>> -> memref<1x128x128xf32, #tpu.memory_space<vmem>>
        %dma_start3A_202 = tpu.memref_squeeze %dma_start3A_201 : memref<1x128x128xf32, #tpu.memory_space<vmem>> -> memref<128x128xf32, #tpu.memory_space<vmem>>
        %dma_start3A_203 = arith.constant 0 : i32
        %dma_start3A_204 = tpu.memref_slice %arg5[%add3A_197, %dma_start3A_203] : memref<200x128xi32, #tpu.memory_space<vmem>> -> memref<1x128xi32, #tpu.memory_space<vmem>>
        %dma_start3A_205 = tpu.memref_squeeze %dma_start3A_204 : memref<1x128xi32, #tpu.memory_space<vmem>> -> memref<128xi32, #tpu.memory_space<vmem>>
        %dma_start3A_206 = arith.constant 0 : i32
        %dma_start3A_207 = arith.constant 0 : i32
        %dma_start3A_208 = tpu.memref_slice %arg2[%dma_start3A_206, %dma_start3A_207] : memref<1000000x128xf32, #tpu.memory_space<hbm>> -> memref<1000000x128xf32, #tpu.memory_space<hbm>>
        tpu.enqueue_indirect_dma source(%dma_start3A_208 : memref<1000000x128xf32, #tpu.memory_space<hbm>>) target(%dma_start3A_202 : memref<128x128xf32, #tpu.memory_space<vmem>>) offsets(%dma_start3A_205 : memref<128xi32, #tpu.memory_space<vmem>>) semaphore(%arg11 : memref<!tpu.dma_semaphore, #tpu.memory_space<semaphore_mem>>)
      } else {
      }
      %dma_wait3A_60 = arith.constant 0 : i32
      %dma_wait3A_61 = arith.constant 0 : i32
      %dma_wait3A_62 = arith.constant 0 : i32
      %dma_wait3A_63 = tpu.memref_slice %arg6[%dma_wait3A_60, %dma_wait3A_61, %dma_wait3A_62] : memref<4x128x128xf32, #tpu.memory_space<vmem>> -> memref<1x128x128xf32, #tpu.memory_space<vmem>>
      %dma_wait3A_64 = tpu.memref_squeeze %dma_wait3A_63 : memref<1x128x128xf32, #tpu.memory_space<vmem>> -> memref<128x128xf32, #tpu.memory_space<vmem>>
      %dma_wait3A_65 = arith.constant 0 : i32
      %dma_wait3A_66 = tpu.memref_slice %arg5[%add3A_51, %dma_wait3A_65] : memref<200x128xi32, #tpu.memory_space<vmem>> -> memref<1x128xi32, #tpu.memory_space<vmem>>
      %dma_wait3A_67 = tpu.memref_squeeze %dma_wait3A_66 : memref<1x128xi32, #tpu.memory_space<vmem>> -> memref<128xi32, #tpu.memory_space<vmem>>
      %dma_wait3A_68 = arith.constant 0 : i32
      %dma_wait3A_69 = arith.constant 0 : i32
      %dma_wait3A_70 = tpu.memref_slice %arg2[%dma_wait3A_68, %dma_wait3A_69] : memref<1000000x128xf32, #tpu.memory_space<hbm>> -> memref<1000000x128xf32, #tpu.memory_space<hbm>>
      tpu.wait_indirect_dma semaphore(%arg9 : memref<!tpu.dma_semaphore, #tpu.memory_space<semaphore_mem>>) src(%dma_wait3A_70 : memref<1000000x128xf32, #tpu.memory_space<hbm>>) dst(%dma_wait3A_64 : memref<128x128xf32, #tpu.memory_space<vmem>>)
      %parallel_loop3A = arith.constant 0 : i32
      %parallel_loop3A_71 = arith.constant 128 : i32
      %parallel_loop3A_72 = arith.constant 1 : i32
      scf.for %parallel_loop3A_196 = %parallel_loop3A to %parallel_loop3A_71 step %parallel_loop3A_72  : i32 {
        %parallel_loop3A_197 = arith.constant 0 : i32
        %parallel_loop3A_198 = arith.index_cast %parallel_loop3A_197 : i32 to index
        %parallel_loop3A_199 = arith.index_cast %parallel_loop3A_196 : i32 to index
        %parallel_loop3A_200 = arith.constant 0 : index
        %parallel_loop3A_201 = tpu.vector_load %arg6[%parallel_loop3A_198, %parallel_loop3A_199, %parallel_loop3A_200] {strides = array<i32>} : memref<4x128x128xf32, #tpu.memory_space<vmem>>, vector<16xf32>,
        %parallel_loop3A_202 = arith.constant 8.000000e+00 : f32
        %parallel_loop3A_203 = vector.broadcast %parallel_loop3A_202 : f32 to vector<16xf32>
        %parallel_loop3A_204 = arith.mulf %parallel_loop3A_201, %parallel_loop3A_203 : vector<16xf32>
        %parallel_loop3A_205 = arith.index_cast %parallel_loop3A_196 : i32 to index
        %parallel_loop3A_206 = arith.constant 0 : index
        %parallel_loop3A_207 = tpu.vector_load %arg7[%parallel_loop3A_205, %parallel_loop3A_206] {strides = array<i32>} : memref<128x64xf32, #tpu.memory_space<vmem>>, vector<16xf32>,
        tpu.vector_store %arg7[%parallel_loop3A_205, %parallel_loop3A_206], %parallel_loop3A_204 {strides = array<i32>} : memref<128x64xf32, #tpu.memory_space<vmem>>, vector<16xf32>,
        %parallel_loop3A_208 = arith.constant 0 : i32
        %parallel_loop3A_209 = arith.index_cast %parallel_loop3A_208 : i32 to index
        %parallel_loop3A_210 = arith.index_cast %parallel_loop3A_196 : i32 to index
        %parallel_loop3A_211 = arith.constant 16 : index
        %parallel_loop3A_212 = tpu.vector_load %arg6[%parallel_loop3A_209, %parallel_loop3A_210, %parallel_loop3A_211] {strides = array<i32>} : memref<4x128x128xf32, #tpu.memory_space<vmem>>, vector<16xf32>,
        %parallel_loop3A_213 = arith.constant 8.000000e+00 : f32
        %parallel_loop3A_214 = vector.broadcast %parallel_loop3A_213 : f32 to vector<16xf32>
        %parallel_loop3A_215 = arith.mulf %parallel_loop3A_212, %parallel_loop3A_214 : vector<16xf32>
        %parallel_loop3A_216 = arith.index_cast %parallel_loop3A_196 : i32 to index
        %parallel_loop3A_217 = arith.constant 16 : index
        %parallel_loop3A_218 = tpu.vector_load %arg7[%parallel_loop3A_216, %parallel_loop3A_217] {strides = array<i32>} : memref<128x64xf32, #tpu.memory_space<vmem>>, vector<16xf32>,
        tpu.vector_store %arg7[%parallel_loop3A_216, %parallel_loop3A_217], %parallel_loop3A_215 {strides = array<i32>} : memref<128x64xf32, #tpu.memory_space<vmem>>, vector<16xf32>,
        %parallel_loop3A_219 = arith.constant 0 : i32
        %parallel_loop3A_220 = arith.index_cast %parallel_loop3A_219 : i32 to index
        %parallel_loop3A_221 = arith.index_cast %parallel_loop3A_196 : i32 to index
        %parallel_loop3A_222 = arith.constant 32 : index
        %parallel_loop3A_223 = tpu.vector_load %arg6[%parallel_loop3A_220, %parallel_loop3A_221, %parallel_loop3A_222] {strides = array<i32>} : memref<4x128x128xf32, #tpu.memory_space<vmem>>, vector<16xf32>,
        %parallel_loop3A_224 = arith.constant 8.000000e+00 : f32
        %parallel_loop3A_225 = vector.broadcast %parallel_loop3A_224 : f32 to vector<16xf32>
        %parallel_loop3A_226 = arith.mulf %parallel_loop3A_223, %parallel_loop3A_225 : vector<16xf32>
        %parallel_loop3A_227 = arith.index_cast %parallel_loop3A_196 : i32 to index
        %parallel_loop3A_228 = arith.constant 32 : index
        %parallel_loop3A_229 = tpu.vector_load %arg7[%parallel_loop3A_227, %parallel_loop3A_228] {strides = array<i32>} : memref<128x64xf32, #tpu.memory_space<vmem>>, vector<16xf32>,
        tpu.vector_store %arg7[%parallel_loop3A_227, %parallel_loop3A_228], %parallel_loop3A_226 {strides = array<i32>} : memref<128x64xf32, #tpu.memory_space<vmem>>, vector<16xf32>,
        %parallel_loop3A_230 = arith.constant 0 : i32
        %parallel_loop3A_231 = arith.index_cast %parallel_loop3A_230 : i32 to index
        %parallel_loop3A_232 = arith.index_cast %parallel_loop3A_196 : i32 to index
        %parallel_loop3A_233 = arith.constant 48 : index
        %parallel_loop3A_234 = tpu.vector_load %arg6[%parallel_loop3A_231, %parallel_loop3A_232, %parallel_loop3A_233] {strides = array<i32>} : memref<4x128x128xf32, #tpu.memory_space<vmem>>, vector<16xf32>,
        %parallel_loop3A_235 = arith.constant 8.000000e+00 : f32
        %parallel_loop3A_236 = vector.broadcast %parallel_loop3A_235 : f32 to vector<16xf32>
        %parallel_loop3A_237 = arith.mulf %parallel_loop3A_234, %parallel_loop3A_236 : vector<16xf32>
        %parallel_loop3A_238 = arith.index_cast %parallel_loop3A_196 : i32 to index
        %parallel_loop3A_239 = arith.constant 48 : index
        %parallel_loop3A_240 = tpu.vector_load %arg7[%parallel_loop3A_238, %parallel_loop3A_239] {strides = array<i32>} : memref<128x64xf32, #tpu.memory_space<vmem>>, vector<16xf32>,
        tpu.vector_store %arg7[%parallel_loop3A_238, %parallel_loop3A_239], %parallel_loop3A_237 {strides = array<i32>} : memref<128x64xf32, #tpu.memory_space<vmem>>, vector<16xf32>,
      } {sc.loop_unroll_factor = 8 : i64, sc.parallel_access}
      %mul3A_73 = arith.constant 128 : i32
      %mul3A_74 = arith.muli %add3A_51, %mul3A_73 : i32
      %add3A_75 = arith.addi %mul3A_4, %mul3A_74 : i32
      %multiple_of3A_76 = tpu.assume_multiple %add3A_75, 128 : i32
      %dma_start3A_77 = arith.constant 0 : i32
      %dma_start3A_78 = tpu.memref_slice %arg4[%multiple_of3A_76, %dma_start3A_77] : memref<819200x64xf32, #tpu.memory_space<hbm>> -> memref<128x64xf32, #tpu.memory_space<hbm>>
      %dma_start3A_79 = arith.constant 0 : i32
      %dma_start3A_80 = tpu.memref_slice %arg4[%multiple_of3A_76, %dma_start3A_79] : memref<819200x64xf32, #tpu.memory_space<hbm>> -> memref<128x64xf32, #tpu.memory_space<hbm>>
      tpu.enqueue_dma source(%arg7 : memref<128x64xf32, #tpu.memory_space<vmem>>) target(%dma_start3A_80 : memref<128x64xf32, #tpu.memory_space<hbm>>) target_semaphore(%arg13 : memref<!tpu.dma_semaphore, #tpu.memory_space<semaphore_mem>>)
      %mul3A_81 = arith.constant 4 : i32
      %mul3A_82 = arith.muli %scan3A_46, %mul3A_81 : i32
      %add3A_83 = arith.constant 1 : i32
      %add3A_84 = arith.addi %mul3A_82, %add3A_83 : i32
      %ge3A_85 = arith.constant 2 : i32
      %ge3A_86 = arith.cmpi sge, %add3A_84, %ge3A_85 : i32
      %convert_element_type3A_87 = arith.extui %ge3A_86 : i1 to i32
      %cond3A_88 = arith.constant 0 : i32
      %cond3A_89 = arith.cmpi ne, %convert_element_type3A_87, %cond3A_88 : i32
      scf.if %cond3A_89 {
        %sub3A = arith.constant 2 : i32
        %sub3A_196 = arith.subi %add3A_84, %sub3A : i32
        %mul3A_197 = arith.constant 128 : i32
        %mul3A_198 = arith.muli %sub3A_196, %mul3A_197 : i32
        %add3A_199 = arith.addi %mul3A_4, %mul3A_198 : i32
        %multiple_of3A_200 = tpu.assume_multiple %add3A_199, 128 : i32
        %dma_wait3A_201 = arith.constant 0 : i32
        %dma_wait3A_202 = tpu.memref_slice %arg4[%multiple_of3A_200, %dma_wait3A_201] : memref<819200x64xf32, #tpu.memory_space<hbm>> -> memref<128x64xf32, #tpu.memory_space<hbm>>
        %dma_wait3A_203 = arith.constant 0 : i32
        %dma_wait3A_204 = tpu.memref_slice %arg4[%multiple_of3A_200, %dma_wait3A_203] : memref<819200x64xf32, #tpu.memory_space<hbm>> -> memref<128x64xf32, #tpu.memory_space<hbm>>
        tpu.wait_dma2 semaphore(%arg14 : memref<!tpu.dma_semaphore, #tpu.memory_space<semaphore_mem>>) src(%arg8 : memref<128x64xf32, #tpu.memory_space<vmem>>) dst(%dma_wait3A_204 : memref<128x64xf32, #tpu.memory_space<hbm>>)
      } else {
      }
      %add3A_90 = arith.constant 2 : i32
      %add3A_91 = arith.addi %add3A_84, %add3A_90 : i32
      %lt3A_92 = arith.constant 200 : i32
      %lt3A_93 = arith.cmpi slt, %add3A_91, %lt3A_92 : i32
      %convert_element_type3A_94 = arith.extui %lt3A_93 : i1 to i32
      %cond3A_95 = arith.constant 0 : i32
      %cond3A_96 = arith.cmpi ne, %convert_element_type3A_94, %cond3A_95 : i32
      scf.if %cond3A_96 {
        %add3A_196 = arith.constant 2 : i32
        %add3A_197 = arith.addi %add3A_84, %add3A_196 : i32
        %dma_start3A_198 = arith.constant 3 : i32
        %dma_start3A_199 = arith.constant 0 : i32
        %dma_start3A_200 = arith.constant 0 : i32
        %dma_start3A_201 = tpu.memref_slice %arg6[%dma_start3A_198, %dma_start3A_199, %dma_start3A_200] : memref<4x128x128xf32, #tpu.memory_space<vmem>> -> memref<1x128x128xf32, #tpu.memory_space<vmem>>
        %dma_start3A_202 = tpu.memref_squeeze %dma_start3A_201 : memref<1x128x128xf32, #tpu.memory_space<vmem>> -> memref<128x128xf32, #tpu.memory_space<vmem>>
        %dma_start3A_203 = arith.constant 0 : i32
        %dma_start3A_204 = tpu.memref_slice %arg5[%add3A_197, %dma_start3A_203] : memref<200x128xi32, #tpu.memory_space<vmem>> -> memref<1x128xi32, #tpu.memory_space<vmem>>
        %dma_start3A_205 = tpu.memref_squeeze %dma_start3A_204 : memref<1x128xi32, #tpu.memory_space<vmem>> -> memref<128xi32, #tpu.memory_space<vmem>>
        %dma_start3A_206 = arith.constant 0 : i32
        %dma_start3A_207 = arith.constant 0 : i32
        %dma_start3A_208 = tpu.memref_slice %arg2[%dma_start3A_206, %dma_start3A_207] : memref<1000000x128xf32, #tpu.memory_space<hbm>> -> memref<1000000x128xf32, #tpu.memory_space<hbm>>
        tpu.enqueue_indirect_dma source(%dma_start3A_208 : memref<1000000x128xf32, #tpu.memory_space<hbm>>) target(%dma_start3A_202 : memref<128x128xf32, #tpu.memory_space<vmem>>) offsets(%dma_start3A_205 : memref<128xi32, #tpu.memory_space<vmem>>) semaphore(%arg12 : memref<!tpu.dma_semaphore, #tpu.memory_space<semaphore_mem>>)
      } else {
      }
      %dma_wait3A_97 = arith.constant 1 : i32
      %dma_wait3A_98 = arith.constant 0 : i32
      %dma_wait3A_99 = arith.constant 0 : i32
      %dma_wait3A_100 = tpu.memref_slice %arg6[%dma_wait3A_97, %dma_wait3A_98, %dma_wait3A_99] : memref<4x128x128xf32, #tpu.memory_space<vmem>> -> memref<1x128x128xf32, #tpu.memory_space<vmem>>
      %dma_wait3A_101 = tpu.memref_squeeze %dma_wait3A_100 : memref<1x128x128xf32, #tpu.memory_space<vmem>> -> memref<128x128xf32, #tpu.memory_space<vmem>>
      %dma_wait3A_102 = arith.constant 0 : i32
      %dma_wait3A_103 = tpu.memref_slice %arg5[%add3A_84, %dma_wait3A_102] : memref<200x128xi32, #tpu.memory_space<vmem>> -> memref<1x128xi32, #tpu.memory_space<vmem>>
      %dma_wait3A_104 = tpu.memref_squeeze %dma_wait3A_103 : memref<1x128xi32, #tpu.memory_space<vmem>> -> memref<128xi32, #tpu.memory_space<vmem>>
      %dma_wait3A_105 = arith.constant 0 : i32
      %dma_wait3A_106 = arith.constant 0 : i32
      %dma_wait3A_107 = tpu.memref_slice %arg2[%dma_wait3A_105, %dma_wait3A_106] : memref<1000000x128xf32, #tpu.memory_space<hbm>> -> memref<1000000x128xf32, #tpu.memory_space<hbm>>
      tpu.wait_indirect_dma semaphore(%arg10 : memref<!tpu.dma_semaphore, #tpu.memory_space<semaphore_mem>>) src(%dma_wait3A_107 : memref<1000000x128xf32, #tpu.memory_space<hbm>>) dst(%dma_wait3A_101 : memref<128x128xf32, #tpu.memory_space<vmem>>)
      %parallel_loop3A_108 = arith.constant 0 : i32
      %parallel_loop3A_109 = arith.constant 128 : i32
      %parallel_loop3A_110 = arith.constant 1 : i32
      scf.for %parallel_loop3A_196 = %parallel_loop3A_108 to %parallel_loop3A_109 step %parallel_loop3A_110  : i32 {
        %parallel_loop3A_197 = arith.constant 1 : i32
        %parallel_loop3A_198 = arith.index_cast %parallel_loop3A_197 : i32 to index
        %parallel_loop3A_199 = arith.index_cast %parallel_loop3A_196 : i32 to index
        %parallel_loop3A_200 = arith.constant 0 : index
        %parallel_loop3A_201 = tpu.vector_load %arg6[%parallel_loop3A_198, %parallel_loop3A_199, %parallel_loop3A_200] {strides = array<i32>} : memref<4x128x128xf32, #tpu.memory_space<vmem>>, vector<16xf32>,
        %parallel_loop3A_202 = arith.constant 8.000000e+00 : f32
        %parallel_loop3A_203 = vector.broadcast %parallel_loop3A_202 : f32 to vector<16xf32>
        %parallel_loop3A_204 = arith.mulf %parallel_loop3A_201, %parallel_loop3A_203 : vector<16xf32>
        %parallel_loop3A_205 = arith.index_cast %parallel_loop3A_196 : i32 to index
        %parallel_loop3A_206 = arith.constant 0 : index
        %parallel_loop3A_207 = tpu.vector_load %arg8[%parallel_loop3A_205, %parallel_loop3A_206] {strides = array<i32>} : memref<128x64xf32, #tpu.memory_space<vmem>>, vector<16xf32>,
        tpu.vector_store %arg8[%parallel_loop3A_205, %parallel_loop3A_206], %parallel_loop3A_204 {strides = array<i32>} : memref<128x64xf32, #tpu.memory_space<vmem>>, vector<16xf32>,
        %parallel_loop3A_208 = arith.constant 1 : i32
        %parallel_loop3A_209 = arith.index_cast %parallel_loop3A_208 : i32 to index
        %parallel_loop3A_210 = arith.index_cast %parallel_loop3A_196 : i32 to index
        %parallel_loop3A_211 = arith.constant 16 : index
        %parallel_loop3A_212 = tpu.vector_load %arg6[%parallel_loop3A_209, %parallel_loop3A_210, %parallel_loop3A_211] {strides = array<i32>} : memref<4x128x128xf32, #tpu.memory_space<vmem>>, vector<16xf32>,
        %parallel_loop3A_213 = arith.constant 8.000000e+00 : f32
        %parallel_loop3A_214 = vector.broadcast %parallel_loop3A_213 : f32 to vector<16xf32>
        %parallel_loop3A_215 = arith.mulf %parallel_loop3A_212, %parallel_loop3A_214 : vector<16xf32>
        %parallel_loop3A_216 = arith.index_cast %parallel_loop3A_196 : i32 to index
        %parallel_loop3A_217 = arith.constant 16 : index
        %parallel_loop3A_218 = tpu.vector_load %arg8[%parallel_loop3A_216, %parallel_loop3A_217] {strides = array<i32>} : memref<128x64xf32, #tpu.memory_space<vmem>>, vector<16xf32>,
        tpu.vector_store %arg8[%parallel_loop3A_216, %parallel_loop3A_217], %parallel_loop3A_215 {strides = array<i32>} : memref<128x64xf32, #tpu.memory_space<vmem>>, vector<16xf32>,
        %parallel_loop3A_219 = arith.constant 1 : i32
        %parallel_loop3A_220 = arith.index_cast %parallel_loop3A_219 : i32 to index
        %parallel_loop3A_221 = arith.index_cast %parallel_loop3A_196 : i32 to index
        %parallel_loop3A_222 = arith.constant 32 : index
        %parallel_loop3A_223 = tpu.vector_load %arg6[%parallel_loop3A_220, %parallel_loop3A_221, %parallel_loop3A_222] {strides = array<i32>} : memref<4x128x128xf32, #tpu.memory_space<vmem>>, vector<16xf32>,
        %parallel_loop3A_224 = arith.constant 8.000000e+00 : f32
        %parallel_loop3A_225 = vector.broadcast %parallel_loop3A_224 : f32 to vector<16xf32>
        %parallel_loop3A_226 = arith.mulf %parallel_loop3A_223, %parallel_loop3A_225 : vector<16xf32>
        %parallel_loop3A_227 = arith.index_cast %parallel_loop3A_196 : i32 to index
        %parallel_loop3A_228 = arith.constant 32 : index
        %parallel_loop3A_229 = tpu.vector_load %arg8[%parallel_loop3A_227, %parallel_loop3A_228] {strides = array<i32>} : memref<128x64xf32, #tpu.memory_space<vmem>>, vector<16xf32>,
        tpu.vector_store %arg8[%parallel_loop3A_227, %parallel_loop3A_228], %parallel_loop3A_226 {strides = array<i32>} : memref<128x64xf32, #tpu.memory_space<vmem>>, vector<16xf32>,
        %parallel_loop3A_230 = arith.constant 1 : i32
        %parallel_loop3A_231 = arith.index_cast %parallel_loop3A_230 : i32 to index
        %parallel_loop3A_232 = arith.index_cast %parallel_loop3A_196 : i32 to index
        %parallel_loop3A_233 = arith.constant 48 : index
        %parallel_loop3A_234 = tpu.vector_load %arg6[%parallel_loop3A_231, %parallel_loop3A_232, %parallel_loop3A_233] {strides = array<i32>} : memref<4x128x128xf32, #tpu.memory_space<vmem>>, vector<16xf32>,
        %parallel_loop3A_235 = arith.constant 8.000000e+00 : f32
        %parallel_loop3A_236 = vector.broadcast %parallel_loop3A_235 : f32 to vector<16xf32>
        %parallel_loop3A_237 = arith.mulf %parallel_loop3A_234, %parallel_loop3A_236 : vector<16xf32>
        %parallel_loop3A_238 = arith.index_cast %parallel_loop3A_196 : i32 to index
        %parallel_loop3A_239 = arith.constant 48 : index
        %parallel_loop3A_240 = tpu.vector_load %arg8[%parallel_loop3A_238, %parallel_loop3A_239] {strides = array<i32>} : memref<128x64xf32, #tpu.memory_space<vmem>>, vector<16xf32>,
        tpu.vector_store %arg8[%parallel_loop3A_238, %parallel_loop3A_239], %parallel_loop3A_237 {strides = array<i32>} : memref<128x64xf32, #tpu.memory_space<vmem>>, vector<16xf32>,
      } {sc.loop_unroll_factor = 8 : i64, sc.parallel_access}
      %mul3A_111 = arith.constant 128 : i32
      %mul3A_112 = arith.muli %add3A_84, %mul3A_111 : i32
      %add3A_113 = arith.addi %mul3A_4, %mul3A_112 : i32
      %multiple_of3A_114 = tpu.assume_multiple %add3A_113, 128 : i32
      %dma_start3A_115 = arith.constant 0 : i32
      %dma_start3A_116 = tpu.memref_slice %arg4[%multiple_of3A_114, %dma_start3A_115] : memref<819200x64xf32, #tpu.memory_space<hbm>> -> memref<128x64xf32, #tpu.memory_space<hbm>>
      %dma_start3A_117 = arith.constant 0 : i32
      %dma_start3A_118 = tpu.memref_slice %arg4[%multiple_of3A_114, %dma_start3A_117] : memref<819200x64xf32, #tpu.memory_space<hbm>> -> memref<128x64xf32, #tpu.memory_space<hbm>>
      tpu.enqueue_dma source(%arg8 : memref<128x64xf32, #tpu.memory_space<vmem>>) target(%dma_start3A_118 : memref<128x64xf32, #tpu.memory_space<hbm>>) target_semaphore(%arg14 : memref<!tpu.dma_semaphore, #tpu.memory_space<semaphore_mem>>)
      %mul3A_119 = arith.constant 4 : i32
      %mul3A_120 = arith.muli %scan3A_46, %mul3A_119 : i32
      %add3A_121 = arith.constant 2 : i32
      %add3A_122 = arith.addi %mul3A_120, %add3A_121 : i32
      %ge3A_123 = arith.constant 2 : i32
      %ge3A_124 = arith.cmpi sge, %add3A_122, %ge3A_123 : i32
      %convert_element_type3A_125 = arith.extui %ge3A_124 : i1 to i32
      %cond3A_126 = arith.constant 0 : i32
      %cond3A_127 = arith.cmpi ne, %convert_element_type3A_125, %cond3A_126 : i32
      scf.if %cond3A_127 {
        %sub3A = arith.constant 2 : i32
        %sub3A_196 = arith.subi %add3A_122, %sub3A : i32
        %mul3A_197 = arith.constant 128 : i32
        %mul3A_198 = arith.muli %sub3A_196, %mul3A_197 : i32
        %add3A_199 = arith.addi %mul3A_4, %mul3A_198 : i32
        %multiple_of3A_200 = tpu.assume_multiple %add3A_199, 128 : i32
        %dma_wait3A_201 = arith.constant 0 : i32
        %dma_wait3A_202 = tpu.memref_slice %arg4[%multiple_of3A_200, %dma_wait3A_201] : memref<819200x64xf32, #tpu.memory_space<hbm>> -> memref<128x64xf32, #tpu.memory_space<hbm>>
        %dma_wait3A_203 = arith.constant 0 : i32
        %dma_wait3A_204 = tpu.memref_slice %arg4[%multiple_of3A_200, %dma_wait3A_203] : memref<819200x64xf32, #tpu.memory_space<hbm>> -> memref<128x64xf32, #tpu.memory_space<hbm>>
        tpu.wait_dma2 semaphore(%arg13 : memref<!tpu.dma_semaphore, #tpu.memory_space<semaphore_mem>>) src(%arg7 : memref<128x64xf32, #tpu.memory_space<vmem>>) dst(%dma_wait3A_204 : memref<128x64xf32, #tpu.memory_space<hbm>>)
      } else {
      }
      %add3A_128 = arith.constant 2 : i32
      %add3A_129 = arith.addi %add3A_122, %add3A_128 : i32
      %lt3A_130 = arith.constant 200 : i32
      %lt3A_131 = arith.cmpi slt, %add3A_129, %lt3A_130 : i32
      %convert_element_type3A_132 = arith.extui %lt3A_131 : i1 to i32
      %cond3A_133 = arith.constant 0 : i32
      %cond3A_134 = arith.cmpi ne, %convert_element_type3A_132, %cond3A_133 : i32
      scf.if %cond3A_134 {
        %add3A_196 = arith.constant 2 : i32
        %add3A_197 = arith.addi %add3A_122, %add3A_196 : i32
        %dma_start3A_198 = arith.constant 0 : i32
        %dma_start3A_199 = arith.constant 0 : i32
        %dma_start3A_200 = arith.constant 0 : i32
        %dma_start3A_201 = tpu.memref_slice %arg6[%dma_start3A_198, %dma_start3A_199, %dma_start3A_200] : memref<4x128x128xf32, #tpu.memory_space<vmem>> -> memref<1x128x128xf32, #tpu.memory_space<vmem>>
        %dma_start3A_202 = tpu.memref_squeeze %dma_start3A_201 : memref<1x128x128xf32, #tpu.memory_space<vmem>> -> memref<128x128xf32, #tpu.memory_space<vmem>>
        %dma_start3A_203 = arith.constant 0 : i32
        %dma_start3A_204 = tpu.memref_slice %arg5[%add3A_197, %dma_start3A_203] : memref<200x128xi32, #tpu.memory_space<vmem>> -> memref<1x128xi32, #tpu.memory_space<vmem>>
        %dma_start3A_205 = tpu.memref_squeeze %dma_start3A_204 : memref<1x128xi32, #tpu.memory_space<vmem>> -> memref<128xi32, #tpu.memory_space<vmem>>
        %dma_start3A_206 = arith.constant 0 : i32
        %dma_start3A_207 = arith.constant 0 : i32
        %dma_start3A_208 = tpu.memref_slice %arg2[%dma_start3A_206, %dma_start3A_207] : memref<1000000x128xf32, #tpu.memory_space<hbm>> -> memref<1000000x128xf32, #tpu.memory_space<hbm>>
        tpu.enqueue_indirect_dma source(%dma_start3A_208 : memref<1000000x128xf32, #tpu.memory_space<hbm>>) target(%dma_start3A_202 : memref<128x128xf32, #tpu.memory_space<vmem>>) offsets(%dma_start3A_205 : memref<128xi32, #tpu.memory_space<vmem>>) semaphore(%arg9 : memref<!tpu.dma_semaphore, #tpu.memory_space<semaphore_mem>>)
      } else {
      }
      %dma_wait3A_135 = arith.constant 2 : i32
      %dma_wait3A_136 = arith.constant 0 : i32
      %dma_wait3A_137 = arith.constant 0 : i32
      %dma_wait3A_138 = tpu.memref_slice %arg6[%dma_wait3A_135, %dma_wait3A_136, %dma_wait3A_137] : memref<4x128x128xf32, #tpu.memory_space<vmem>> -> memref<1x128x128xf32, #tpu.memory_space<vmem>>
      %dma_wait3A_139 = tpu.memref_squeeze %dma_wait3A_138 : memref<1x128x128xf32, #tpu.memory_space<vmem>> -> memref<128x128xf32, #tpu.memory_space<vmem>>
      %dma_wait3A_140 = arith.constant 0 : i32
      %dma_wait3A_141 = tpu.memref_slice %arg5[%add3A_122, %dma_wait3A_140] : memref<200x128xi32, #tpu.memory_space<vmem>> -> memref<1x128xi32, #tpu.memory_space<vmem>>
      %dma_wait3A_142 = tpu.memref_squeeze %dma_wait3A_141 : memref<1x128xi32, #tpu.memory_space<vmem>> -> memref<128xi32, #tpu.memory_space<vmem>>
      %dma_wait3A_143 = arith.constant 0 : i32
      %dma_wait3A_144 = arith.constant 0 : i32
      %dma_wait3A_145 = tpu.memref_slice %arg2[%dma_wait3A_143, %dma_wait3A_144] : memref<1000000x128xf32, #tpu.memory_space<hbm>> -> memref<1000000x128xf32, #tpu.memory_space<hbm>>
      tpu.wait_indirect_dma semaphore(%arg11 : memref<!tpu.dma_semaphore, #tpu.memory_space<semaphore_mem>>) src(%dma_wait3A_145 : memref<1000000x128xf32, #tpu.memory_space<hbm>>) dst(%dma_wait3A_139 : memref<128x128xf32, #tpu.memory_space<vmem>>)
      %parallel_loop3A_146 = arith.constant 0 : i32
      %parallel_loop3A_147 = arith.constant 128 : i32
      %parallel_loop3A_148 = arith.constant 1 : i32
      scf.for %parallel_loop3A_196 = %parallel_loop3A_146 to %parallel_loop3A_147 step %parallel_loop3A_148  : i32 {
        %parallel_loop3A_197 = arith.constant 2 : i32
        %parallel_loop3A_198 = arith.index_cast %parallel_loop3A_197 : i32 to index
        %parallel_loop3A_199 = arith.index_cast %parallel_loop3A_196 : i32 to index
        %parallel_loop3A_200 = arith.constant 0 : index
        %parallel_loop3A_201 = tpu.vector_load %arg6[%parallel_loop3A_198, %parallel_loop3A_199, %parallel_loop3A_200] {strides = array<i32>} : memref<4x128x128xf32, #tpu.memory_space<vmem>>, vector<16xf32>,
        %parallel_loop3A_202 = arith.constant 8.000000e+00 : f32
        %parallel_loop3A_203 = vector.broadcast %parallel_loop3A_202 : f32 to vector<16xf32>
        %parallel_loop3A_204 = arith.mulf %parallel_loop3A_201, %parallel_loop3A_203 : vector<16xf32>
        %parallel_loop3A_205 = arith.index_cast %parallel_loop3A_196 : i32 to index
        %parallel_loop3A_206 = arith.constant 0 : index
        %parallel_loop3A_207 = tpu.vector_load %arg7[%parallel_loop3A_205, %parallel_loop3A_206] {strides = array<i32>} : memref<128x64xf32, #tpu.memory_space<vmem>>, vector<16xf32>,
        tpu.vector_store %arg7[%parallel_loop3A_205, %parallel_loop3A_206], %parallel_loop3A_204 {strides = array<i32>} : memref<128x64xf32, #tpu.memory_space<vmem>>, vector<16xf32>,
        %parallel_loop3A_208 = arith.constant 2 : i32
        %parallel_loop3A_209 = arith.index_cast %parallel_loop3A_208 : i32 to index
        %parallel_loop3A_210 = arith.index_cast %parallel_loop3A_196 : i32 to index
        %parallel_loop3A_211 = arith.constant 16 : index
        %parallel_loop3A_212 = tpu.vector_load %arg6[%parallel_loop3A_209, %parallel_loop3A_210, %parallel_loop3A_211] {strides = array<i32>} : memref<4x128x128xf32, #tpu.memory_space<vmem>>, vector<16xf32>,
        %parallel_loop3A_213 = arith.constant 8.000000e+00 : f32
        %parallel_loop3A_214 = vector.broadcast %parallel_loop3A_213 : f32 to vector<16xf32>
        %parallel_loop3A_215 = arith.mulf %parallel_loop3A_212, %parallel_loop3A_214 : vector<16xf32>
        %parallel_loop3A_216 = arith.index_cast %parallel_loop3A_196 : i32 to index
        %parallel_loop3A_217 = arith.constant 16 : index
        %parallel_loop3A_218 = tpu.vector_load %arg7[%parallel_loop3A_216, %parallel_loop3A_217] {strides = array<i32>} : memref<128x64xf32, #tpu.memory_space<vmem>>, vector<16xf32>,
        tpu.vector_store %arg7[%parallel_loop3A_216, %parallel_loop3A_217], %parallel_loop3A_215 {strides = array<i32>} : memref<128x64xf32, #tpu.memory_space<vmem>>, vector<16xf32>,
        %parallel_loop3A_219 = arith.constant 2 : i32
        %parallel_loop3A_220 = arith.index_cast %parallel_loop3A_219 : i32 to index
        %parallel_loop3A_221 = arith.index_cast %parallel_loop3A_196 : i32 to index
        %parallel_loop3A_222 = arith.constant 32 : index
        %parallel_loop3A_223 = tpu.vector_load %arg6[%parallel_loop3A_220, %parallel_loop3A_221, %parallel_loop3A_222] {strides = array<i32>} : memref<4x128x128xf32, #tpu.memory_space<vmem>>, vector<16xf32>,
        %parallel_loop3A_224 = arith.constant 8.000000e+00 : f32
        %parallel_loop3A_225 = vector.broadcast %parallel_loop3A_224 : f32 to vector<16xf32>
        %parallel_loop3A_226 = arith.mulf %parallel_loop3A_223, %parallel_loop3A_225 : vector<16xf32>
        %parallel_loop3A_227 = arith.index_cast %parallel_loop3A_196 : i32 to index
        %parallel_loop3A_228 = arith.constant 32 : index
        %parallel_loop3A_229 = tpu.vector_load %arg7[%parallel_loop3A_227, %parallel_loop3A_228] {strides = array<i32>} : memref<128x64xf32, #tpu.memory_space<vmem>>, vector<16xf32>,
        tpu.vector_store %arg7[%parallel_loop3A_227, %parallel_loop3A_228], %parallel_loop3A_226 {strides = array<i32>} : memref<128x64xf32, #tpu.memory_space<vmem>>, vector<16xf32>,
        %parallel_loop3A_230 = arith.constant 2 : i32
        %parallel_loop3A_231 = arith.index_cast %parallel_loop3A_230 : i32 to index
        %parallel_loop3A_232 = arith.index_cast %parallel_loop3A_196 : i32 to index
        %parallel_loop3A_233 = arith.constant 48 : index
        %parallel_loop3A_234 = tpu.vector_load %arg6[%parallel_loop3A_231, %parallel_loop3A_232, %parallel_loop3A_233] {strides = array<i32>} : memref<4x128x128xf32, #tpu.memory_space<vmem>>, vector<16xf32>,
        %parallel_loop3A_235 = arith.constant 8.000000e+00 : f32
        %parallel_loop3A_236 = vector.broadcast %parallel_loop3A_235 : f32 to vector<16xf32>
        %parallel_loop3A_237 = arith.mulf %parallel_loop3A_234, %parallel_loop3A_236 : vector<16xf32>
        %parallel_loop3A_238 = arith.index_cast %parallel_loop3A_196 : i32 to index
        %parallel_loop3A_239 = arith.constant 48 : index
        %parallel_loop3A_240 = tpu.vector_load %arg7[%parallel_loop3A_238, %parallel_loop3A_239] {strides = array<i32>} : memref<128x64xf32, #tpu.memory_space<vmem>>, vector<16xf32>,
        tpu.vector_store %arg7[%parallel_loop3A_238, %parallel_loop3A_239], %parallel_loop3A_237 {strides = array<i32>} : memref<128x64xf32, #tpu.memory_space<vmem>>, vector<16xf32>,
      } {sc.loop_unroll_factor = 8 : i64, sc.parallel_access}
      %mul3A_149 = arith.constant 128 : i32
      %mul3A_150 = arith.muli %add3A_122, %mul3A_149 : i32
      %add3A_151 = arith.addi %mul3A_4, %mul3A_150 : i32
      %multiple_of3A_152 = tpu.assume_multiple %add3A_151, 128 : i32
      %dma_start3A_153 = arith.constant 0 : i32
      %dma_start3A_154 = tpu.memref_slice %arg4[%multiple_of3A_152, %dma_start3A_153] : memref<819200x64xf32, #tpu.memory_space<hbm>> -> memref<128x64xf32, #tpu.memory_space<hbm>>
      %dma_start3A_155 = arith.constant 0 : i32
      %dma_start3A_156 = tpu.memref_slice %arg4[%multiple_of3A_152, %dma_start3A_155] : memref<819200x64xf32, #tpu.memory_space<hbm>> -> memref<128x64xf32, #tpu.memory_space<hbm>>
      tpu.enqueue_dma source(%arg7 : memref<128x64xf32, #tpu.memory_space<vmem>>) target(%dma_start3A_156 : memref<128x64xf32, #tpu.memory_space<hbm>>) target_semaphore(%arg13 : memref<!tpu.dma_semaphore, #tpu.memory_space<semaphore_mem>>)
      %mul3A_157 = arith.constant 4 : i32
      %mul3A_158 = arith.muli %scan3A_46, %mul3A_157 : i32
      %add3A_159 = arith.constant 3 : i32
      %add3A_160 = arith.addi %mul3A_158, %add3A_159 : i32
      %ge3A_161 = arith.constant 2 : i32
      %ge3A_162 = arith.cmpi sge, %add3A_160, %ge3A_161 : i32
      %convert_element_type3A_163 = arith.extui %ge3A_162 : i1 to i32
      %cond3A_164 = arith.constant 0 : i32
      %cond3A_165 = arith.cmpi ne, %convert_element_type3A_163, %cond3A_164 : i32
      scf.if %cond3A_165 {
        %sub3A = arith.constant 2 : i32
        %sub3A_196 = arith.subi %add3A_160, %sub3A : i32
        %mul3A_197 = arith.constant 128 : i32
        %mul3A_198 = arith.muli %sub3A_196, %mul3A_197 : i32
        %add3A_199 = arith.addi %mul3A_4, %mul3A_198 : i32
        %multiple_of3A_200 = tpu.assume_multiple %add3A_199, 128 : i32
        %dma_wait3A_201 = arith.constant 0 : i32
        %dma_wait3A_202 = tpu.memref_slice %arg4[%multiple_of3A_200, %dma_wait3A_201] : memref<819200x64xf32, #tpu.memory_space<hbm>> -> memref<128x64xf32, #tpu.memory_space<hbm>>
        %dma_wait3A_203 = arith.constant 0 : i32
        %dma_wait3A_204 = tpu.memref_slice %arg4[%multiple_of3A_200, %dma_wait3A_203] : memref<819200x64xf32, #tpu.memory_space<hbm>> -> memref<128x64xf32, #tpu.memory_space<hbm>>
        tpu.wait_dma2 semaphore(%arg14 : memref<!tpu.dma_semaphore, #tpu.memory_space<semaphore_mem>>) src(%arg8 : memref<128x64xf32, #tpu.memory_space<vmem>>) dst(%dma_wait3A_204 : memref<128x64xf32, #tpu.memory_space<hbm>>)
      } else {
      }
      %add3A_166 = arith.constant 2 : i32
      %add3A_167 = arith.addi %add3A_160, %add3A_166 : i32
      %lt3A_168 = arith.constant 200 : i32
      %lt3A_169 = arith.cmpi slt, %add3A_167, %lt3A_168 : i32
      %convert_element_type3A_170 = arith.extui %lt3A_169 : i1 to i32
      %cond3A_171 = arith.constant 0 : i32
      %cond3A_172 = arith.cmpi ne, %convert_element_type3A_170, %cond3A_171 : i32
      scf.if %cond3A_172 {
        %add3A_196 = arith.constant 2 : i32
        %add3A_197 = arith.addi %add3A_160, %add3A_196 : i32
        %dma_start3A_198 = arith.constant 1 : i32
        %dma_start3A_199 = arith.constant 0 : i32
        %dma_start3A_200 = arith.constant 0 : i32
        %dma_start3A_201 = tpu.memref_slice %arg6[%dma_start3A_198, %dma_start3A_199, %dma_start3A_200] : memref<4x128x128xf32, #tpu.memory_space<vmem>> -> memref<1x128x128xf32, #tpu.memory_space<vmem>>
        %dma_start3A_202 = tpu.memref_squeeze %dma_start3A_201 : memref<1x128x128xf32, #tpu.memory_space<vmem>> -> memref<128x128xf32, #tpu.memory_space<vmem>>
        %dma_start3A_203 = arith.constant 0 : i32
        %dma_start3A_204 = tpu.memref_slice %arg5[%add3A_197, %dma_start3A_203] : memref<200x128xi32, #tpu.memory_space<vmem>> -> memref<1x128xi32, #tpu.memory_space<vmem>>
        %dma_start3A_205 = tpu.memref_squeeze %dma_start3A_204 : memref<1x128xi32, #tpu.memory_space<vmem>> -> memref<128xi32, #tpu.memory_space<vmem>>
        %dma_start3A_206 = arith.constant 0 : i32
        %dma_start3A_207 = arith.constant 0 : i32
        %dma_start3A_208 = tpu.memref_slice %arg2[%dma_start3A_206, %dma_start3A_207] : memref<1000000x128xf32, #tpu.memory_space<hbm>> -> memref<1000000x128xf32, #tpu.memory_space<hbm>>
        tpu.enqueue_indirect_dma source(%dma_start3A_208 : memref<1000000x128xf32, #tpu.memory_space<hbm>>) target(%dma_start3A_202 : memref<128x128xf32, #tpu.memory_space<vmem>>) offsets(%dma_start3A_205 : memref<128xi32, #tpu.memory_space<vmem>>) semaphore(%arg10 : memref<!tpu.dma_semaphore, #tpu.memory_space<semaphore_mem>>)
      } else {
      }
      %dma_wait3A_173 = arith.constant 3 : i32
      %dma_wait3A_174 = arith.constant 0 : i32
      %dma_wait3A_175 = arith.constant 0 : i32
      %dma_wait3A_176 = tpu.memref_slice %arg6[%dma_wait3A_173, %dma_wait3A_174, %dma_wait3A_175] : memref<4x128x128xf32, #tpu.memory_space<vmem>> -> memref<1x128x128xf32, #tpu.memory_space<vmem>>
      %dma_wait3A_177 = tpu.memref_squeeze %dma_wait3A_176 : memref<1x128x128xf32, #tpu.memory_space<vmem>> -> memref<128x128xf32, #tpu.memory_space<vmem>>
      %dma_wait3A_178 = arith.constant 0 : i32
      %dma_wait3A_179 = tpu.memref_slice %arg5[%add3A_160, %dma_wait3A_178] : memref<200x128xi32, #tpu.memory_space<vmem>> -> memref<1x128xi32, #tpu.memory_space<vmem>>
      %dma_wait3A_180 = tpu.memref_squeeze %dma_wait3A_179 : memref<1x128xi32, #tpu.memory_space<vmem>> -> memref<128xi32, #tpu.memory_space<vmem>>
      %dma_wait3A_181 = arith.constant 0 : i32
      %dma_wait3A_182 = arith.constant 0 : i32
      %dma_wait3A_183 = tpu.memref_slice %arg2[%dma_wait3A_181, %dma_wait3A_182] : memref<1000000x128xf32, #tpu.memory_space<hbm>> -> memref<1000000x128xf32, #tpu.memory_space<hbm>>
      tpu.wait_indirect_dma semaphore(%arg12 : memref<!tpu.dma_semaphore, #tpu.memory_space<semaphore_mem>>) src(%dma_wait3A_183 : memref<1000000x128xf32, #tpu.memory_space<hbm>>) dst(%dma_wait3A_177 : memref<128x128xf32, #tpu.memory_space<vmem>>)
      %parallel_loop3A_184 = arith.constant 0 : i32
      %parallel_loop3A_185 = arith.constant 128 : i32
      %parallel_loop3A_186 = arith.constant 1 : i32
      scf.for %parallel_loop3A_196 = %parallel_loop3A_184 to %parallel_loop3A_185 step %parallel_loop3A_186  : i32 {
        %parallel_loop3A_197 = arith.constant 3 : i32
        %parallel_loop3A_198 = arith.index_cast %parallel_loop3A_197 : i32 to index
        %parallel_loop3A_199 = arith.index_cast %parallel_loop3A_196 : i32 to index
        %parallel_loop3A_200 = arith.constant 0 : index
        %parallel_loop3A_201 = tpu.vector_load %arg6[%parallel_loop3A_198, %parallel_loop3A_199, %parallel_loop3A_200] {strides = array<i32>} : memref<4x128x128xf32, #tpu.memory_space<vmem>>, vector<16xf32>,
        %parallel_loop3A_202 = arith.constant 8.000000e+00 : f32
        %parallel_loop3A_203 = vector.broadcast %parallel_loop3A_202 : f32 to vector<16xf32>
        %parallel_loop3A_204 = arith.mulf %parallel_loop3A_201, %parallel_loop3A_203 : vector<16xf32>
        %parallel_loop3A_205 = arith.index_cast %parallel_loop3A_196 : i32 to index
        %parallel_loop3A_206 = arith.constant 0 : index
        %parallel_loop3A_207 = tpu.vector_load %arg8[%parallel_loop3A_205, %parallel_loop3A_206] {strides = array<i32>} : memref<128x64xf32, #tpu.memory_space<vmem>>, vector<16xf32>,
        tpu.vector_store %arg8[%parallel_loop3A_205, %parallel_loop3A_206], %parallel_loop3A_204 {strides = array<i32>} : memref<128x64xf32, #tpu.memory_space<vmem>>, vector<16xf32>,
        %parallel_loop3A_208 = arith.constant 3 : i32
        %parallel_loop3A_209 = arith.index_cast %parallel_loop3A_208 : i32 to index
        %parallel_loop3A_210 = arith.index_cast %parallel_loop3A_196 : i32 to index
        %parallel_loop3A_211 = arith.constant 16 : index
        %parallel_loop3A_212 = tpu.vector_load %arg6[%parallel_loop3A_209, %parallel_loop3A_210, %parallel_loop3A_211] {strides = array<i32>} : memref<4x128x128xf32, #tpu.memory_space<vmem>>, vector<16xf32>,
        %parallel_loop3A_213 = arith.constant 8.000000e+00 : f32
        %parallel_loop3A_214 = vector.broadcast %parallel_loop3A_213 : f32 to vector<16xf32>
        %parallel_loop3A_215 = arith.mulf %parallel_loop3A_212, %parallel_loop3A_214 : vector<16xf32>
        %parallel_loop3A_216 = arith.index_cast %parallel_loop3A_196 : i32 to index
        %parallel_loop3A_217 = arith.constant 16 : index
        %parallel_loop3A_218 = tpu.vector_load %arg8[%parallel_loop3A_216, %parallel_loop3A_217] {strides = array<i32>} : memref<128x64xf32, #tpu.memory_space<vmem>>, vector<16xf32>,
        tpu.vector_store %arg8[%parallel_loop3A_216, %parallel_loop3A_217], %parallel_loop3A_215 {strides = array<i32>} : memref<128x64xf32, #tpu.memory_space<vmem>>, vector<16xf32>,
        %parallel_loop3A_219 = arith.constant 3 : i32
        %parallel_loop3A_220 = arith.index_cast %parallel_loop3A_219 : i32 to index
        %parallel_loop3A_221 = arith.index_cast %parallel_loop3A_196 : i32 to index
        %parallel_loop3A_222 = arith.constant 32 : index
        %parallel_loop3A_223 = tpu.vector_load %arg6[%parallel_loop3A_220, %parallel_loop3A_221, %parallel_loop3A_222] {strides = array<i32>} : memref<4x128x128xf32, #tpu.memory_space<vmem>>, vector<16xf32>,
        %parallel_loop3A_224 = arith.constant 8.000000e+00 : f32
        %parallel_loop3A_225 = vector.broadcast %parallel_loop3A_224 : f32 to vector<16xf32>
        %parallel_loop3A_226 = arith.mulf %parallel_loop3A_223, %parallel_loop3A_225 : vector<16xf32>
        %parallel_loop3A_227 = arith.index_cast %parallel_loop3A_196 : i32 to index
        %parallel_loop3A_228 = arith.constant 32 : index
        %parallel_loop3A_229 = tpu.vector_load %arg8[%parallel_loop3A_227, %parallel_loop3A_228] {strides = array<i32>} : memref<128x64xf32, #tpu.memory_space<vmem>>, vector<16xf32>,
        tpu.vector_store %arg8[%parallel_loop3A_227, %parallel_loop3A_228], %parallel_loop3A_226 {strides = array<i32>} : memref<128x64xf32, #tpu.memory_space<vmem>>, vector<16xf32>,
        %parallel_loop3A_230 = arith.constant 3 : i32
        %parallel_loop3A_231 = arith.index_cast %parallel_loop3A_230 : i32 to index
        %parallel_loop3A_232 = arith.index_cast %parallel_loop3A_196 : i32 to index
        %parallel_loop3A_233 = arith.constant 48 : index
        %parallel_loop3A_234 = tpu.vector_load %arg6[%parallel_loop3A_231, %parallel_loop3A_232, %parallel_loop3A_233] {strides = array<i32>} : memref<4x128x128xf32, #tpu.memory_space<vmem>>, vector<16xf32>,
        %parallel_loop3A_235 = arith.constant 8.000000e+00 : f32
        %parallel_loop3A_236 = vector.broadcast %parallel_loop3A_235 : f32 to vector<16xf32>
        %parallel_loop3A_237 = arith.mulf %parallel_loop3A_234, %parallel_loop3A_236 : vector<16xf32>
        %parallel_loop3A_238 = arith.index_cast %parallel_loop3A_196 : i32 to index
        %parallel_loop3A_239 = arith.constant 48 : index
        %parallel_loop3A_240 = tpu.vector_load %arg8[%parallel_loop3A_238, %parallel_loop3A_239] {strides = array<i32>} : memref<128x64xf32, #tpu.memory_space<vmem>>, vector<16xf32>,
        tpu.vector_store %arg8[%parallel_loop3A_238, %parallel_loop3A_239], %parallel_loop3A_237 {strides = array<i32>} : memref<128x64xf32, #tpu.memory_space<vmem>>, vector<16xf32>,
      } {sc.loop_unroll_factor = 8 : i64, sc.parallel_access}
      %mul3A_187 = arith.constant 128 : i32
      %mul3A_188 = arith.muli %add3A_160, %mul3A_187 : i32
      %add3A_189 = arith.addi %mul3A_4, %mul3A_188 : i32
      %multiple_of3A_190 = tpu.assume_multiple %add3A_189, 128 : i32
      %dma_start3A_191 = arith.constant 0 : i32
      %dma_start3A_192 = tpu.memref_slice %arg4[%multiple_of3A_190, %dma_start3A_191] : memref<819200x64xf32, #tpu.memory_space<hbm>> -> memref<128x64xf32, #tpu.memory_space<hbm>>
      %dma_start3A_193 = arith.constant 0 : i32
      %dma_start3A_194 = tpu.memref_slice %arg4[%multiple_of3A_190, %dma_start3A_193] : memref<819200x64xf32, #tpu.memory_space<hbm>> -> memref<128x64xf32, #tpu.memory_space<hbm>>
      tpu.enqueue_dma source(%arg8 : memref<128x64xf32, #tpu.memory_space<vmem>>) target(%dma_start3A_194 : memref<128x64xf32, #tpu.memory_space<hbm>>) target_semaphore(%arg14 : memref<!tpu.dma_semaphore, #tpu.memory_space<semaphore_mem>>)
      %scan3A_195 = arith.constant 0 : i32
      scf.yield %scan3A_195 : i32
    }
    %scan3A_33 = arith.constant 50 : i32
    %add3A_34 = arith.constant 25344 : i32
    %add3A_35 = arith.addi %mul3A_4, %add3A_34 : i32
    %multiple_of3A = tpu.assume_multiple %add3A_35, 128 : i32
    %dma_wait3A = arith.constant 0 : i32
    %dma_wait3A_36 = tpu.memref_slice %arg4[%multiple_of3A, %dma_wait3A] : memref<819200x64xf32, #tpu.memory_space<hbm>> -> memref<128x64xf32, #tpu.memory_space<hbm>>
    %dma_wait3A_37 = arith.constant 0 : i32
    %dma_wait3A_38 = tpu.memref_slice %arg4[%multiple_of3A, %dma_wait3A_37] : memref<819200x64xf32, #tpu.memory_space<hbm>> -> memref<128x64xf32, #tpu.memory_space<hbm>>
    tpu.wait_dma2 semaphore(%arg13 : memref<!tpu.dma_semaphore, #tpu.memory_space<semaphore_mem>>) src(%arg7 : memref<128x64xf32, #tpu.memory_space<vmem>>) dst(%dma_wait3A_38 : memref<128x64xf32, #tpu.memory_space<hbm>>)
    %add3A_39 = arith.constant 25472 : i32
    %add3A_40 = arith.addi %mul3A_4, %add3A_39 : i32
    %multiple_of3A_41 = tpu.assume_multiple %add3A_40, 128 : i32
    %dma_wait3A_42 = arith.constant 0 : i32
    %dma_wait3A_43 = tpu.memref_slice %arg4[%multiple_of3A_41, %dma_wait3A_42] : memref<819200x64xf32, #tpu.memory_space<hbm>> -> memref<128x64xf32, #tpu.memory_space<hbm>>
    %dma_wait3A_44 = arith.constant 0 : i32
    %dma_wait3A_45 = tpu.memref_slice %arg4[%multiple_of3A_41, %dma_wait3A_44] : memref<819200x64xf32, #tpu.memory_space<hbm>> -> memref<128x64xf32, #tpu.memory_space<hbm>>
    tpu.wait_dma2 semaphore(%arg14 : memref<!tpu.dma_semaphore, #tpu.memory_space<semaphore_mem>>) src(%arg8 : memref<128x64xf32, #tpu.memory_space<vmem>>) dst(%dma_wait3A_45 : memref<128x64xf32, #tpu.memory_space<hbm>>)
    return
  }
}

</mosaic_0001>

<sc_bundles>
// kernel: kernel.11.cloned.1.call-start
scs
__scs_entry_jumppad:
0x0: {  	(pc) =	sbr.rel $0x88, $3  }
0x1: {  	(tag) =	ssettag $0x0;
	lr =	simm.s32 $0x1  }
0x2: {  	[smem:$0x3F9F] =	sst lr;
	_ =	strace $0xD0000000  }
0x3: {  	_ = 	snop  }
0x4: {  	_ = 	snop  }
0x5: {  	_ = 	snop  }
0x6: {  	_ = 	snop  }
0x7: {  	_ = 	snop  }
__scs_overlays_trampoline_lowered:
0x8: {  	[smem:$0x3FAE] =	sst s0  }
0x9: {  	[smem:$0x3FAF] =	sst s1  }
0xa: {  	[smem:$0x3FB0] =	sst s2  }
0xb: {  	[smem:$0x3FB1] =	sst s3  }
0xc: {  	[smem:$0x3FB2] =	sst s4  }
0xd: {  	[smem:$0x3FB3] =	sst s5  }
0xe: {  	[smem:$0x3FB4] =	sst s6  }
0xf: {  	[smem:$0x3FB5] =	sst s7  }
0x10: {  	[smem:$0x3FB6] =	sst s8  }
0x11: {  	[smem:$0x3FB7] =	sst s9;
	s0 =	simm.s32 @!p0 $0x0  }
0x12: {  	s1 =	sld [smem:$0x3F9D];
	s0 =	simm.s32 @p0 $0x1  }
0x13: {  	[smem:$0x3FB8] =	sst s0;
	s0 =	simm.s32 @!p1 $0x0  }
0x14: {  	s2 =	sld [smem:$0x3F9C];
	s0 =	simm.s32 @p1 $0x1  }
0x15: {  	[smem:$0x3FB9] =	sst s0;
	s0 =	simm.s32 @!p2 $0x0  }
0x16: {  	s3 =	sld [smem:$0x3FDB];
	s0 =	simm.s32 @p2 $0x1  }
0x17: {  	s4 =	simm.s32 $0x1BF5;
	[smem:$0x3FBB] =	sst s0  }
0x18: {  	s0 =	sld [smem:$0x3F9E];
	_ =	swait.ge [sflag:s4], $0x0  }
0x19: {  	s7 =	sld [smem:$0x3F9F]  }
0x1a: {  	s8 =	sadd.s32 $0xFFFFE003, lr  }
0x1b: {  	s9 =	sadd.s32 $0xFFFFFEF7, lr;
	s5 =	simm.s32 $0xFFFFFFFF;
	p2 =	slt.u32 s8, $0xFFFFF086  }
0x1c: {  	p1 =	slt.u32 s9, $0xF7A;
	s5 =	simm.s32 @!p2 $0x0  }
0x1d: {  	s5 =	simm.s32 @p1 $0x1;
	p0 =	seq.s32 s7, s2  }
0x1e: {  	s7 =	smul.u32 @!p0 $0xF7A, s2;
	p2 =	seq.s32 @!p0 s5, $0x0  }
0x1f: {  	s9 =	smul.u32 $0xF7A, s1;
	s8 =	simm.s32 @!p0 $0x1BF5;
	p2 =	por !p2, p0  }
0x20: {  	[sflag:s8] =	ssyncset.s32 @!p0 $0xFFFFF086;
	s6 =	sadd.s32 @!p0 s3, s7;
	s7 =	simm.s32 @!p0 $0x108  }
0x21: {  	s3 =	sadd.s32 s3, s9;
	s6 =	sadd.s32 @!p0 $0x88, s6;
	s7 =	simm.s32 @p2 $0x1082  }
0x22: {  	[simem:s7], [sflag:s8] =	dma.local @!p0 [hbm:s6], $0xF7A  }
0x23: {  	s9 =	sor.u32 $0xD0000000, s2;
	s6 =	simm.s32 $0x108;
	_ =	swait.ge @!p0 [sflag:s8], $0x0  }
0x24: {  	s3 =	sadd.s32 $0x88, s3;
	s6 =	simm.s32 @!p1 $0x1082;
	[sflag:s4] =	ssyncset.s32 $0xFFFFF086  }
0x25: {  	[simem:s6], [sflag:s4] =	dma.local [hbm:s3], $0xF7A  }
0x26: {  	[smem:$0x3F9F] =	sst s1;
	(tag) =	ssettag s2;
	_ =	strace s9  }
0x27: {  	s1 =	sld [smem:$0x3FAF]  }
0x28: {  	s2 =	sld [smem:$0x3FB0]  }
0x29: {  	s4 =	sld [smem:$0x3FB2]  }
0x2a: {  	p0 =	seq.s32 s5, $0x0;
	s5 =	sld [smem:$0x3FB3]  }
0x2b: {  	s6 =	sld [smem:$0x3FB4]  }
0x2c: {  	s7 =	sld [smem:$0x3FB5]  }
0x2d: {  	s3 =	simm.s32 $0x108;
	s8 =	sld [smem:$0x3FB6]  }
0x2e: {  	s3 =	simm.s32 @!p0 $0x1082;
	s9 =	sld [smem:$0x3FB7]  }
0x2f: {  	lr =	sadd.s32 s0, s3;
	s0 =	sld [smem:$0x3FAE]  }
0x30: {  	s3 =	sld [smem:$0x3FB1]  }
0x31: {  	[smem:$0x3FBA] =	sst s10  }
0x32: {  	s10 =	sld [smem:$0x3FB8];
	_ =	sdelay $0x3  }
0x33: {  	p0 =	seq.s32 s10, $0x1;
	s10 =	sld [smem:$0x3FBA];
	_ =	sdelay $0x3  }
0x34: {  	[smem:$0x3FBA] =	sst s10  }
0x35: {  	s10 =	sld [smem:$0x3FB9];
	_ =	sdelay $0x3  }
0x36: {  	p1 =	seq.s32 s10, $0x1;
	s10 =	sld [smem:$0x3FBA];
	_ =	sdelay $0x3  }
0x37: {  	[smem:$0x3FBA] =	sst s10  }
0x38: {  	s10 =	sld [smem:$0x3FBB]  }
0x39: {  	_ = 	snop;
	(pc) =	sbr.ind lr, $3  }
0x3a: {  	_ = 	snop  }
0x3b: {  	_ = 	snop  }
0x3c: {  	p2 =	seq.s32 s10, $0x1;
	s10 =	sld [smem:$0x3FBA]  }
0x3d: {  	_ =	shalt  }
0x3e: {  	_ =	shalt  }
0x3f: {  	_ =	shalt  }
0x40: {  	_ =	shalt  }
0x41: {  	_ =	shalt  }
0x42: {  	_ =	shalt  }
0x43: {  	_ =	shalt  }
0x44: {  	_ =	shalt  }
0x45: {  	_ =	shalt  }
0x46: {  	_ =	shalt  }
0x47: {  	_ =	shalt  }
0x48: {  	_ =	shalt  }
0x49: {  	_ =	shalt  }
0x4a: {  	_ =	shalt  }
0x4b: {  	_ =	shalt  }
0x4c: {  	_ =	shalt  }
0x4d: {  	_ =	shalt  }
0x4e: {  	_ =	shalt  }
0x4f: {  	_ =	shalt  }
0x50: {  	_ =	shalt  }
0x51: {  	_ =	shalt  }
0x52: {  	_ =	shalt  }
0x53: {  	_ =	shalt  }
0x54: {  	_ =	shalt  }
0x55: {  	_ =	shalt  }
0x56: {  	_ =	shalt  }
0x57: {  	_ =	shalt  }
0x58: {  	_ =	shalt  }
0x59: {  	_ =	shalt  }
0x5a: {  	_ =	shalt  }
0x5b: {  	_ =	shalt  }
0x5c: {  	_ =	shalt  }
0x5d: {  	_ =	shalt  }
0x5e: {  	_ =	shalt  }
0x5f: {  	_ =	shalt  }
0x60: {  	_ =	shalt  }
0x61: {  	_ =	shalt  }
0x62: {  	_ =	shalt  }
0x63: {  	_ =	shalt  }
0x64: {  	_ =	shalt  }
0x65: {  	_ =	shalt  }
0x66: {  	_ =	shalt  }
0x67: {  	_ =	shalt  }
0x68: {  	_ =	shalt  }
0x69: {  	_ =	shalt  }
0x6a: {  	_ =	shalt  }
0x6b: {  	_ =	shalt  }
0x6c: {  	_ =	shalt  }
0x6d: {  	_ =	shalt  }
0x6e: {  	_ =	shalt  }
0x6f: {  	_ =	shalt  }
0x70: {  	_ =	shalt  }
0x71: {  	_ =	shalt  }
0x72: {  	_ =	shalt  }
0x73: {  	_ =	shalt  }
0x74: {  	_ =	shalt  }
0x75: {  	_ =	shalt  }
0x76: {  	_ =	shalt  }
0x77: {  	_ =	shalt  }
0x78: {  	_ =	shalt  }
0x79: {  	_ =	shalt  }
0x7a: {  	_ =	shalt  }
0x7b: {  	_ =	shalt  }
0x7c: {  	_ =	shalt  }
0x7d: {  	_ =	shalt  }
0x7e: {  	_ =	shalt  }
0x7f: {  	_ =	shalt  }
0x80: {  	_ =	shalt  }
0x81: {  	_ =	shalt  }
0x82: {  	_ =	shalt  }
0x83: {  	_ =	shalt  }
0x84: {  	_ =	shalt  }
0x85: {  	_ =	shalt  }
0x86: {  	_ =	shalt  }
0x87: {  	_ =	shalt  }
.Lfunc_end0:
.L_simem_size_0:
called_computation.3_lowered:
.L_overlay_start_0:
0x88: {  	s2 =	sld [smem:$0x3FD9]  }
0x89: {  	s3 =	sld [smem:$0x3FFE];
	_ =	sdelay $0x1  }
0x8a: {  	s1 =	srdreg.scid  }
0x8b: {  	s0 =	sand.u32 $0x1, s1  }
0x8c: {  	s16 =	sshll.u32 s0, $0xA;
	s2 =	sadd.s32 s3, s2  }
0x8d: {  	s2 =	sadd.s32 s2, s16  }
0x8e: {  	[smem:$0x3FC6] =	sst s2  }
0x8f: {  	_ = 	snop  }
0x90: {  	(tm) =	ssettm $0x1  }
0x91: {  	s17 =	sld [smem:$0x3FFB];
	_ =	sdelay $0x3  }
0x92: {  	_ =	strace s17  }
0x93: {  	s2 =	sld [smem:$0x3FFC];
	_ =	sdelay $0x3  }
0x94: {  	_ =	strace s2  }
0x95: {  	s2 =	sld [smem:$0x3FFD];
	_ =	sdelay $0x3  }
0x96: {  	_ =	strace s2  }
0x97: {  	_ =	strace $0x8FFFFFFF  }
0x98: {  	s18 =	sld [smem:$0x3FDB];
	_ =	sdelay $0x1  }
0x99: {  	s19 =	simm.s32 $_scs_section_size  }
0x9a: {  	s4 =	simm.s32 $_size__tile_overlayer_lowered;
	s5 =	simm.s32 $_tile_overlayer_lowered  }
0x9b: {  	s22 =	simm.s32 $0x1BFF;
	s21 =	sshll.u32 s5, $0x1;
	s2 =	sadd.s32 s19, s18  }
0x9c: {  	s6 =	simm.s32 $0x0;
	s20 =	sshll.u32 s4, $0x1;
	s4 =	sadd.s32 s21, s2  }
0x9d: {  	[timem:s6], [sflag:s22] =	dma.local [hbm:s4], s20  }
0x9e: {  	_ =	swait.ge [sflag:s22], s20  }
0x9f: {  	s3 =	ssub.s32 $0x0, s20;
	[sflag:s22] =	ssyncset.done $0x0  }
0xa0: {  	[sflag:s22] =	ssyncadd.s32 s3;
	_ =	sdelay $0x1  }
0xa1: {  	s23 =	simm.s32 $0x1B8B  }
0xa2: {  	_ =	swait.ge [sflag:s23], $0x1  }
0xa3: {  	[sflag:s23] =	ssyncset.done $0x0  }
0xa4: {  	s25 =	simm.s32 $0x1B8E;
	s24 =	sld [smem:$0x3FFE];
	[sflag:s23] =	ssyncadd.s32 $0xFFFFFFFF  }
0xa5: {  	s26 =	simm.s32 $execute0_lowered;
	[smem:$0x3FD2] =	sst s25  }
0xa6: {  	s4 =	sshll.u32 s26, $0x1;
	_ =	strace $0x8000004C;
	[dreg:$0x1] =	wrdreg $0xFFFFFFFF  }
0xa7: {  	s28 =	simm.s32 $_size_execute0_lowered;
	s2 =	sadd.s32 s2, s4;
	[dreg:$0x0] =	wrdreg $0x0  }
0xa8: {  	s4 =	sshll.u32 s28, $0x1;
	[dreg:$0x2] =	wrdreg s2  }
0xa9: {  	[dreg:$0x3] =	wrdreg s4  }
0xaa: {  	[dreg:$0x4] =	wrdreg $0xC0  }
0xab: {  	_ =	task [dreg:s6], $0x5FFFF  }
0xac: {  	[dreg:$0x1] =	wrdreg $0xFFFFFFFF  }
0xad: {  	[dreg:$0x0] =	wrdreg $0x60  }
0xae: {  	[dreg:$0x2] =	wrdreg s24  }
0xaf: {  	[dreg:$0x3] =	wrdreg $0x9  }
0xb0: {  	_ =	task.clear_ibuf [dreg:s6], $0x4FFFF;
	_ =	strace $0x9000004C  }
0xb1: {  	s29 =	simm.s32 $0x9;
	_ =	strace $0x8000004E  }
0xb2: {  	_ =	swait.ge [sflag:s29], $0x1  }
0xb3: {  	[sflag:s29] =	ssyncadd.s32 $0xFFFFFFFF  }
0xb4: {  	_ =	strace $0x9000004E  }
0xb5: {  	_ =	sfence  }
0xb6: {  	s30 =	sld [smem:$0x0];
	_ =	sdelay $0x2  }
0xb7: {  	s31 =	sshll.u32 s1, $0xD;
	s1 =	sshrl.u32 s1, $0x2  }
0xb8: {  	s3 =	sand.u32 $0x4000, s31;
	s1 =	sadd.s32 s1, s30  }
0xb9: {  	s0 =	sor.u32 s3, s0;
	s1 =	sshll.u32 s1, $0x11  }
0xba: {  	s0 =	sor.u32 s1, s0  }
0xbb: {  	s0 =	sadd.s32 $0x8F2B, s0  }
0xbc: {  	[sflag:s0] =	ssyncadd.remote.s32 $0x1  }
0xbd: {  	_ =	sfence.sel $0xFFFF  }
0xbe: {  	[dreg:$0x0] =	wrdreg $0xFFFFFFFF;
	(pc) =	sbr.abs _section_cstart, $3  }
0xbf: {  	[dreg:$0x1] =	wrdreg $0xFFFFFFFF  }
0xc0: {  	_ =	task.clear_ibuf [dreg:s6], $0x2FFFF;
	_ =	strace $0x9FFFFFFF  }
0xc1: {  	(tm) =	ssettm $0x7FFFFFFF  }
tec
execute0_lowered:
.L_overlay_start_1:
0x0: {  	(tag) =	ssettag $0x1  }
0x1: {  	s4 =	rddreg [dreg:$0x0]  }
0x2: {  	s3 =	srdreg.scid;
	s1 =	stileid.u32;
	s2 =	simm.s32 $0x0  }
0x3: {  	s10 =	simm.s32 $0x80;
	s11 =	simm.s32 $0x6400;
	s12 =	simm.s32 $0xA400  }
0x4: {  	s13 =	simm.s32 $0xE400;
	s14 =	simm.s32 $0x1;
	s15 =	simm.s32 $0x16400  }
0x5: {  	s16 =	simm.s32 $0x12400;
	s17 =	simm.s32 $0x2;
	s18 =	simm.s32 $0x1A400  }
0x6: {  	s19 =	simm.s32 $0x5;
	s20 =	simm.s32 $0x3;
	s21 =	simm.s32 $0x6  }
0x7: {  	s22 =	simm.s32 $0x4;
	s5 =	sand.u32 $0x1, s3;
	s31 =	sshll.u32 s1, $0x1  }
0x8: {  	s23 =	simm.s32 $0x0;
	[smem:$0x7FF] =	sst s2;
	s6 =	sor.u32 s5, s31  }
0x9: {  	s3 =	sadd.s32 $0xF43600, s4;
	s5 =	ssub.s32 $0x2, s5;
	s7 =	smul.u32 $0xC80, s6  }
0xa: {  	_ =	strace $0x8000004D;
	s8 =	smul.u32 $0x64000, s6;
	s9 =	sshrl.u32 s5, $0x1  }
0xb: {  	s6 =	smul.u32 $0x320000, s6;
	s7 =	sadd.s32 s7, s4;
	s4 =	sadd.s32 $0x1200, s4  }
0xc: {  	s9 =	ssub.s32 s5, s9;
	s5 =	sadd.s32 $0x1E85A00, s7;
	s8 =	sadd.s32 s8, s4  }
0xd: {  	s7 =	smax.u32 s9, $0x1;
	s9 =	simm.s32 $0x7;
	s8 =	sadd.s32 $0x800, s8  }
.LBB2_1:
0xe: {  	[tilespmem:s2], [sflag:$0x7] =	stream.linear.gather [hbm4b:s5+s2], $0x6400, $0x38;
	[tilespmem:$0x1E400] =	vst v63  }
0xf: {  	_ =	swait.ge [sflag:s9], $0x6400  }
0x10: {  	[sflag:s9] =	ssyncset.done $0x0  }
0x11: {  	[sflag:s9] =	ssyncadd.s32 $0xFFFF9C00  }
0x12: {  	[tilespmem:s11], [sflag:$0x1] =	stream.indirect.gather [hbm4b:s3+s10], $0x80, s2, s10, $0xb8;
	[tilespmem:$0x1E400] =	vst v63  }
0x13: {  	s24 =	simm.s32 $0x0  }
0x14: {  	[tilespmem:s12], [sflag:$0x2] =	stream.indirect.gather [hbm4b:s3+s10], $0x80, s10, s10, $0xb8;
	[tilespmem:$0x1E400] =	vst v63  }
.LBB2_2:
0x15: {  	p0 =	seq.s32 s24, $0x0  }
0x16: {  	s26 =	sshll.u32 s24, $0x2;
	s28 =	simm.s32 @!p0 $0x5  }
0x17: {  	s25 =	sor.u32 $0x2, s26;
	_ =	swait.ge @!p0 [sflag:s28], $0x4000  }
0x18: {  	s29 =	sshll.u32 s25, $0x7;
	[sflag:s28] =	ssyncset.done @!p0 $0x0  }
0x19: {  	[sflag:s28] =	ssyncadd.s32 @!p0 $0xFFFFC000;
	s28 =	sand.u32 $0x3FFFFF80, s29  }
0x1a: {  	[tilespmem:s13], [sflag:$0x3] =	stream.indirect.gather [hbm4b:s3+s10], $0x80, s28, s10, $0xb8;
	[tilespmem:$0x1E400] =	vst v63  }
0x1b: {  	_ =	swait.ge [sflag:s14], $0x4000  }
0x1c: {  	[sflag:s14] =	ssyncset.done $0x0  }
0x1d: {  	s30 =	simm.s32 $0x6600;
	[sflag:s14] =	ssyncadd.s32 $0xFFFFC000  }
0x1e: {  	v0 =	vld [tilespmem:s30+$0x180]  }
0x1f: {  	v1 =	vld [tilespmem:s30+$0xFFFFFE80]  }
0x20: {  	v2 =	vld [tilespmem:s30+$0xFFFFFF00]  }
0x21: {  	v3 =	vld [tilespmem:s30+$0xFFFFFF80]  }
0x22: {  	v4 =	vld [tilespmem:s30+$0x0]  }
0x23: {  	v5 =	vld [tilespmem:s30+$0x80];
	v0 =	vmul.f32 $8.000000000e+00, v0  }
0x24: {  	s28 =	simm.s32 $0x16600;
	v6 =	vld [tilespmem:s30+$0x100];
	v1 =	vmul.f32 $8.000000000e+00, v1  }
0x25: {  	v7 =	vld [tilespmem:s30+$0xFFFFFE00];
	v2 =	vmul.f32 $8.000000000e+00, v2;
	[tilespmem:s28+$0x180] =	vst v0  }
0x26: {  	[tilespmem:s28+$0xFFFFFE80] =	vst v1;
	v0 =	vmul.f32 $8.000000000e+00, v3;
	v1 =	vld [tilespmem:s30+$0x190]  }
0x27: {  	[tilespmem:s28+$0xFFFFFF00] =	vst v2;
	v2 =	vmul.f32 $8.000000000e+00, v4;
	v3 =	vld [tilespmem:s30+$0xFFFFFE90]  }
0x28: {  	v4 =	vld [tilespmem:s30+$0xFFFFFF10];
	[tilespmem:s28+$0xFFFFFF80] =	vst v0;
	v0 =	vmul.f32 $8.000000000e+00, v5  }
0x29: {  	[tilespmem:s28+$0x0] =	vst v2;
	v2 =	vmul.f32 $8.000000000e+00, v6;
	v5 =	vld [tilespmem:s30+$0xFFFFFF90]  }
0x2a: {  	v6 =	vmul.f32 $8.000000000e+00, v7;
	v7 =	vld [tilespmem:s30+$0x10];
	[tilespmem:s28+$0x80] =	vst v0  }
0x2b: {  	[tilespmem:s28+$0x100] =	vst v2;
	v0 =	vld [tilespmem:s30+$0x90];
	v1 =	vmul.f32 $8.000000000e+00, v1  }
0x2c: {  	[tilespmem:s28+$0xFFFFFE00] =	vst v6;
	v2 =	vmul.f32 $8.000000000e+00, v3;
	v3 =	vld [tilespmem:s30+$0x110]  }
0x2d: {  	v6 =	vld [tilespmem:s30+$0xFFFFFE10];
	v4 =	vmul.f32 $8.000000000e+00, v4;
	[tilespmem:s28+$0x190] =	vst v1  }
0x2e: {  	[tilespmem:s28+$0xFFFFFE90] =	vst v2;
	v1 =	vmul.f32 $8.000000000e+00, v5;
	v2 =	vld [tilespmem:s30+$0x1A0]  }
0x2f: {  	[tilespmem:s28+$0xFFFFFF10] =	vst v4;
	v4 =	vmul.f32 $8.000000000e+00, v7;
	v5 =	vld [tilespmem:s30+$0xFFFFFEA0]  }
0x30: {  	v7 =	vld [tilespmem:s30+$0xFFFFFF20];
	[tilespmem:s28+$0xFFFFFF90] =	vst v1;
	v0 =	vmul.f32 $8.000000000e+00, v0  }
0x31: {  	[tilespmem:s28+$0x10] =	vst v4;
	v1 =	vld [tilespmem:s30+$0xFFFFFFA0];
	v3 =	vmul.f32 $8.000000000e+00, v3  }
0x32: {  	v4 =	vmul.f32 $8.000000000e+00, v6;
	v6 =	vld [tilespmem:s30+$0x20];
	[tilespmem:s28+$0x90] =	vst v0  }
0x33: {  	v0 =	vld [tilespmem:s30+$0xA0];
	[tilespmem:s28+$0x110] =	vst v3;
	v2 =	vmul.f32 $8.000000000e+00, v2  }
0x34: {  	[tilespmem:s28+$0xFFFFFE10] =	vst v4;
	v3 =	vmul.f32 $8.000000000e+00, v5;
	v4 =	vld [tilespmem:s30+$0x120]  }
0x35: {  	v5 =	vld [tilespmem:s30+$0xFFFFFE20];
	v7 =	vmul.f32 $8.000000000e+00, v7;
	[tilespmem:s28+$0x1A0] =	vst v2  }
0x36: {  	[tilespmem:s28+$0xFFFFFEA0] =	vst v3;
	v1 =	vmul.f32 $8.000000000e+00, v1;
	v3 =	vld [tilespmem:s30+$0x1B0]  }
0x37: {  	[tilespmem:s28+$0xFFFFFF20] =	vst v7;
	v2 =	vmul.f32 $8.000000000e+00, v6;
	v8 =	vld [tilespmem:s30+$0xFFFFFEB0]  }
0x38: {  	v7 =	vld [tilespmem:s30+$0xFFFFFF30];
	[tilespmem:s28+$0xFFFFFFA0] =	vst v1;
	v1 =	vmul.f32 $8.000000000e+00, v0  }
0x39: {  	[tilespmem:s28+$0x20] =	vst v2;
	v0 =	vld [tilespmem:s30+$0xFFFFFFB0];
	v4 =	vmul.f32 $8.000000000e+00, v4  }
0x3a: {  	v5 =	vmul.f32 $8.000000000e+00, v5;
	v2 =	vld [tilespmem:s30+$0x30];
	[tilespmem:s28+$0xA0] =	vst v1  }
0x3b: {  	v1 =	vld [tilespmem:s30+$0xB0];
	[tilespmem:s28+$0x120] =	vst v4;
	v9 =	vmul.f32 $8.000000000e+00, v3  }
0x3c: {  	[tilespmem:s28+$0xFFFFFE20] =	vst v5;
	v3 =	vld [tilespmem:s30+$0x130];
	v6 =	vmul.f32 $8.000000000e+00, v8  }
0x3d: {  	s29 =	simm.s32 $0x0;
	v4 =	vld [tilespmem:s30+$0xFFFFFE30];
	v5 =	vmul.f32 $8.000000000e+00, v7;
	s30 =	simm.s32 $0x6A00;
	[tilespmem:s28+$0x1B0] =	vst v9  }
.LBB2_3:
0x3e: {  	v7 =	vld [tilespmem:s30+$0x180];
	s29 =	sadd.s32 $0x8, s29;
	[tilespmem:s28+$0xFFFFFEB0] =	vst v6;
	v0 =	vmul.f32 $8.000000000e+00, v0  }
0x3f: {  	v6 =	vld [tilespmem:s30+$0xFFFFFE80];
	p1 =	slt.u32 s29, $0x78;
	[tilespmem:s28+$0xFFFFFF30] =	vst v5;
	v2 =	vmul.f32 $8.000000000e+00, v2  }
0x40: {  	v5 =	vld [tilespmem:s30+$0xFFFFFF00];
	[tilespmem:s28+$0xFFFFFFB0] =	vst v0;
	v0 =	vmul.f32 $8.000000000e+00, v1  }
0x41: {  	v1 =	vld [tilespmem:s30+$0xFFFFFF80];
	[tilespmem:s28+$0x30] =	vst v2;
	v2 =	vmul.f32 $8.000000000e+00, v3  }
0x42: {  	v3 =	vld [tilespmem:s30+$0x0];
	v4 =	vmul.f32 $8.000000000e+00, v4;
	[tilespmem:s28+$0xB0] =	vst v0  }
0x43: {  	v0 =	vld [tilespmem:s30+$0x80];
	v7 =	vmul.f32 $8.000000000e+00, v7;
	[tilespmem:s28+$0x130] =	vst v2  }
0x44: {  	v2 =	vmul.f32 $8.000000000e+00, v6;
	v6 =	vld [tilespmem:s30+$0x100];
	[tilespmem:s28+$0xFFFFFE30] =	vst v4;
	s28 =	sadd.s32 $0x400, s28  }
0x45: {  	v4 =	vld [tilespmem:s30+$0xFFFFFE00];
	v5 =	vmul.f32 $8.000000000e+00, v5;
	[tilespmem:s28+$0x180] =	vst v7  }
0x46: {  	[tilespmem:s28+$0xFFFFFE80] =	vst v2;
	v1 =	vmul.f32 $8.000000000e+00, v1;
	v2 =	vld [tilespmem:s30+$0x190]  }
0x47: {  	v7 =	vld [tilespmem:s30+$0xFFFFFE90];
	[tilespmem:s28+$0xFFFFFF00] =	vst v5;
	v3 =	vmul.f32 $8.000000000e+00, v3  }
0x48: {  	v5 =	vld [tilespmem:s30+$0xFFFFFF10];
	[tilespmem:s28+$0xFFFFFF80] =	vst v1;
	v0 =	vmul.f32 $8.000000000e+00, v0  }
0x49: {  	v1 =	vld [tilespmem:s30+$0xFFFFFF90];
	[tilespmem:s28+$0x0] =	vst v3;
	v3 =	vmul.f32 $8.000000000e+00, v6  }
0x4a: {  	v4 =	vmul.f32 $8.000000000e+00, v4;
	v6 =	vld [tilespmem:s30+$0x10];
	[tilespmem:s28+$0x80] =	vst v0  }
0x4b: {  	v0 =	vld [tilespmem:s30+$0x90];
	[tilespmem:s28+$0x100] =	vst v3;
	v2 =	vmul.f32 $8.000000000e+00, v2  }
0x4c: {  	[tilespmem:s28+$0xFFFFFE00] =	vst v4;
	v3 =	vmul.f32 $8.000000000e+00, v7;
	v4 =	vld [tilespmem:s30+$0x110]  }
0x4d: {  	v7 =	vld [tilespmem:s30+$0xFFFFFE10];
	v5 =	vmul.f32 $8.000000000e+00, v5;
	[tilespmem:s28+$0x190] =	vst v2  }
0x4e: {  	[tilespmem:s28+$0xFFFFFE90] =	vst v3;
	v1 =	vmul.f32 $8.000000000e+00, v1;
	v2 =	vld [tilespmem:s30+$0x1A0]  }
0x4f: {  	v3 =	vld [tilespmem:s30+$0xFFFFFEA0];
	[tilespmem:s28+$0xFFFFFF10] =	vst v5;
	v5 =	vmul.f32 $8.000000000e+00, v6  }
0x50: {  	v6 =	vld [tilespmem:s30+$0xFFFFFF20];
	[tilespmem:s28+$0xFFFFFF90] =	vst v1;
	v0 =	vmul.f32 $8.000000000e+00, v0  }
0x51: {  	v1 =	vld [tilespmem:s30+$0xFFFFFFA0];
	[tilespmem:s28+$0x10] =	vst v5;
	v4 =	vmul.f32 $8.000000000e+00, v4  }
0x52: {  	v5 =	vmul.f32 $8.000000000e+00, v7;
	v7 =	vld [tilespmem:s30+$0x20];
	[tilespmem:s28+$0x90] =	vst v0  }
0x53: {  	v0 =	vld [tilespmem:s30+$0xA0];
	[tilespmem:s28+$0x110] =	vst v4;
	v2 =	vmul.f32 $8.000000000e+00, v2  }
0x54: {  	[tilespmem:s28+$0xFFFFFE10] =	vst v5;
	v3 =	vmul.f32 $8.000000000e+00, v3;
	v4 =	vld [tilespmem:s30+$0x120]  }
0x55: {  	v5 =	vld [tilespmem:s30+$0xFFFFFE20];
	v6 =	vmul.f32 $8.000000000e+00, v6;
	[tilespmem:s28+$0x1A0] =	vst v2  }
0x56: {  	[tilespmem:s28+$0xFFFFFEA0] =	vst v3;
	v1 =	vmul.f32 $8.000000000e+00, v1;
	v3 =	vld [tilespmem:s30+$0x1B0]  }
0x57: {  	v8 =	vld [tilespmem:s30+$0xFFFFFEB0];
	[tilespmem:s28+$0xFFFFFF20] =	vst v6;
	v2 =	vmul.f32 $8.000000000e+00, v7  }
0x58: {  	v7 =	vld [tilespmem:s30+$0xFFFFFF30];
	[tilespmem:s28+$0xFFFFFFA0] =	vst v1;
	v1 =	vmul.f32 $8.000000000e+00, v0  }
.Ltmp0:
0x59: {  	v0 =	vld [tilespmem:s30+$0xFFFFFFB0];
	[tilespmem:s28+$0x20] =	vst v2;
	v4 =	vmul.f32 $8.000000000e+00, v4;
	(pc) =	sbr.rel @p1 .LBB2_3-.Ltmp0, $4  }
0x5a: {  	v5 =	vmul.f32 $8.000000000e+00, v5;
	v2 =	vld [tilespmem:s30+$0x30];
	[tilespmem:s28+$0xA0] =	vst v1  }
0x5b: {  	v1 =	vld [tilespmem:s30+$0xB0];
	[tilespmem:s28+$0x120] =	vst v4;
	v9 =	vmul.f32 $8.000000000e+00, v3  }
0x5c: {  	[tilespmem:s28+$0xFFFFFE20] =	vst v5;
	v6 =	vmul.f32 $8.000000000e+00, v8;
	v3 =	vld [tilespmem:s30+$0x130]  }
0x5d: {  	v4 =	vld [tilespmem:s30+$0xFFFFFE30];
	v5 =	vmul.f32 $8.000000000e+00, v7;
	[tilespmem:s28+$0x1B0] =	vst v9;
	s30 =	sadd.s32 $0x400, s30  }
0x5e: {  	[tilespmem:s28+$0xFFFFFEB0] =	vst v6;
	v0 =	vmul.f32 $8.000000000e+00, v0  }
0x5f: {  	[tilespmem:s28+$0xFFFFFF30] =	vst v5;
	v2 =	vmul.f32 $8.000000000e+00, v2  }
0x60: {  	[tilespmem:s28+$0xFFFFFFB0] =	vst v0;
	v0 =	vmul.f32 $8.000000000e+00, v1  }
0x61: {  	s29 =	sshll.u32 s24, $0x10;
	[tilespmem:s28+$0x30] =	vst v2;
	v1 =	vmul.f32 $8.000000000e+00, v3  }
0x62: {  	s29 =	sadd.s32 s6, s29;
	v2 =	vmul.f32 $8.000000000e+00, v4;
	[tilespmem:s28+$0xB0] =	vst v0  }
0x63: {  	s29 =	sshrl.u32 s29, $0x3;
	[tilespmem:s28+$0x130] =	vst v1  }
0x64: {  	[tilespmem:s28+$0xFFFFFE30] =	vst v2;
	s28 =	sadd.s32 s4, s29  }
0x65: {  	[hbm4b:s28+s2] =	stream.linear.scatter [tilespmem:s15], [sflag:$0x5], $0x4000, $0x38;
	[tilespmem:$0x1E400] =	vst v63  }
0x66: {  	s28 =	simm.s32 @!p0 $0x6  }
0x67: {  	s26 =	sor.u32 $0x3, s26;
	_ =	swait.ge @!p0 [sflag:s28], $0x4000  }
0x68: {  	s29 =	sshll.u32 s26, $0x7;
	[sflag:s28] =	ssyncset.done @!p0 $0x0  }
0x69: {  	[sflag:s28] =	ssyncadd.s32 @!p0 $0xFFFFC000;
	s28 =	sand.u32 $0x3FFFFF80, s29  }
0x6a: {  	[tilespmem:s16], [sflag:$0x4] =	stream.indirect.gather [hbm4b:s3+s10], $0x80, s28, s10, $0xb8;
	[tilespmem:$0x1E400] =	vst v63  }
0x6b: {  	_ =	swait.ge [sflag:s17], $0x4000  }
0x6c: {  	[sflag:s17] =	ssyncset.done $0x0  }
0x6d: {  	s28 =	simm.s32 $0x0;
	[sflag:s17] =	ssyncadd.s32 $0xFFFFC000  }
0x6e: {  	v0 =	vld [tilespmem:s28+$0xA7B0]  }
0x6f: {  	v1 =	vld [tilespmem:s28+$0xA400]  }
0x70: {  	v2 =	vld [tilespmem:s28+$0xA410]  }
0x71: {  	v3 =	vld [tilespmem:s28+$0xA420]  }
0x72: {  	v4 =	vld [tilespmem:s28+$0xA430]  }
0x73: {  	v5 =	vld [tilespmem:s28+$0xA480];
	v0 =	vmul.f32 $8.000000000e+00, v0  }
0x74: {  	v6 =	vld [tilespmem:s28+$0xA490];
	v1 =	vmul.f32 $8.000000000e+00, v1  }
0x75: {  	v7 =	vld [tilespmem:s28+$0xA4A0];
	v2 =	vmul.f32 $8.000000000e+00, v2;
	[tilespmem:s28+$0x1A7B0] =	vst v0  }
0x76: {  	[tilespmem:s28+$0x1A400] =	vst v1;
	v0 =	vmul.f32 $8.000000000e+00, v3;
	v1 =	vld [tilespmem:s28+$0xA4B0]  }
0x77: {  	[tilespmem:s28+$0x1A410] =	vst v2;
	v2 =	vmul.f32 $8.000000000e+00, v4;
	v3 =	vld [tilespmem:s28+$0xA500]  }
0x78: {  	v4 =	vld [tilespmem:s28+$0xA510];
	[tilespmem:s28+$0x1A420] =	vst v0;
	v0 =	vmul.f32 $8.000000000e+00, v5  }
0x79: {  	[tilespmem:s28+$0x1A430] =	vst v2;
	v2 =	vmul.f32 $8.000000000e+00, v6;
	v5 =	vld [tilespmem:s28+$0xA520]  }
0x7a: {  	v6 =	vld [tilespmem:s28+$0xA530];
	[tilespmem:s28+$0x1A480] =	vst v0;
	v0 =	vmul.f32 $8.000000000e+00, v7  }
0x7b: {  	[tilespmem:s28+$0x1A490] =	vst v2;
	v2 =	vld [tilespmem:s28+$0xA580];
	v1 =	vmul.f32 $8.000000000e+00, v1  }
0x7c: {  	[tilespmem:s28+$0x1A4A0] =	vst v0;
	v0 =	vmul.f32 $8.000000000e+00, v3;
	v3 =	vld [tilespmem:s28+$0xA590]  }
0x7d: {  	[tilespmem:s28+$0x1A4B0] =	vst v1;
	v1 =	vmul.f32 $8.000000000e+00, v4;
	v4 =	vld [tilespmem:s28+$0xA5A0]  }
0x7e: {  	[tilespmem:s28+$0x1A500] =	vst v0;
	v0 =	vmul.f32 $8.000000000e+00, v5;
	v5 =	vld [tilespmem:s28+$0xA5B0]  }
0x7f: {  	[tilespmem:s28+$0x1A510] =	vst v1;
	v1 =	vmul.f32 $8.000000000e+00, v6;
	v6 =	vld [tilespmem:s28+$0xA600]  }
0x80: {  	[tilespmem:s28+$0x1A520] =	vst v0;
	v0 =	vmul.f32 $8.000000000e+00, v2;
	v2 =	vld [tilespmem:s28+$0xA610]  }
0x81: {  	[tilespmem:s28+$0x1A530] =	vst v1;
	v1 =	vmul.f32 $8.000000000e+00, v3;
	v3 =	vld [tilespmem:s28+$0xA620]  }
0x82: {  	[tilespmem:s28+$0x1A580] =	vst v0;
	v0 =	vmul.f32 $8.000000000e+00, v4;
	v4 =	vld [tilespmem:s28+$0xA630]  }
0x83: {  	[tilespmem:s28+$0x1A590] =	vst v1;
	v1 =	vmul.f32 $8.000000000e+00, v5;
	v5 =	vld [tilespmem:s28+$0xA680]  }
0x84: {  	[tilespmem:s28+$0x1A5A0] =	vst v0;
	v0 =	vmul.f32 $8.000000000e+00, v6;
	v6 =	vld [tilespmem:s28+$0xA690]  }
0x85: {  	[tilespmem:s28+$0x1A5B0] =	vst v1;
	v1 =	vmul.f32 $8.000000000e+00, v2;
	v2 =	vld [tilespmem:s28+$0xA6A0]  }
0x86: {  	v7 =	vld [tilespmem:s28+$0xA6B0];
	[tilespmem:s28+$0x1A600] =	vst v0;
	v0 =	vmul.f32 $8.000000000e+00, v3  }
0x87: {  	[tilespmem:s28+$0x1A610] =	vst v1;
	v1 =	vmul.f32 $8.000000000e+00, v4;
	v4 =	vld [tilespmem:s28+$0xA700]  }
0x88: {  	v3 =	vld [tilespmem:s28+$0xA710];
	[tilespmem:s28+$0x1A620] =	vst v0;
	v5 =	vmul.f32 $8.000000000e+00, v5  }
0x89: {  	v0 =	vld [tilespmem:s28+$0xA720];
	[tilespmem:s28+$0x1A630] =	vst v1;
	v6 =	vmul.f32 $8.000000000e+00, v6  }
0x8a: {  	v1 =	vld [tilespmem:s28+$0xA730];
	[tilespmem:s28+$0x1A680] =	vst v5;
	v5 =	vmul.f32 $8.000000000e+00, v2  }
0x8b: {  	v2 =	vld [tilespmem:s28+$0xA780];
	[tilespmem:s28+$0x1A690] =	vst v6;
	v6 =	vmul.f32 $8.000000000e+00, v7  }
0x8c: {  	s30 =	simm.s32 $0x1000;
	s29 =	simm.s32 $0x0;
	[tilespmem:s28+$0x1A6A0] =	vst v5;
	v5 =	vmul.f32 $8.000000000e+00, v4;
	v4 =	vld [tilespmem:s28+$0xA790]  }
.LBB2_5:
0x8d: {  	s31 =	sshra.s32 s30, $0x2;
	s29 =	sadd.s32 $0x8, s29;
	[tilespmem:s28+$0x1A6B0] =	vst v6;
	v3 =	vmul.f32 $8.000000000e+00, v3;
	v6 =	vld [tilespmem:s28+$0xA7A0]  }
0x8e: {  	v7 =	vld [tilespmem:s31+$0xA7B0];
	p0 =	slt.u32 s29, $0x78;
	[tilespmem:s28+$0x1A700] =	vst v5;
	v0 =	vmul.f32 $8.000000000e+00, v0  }
0x8f: {  	v5 =	vld [tilespmem:s31+$0xA400];
	[tilespmem:s28+$0x1A710] =	vst v3;
	v1 =	vmul.f32 $8.000000000e+00, v1  }
0x90: {  	v3 =	vld [tilespmem:s31+$0xA410];
	[tilespmem:s28+$0x1A720] =	vst v0;
	v0 =	vmul.f32 $8.000000000e+00, v2  }
0x91: {  	v2 =	vld [tilespmem:s31+$0xA420];
	[tilespmem:s28+$0x1A730] =	vst v1;
	v1 =	vmul.f32 $8.000000000e+00, v4  }
0x92: {  	v4 =	vld [tilespmem:s31+$0xA430];
	[tilespmem:s28+$0x1A780] =	vst v0;
	v0 =	vmul.f32 $8.000000000e+00, v6  }
0x93: {  	v6 =	vld [tilespmem:s31+$0xA480];
	v7 =	vmul.f32 $8.000000000e+00, v7;
	[tilespmem:s28+$0x1A790] =	vst v1  }
0x94: {  	v1 =	vmul.f32 $8.000000000e+00, v5;
	v5 =	vld [tilespmem:s31+$0xA490];
	[tilespmem:s28+$0x1A7A0] =	vst v0;
	s28 =	smov.u32 s31  }
0x95: {  	v0 =	vmul.f32 $8.000000000e+00, v3;
	v3 =	vld [tilespmem:s28+$0xA4A0];
	[tilespmem:s28+$0x1A7B0] =	vst v7  }
0x96: {  	[tilespmem:s28+$0x1A400] =	vst v1;
	v1 =	vmul.f32 $8.000000000e+00, v2;
	v2 =	vld [tilespmem:s28+$0xA4B0]  }
0x97: {  	[tilespmem:s28+$0x1A410] =	vst v0;
	v0 =	vmul.f32 $8.000000000e+00, v4;
	v4 =	vld [tilespmem:s28+$0xA500]  }
0x98: {  	[tilespmem:s28+$0x1A420] =	vst v1;
	v1 =	vmul.f32 $8.000000000e+00, v6;
	v6 =	vld [tilespmem:s28+$0xA510]  }
0x99: {  	[tilespmem:s28+$0x1A430] =	vst v0;
	v0 =	vmul.f32 $8.000000000e+00, v5;
	v5 =	vld [tilespmem:s28+$0xA520]  }
0x9a: {  	[tilespmem:s28+$0x1A480] =	vst v1;
	v1 =	vmul.f32 $8.000000000e+00, v3;
	v3 =	vld [tilespmem:s28+$0xA530]  }
0x9b: {  	[tilespmem:s28+$0x1A490] =	vst v0;
	v0 =	vmul.f32 $8.000000000e+00, v2;
	v2 =	vld [tilespmem:s28+$0xA580]  }
0x9c: {  	[tilespmem:s28+$0x1A4A0] =	vst v1;
	v1 =	vmul.f32 $8.000000000e+00, v4;
	v4 =	vld [tilespmem:s28+$0xA590]  }
0x9d: {  	[tilespmem:s28+$0x1A4B0] =	vst v0;
	v0 =	vmul.f32 $8.000000000e+00, v6;
	v6 =	vld [tilespmem:s28+$0xA5A0]  }
0x9e: {  	[tilespmem:s28+$0x1A500] =	vst v1;
	v1 =	vmul.f32 $8.000000000e+00, v5;
	v5 =	vld [tilespmem:s28+$0xA5B0]  }
0x9f: {  	[tilespmem:s28+$0x1A510] =	vst v0;
	v0 =	vmul.f32 $8.000000000e+00, v3;
	v3 =	vld [tilespmem:s28+$0xA600]  }
0xa0: {  	[tilespmem:s28+$0x1A520] =	vst v1;
	v1 =	vmul.f32 $8.000000000e+00, v2;
	v2 =	vld [tilespmem:s28+$0xA610]  }
0xa1: {  	[tilespmem:s28+$0x1A530] =	vst v0;
	v0 =	vmul.f32 $8.000000000e+00, v4;
	v4 =	vld [tilespmem:s28+$0xA620]  }
0xa2: {  	[tilespmem:s28+$0x1A580] =	vst v1;
	v1 =	vmul.f32 $8.000000000e+00, v6;
	v6 =	vld [tilespmem:s28+$0xA630]  }
0xa3: {  	[tilespmem:s28+$0x1A590] =	vst v0;
	v0 =	vmul.f32 $8.000000000e+00, v5;
	v5 =	vld [tilespmem:s28+$0xA680]  }
0xa4: {  	[tilespmem:s28+$0x1A5A0] =	vst v1;
	v1 =	vmul.f32 $8.000000000e+00, v3;
	v7 =	vld [tilespmem:s28+$0xA690]  }
0xa5: {  	[tilespmem:s28+$0x1A5B0] =	vst v0;
	v0 =	vmul.f32 $8.000000000e+00, v2;
	v2 =	vld [tilespmem:s28+$0xA6A0]  }
0xa6: {  	[tilespmem:s28+$0x1A600] =	vst v1;
	v1 =	vmul.f32 $8.000000000e+00, v4;
	v4 =	vld [tilespmem:s28+$0xA6B0]  }
0xa7: {  	[tilespmem:s28+$0x1A610] =	vst v0;
	v0 =	vmul.f32 $8.000000000e+00, v6;
	v8 =	vld [tilespmem:s28+$0xA700]  }
.Ltmp1:
0xa8: {  	[tilespmem:s28+$0x1A620] =	vst v1;
	v1 =	vmul.f32 $8.000000000e+00, v5;
	v3 =	vld [tilespmem:s28+$0xA710];
	(pc) =	sbr.rel @p0 .LBB2_5-.Ltmp1, $4  }
0xa9: {  	[tilespmem:s28+$0x1A630] =	vst v0;
	v5 =	vmul.f32 $8.000000000e+00, v7;
	v0 =	vld [tilespmem:s28+$0xA720]  }
0xaa: {  	[tilespmem:s28+$0x1A680] =	vst v1;
	v7 =	vmul.f32 $8.000000000e+00, v2;
	v1 =	vld [tilespmem:s28+$0xA730]  }
0xab: {  	[tilespmem:s28+$0x1A690] =	vst v5;
	v6 =	vmul.f32 $8.000000000e+00, v4;
	v2 =	vld [tilespmem:s28+$0xA780]  }
0xac: {  	s30 =	sadd.s32 $0x1000, s30;
	[tilespmem:s28+$0x1A6A0] =	vst v7;
	v5 =	vmul.f32 $8.000000000e+00, v8;
	v4 =	vld [tilespmem:s28+$0xA790]  }
0xad: {  	[tilespmem:s28+$0x1A6B0] =	vst v6;
	v3 =	vmul.f32 $8.000000000e+00, v3;
	v6 =	vld [tilespmem:s28+$0xA7A0]  }
0xae: {  	[tilespmem:s28+$0x1A700] =	vst v5;
	v0 =	vmul.f32 $8.000000000e+00, v0  }
0xaf: {  	[tilespmem:s28+$0x1A710] =	vst v3;
	v1 =	vmul.f32 $8.000000000e+00, v1  }
0xb0: {  	[tilespmem:s28+$0x1A720] =	vst v0;
	v0 =	vmul.f32 $8.000000000e+00, v2  }
0xb1: {  	[tilespmem:s28+$0x1A730] =	vst v1;
	v1 =	vmul.f32 $8.000000000e+00, v4  }
0xb2: {  	[tilespmem:s28+$0x1A780] =	vst v0;
	v0 =	vmul.f32 $8.000000000e+00, v6  }
0xb3: {  	s29 =	sshll.u32 s24, $0xD;
	[tilespmem:s28+$0x1A790] =	vst v1  }
0xb4: {  	p0 =	seq.s32 s24, $0x31;
	[tilespmem:s28+$0x1A7A0] =	vst v0;
	s28 =	sadd.s32 s8, s29  }
0xb5: {  	[hbm4b:s28+s2] =	stream.linear.scatter [tilespmem:s18], [sflag:$0x6], $0x4000, $0x38;
	[tilespmem:$0x1E400] =	vst v63  }
0xb6: {  	s28 =	sshll.u32 @!p0 s24, $0x9;
	_ =	swait.ge [sflag:s19], $0x4000  }
0xb7: {  	s30 =	simm.s32 @!p0 $0x80;
	s28 =	sand.u32 @!p0 $0x3FFFFE00, s28;
	[sflag:s19] =	ssyncset.done $0x0  }
0xb8: {  	s31 =	simm.s32 @!p0 $0x6400;
	s29 =	sadd.s32 @!p0 $0x200, s28;
	[sflag:s19] =	ssyncadd.s32 $0xFFFFC000  }
0xb9: {  	[tilespmem:s31], [sflag:$0x1] =	stream.indirect.gather @!p0 [hbm4b:s3+s30], $0x80, s29, s30, $0xb8;
	[tilespmem:$0x1E400] =	vst v63  }
0xba: {  	_ =	swait.ge [sflag:s20], $0x4000  }
0xbb: {  	[sflag:s20] =	ssyncset.done $0x0  }
0xbc: {  	s29 =	simm.s32 $0x0;
	[sflag:s20] =	ssyncadd.s32 $0xFFFFC000  }
0xbd: {  	v0 =	vld [tilespmem:s29+$0xE7B0]  }
0xbe: {  	v1 =	vld [tilespmem:s29+$0xE400]  }
0xbf: {  	v2 =	vld [tilespmem:s29+$0xE410]  }
0xc0: {  	v3 =	vld [tilespmem:s29+$0xE420]  }
0xc1: {  	v4 =	vld [tilespmem:s29+$0xE430]  }
0xc2: {  	v5 =	vld [tilespmem:s29+$0xE480];
	v0 =	vmul.f32 $8.000000000e+00, v0  }
0xc3: {  	v6 =	vld [tilespmem:s29+$0xE490];
	v1 =	vmul.f32 $8.000000000e+00, v1  }
0xc4: {  	v7 =	vld [tilespmem:s29+$0xE4A0];
	v2 =	vmul.f32 $8.000000000e+00, v2;
	[tilespmem:s29+$0x167B0] =	vst v0  }
0xc5: {  	[tilespmem:s29+$0x16400] =	vst v1;
	v0 =	vmul.f32 $8.000000000e+00, v3;
	v1 =	vld [tilespmem:s29+$0xE4B0]  }
0xc6: {  	[tilespmem:s29+$0x16410] =	vst v2;
	v2 =	vmul.f32 $8.000000000e+00, v4;
	v3 =	vld [tilespmem:s29+$0xE500]  }
0xc7: {  	v4 =	vld [tilespmem:s29+$0xE510];
	[tilespmem:s29+$0x16420] =	vst v0;
	v0 =	vmul.f32 $8.000000000e+00, v5  }
0xc8: {  	[tilespmem:s29+$0x16430] =	vst v2;
	v2 =	vmul.f32 $8.000000000e+00, v6;
	v5 =	vld [tilespmem:s29+$0xE520]  }
0xc9: {  	v6 =	vld [tilespmem:s29+$0xE530];
	[tilespmem:s29+$0x16480] =	vst v0;
	v0 =	vmul.f32 $8.000000000e+00, v7  }
0xca: {  	[tilespmem:s29+$0x16490] =	vst v2;
	v2 =	vld [tilespmem:s29+$0xE580];
	v1 =	vmul.f32 $8.000000000e+00, v1  }
0xcb: {  	[tilespmem:s29+$0x164A0] =	vst v0;
	v0 =	vmul.f32 $8.000000000e+00, v3;
	v3 =	vld [tilespmem:s29+$0xE590]  }
0xcc: {  	[tilespmem:s29+$0x164B0] =	vst v1;
	v1 =	vmul.f32 $8.000000000e+00, v4;
	v4 =	vld [tilespmem:s29+$0xE5A0]  }
0xcd: {  	[tilespmem:s29+$0x16500] =	vst v0;
	v0 =	vmul.f32 $8.000000000e+00, v5;
	v5 =	vld [tilespmem:s29+$0xE5B0]  }
0xce: {  	[tilespmem:s29+$0x16510] =	vst v1;
	v1 =	vmul.f32 $8.000000000e+00, v6;
	v6 =	vld [tilespmem:s29+$0xE600]  }
0xcf: {  	[tilespmem:s29+$0x16520] =	vst v0;
	v0 =	vmul.f32 $8.000000000e+00, v2;
	v2 =	vld [tilespmem:s29+$0xE610]  }
0xd0: {  	[tilespmem:s29+$0x16530] =	vst v1;
	v1 =	vmul.f32 $8.000000000e+00, v3;
	v3 =	vld [tilespmem:s29+$0xE620]  }
0xd1: {  	[tilespmem:s29+$0x16580] =	vst v0;
	v0 =	vmul.f32 $8.000000000e+00, v4;
	v4 =	vld [tilespmem:s29+$0xE630]  }
0xd2: {  	[tilespmem:s29+$0x16590] =	vst v1;
	v1 =	vmul.f32 $8.000000000e+00, v5;
	v5 =	vld [tilespmem:s29+$0xE680]  }
0xd3: {  	[tilespmem:s29+$0x165A0] =	vst v0;
	v0 =	vmul.f32 $8.000000000e+00, v6;
	v6 =	vld [tilespmem:s29+$0xE690]  }
0xd4: {  	[tilespmem:s29+$0x165B0] =	vst v1;
	v1 =	vmul.f32 $8.000000000e+00, v2;
	v2 =	vld [tilespmem:s29+$0xE6A0]  }
0xd5: {  	v7 =	vld [tilespmem:s29+$0xE6B0];
	[tilespmem:s29+$0x16600] =	vst v0;
	v0 =	vmul.f32 $8.000000000e+00, v3  }
0xd6: {  	[tilespmem:s29+$0x16610] =	vst v1;
	v1 =	vmul.f32 $8.000000000e+00, v4;
	v4 =	vld [tilespmem:s29+$0xE700]  }
0xd7: {  	v3 =	vld [tilespmem:s29+$0xE710];
	[tilespmem:s29+$0x16620] =	vst v0;
	v5 =	vmul.f32 $8.000000000e+00, v5  }
0xd8: {  	v0 =	vld [tilespmem:s29+$0xE720];
	[tilespmem:s29+$0x16630] =	vst v1;
	v6 =	vmul.f32 $8.000000000e+00, v6  }
0xd9: {  	v1 =	vld [tilespmem:s29+$0xE730];
	[tilespmem:s29+$0x16680] =	vst v5;
	v5 =	vmul.f32 $8.000000000e+00, v2  }
0xda: {  	v2 =	vld [tilespmem:s29+$0xE780];
	[tilespmem:s29+$0x16690] =	vst v6;
	v6 =	vmul.f32 $8.000000000e+00, v7  }
0xdb: {  	s30 =	simm.s32 $0x0;
	s31 =	simm.s32 $0x1000;
	[tilespmem:s29+$0x166A0] =	vst v5;
	v5 =	vmul.f32 $8.000000000e+00, v4;
	v4 =	vld [tilespmem:s29+$0xE790]  }
.LBB2_7:
0xdc: {  	s0 =	sshra.s32 s31, $0x2;
	s30 =	sadd.s32 $0x8, s30;
	[tilespmem:s29+$0x166B0] =	vst v6;
	v3 =	vmul.f32 $8.000000000e+00, v3;
	v6 =	vld [tilespmem:s29+$0xE7A0]  }
0xdd: {  	v7 =	vld [tilespmem:s0+$0xE7B0];
	p1 =	slt.u32 s30, $0x78;
	[tilespmem:s29+$0x16700] =	vst v5;
	v0 =	vmul.f32 $8.000000000e+00, v0  }
0xde: {  	v5 =	vld [tilespmem:s0+$0xE400];
	[tilespmem:s29+$0x16710] =	vst v3;
	v1 =	vmul.f32 $8.000000000e+00, v1  }
0xdf: {  	v3 =	vld [tilespmem:s0+$0xE410];
	[tilespmem:s29+$0x16720] =	vst v0;
	v0 =	vmul.f32 $8.000000000e+00, v2  }
0xe0: {  	v2 =	vld [tilespmem:s0+$0xE420];
	[tilespmem:s29+$0x16730] =	vst v1;
	v1 =	vmul.f32 $8.000000000e+00, v4  }
0xe1: {  	v4 =	vld [tilespmem:s0+$0xE430];
	[tilespmem:s29+$0x16780] =	vst v0;
	v0 =	vmul.f32 $8.000000000e+00, v6  }
0xe2: {  	v6 =	vld [tilespmem:s0+$0xE480];
	v7 =	vmul.f32 $8.000000000e+00, v7;
	[tilespmem:s29+$0x16790] =	vst v1  }
0xe3: {  	v1 =	vmul.f32 $8.000000000e+00, v5;
	v5 =	vld [tilespmem:s0+$0xE490];
	[tilespmem:s29+$0x167A0] =	vst v0;
	s29 =	smov.u32 s0  }
0xe4: {  	v0 =	vmul.f32 $8.000000000e+00, v3;
	v3 =	vld [tilespmem:s29+$0xE4A0];
	[tilespmem:s29+$0x167B0] =	vst v7  }
0xe5: {  	[tilespmem:s29+$0x16400] =	vst v1;
	v1 =	vmul.f32 $8.000000000e+00, v2;
	v2 =	vld [tilespmem:s29+$0xE4B0]  }
0xe6: {  	[tilespmem:s29+$0x16410] =	vst v0;
	v0 =	vmul.f32 $8.000000000e+00, v4;
	v4 =	vld [tilespmem:s29+$0xE500]  }
0xe7: {  	[tilespmem:s29+$0x16420] =	vst v1;
	v1 =	vmul.f32 $8.000000000e+00, v6;
	v6 =	vld [tilespmem:s29+$0xE510]  }
0xe8: {  	[tilespmem:s29+$0x16430] =	vst v0;
	v0 =	vmul.f32 $8.000000000e+00, v5;
	v5 =	vld [tilespmem:s29+$0xE520]  }
0xe9: {  	[tilespmem:s29+$0x16480] =	vst v1;
	v1 =	vmul.f32 $8.000000000e+00, v3;
	v3 =	vld [tilespmem:s29+$0xE530]  }
0xea: {  	[tilespmem:s29+$0x16490] =	vst v0;
	v0 =	vmul.f32 $8.000000000e+00, v2;
	v2 =	vld [tilespmem:s29+$0xE580]  }
0xeb: {  	[tilespmem:s29+$0x164A0] =	vst v1;
	v1 =	vmul.f32 $8.000000000e+00, v4;
	v4 =	vld [tilespmem:s29+$0xE590]  }
0xec: {  	[tilespmem:s29+$0x164B0] =	vst v0;
	v0 =	vmul.f32 $8.000000000e+00, v6;
	v6 =	vld [tilespmem:s29+$0xE5A0]  }
0xed: {  	[tilespmem:s29+$0x16500] =	vst v1;
	v1 =	vmul.f32 $8.000000000e+00, v5;
	v5 =	vld [tilespmem:s29+$0xE5B0]  }
0xee: {  	[tilespmem:s29+$0x16510] =	vst v0;
	v0 =	vmul.f32 $8.000000000e+00, v3;
	v3 =	vld [tilespmem:s29+$0xE600]  }
0xef: {  	[tilespmem:s29+$0x16520] =	vst v1;
	v1 =	vmul.f32 $8.000000000e+00, v2;
	v2 =	vld [tilespmem:s29+$0xE610]  }
0xf0: {  	[tilespmem:s29+$0x16530] =	vst v0;
	v0 =	vmul.f32 $8.000000000e+00, v4;
	v4 =	vld [tilespmem:s29+$0xE620]  }
0xf1: {  	[tilespmem:s29+$0x16580] =	vst v1;
	v1 =	vmul.f32 $8.000000000e+00, v6;
	v6 =	vld [tilespmem:s29+$0xE630]  }
0xf2: {  	[tilespmem:s29+$0x16590] =	vst v0;
	v0 =	vmul.f32 $8.000000000e+00, v5;
	v5 =	vld [tilespmem:s29+$0xE680]  }
0xf3: {  	[tilespmem:s29+$0x165A0] =	vst v1;
	v1 =	vmul.f32 $8.000000000e+00, v3;
	v7 =	vld [tilespmem:s29+$0xE690]  }
0xf4: {  	[tilespmem:s29+$0x165B0] =	vst v0;
	v0 =	vmul.f32 $8.000000000e+00, v2;
	v2 =	vld [tilespmem:s29+$0xE6A0]  }
0xf5: {  	[tilespmem:s29+$0x16600] =	vst v1;
	v1 =	vmul.f32 $8.000000000e+00, v4;
	v4 =	vld [tilespmem:s29+$0xE6B0]  }
0xf6: {  	[tilespmem:s29+$0x16610] =	vst v0;
	v0 =	vmul.f32 $8.000000000e+00, v6;
	v8 =	vld [tilespmem:s29+$0xE700]  }
.Ltmp2:
0xf7: {  	[tilespmem:s29+$0x16620] =	vst v1;
	v1 =	vmul.f32 $8.000000000e+00, v5;
	v3 =	vld [tilespmem:s29+$0xE710];
	(pc) =	sbr.rel @p1 .LBB2_7-.Ltmp2, $4  }
0xf8: {  	[tilespmem:s29+$0x16630] =	vst v0;
	v5 =	vmul.f32 $8.000000000e+00, v7;
	v0 =	vld [tilespmem:s29+$0xE720]  }
0xf9: {  	[tilespmem:s29+$0x16680] =	vst v1;
	v7 =	vmul.f32 $8.000000000e+00, v2;
	v1 =	vld [tilespmem:s29+$0xE730]  }
0xfa: {  	[tilespmem:s29+$0x16690] =	vst v5;
	v6 =	vmul.f32 $8.000000000e+00, v4;
	v2 =	vld [tilespmem:s29+$0xE780]  }
0xfb: {  	s31 =	sadd.s32 $0x1000, s31;
	[tilespmem:s29+$0x166A0] =	vst v7;
	v5 =	vmul.f32 $8.000000000e+00, v8;
	v4 =	vld [tilespmem:s29+$0xE790]  }
0xfc: {  	[tilespmem:s29+$0x166B0] =	vst v6;
	v3 =	vmul.f32 $8.000000000e+00, v3;
	v6 =	vld [tilespmem:s29+$0xE7A0]  }
0xfd: {  	[tilespmem:s29+$0x16700] =	vst v5;
	v0 =	vmul.f32 $8.000000000e+00, v0  }
0xfe: {  	[tilespmem:s29+$0x16710] =	vst v3;
	v1 =	vmul.f32 $8.000000000e+00, v1  }
0xff: {  	[tilespmem:s29+$0x16720] =	vst v0;
	v0 =	vmul.f32 $8.000000000e+00, v2  }
0x100: {  	s0 =	sshll.u32 s25, $0xE;
	[tilespmem:s29+$0x16730] =	vst v1;
	v1 =	vmul.f32 $8.000000000e+00, v4  }
0x101: {  	s0 =	sadd.s32 s6, s0;
	[tilespmem:s29+$0x16780] =	vst v0;
	v0 =	vmul.f32 $8.000000000e+00, v6  }
0x102: {  	s0 =	sshrl.u32 s0, $0x3;
	[tilespmem:s29+$0x16790] =	vst v1  }
0x103: {  	s0 =	sadd.s32 s4, s0;
	[tilespmem:s29+$0x167A0] =	vst v0  }
0x104: {  	[hbm4b:s0+s2] =	stream.linear.scatter [tilespmem:s15], [sflag:$0x5], $0x4000, $0x38;
	[tilespmem:$0x1E400] =	vst v63  }
0x105: {  	_ =	swait.ge [sflag:s21], $0x4000  }
0x106: {  	s25 =	simm.s32 @!p0 $0x80;
	[sflag:s21] =	ssyncset.done $0x0  }
0x107: {  	s0 =	sadd.s32 @!p0 $0x280, s28;
	s28 =	simm.s32 @!p0 $0xA400;
	[sflag:s21] =	ssyncadd.s32 $0xFFFFC000  }
0x108: {  	[tilespmem:s28], [sflag:$0x2] =	stream.indirect.gather @!p0 [hbm4b:s3+s25], $0x80, s0, s25, $0xb8;
	[tilespmem:$0x1E400] =	vst v63  }
0x109: {  	_ =	swait.ge [sflag:s22], $0x4000  }
0x10a: {  	[sflag:s22] =	ssyncset.done $0x0  }
0x10b: {  	s25 =	simm.s32 $0x0;
	[sflag:s22] =	ssyncadd.s32 $0xFFFFC000  }
0x10c: {  	v0 =	vld [tilespmem:s25+$0x127B0]  }
0x10d: {  	v1 =	vld [tilespmem:s25+$0x12400]  }
0x10e: {  	v2 =	vld [tilespmem:s25+$0x12410]  }
0x10f: {  	v3 =	vld [tilespmem:s25+$0x12420]  }
0x110: {  	v4 =	vld [tilespmem:s25+$0x12430]  }
0x111: {  	v5 =	vld [tilespmem:s25+$0x12480];
	v0 =	vmul.f32 $8.000000000e+00, v0  }
0x112: {  	v6 =	vld [tilespmem:s25+$0x12490];
	v1 =	vmul.f32 $8.000000000e+00, v1  }
0x113: {  	v7 =	vld [tilespmem:s25+$0x124A0];
	v2 =	vmul.f32 $8.000000000e+00, v2;
	[tilespmem:s25+$0x1A7B0] =	vst v0  }
0x114: {  	[tilespmem:s25+$0x1A400] =	vst v1;
	v0 =	vmul.f32 $8.000000000e+00, v3;
	v1 =	vld [tilespmem:s25+$0x124B0]  }
0x115: {  	[tilespmem:s25+$0x1A410] =	vst v2;
	v2 =	vmul.f32 $8.000000000e+00, v4;
	v3 =	vld [tilespmem:s25+$0x12500]  }
0x116: {  	v4 =	vld [tilespmem:s25+$0x12510];
	[tilespmem:s25+$0x1A420] =	vst v0;
	v0 =	vmul.f32 $8.000000000e+00, v5  }
0x117: {  	[tilespmem:s25+$0x1A430] =	vst v2;
	v2 =	vmul.f32 $8.000000000e+00, v6;
	v5 =	vld [tilespmem:s25+$0x12520]  }
0x118: {  	v6 =	vld [tilespmem:s25+$0x12530];
	[tilespmem:s25+$0x1A480] =	vst v0;
	v0 =	vmul.f32 $8.000000000e+00, v7  }
0x119: {  	[tilespmem:s25+$0x1A490] =	vst v2;
	v2 =	vld [tilespmem:s25+$0x12580];
	v1 =	vmul.f32 $8.000000000e+00, v1  }
0x11a: {  	[tilespmem:s25+$0x1A4A0] =	vst v0;
	v0 =	vmul.f32 $8.000000000e+00, v3;
	v3 =	vld [tilespmem:s25+$0x12590]  }
0x11b: {  	[tilespmem:s25+$0x1A4B0] =	vst v1;
	v1 =	vmul.f32 $8.000000000e+00, v4;
	v4 =	vld [tilespmem:s25+$0x125A0]  }
0x11c: {  	[tilespmem:s25+$0x1A500] =	vst v0;
	v0 =	vmul.f32 $8.000000000e+00, v5;
	v5 =	vld [tilespmem:s25+$0x125B0]  }
0x11d: {  	[tilespmem:s25+$0x1A510] =	vst v1;
	v1 =	vmul.f32 $8.000000000e+00, v6;
	v6 =	vld [tilespmem:s25+$0x12600]  }
0x11e: {  	[tilespmem:s25+$0x1A520] =	vst v0;
	v0 =	vmul.f32 $8.000000000e+00, v2;
	v2 =	vld [tilespmem:s25+$0x12610]  }
0x11f: {  	[tilespmem:s25+$0x1A530] =	vst v1;
	v1 =	vmul.f32 $8.000000000e+00, v3;
	v3 =	vld [tilespmem:s25+$0x12620]  }
0x120: {  	[tilespmem:s25+$0x1A580] =	vst v0;
	v0 =	vmul.f32 $8.000000000e+00, v4;
	v4 =	vld [tilespmem:s25+$0x12630]  }
0x121: {  	[tilespmem:s25+$0x1A590] =	vst v1;
	v1 =	vmul.f32 $8.000000000e+00, v5;
	v5 =	vld [tilespmem:s25+$0x12680]  }
0x122: {  	[tilespmem:s25+$0x1A5A0] =	vst v0;
	v0 =	vmul.f32 $8.000000000e+00, v6;
	v6 =	vld [tilespmem:s25+$0x12690]  }
0x123: {  	[tilespmem:s25+$0x1A5B0] =	vst v1;
	v1 =	vmul.f32 $8.000000000e+00, v2;
	v2 =	vld [tilespmem:s25+$0x126A0]  }
0x124: {  	v7 =	vld [tilespmem:s25+$0x126B0];
	[tilespmem:s25+$0x1A600] =	vst v0;
	v0 =	vmul.f32 $8.000000000e+00, v3  }
0x125: {  	[tilespmem:s25+$0x1A610] =	vst v1;
	v1 =	vmul.f32 $8.000000000e+00, v4;
	v4 =	vld [tilespmem:s25+$0x12700]  }
0x126: {  	v3 =	vld [tilespmem:s25+$0x12710];
	[tilespmem:s25+$0x1A620] =	vst v0;
	v5 =	vmul.f32 $8.000000000e+00, v5  }
0x127: {  	v0 =	vld [tilespmem:s25+$0x12720];
	[tilespmem:s25+$0x1A630] =	vst v1;
	v6 =	vmul.f32 $8.000000000e+00, v6  }
0x128: {  	v1 =	vld [tilespmem:s25+$0x12730];
	[tilespmem:s25+$0x1A680] =	vst v5;
	v5 =	vmul.f32 $8.000000000e+00, v2  }
0x129: {  	v2 =	vld [tilespmem:s25+$0x12780];
	[tilespmem:s25+$0x1A690] =	vst v6;
	v6 =	vmul.f32 $8.000000000e+00, v7  }
0x12a: {  	s29 =	simm.s32 $0x1000;
	s28 =	simm.s32 $0x0;
	[tilespmem:s25+$0x1A6A0] =	vst v5;
	v5 =	vmul.f32 $8.000000000e+00, v4;
	v4 =	vld [tilespmem:s25+$0x12790]  }
.LBB2_9:
0x12b: {  	s0 =	sshra.s32 s29, $0x2;
	s28 =	sadd.s32 $0x8, s28;
	[tilespmem:s25+$0x1A6B0] =	vst v6;
	v3 =	vmul.f32 $8.000000000e+00, v3;
	v6 =	vld [tilespmem:s25+$0x127A0]  }
0x12c: {  	v7 =	vld [tilespmem:s0+$0x127B0];
	p0 =	slt.u32 s28, $0x78;
	[tilespmem:s25+$0x1A700] =	vst v5;
	v0 =	vmul.f32 $8.000000000e+00, v0  }
0x12d: {  	v5 =	vld [tilespmem:s0+$0x12400];
	[tilespmem:s25+$0x1A710] =	vst v3;
	v1 =	vmul.f32 $8.000000000e+00, v1  }
0x12e: {  	v3 =	vld [tilespmem:s0+$0x12410];
	[tilespmem:s25+$0x1A720] =	vst v0;
	v0 =	vmul.f32 $8.000000000e+00, v2  }
0x12f: {  	v2 =	vld [tilespmem:s0+$0x12420];
	[tilespmem:s25+$0x1A730] =	vst v1;
	v1 =	vmul.f32 $8.000000000e+00, v4  }
0x130: {  	v4 =	vld [tilespmem:s0+$0x12430];
	[tilespmem:s25+$0x1A780] =	vst v0;
	v0 =	vmul.f32 $8.000000000e+00, v6  }
0x131: {  	v6 =	vld [tilespmem:s0+$0x12480];
	v7 =	vmul.f32 $8.000000000e+00, v7;
	[tilespmem:s25+$0x1A790] =	vst v1  }
0x132: {  	v1 =	vmul.f32 $8.000000000e+00, v5;
	v5 =	vld [tilespmem:s0+$0x12490];
	[tilespmem:s25+$0x1A7A0] =	vst v0;
	s25 =	smov.u32 s0  }
0x133: {  	v0 =	vmul.f32 $8.000000000e+00, v3;
	v3 =	vld [tilespmem:s25+$0x124A0];
	[tilespmem:s25+$0x1A7B0] =	vst v7  }
0x134: {  	[tilespmem:s25+$0x1A400] =	vst v1;
	v1 =	vmul.f32 $8.000000000e+00, v2;
	v2 =	vld [tilespmem:s25+$0x124B0]  }
0x135: {  	[tilespmem:s25+$0x1A410] =	vst v0;
	v0 =	vmul.f32 $8.000000000e+00, v4;
	v4 =	vld [tilespmem:s25+$0x12500]  }
0x136: {  	[tilespmem:s25+$0x1A420] =	vst v1;
	v1 =	vmul.f32 $8.000000000e+00, v6;
	v6 =	vld [tilespmem:s25+$0x12510]  }
0x137: {  	[tilespmem:s25+$0x1A430] =	vst v0;
	v0 =	vmul.f32 $8.000000000e+00, v5;
	v5 =	vld [tilespmem:s25+$0x12520]  }
0x138: {  	[tilespmem:s25+$0x1A480] =	vst v1;
	v1 =	vmul.f32 $8.000000000e+00, v3;
	v3 =	vld [tilespmem:s25+$0x12530]  }
0x139: {  	[tilespmem:s25+$0x1A490] =	vst v0;
	v0 =	vmul.f32 $8.000000000e+00, v2;
	v2 =	vld [tilespmem:s25+$0x12580]  }
0x13a: {  	[tilespmem:s25+$0x1A4A0] =	vst v1;
	v1 =	vmul.f32 $8.000000000e+00, v4;
	v4 =	vld [tilespmem:s25+$0x12590]  }
0x13b: {  	[tilespmem:s25+$0x1A4B0] =	vst v0;
	v0 =	vmul.f32 $8.000000000e+00, v6;
	v6 =	vld [tilespmem:s25+$0x125A0]  }
0x13c: {  	[tilespmem:s25+$0x1A500] =	vst v1;
	v1 =	vmul.f32 $8.000000000e+00, v5;
	v5 =	vld [tilespmem:s25+$0x125B0]  }
0x13d: {  	[tilespmem:s25+$0x1A510] =	vst v0;
	v0 =	vmul.f32 $8.000000000e+00, v3;
	v3 =	vld [tilespmem:s25+$0x12600]  }
0x13e: {  	[tilespmem:s25+$0x1A520] =	vst v1;
	v1 =	vmul.f32 $8.000000000e+00, v2;
	v2 =	vld [tilespmem:s25+$0x12610]  }
0x13f: {  	[tilespmem:s25+$0x1A530] =	vst v0;
	v0 =	vmul.f32 $8.000000000e+00, v4;
	v4 =	vld [tilespmem:s25+$0x12620]  }
0x140: {  	[tilespmem:s25+$0x1A580] =	vst v1;
	v1 =	vmul.f32 $8.000000000e+00, v6;
	v6 =	vld [tilespmem:s25+$0x12630]  }
0x141: {  	[tilespmem:s25+$0x1A590] =	vst v0;
	v0 =	vmul.f32 $8.000000000e+00, v5;
	v5 =	vld [tilespmem:s25+$0x12680]  }
0x142: {  	[tilespmem:s25+$0x1A5A0] =	vst v1;
	v1 =	vmul.f32 $8.000000000e+00, v3;
	v7 =	vld [tilespmem:s25+$0x12690]  }
0x143: {  	[tilespmem:s25+$0x1A5B0] =	vst v0;
	v0 =	vmul.f32 $8.000000000e+00, v2;
	v2 =	vld [tilespmem:s25+$0x126A0]  }
0x144: {  	[tilespmem:s25+$0x1A600] =	vst v1;
	v1 =	vmul.f32 $8.000000000e+00, v4;
	v4 =	vld [tilespmem:s25+$0x126B0]  }
0x145: {  	[tilespmem:s25+$0x1A610] =	vst v0;
	v0 =	vmul.f32 $8.000000000e+00, v6;
	v8 =	vld [tilespmem:s25+$0x12700]  }
.Ltmp3:
0x146: {  	[tilespmem:s25+$0x1A620] =	vst v1;
	v1 =	vmul.f32 $8.000000000e+00, v5;
	v3 =	vld [tilespmem:s25+$0x12710];
	(pc) =	sbr.rel @p0 .LBB2_9-.Ltmp3, $4  }
0x147: {  	[tilespmem:s25+$0x1A630] =	vst v0;
	v5 =	vmul.f32 $8.000000000e+00, v7;
	v0 =	vld [tilespmem:s25+$0x12720]  }
0x148: {  	[tilespmem:s25+$0x1A680] =	vst v1;
	v7 =	vmul.f32 $8.000000000e+00, v2;
	v1 =	vld [tilespmem:s25+$0x12730]  }
0x149: {  	[tilespmem:s25+$0x1A690] =	vst v5;
	v6 =	vmul.f32 $8.000000000e+00, v4;
	v2 =	vld [tilespmem:s25+$0x12780]  }
0x14a: {  	s29 =	sadd.s32 $0x1000, s29;
	[tilespmem:s25+$0x1A6A0] =	vst v7;
	v5 =	vmul.f32 $8.000000000e+00, v8;
	v4 =	vld [tilespmem:s25+$0x12790]  }
0x14b: {  	[tilespmem:s25+$0x1A6B0] =	vst v6;
	v3 =	vmul.f32 $8.000000000e+00, v3;
	v60 =	vld [tilespmem:s25+$0x127A0]  }
0x14c: {  	[tilespmem:s25+$0x1A700] =	vst v5;
	v0 =	vmul.f32 $8.000000000e+00, v0  }
0x14d: {  	s24 =	sadd.s32 $0x1, s24;
	[tilespmem:s25+$0x1A710] =	vst v3;
	v1 =	vmul.f32 $8.000000000e+00, v1  }
0x14e: {  	p0 =	sne.s32 s24, $0x32;
	[tilespmem:s25+$0x1A720] =	vst v0;
	v61 =	vmul.f32 $8.000000000e+00, v2  }
.Ltmp4:
0x14f: {  	s0 =	sshll.u32 s26, $0xE;
	[tilespmem:s25+$0x1A730] =	vst v1;
	v62 =	vmul.f32 $8.000000000e+00, v4;
	(pc) =	sbr.rel @p0 .LBB2_2-.Ltmp4, $4  }
0x150: {  	s0 =	sadd.s32 s6, s0;
	[tilespmem:s25+$0x1A780] =	vst v61;
	v63 =	vmul.f32 $8.000000000e+00, v60  }
0x151: {  	s0 =	sshrl.u32 s0, $0x3;
	[tilespmem:s25+$0x1A790] =	vst v62  }
0x152: {  	s0 =	sadd.s32 s4, s0;
	[tilespmem:s25+$0x1A7A0] =	vst v63  }
0x153: {  	[hbm4b:s0+s2] =	stream.linear.scatter [tilespmem:s18], [sflag:$0x6], $0x4000, $0x38;
	[tilespmem:$0x1E400] =	vst v63  }
0x154: {  	s23 =	sadd.s32 $0x1, s23  }
0x155: {  	_ =	swait.ge [sflag:s19], $0x4000;
	p0 =	sne.s32 s23, s7  }
.Ltmp5:
0x156: {  	[sflag:s19] =	ssyncset.done $0x0;
	(pc) =	sbr.rel @p0 .LBB2_1-.Ltmp5, $4  }
0x157: {  	[sflag:s19] =	ssyncadd.s32 $0xFFFFC000  }
0x158: {  	_ =	swait.ge [sflag:s21], $0x4000  }
0x159: {  	[sflag:s21] =	ssyncset.done $0x0  }
0x15a: {  	[sflag:s21] =	ssyncadd.s32 $0xFFFFC000  }
0x15b: {  	_ =	sfence.sel $0x180000  }
0x15c: {  	[bflag:$0x0] =	sbarrier.arrive $0xFFFF  }
0x15d: {  	_ =	strace $0x9000004D  }
0x15e: {  	[bflag:$0x2] =	sbarrier.arrive $0xFFFF  }
0x15f: {  	p0 =	sne.s32 s1, $0x0;
	s0 =	rddreg [dreg:$0x1]  }
0x160: {  	s0 =	sadd.s32 @!p0 $0x100000, s0  }
0x161: {  	[sflag:s0] =	ssyncadd.tile.s32 @!p0 $0x1;
	_ =	shalt  }
.Lfunc_end2:
_tile_overlayer_lowered:
.L_overlay_start_2:
0x162: {  	(tag) =	ssettag $0x2  }
0x163: {  	s0 =	rddreg [dreg:$0x0];
	s2 =	stileid.u32  }
0x164: {  	s1 =	rddreg [dreg:$0x1];
	p0 =	sne.s32 s2, $0x0  }
0x165: {  	s3 =	rddreg [dreg:$0x2];
	[bflag:$0x3] =	sbarrier.arrive $0xFFFF;
	s2 =	simm.s32 @!p0 $0x1C07  }
0x166: {  	[timem:s3], [sflag:s2] =	dma.local @!p0 [hbm:s0], s1  }
0x167: {  	s0 =	simm.s32 @!p0 $0x7  }
0x168: {  	_ =	swait.ge @!p0 [sflag:s0], s1  }
0x169: {  	s1 =	ssub.s32 @!p0 $0x0, s1;
	[sflag:s0] =	ssyncset.done @!p0 $0x0  }
0x16a: {  	[sflag:s0] =	ssyncadd.s32 @!p0 s1  }
0x16b: {  	[bflag:$0x3] =	sbarrier.arrive $0xFFFF  }
0x16c: {  	_ =	shalt  }

// kernel: kernel.5.cloned.1.call-start
scs
__scs_entry_jumppad:
0x0: {  	(pc) =	sbr.rel $0x88, $3  }
0x1: {  	(tag) =	ssettag $0x0;
	lr =	simm.s32 $0x1  }
0x2: {  	[smem:$0x3F9F] =	sst lr;
	_ =	strace $0xD0000000  }
0x3: {  	_ = 	snop  }
0x4: {  	_ = 	snop  }
0x5: {  	_ = 	snop  }
0x6: {  	_ = 	snop  }
0x7: {  	_ = 	snop  }
__scs_overlays_trampoline_lowered:
0x8: {  	[smem:$0x3FAE] =	sst s0  }
0x9: {  	[smem:$0x3FAF] =	sst s1  }
0xa: {  	[smem:$0x3FB0] =	sst s2  }
0xb: {  	[smem:$0x3FB1] =	sst s3  }
0xc: {  	[smem:$0x3FB2] =	sst s4  }
0xd: {  	[smem:$0x3FB3] =	sst s5  }
0xe: {  	[smem:$0x3FB4] =	sst s6  }
0xf: {  	[smem:$0x3FB5] =	sst s7  }
0x10: {  	[smem:$0x3FB6] =	sst s8  }
0x11: {  	[smem:$0x3FB7] =	sst s9;
	s0 =	simm.s32 @!p0 $0x0  }
0x12: {  	s1 =	sld [smem:$0x3F9D];
	s0 =	simm.s32 @p0 $0x1  }
0x13: {  	[smem:$0x3FB8] =	sst s0;
	s0 =	simm.s32 @!p1 $0x0  }
0x14: {  	s2 =	sld [smem:$0x3F9C];
	s0 =	simm.s32 @p1 $0x1  }
0x15: {  	[smem:$0x3FB9] =	sst s0;
	s0 =	simm.s32 @!p2 $0x0  }
0x16: {  	s3 =	sld [smem:$0x3FDB];
	s0 =	simm.s32 @p2 $0x1  }
0x17: {  	s4 =	simm.s32 $0x1BF5;
	[smem:$0x3FBB] =	sst s0  }
0x18: {  	s0 =	sld [smem:$0x3F9E];
	_ =	swait.ge [sflag:s4], $0x0  }
0x19: {  	s7 =	sld [smem:$0x3F9F]  }
0x1a: {  	s8 =	sadd.s32 $0xFFFFE003, lr  }
0x1b: {  	s9 =	sadd.s32 $0xFFFFFEF7, lr;
	s5 =	simm.s32 $0xFFFFFFFF;
	p2 =	slt.u32 s8, $0xFFFFF086  }
0x1c: {  	p1 =	slt.u32 s9, $0xF7A;
	s5 =	simm.s32 @!p2 $0x0  }
0x1d: {  	s5 =	simm.s32 @p1 $0x1;
	p0 =	seq.s32 s7, s2  }
0x1e: {  	s7 =	smul.u32 @!p0 $0xF7A, s2;
	p2 =	seq.s32 @!p0 s5, $0x0  }
0x1f: {  	s9 =	smul.u32 $0xF7A, s1;
	s8 =	simm.s32 @!p0 $0x1BF5;
	p2 =	por !p2, p0  }
0x20: {  	[sflag:s8] =	ssyncset.s32 @!p0 $0xFFFFF086;
	s6 =	sadd.s32 @!p0 s3, s7;
	s7 =	simm.s32 @!p0 $0x108  }
0x21: {  	s3 =	sadd.s32 s3, s9;
	s6 =	sadd.s32 @!p0 $0x88, s6;
	s7 =	simm.s32 @p2 $0x1082  }
0x22: {  	[simem:s7], [sflag:s8] =	dma.local @!p0 [hbm:s6], $0xF7A  }
0x23: {  	s9 =	sor.u32 $0xD0000000, s2;
	s6 =	simm.s32 $0x108;
	_ =	swait.ge @!p0 [sflag:s8], $0x0  }
0x24: {  	s3 =	sadd.s32 $0x88, s3;
	s6 =	simm.s32 @!p1 $0x1082;
	[sflag:s4] =	ssyncset.s32 $0xFFFFF086  }
0x25: {  	[simem:s6], [sflag:s4] =	dma.local [hbm:s3], $0xF7A  }
0x26: {  	[smem:$0x3F9F] =	sst s1;
	(tag) =	ssettag s2;
	_ =	strace s9  }
0x27: {  	s1 =	sld [smem:$0x3FAF]  }
0x28: {  	s2 =	sld [smem:$0x3FB0]  }
0x29: {  	s4 =	sld [smem:$0x3FB2]  }
0x2a: {  	p0 =	seq.s32 s5, $0x0;
	s5 =	sld [smem:$0x3FB3]  }
0x2b: {  	s6 =	sld [smem:$0x3FB4]  }
0x2c: {  	s7 =	sld [smem:$0x3FB5]  }
0x2d: {  	s3 =	simm.s32 $0x108;
	s8 =	sld [smem:$0x3FB6]  }
0x2e: {  	s3 =	simm.s32 @!p0 $0x1082;
	s9 =	sld [smem:$0x3FB7]  }
0x2f: {  	lr =	sadd.s32 s0, s3;
	s0 =	sld [smem:$0x3FAE]  }
0x30: {  	s3 =	sld [smem:$0x3FB1]  }
0x31: {  	[smem:$0x3FBA] =	sst s10  }
0x32: {  	s10 =	sld [smem:$0x3FB8];
	_ =	sdelay $0x3  }
0x33: {  	p0 =	seq.s32 s10, $0x1;
	s10 =	sld [smem:$0x3FBA];
	_ =	sdelay $0x3  }
0x34: {  	[smem:$0x3FBA] =	sst s10  }
0x35: {  	s10 =	sld [smem:$0x3FB9];
	_ =	sdelay $0x3  }
0x36: {  	p1 =	seq.s32 s10, $0x1;
	s10 =	sld [smem:$0x3FBA];
	_ =	sdelay $0x3  }
0x37: {  	[smem:$0x3FBA] =	sst s10  }
0x38: {  	s10 =	sld [smem:$0x3FBB]  }
0x39: {  	_ = 	snop;
	(pc) =	sbr.ind lr, $3  }
0x3a: {  	_ = 	snop  }
0x3b: {  	_ = 	snop  }
0x3c: {  	p2 =	seq.s32 s10, $0x1;
	s10 =	sld [smem:$0x3FBA]  }
0x3d: {  	_ =	shalt  }
0x3e: {  	_ =	shalt  }
0x3f: {  	_ =	shalt  }
0x40: {  	_ =	shalt  }
0x41: {  	_ =	shalt  }
0x42: {  	_ =	shalt  }
0x43: {  	_ =	shalt  }
0x44: {  	_ =	shalt  }
0x45: {  	_ =	shalt  }
0x46: {  	_ =	shalt  }
0x47: {  	_ =	shalt  }
0x48: {  	_ =	shalt  }
0x49: {  	_ =	shalt  }
0x4a: {  	_ =	shalt  }
0x4b: {  	_ =	shalt  }
0x4c: {  	_ =	shalt  }
0x4d: {  	_ =	shalt  }
0x4e: {  	_ =	shalt  }
0x4f: {  	_ =	shalt  }
0x50: {  	_ =	shalt  }
0x51: {  	_ =	shalt  }
0x52: {  	_ =	shalt  }
0x53: {  	_ =	shalt  }
0x54: {  	_ =	shalt  }
0x55: {  	_ =	shalt  }
0x56: {  	_ =	shalt  }
0x57: {  	_ =	shalt  }
0x58: {  	_ =	shalt  }
0x59: {  	_ =	shalt  }
0x5a: {  	_ =	shalt  }
0x5b: {  	_ =	shalt  }
0x5c: {  	_ =	shalt  }
0x5d: {  	_ =	shalt  }
0x5e: {  	_ =	shalt  }
0x5f: {  	_ =	shalt  }
0x60: {  	_ =	shalt  }
0x61: {  	_ =	shalt  }
0x62: {  	_ =	shalt  }
0x63: {  	_ =	shalt  }
0x64: {  	_ =	shalt  }
0x65: {  	_ =	shalt  }
0x66: {  	_ =	shalt  }
0x67: {  	_ =	shalt  }
0x68: {  	_ =	shalt  }
0x69: {  	_ =	shalt  }
0x6a: {  	_ =	shalt  }
0x6b: {  	_ =	shalt  }
0x6c: {  	_ =	shalt  }
0x6d: {  	_ =	shalt  }
0x6e: {  	_ =	shalt  }
0x6f: {  	_ =	shalt  }
0x70: {  	_ =	shalt  }
0x71: {  	_ =	shalt  }
0x72: {  	_ =	shalt  }
0x73: {  	_ =	shalt  }
0x74: {  	_ =	shalt  }
0x75: {  	_ =	shalt  }
0x76: {  	_ =	shalt  }
0x77: {  	_ =	shalt  }
0x78: {  	_ =	shalt  }
0x79: {  	_ =	shalt  }
0x7a: {  	_ =	shalt  }
0x7b: {  	_ =	shalt  }
0x7c: {  	_ =	shalt  }
0x7d: {  	_ =	shalt  }
0x7e: {  	_ =	shalt  }
0x7f: {  	_ =	shalt  }
0x80: {  	_ =	shalt  }
0x81: {  	_ =	shalt  }
0x82: {  	_ =	shalt  }
0x83: {  	_ =	shalt  }
0x84: {  	_ =	shalt  }
0x85: {  	_ =	shalt  }
0x86: {  	_ =	shalt  }
0x87: {  	_ =	shalt  }
.Lfunc_end0:
.L_simem_size_0:
called_computation.1_lowered:
.L_overlay_start_0:
0x88: {  	s2 =	sld [smem:$0x3FD9]  }
0x89: {  	s3 =	sld [smem:$0x3FFE];
	_ =	sdelay $0x1  }
0x8a: {  	s1 =	srdreg.scid  }
0x8b: {  	s0 =	sand.u32 $0x1, s1  }
0x8c: {  	s16 =	sshll.u32 s0, $0xA;
	s2 =	sadd.s32 s3, s2  }
0x8d: {  	s2 =	sadd.s32 s2, s16  }
0x8e: {  	[smem:$0x3FC6] =	sst s2  }
0x8f: {  	_ = 	snop  }
0x90: {  	(tm) =	ssettm $0x1  }
0x91: {  	s17 =	sld [smem:$0x3FFB];
	_ =	sdelay $0x3  }
0x92: {  	_ =	strace s17  }
0x93: {  	s2 =	sld [smem:$0x3FFC];
	_ =	sdelay $0x3  }
0x94: {  	_ =	strace s2  }
0x95: {  	s2 =	sld [smem:$0x3FFD];
	_ =	sdelay $0x3  }
0x96: {  	_ =	strace s2  }
0x97: {  	_ =	strace $0x8FFFFFFF  }
0x98: {  	s18 =	sld [smem:$0x3FDB];
	_ =	sdelay $0x1  }
0x99: {  	s19 =	simm.s32 $_scs_section_size  }
0x9a: {  	s4 =	simm.s32 $_size__tile_overlayer_lowered;
	s5 =	simm.s32 $_tile_overlayer_lowered  }
0x9b: {  	s22 =	simm.s32 $0x1BFF;
	s21 =	sshll.u32 s5, $0x1;
	s2 =	sadd.s32 s19, s18  }
0x9c: {  	s6 =	simm.s32 $0x0;
	s20 =	sshll.u32 s4, $0x1;
	s4 =	sadd.s32 s21, s2  }
0x9d: {  	[timem:s6], [sflag:s22] =	dma.local [hbm:s4], s20  }
0x9e: {  	_ =	swait.ge [sflag:s22], s20  }
0x9f: {  	s3 =	ssub.s32 $0x0, s20;
	[sflag:s22] =	ssyncset.done $0x0  }
0xa0: {  	[sflag:s22] =	ssyncadd.s32 s3;
	_ =	sdelay $0x1  }
0xa1: {  	s23 =	simm.s32 $0x1B8B  }
0xa2: {  	_ =	swait.ge [sflag:s23], $0x1  }
0xa3: {  	[sflag:s23] =	ssyncset.done $0x0  }
0xa4: {  	s25 =	simm.s32 $0x1B8E;
	s24 =	sld [smem:$0x3FFE];
	[sflag:s23] =	ssyncadd.s32 $0xFFFFFFFF  }
0xa5: {  	s26 =	simm.s32 $execute0_lowered;
	[smem:$0x3FD2] =	sst s25  }
0xa6: {  	s4 =	sshll.u32 s26, $0x1;
	_ =	strace $0x80000046;
	[dreg:$0x1] =	wrdreg $0xFFFFFFFF  }
0xa7: {  	s28 =	simm.s32 $_size_execute0_lowered;
	s2 =	sadd.s32 s2, s4;
	[dreg:$0x0] =	wrdreg $0x0  }
0xa8: {  	s4 =	sshll.u32 s28, $0x1;
	[dreg:$0x2] =	wrdreg s2  }
0xa9: {  	[dreg:$0x3] =	wrdreg s4  }
0xaa: {  	[dreg:$0x4] =	wrdreg $0xC0  }
0xab: {  	_ =	task [dreg:s6], $0x5FFFF  }
0xac: {  	[dreg:$0x1] =	wrdreg $0xFFFFFFFF  }
0xad: {  	[dreg:$0x0] =	wrdreg $0x60  }
0xae: {  	[dreg:$0x2] =	wrdreg s24  }
0xaf: {  	[dreg:$0x3] =	wrdreg $0x9  }
0xb0: {  	_ =	task.clear_ibuf [dreg:s6], $0x4FFFF;
	_ =	strace $0x90000046  }
0xb1: {  	s29 =	simm.s32 $0x9;
	_ =	strace $0x80000048  }
0xb2: {  	_ =	swait.ge [sflag:s29], $0x1  }
0xb3: {  	[sflag:s29] =	ssyncadd.s32 $0xFFFFFFFF  }
0xb4: {  	_ =	strace $0x90000048  }
0xb5: {  	_ =	sfence  }
0xb6: {  	s30 =	sld [smem:$0x0];
	_ =	sdelay $0x2  }
0xb7: {  	s31 =	sshll.u32 s1, $0xD;
	s1 =	sshrl.u32 s1, $0x2  }
0xb8: {  	s3 =	sand.u32 $0x4000, s31;
	s1 =	sadd.s32 s1, s30  }
0xb9: {  	s0 =	sor.u32 s3, s0;
	s1 =	sshll.u32 s1, $0x11  }
0xba: {  	s0 =	sor.u32 s1, s0  }
0xbb: {  	s0 =	sadd.s32 $0x8F2B, s0  }
0xbc: {  	[sflag:s0] =	ssyncadd.remote.s32 $0x1  }
0xbd: {  	_ =	sfence.sel $0xFFFF  }
0xbe: {  	[dreg:$0x0] =	wrdreg $0xFFFFFFFF;
	(pc) =	sbr.abs _section_cstart, $3  }
0xbf: {  	[dreg:$0x1] =	wrdreg $0xFFFFFFFF  }
0xc0: {  	_ =	task.clear_ibuf [dreg:s6], $0x2FFFF;
	_ =	strace $0x9FFFFFFF  }
0xc1: {  	(tm) =	ssettm $0x7FFFFFFF  }
tec
execute0_lowered:
.L_overlay_start_1:
0x0: {  	(tag) =	ssettag $0x1  }
0x1: {  	s1 =	srdreg.scid;
	s0 =	stileid.u32  }
0x2: {  	s5 =	rddreg [dreg:$0x0];
	s2 =	simm.s32 $0x0;
	s12 =	simm.s32 $0x8000  }
0x3: {  	s13 =	simm.s32 $0x1;
	s14 =	simm.s32 $0x10000;
	s15 =	simm.s32 $0x2  }
0x4: {  	s16 =	simm.s32 $0x18000;
	s4 =	sand.u32 $0x1, s1;
	s3 =	sshll.u32 s0, $0x1  }
0x5: {  	s17 =	simm.s32 $0x3;
	s18 =	simm.s32 $0x4;
	s3 =	sor.u32 s4, s3  }
0x6: {  	s19 =	simm.s32 $0x0;
	[smem:$0x7FF] =	sst s2;
	s6 =	smul.u32 $0xF43, s3  }
0x7: {  	s1 =	rddreg [dreg:$0x1];
	_ =	strace $0x80000047;
	s7 =	ssub.s32 $0x2, s4  }
0x8: {  	s3 =	sadd.s32 $0x1200, s5;
	s8 =	sshrl.u32 s7, $0x1;
	s4 =	smin.u32 s6, $0x1D905  }
0x9: {  	s5 =	sadd.s32 $0xF43600, s5;
	s11 =	ssub.s32 s7, s8;
	s6 =	sadd.s32 $0xF23, s4  }
0xa: {  	s11 =	smax.u32 s11, $0x1;
	s7 =	sshll.u32 s4, $0x7;
	s10 =	sshll.u32 s6, $0x7  }
0xb: {  	s9 =	sadd.s32 $0x40, s4;
	s8 =	sadd.s32 s3, s7;
	s10 =	sadd.s32 s5, s10  }
.LBB2_1:
0xc: {  	[tilespmem:s2], [sflag:$0x1] =	stream.linear.gather [hbm4b:s8+s2], $0x8000, $0x38;
	v63 =	vld [tilespmem:$0x0]  }
0xd: {  	s20 =	simm.s32 $0x0  }
.LBB2_2:
0xe: {  	s21 =	sshll.u32 s20, $0xD  }
0xf: {  	s21 =	sadd.s32 s21, s7  }
0x10: {  	s21 =	sadd.s32 $0x1000, s21  }
0x11: {  	s22 =	sadd.s32 s3, s21  }
0x12: {  	[tilespmem:s12], [sflag:$0x2] =	stream.linear.gather [hbm4b:s22+s2], $0x8000, $0x38;
	v63 =	vld [tilespmem:$0x0]  }
0x13: {  	_ =	swait.ge [sflag:s13], $0x8000  }
0x14: {  	p0 =	seq.s32 s20, $0x0;
	[sflag:s13] =	ssyncset.done $0x0  }
0x15: {  	s22 =	simm.s32 @!p0 $0x3;
	[sflag:s13] =	ssyncadd.s32 $0xFFFF8000  }
0x16: {  	_ =	swait.ge @!p0 [sflag:s22], $0x8000  }
0x17: {  	[sflag:s22] =	ssyncset.done @!p0 $0x0  }
0x18: {  	s26 =	simm.s32 $0x200;
	[sflag:s22] =	ssyncadd.s32 @!p0 $0xFFFF8000  }
0x19: {  	v0 =	vld [tilespmem:s26+$0x180]  }
0x1a: {  	v1 =	vld [tilespmem:s26+$0xFFFFFE80]  }
0x1b: {  	v2 =	vld [tilespmem:s26+$0xFFFFFF00]  }
0x1c: {  	v3 =	vld [tilespmem:s26+$0xFFFFFF80]  }
0x1d: {  	s22 =	simm.s32 $0x10200;
	v4 =	vld [tilespmem:s26+$0x0]  }
0x1e: {  	v5 =	vld [tilespmem:s26+$0x80];
	[tilespmem:s22+$0x180] =	vst v0  }
0x1f: {  	[tilespmem:s22+$0xFFFFFE80] =	vst v1;
	v1 =	vld [tilespmem:s26+$0x100]  }
0x20: {  	[tilespmem:s22+$0xFFFFFF00] =	vst v2;
	v2 =	vld [tilespmem:s26+$0xFFFFFE00]  }
0x21: {  	[tilespmem:s22+$0xFFFFFF80] =	vst v3;
	v0 =	vld [tilespmem:s26+$0x190]  }
0x22: {  	[tilespmem:s22+$0x0] =	vst v4;
	v3 =	vld [tilespmem:s26+$0xFFFFFE90]  }
0x23: {  	[tilespmem:s22+$0x80] =	vst v5;
	v4 =	vld [tilespmem:s26+$0xFFFFFF10]  }
0x24: {  	v5 =	vld [tilespmem:s26+$0xFFFFFF90];
	[tilespmem:s22+$0x100] =	vst v1  }
0x25: {  	[tilespmem:s22+$0xFFFFFE00] =	vst v2;
	v1 =	vld [tilespmem:s26+$0x10]  }
0x26: {  	[tilespmem:s22+$0x190] =	vst v0;
	v2 =	vld [tilespmem:s26+$0xFFFFFE10]  }
0x27: {  	[tilespmem:s22+$0xFFFFFE90] =	vst v3;
	v3 =	vld [tilespmem:s26+$0x90]  }
0x28: {  	[tilespmem:s22+$0xFFFFFF10] =	vst v4;
	v4 =	vld [tilespmem:s26+$0x110]  }
0x29: {  	[tilespmem:s22+$0xFFFFFF90] =	vst v5;
	v0 =	vld [tilespmem:s26+$0x1A0]  }
0x2a: {  	v5 =	vld [tilespmem:s26+$0xFFFFFEA0];
	[tilespmem:s22+$0x10] =	vst v1  }
0x2b: {  	v1 =	vld [tilespmem:s26+$0xFFFFFF20];
	[tilespmem:s22+$0xFFFFFE10] =	vst v2  }
0x2c: {  	[tilespmem:s22+$0x90] =	vst v3;
	v3 =	vld [tilespmem:s26+$0xFFFFFFA0]  }
0x2d: {  	[tilespmem:s22+$0x110] =	vst v4;
	v2 =	vld [tilespmem:s26+$0xFFFFFE20]  }
0x2e: {  	v4 =	vld [tilespmem:s26+$0x20];
	[tilespmem:s22+$0x1A0] =	vst v0  }
0x2f: {  	[tilespmem:s22+$0xFFFFFEA0] =	vst v5;
	v0 =	vld [tilespmem:s26+$0x1B0]  }
0x30: {  	v5 =	vld [tilespmem:s26+$0xA0];
	[tilespmem:s22+$0xFFFFFF20] =	vst v1  }
0x31: {  	v6 =	vld [tilespmem:s26+$0x120];
	[tilespmem:s22+$0xFFFFFFA0] =	vst v3  }
0x32: {  	v7 =	vld [tilespmem:s26+$0xFFFFFEB0];
	[tilespmem:s22+$0xFFFFFE20] =	vst v2  }
0x33: {  	[tilespmem:s22+$0x20] =	vst v4;
	v8 =	vld [tilespmem:s26+$0xFFFFFE30]  }
0x34: {  	[tilespmem:s22+$0x1B0] =	vst v0;
	v0 =	vld [tilespmem:s26+$0xFFFFFF30]  }
0x35: {  	v1 =	vld [tilespmem:s26+$0xFFFFFFB0];
	[tilespmem:s22+$0xA0] =	vst v5  }
0x36: {  	v2 =	vld [tilespmem:s26+$0x30];
	[tilespmem:s22+$0x120] =	vst v6  }
0x37: {  	s23 =	sshll.u32 s20, $0x6;
	[tilespmem:s22+$0xFFFFFEB0] =	vst v7;
	v3 =	vld [tilespmem:s26+$0xB0]  }
0x38: {  	s25 =	simm.s32 $0x0;
	s24 =	sadd.s32 s4, s23;
	v4 =	vld [tilespmem:s26+$0x130];
	s26 =	simm.s32 $0x600;
	[tilespmem:s22+$0xFFFFFE30] =	vst v8  }
.LBB2_3:
0x39: {  	v5 =	vld [tilespmem:s26+$0x180];
	s25 =	sadd.s32 $0x8, s25;
	[tilespmem:s22+$0xFFFFFF30] =	vst v0  }
0x3a: {  	v0 =	vld [tilespmem:s26+$0xFFFFFE80];
	p1 =	slt.u32 s25, $0xF8;
	[tilespmem:s22+$0xFFFFFFB0] =	vst v1  }
0x3b: {  	v1 =	vld [tilespmem:s26+$0xFFFFFF00];
	[tilespmem:s22+$0x30] =	vst v2  }
0x3c: {  	v2 =	vld [tilespmem:s26+$0xFFFFFF80];
	[tilespmem:s22+$0xB0] =	vst v3  }
0x3d: {  	v3 =	vld [tilespmem:s26+$0x0];
	[tilespmem:s22+$0x130] =	vst v4;
	s22 =	sadd.s32 $0x400, s22  }
0x3e: {  	v4 =	vld [tilespmem:s26+$0x80];
	[tilespmem:s22+$0x180] =	vst v5  }
0x3f: {  	[tilespmem:s22+$0xFFFFFE80] =	vst v0;
	v0 =	vld [tilespmem:s26+$0x190]  }
0x40: {  	[tilespmem:s22+$0xFFFFFF00] =	vst v1;
	v1 =	vld [tilespmem:s26+$0x100]  }
0x41: {  	v5 =	vld [tilespmem:s26+$0xFFFFFE00];
	[tilespmem:s22+$0xFFFFFF80] =	vst v2  }
0x42: {  	v2 =	vld [tilespmem:s26+$0xFFFFFE90];
	[tilespmem:s22+$0x0] =	vst v3  }
0x43: {  	v3 =	vld [tilespmem:s26+$0xFFFFFF10];
	[tilespmem:s22+$0x80] =	vst v4  }
0x44: {  	v4 =	vld [tilespmem:s26+$0xFFFFFF90];
	[tilespmem:s22+$0x190] =	vst v0  }
0x45: {  	[tilespmem:s22+$0x100] =	vst v1;
	v0 =	vld [tilespmem:s26+$0x1A0]  }
0x46: {  	[tilespmem:s22+$0xFFFFFE00] =	vst v5;
	v1 =	vld [tilespmem:s26+$0x10]  }
0x47: {  	v5 =	vld [tilespmem:s26+$0xFFFFFE10];
	[tilespmem:s22+$0xFFFFFE90] =	vst v2  }
0x48: {  	[tilespmem:s22+$0xFFFFFF10] =	vst v3;
	v2 =	vld [tilespmem:s26+$0x90]  }
0x49: {  	[tilespmem:s22+$0xFFFFFF90] =	vst v4;
	v3 =	vld [tilespmem:s26+$0x110]  }
0x4a: {  	v4 =	vld [tilespmem:s26+$0xFFFFFEA0];
	[tilespmem:s22+$0x1A0] =	vst v0  }
0x4b: {  	[tilespmem:s22+$0x10] =	vst v1;
	v0 =	vld [tilespmem:s26+$0x1B0]  }
0x4c: {  	[tilespmem:s22+$0xFFFFFE10] =	vst v5;
	v1 =	vld [tilespmem:s26+$0xFFFFFF20]  }
0x4d: {  	v5 =	vld [tilespmem:s26+$0xFFFFFE20];
	[tilespmem:s22+$0x90] =	vst v2  }
0x4e: {  	v2 =	vld [tilespmem:s26+$0xFFFFFFA0];
	[tilespmem:s22+$0x110] =	vst v3  }
0x4f: {  	[tilespmem:s22+$0xFFFFFEA0] =	vst v4;
	v3 =	vld [tilespmem:s26+$0x20]  }
0x50: {  	v4 =	vld [tilespmem:s26+$0xA0];
	[tilespmem:s22+$0x1B0] =	vst v0  }
0x51: {  	[tilespmem:s22+$0xFFFFFF20] =	vst v1;
	v6 =	vld [tilespmem:s26+$0x120]  }
0x52: {  	[tilespmem:s22+$0xFFFFFE20] =	vst v5;
	v5 =	vld [tilespmem:s26+$0xFFFFFEB0]  }
0x53: {  	v7 =	vld [tilespmem:s26+$0xFFFFFE30];
	[tilespmem:s22+$0xFFFFFFA0] =	vst v2  }
.Ltmp0:
0x54: {  	v0 =	vld [tilespmem:s26+$0xFFFFFF30];
	[tilespmem:s22+$0x20] =	vst v3;
	(pc) =	sbr.rel @p1 .LBB2_3-.Ltmp0, $4  }
0x55: {  	v1 =	vld [tilespmem:s26+$0xFFFFFFB0];
	[tilespmem:s22+$0xA0] =	vst v4  }
0x56: {  	v2 =	vld [tilespmem:s26+$0x30];
	[tilespmem:s22+$0x120] =	vst v6  }
0x57: {  	[tilespmem:s22+$0xFFFFFEB0] =	vst v5;
	v3 =	vld [tilespmem:s26+$0xB0]  }
0x58: {  	[tilespmem:s22+$0xFFFFFE30] =	vst v7;
	v4 =	vld [tilespmem:s26+$0x130];
	s26 =	sadd.s32 $0x400, s26  }
0x59: {  	[tilespmem:s22+$0xFFFFFF30] =	vst v0  }
0x5a: {  	[tilespmem:s22+$0xFFFFFFB0] =	vst v1  }
0x5b: {  	[tilespmem:s22+$0x30] =	vst v2  }
0x5c: {  	s24 =	sshll.u32 s24, $0x7;
	s31 =	sadd.s32 s23, s9;
	[tilespmem:s22+$0xB0] =	vst v3  }
0x5d: {  	s30 =	sadd.s32 s5, s24;
	[tilespmem:s22+$0x130] =	vst v4;
	s22 =	smin.u32 s31, s6  }
0x5e: {  	[hbm4b:s30+s2] =	stream.linear.scatter [tilespmem:s14], [sflag:$0x3], $0x8000, $0x38;
	v63 =	vld [tilespmem:$0x0]  }
0x5f: {  	s22 =	sshll.u32 s22, $0x7  }
0x60: {  	s22 =	sadd.s32 s3, s22  }
0x61: {  	[tilespmem:s2], [sflag:$0x1] =	stream.linear.gather [hbm4b:s22+s2], $0x8000, $0x38;
	v63 =	vld [tilespmem:$0x0]  }
0x62: {  	_ =	swait.ge [sflag:s15], $0x8000  }
0x63: {  	[sflag:s15] =	ssyncset.done $0x0  }
0x64: {  	s22 =	simm.s32 @!p0 $0x4;
	[sflag:s15] =	ssyncadd.s32 $0xFFFF8000  }
0x65: {  	_ =	swait.ge @!p0 [sflag:s22], $0x8000  }
0x66: {  	[sflag:s22] =	ssyncset.done @!p0 $0x0  }
0x67: {  	[sflag:s22] =	ssyncadd.s32 @!p0 $0xFFFF8000;
	s22 =	simm.s32 $0x0  }
0x68: {  	v0 =	vld [tilespmem:s22+$0x83B0]  }
0x69: {  	v1 =	vld [tilespmem:s22+$0x8000]  }
0x6a: {  	v2 =	vld [tilespmem:s22+$0x8010]  }
0x6b: {  	v3 =	vld [tilespmem:s22+$0x8020]  }
0x6c: {  	v4 =	vld [tilespmem:s22+$0x8030]  }
0x6d: {  	v5 =	vld [tilespmem:s22+$0x8080];
	[tilespmem:s22+$0x183B0] =	vst v0  }
0x6e: {  	[tilespmem:s22+$0x18000] =	vst v1;
	v0 =	vld [tilespmem:s22+$0x8090]  }
0x6f: {  	[tilespmem:s22+$0x18010] =	vst v2;
	v1 =	vld [tilespmem:s22+$0x80A0]  }
0x70: {  	[tilespmem:s22+$0x18020] =	vst v3;
	v2 =	vld [tilespmem:s22+$0x80B0]  }
0x71: {  	[tilespmem:s22+$0x18030] =	vst v4;
	v3 =	vld [tilespmem:s22+$0x8100]  }
0x72: {  	[tilespmem:s22+$0x18080] =	vst v5;
	v4 =	vld [tilespmem:s22+$0x8110]  }
0x73: {  	v5 =	vld [tilespmem:s22+$0x82A0];
	[tilespmem:s22+$0x18090] =	vst v0  }
0x74: {  	v0 =	vld [tilespmem:s22+$0x8120];
	[tilespmem:s22+$0x180A0] =	vst v1  }
0x75: {  	v1 =	vld [tilespmem:s22+$0x8130];
	[tilespmem:s22+$0x180B0] =	vst v2  }
0x76: {  	[tilespmem:s22+$0x18100] =	vst v3;
	v3 =	vld [tilespmem:s22+$0x8190]  }
0x77: {  	[tilespmem:s22+$0x18110] =	vst v4;
	v4 =	vld [tilespmem:s22+$0x81A0]  }
0x78: {  	v2 =	vld [tilespmem:s22+$0x8180];
	[tilespmem:s22+$0x182A0] =	vst v5  }
0x79: {  	[tilespmem:s22+$0x18120] =	vst v0;
	v0 =	vld [tilespmem:s22+$0x81B0]  }
0x7a: {  	[tilespmem:s22+$0x18130] =	vst v1;
	v1 =	vld [tilespmem:s22+$0x8200]  }
0x7b: {  	[tilespmem:s22+$0x18190] =	vst v3;
	v3 =	vld [tilespmem:s22+$0x8220]  }
0x7c: {  	[tilespmem:s22+$0x181A0] =	vst v4;
	v4 =	vld [tilespmem:s22+$0x8230]  }
0x7d: {  	[tilespmem:s22+$0x18180] =	vst v2;
	v2 =	vld [tilespmem:s22+$0x8210]  }
0x7e: {  	[tilespmem:s22+$0x181B0] =	vst v0;
	v0 =	vld [tilespmem:s22+$0x8280]  }
0x7f: {  	[tilespmem:s22+$0x18200] =	vst v1;
	v1 =	vld [tilespmem:s22+$0x8290]  }
0x80: {  	[tilespmem:s22+$0x18220] =	vst v3;
	v3 =	vld [tilespmem:s22+$0x82B0]  }
0x81: {  	[tilespmem:s22+$0x18230] =	vst v4;
	v4 =	vld [tilespmem:s22+$0x8300]  }
0x82: {  	[tilespmem:s22+$0x18210] =	vst v2;
	v2 =	vld [tilespmem:s22+$0x8310]  }
0x83: {  	[tilespmem:s22+$0x18280] =	vst v0;
	v0 =	vld [tilespmem:s22+$0x8320]  }
0x84: {  	[tilespmem:s22+$0x18290] =	vst v1;
	v1 =	vld [tilespmem:s22+$0x8330]  }
0x85: {  	[tilespmem:s22+$0x182B0] =	vst v3;
	v3 =	vld [tilespmem:s22+$0x8380]  }
0x86: {  	s23 =	simm.s32 $0x0;
	s24 =	simm.s32 $0x1000;
	[tilespmem:s22+$0x18300] =	vst v4;
	v4 =	vld [tilespmem:s22+$0x8390]  }
.LBB2_5:
0x87: {  	s25 =	sshra.s32 s24, $0x2;
	s23 =	sadd.s32 $0x8, s23;
	[tilespmem:s22+$0x18310] =	vst v2;
	v2 =	vld [tilespmem:s22+$0x83A0]  }
0x88: {  	v5 =	vld [tilespmem:s25+$0x83B0];
	p0 =	slt.u32 s23, $0xF8;
	[tilespmem:s22+$0x18320] =	vst v0  }
0x89: {  	v0 =	vld [tilespmem:s25+$0x8000];
	[tilespmem:s22+$0x18330] =	vst v1  }
0x8a: {  	v1 =	vld [tilespmem:s25+$0x8010];
	[tilespmem:s22+$0x18380] =	vst v3  }
0x8b: {  	v3 =	vld [tilespmem:s25+$0x8020];
	[tilespmem:s22+$0x18390] =	vst v4  }
0x8c: {  	v4 =	vld [tilespmem:s25+$0x8030];
	[tilespmem:s22+$0x183A0] =	vst v2;
	s22 =	smov.u32 s25  }
0x8d: {  	v2 =	vld [tilespmem:s22+$0x8080];
	[tilespmem:s22+$0x183B0] =	vst v5  }
0x8e: {  	[tilespmem:s22+$0x18000] =	vst v0;
	v0 =	vld [tilespmem:s22+$0x8090]  }
0x8f: {  	[tilespmem:s22+$0x18010] =	vst v1;
	v1 =	vld [tilespmem:s22+$0x80A0]  }
0x90: {  	[tilespmem:s22+$0x18020] =	vst v3;
	v3 =	vld [tilespmem:s22+$0x80B0]  }
0x91: {  	[tilespmem:s22+$0x18030] =	vst v4;
	v4 =	vld [tilespmem:s22+$0x8100]  }
0x92: {  	[tilespmem:s22+$0x18080] =	vst v2;
	v2 =	vld [tilespmem:s22+$0x8110]  }
0x93: {  	[tilespmem:s22+$0x18090] =	vst v0;
	v0 =	vld [tilespmem:s22+$0x8120]  }
0x94: {  	[tilespmem:s22+$0x180A0] =	vst v1;
	v1 =	vld [tilespmem:s22+$0x8130]  }
0x95: {  	[tilespmem:s22+$0x180B0] =	vst v3;
	v3 =	vld [tilespmem:s22+$0x8180]  }
0x96: {  	[tilespmem:s22+$0x18100] =	vst v4;
	v4 =	vld [tilespmem:s22+$0x8190]  }
0x97: {  	[tilespmem:s22+$0x18110] =	vst v2;
	v2 =	vld [tilespmem:s22+$0x81A0]  }
0x98: {  	[tilespmem:s22+$0x18120] =	vst v0;
	v0 =	vld [tilespmem:s22+$0x81B0]  }
0x99: {  	[tilespmem:s22+$0x18130] =	vst v1;
	v1 =	vld [tilespmem:s22+$0x8200]  }
0x9a: {  	[tilespmem:s22+$0x18180] =	vst v3;
	v3 =	vld [tilespmem:s22+$0x8210]  }
0x9b: {  	[tilespmem:s22+$0x18190] =	vst v4;
	v4 =	vld [tilespmem:s22+$0x8220]  }
0x9c: {  	[tilespmem:s22+$0x181A0] =	vst v2;
	v2 =	vld [tilespmem:s22+$0x8230]  }
0x9d: {  	[tilespmem:s22+$0x181B0] =	vst v0;
	v0 =	vld [tilespmem:s22+$0x8280]  }
0x9e: {  	[tilespmem:s22+$0x18200] =	vst v1;
	v1 =	vld [tilespmem:s22+$0x8290]  }
0x9f: {  	[tilespmem:s22+$0x18210] =	vst v3;
	v3 =	vld [tilespmem:s22+$0x82A0]  }
0xa0: {  	[tilespmem:s22+$0x18220] =	vst v4;
	v4 =	vld [tilespmem:s22+$0x82B0]  }
0xa1: {  	[tilespmem:s22+$0x18230] =	vst v2;
	v5 =	vld [tilespmem:s22+$0x8300]  }
.Ltmp1:
0xa2: {  	[tilespmem:s22+$0x18280] =	vst v0;
	v2 =	vld [tilespmem:s22+$0x8310];
	(pc) =	sbr.rel @p0 .LBB2_5-.Ltmp1, $4  }
0xa3: {  	[tilespmem:s22+$0x18290] =	vst v1;
	v0 =	vld [tilespmem:s22+$0x8320]  }
0xa4: {  	[tilespmem:s22+$0x182A0] =	vst v3;
	v1 =	vld [tilespmem:s22+$0x8330]  }
0xa5: {  	[tilespmem:s22+$0x182B0] =	vst v4;
	v3 =	vld [tilespmem:s22+$0x8380]  }
0xa6: {  	s24 =	sadd.s32 $0x1000, s24;
	[tilespmem:s22+$0x18300] =	vst v5;
	v4 =	vld [tilespmem:s22+$0x8390]  }
0xa7: {  	[tilespmem:s22+$0x18310] =	vst v2;
	v62 =	vld [tilespmem:s22+$0x83A0];
	s20 =	sadd.s32 $0x1, s20  }
0xa8: {  	[tilespmem:s22+$0x18320] =	vst v0;
	p0 =	sne.s32 s20, $0x3D  }
.Ltmp2:
0xa9: {  	[tilespmem:s22+$0x18330] =	vst v1;
	(pc) =	sbr.rel @p0 .LBB2_2-.Ltmp2, $4  }
0xaa: {  	[tilespmem:s22+$0x18380] =	vst v3  }
0xab: {  	[tilespmem:s22+$0x18390] =	vst v4  }
0xac: {  	s21 =	sadd.s32 s5, s21;
	[tilespmem:s22+$0x183A0] =	vst v62  }
0xad: {  	[hbm4b:s21+s2] =	stream.linear.scatter [tilespmem:s16], [sflag:$0x4], $0x8000, $0x38;
	v63 =	vld [tilespmem:$0x0]  }
0xae: {  	_ =	swait.ge [sflag:s13], $0x8000  }
0xaf: {  	[sflag:s13] =	ssyncset.done $0x0  }
0xb0: {  	[sflag:s13] =	ssyncadd.s32 $0xFFFF8000  }
0xb1: {  	_ =	swait.ge [sflag:s17], $0x8000  }
0xb2: {  	[sflag:s17] =	ssyncset.done $0x0  }
0xb3: {  	s22 =	simm.s32 $0x200;
	[sflag:s17] =	ssyncadd.s32 $0xFFFF8000  }
0xb4: {  	v0 =	vld [tilespmem:s22+$0x180]  }
0xb5: {  	v1 =	vld [tilespmem:s22+$0xFFFFFE80]  }
0xb6: {  	v2 =	vld [tilespmem:s22+$0xFFFFFF00]  }
0xb7: {  	v3 =	vld [tilespmem:s22+$0xFFFFFF80]  }
0xb8: {  	s20 =	simm.s32 $0x10200;
	v4 =	vld [tilespmem:s22+$0x0]  }
0xb9: {  	v5 =	vld [tilespmem:s22+$0x80];
	[tilespmem:s20+$0x180] =	vst v0  }
0xba: {  	[tilespmem:s20+$0xFFFFFE80] =	vst v1;
	v1 =	vld [tilespmem:s22+$0x100]  }
0xbb: {  	[tilespmem:s20+$0xFFFFFF00] =	vst v2;
	v2 =	vld [tilespmem:s22+$0xFFFFFE00]  }
0xbc: {  	[tilespmem:s20+$0xFFFFFF80] =	vst v3;
	v0 =	vld [tilespmem:s22+$0x190]  }
0xbd: {  	[tilespmem:s20+$0x0] =	vst v4;
	v3 =	vld [tilespmem:s22+$0xFFFFFE90]  }
0xbe: {  	[tilespmem:s20+$0x80] =	vst v5;
	v4 =	vld [tilespmem:s22+$0xFFFFFF10]  }
0xbf: {  	v5 =	vld [tilespmem:s22+$0xFFFFFF90];
	[tilespmem:s20+$0x100] =	vst v1  }
0xc0: {  	[tilespmem:s20+$0xFFFFFE00] =	vst v2;
	v1 =	vld [tilespmem:s22+$0x10]  }
0xc1: {  	[tilespmem:s20+$0x190] =	vst v0;
	v2 =	vld [tilespmem:s22+$0xFFFFFE10]  }
0xc2: {  	[tilespmem:s20+$0xFFFFFE90] =	vst v3;
	v3 =	vld [tilespmem:s22+$0x90]  }
0xc3: {  	[tilespmem:s20+$0xFFFFFF10] =	vst v4;
	v4 =	vld [tilespmem:s22+$0x110]  }
0xc4: {  	[tilespmem:s20+$0xFFFFFF90] =	vst v5;
	v0 =	vld [tilespmem:s22+$0x1A0]  }
0xc5: {  	v5 =	vld [tilespmem:s22+$0xFFFFFEA0];
	[tilespmem:s20+$0x10] =	vst v1  }
0xc6: {  	v1 =	vld [tilespmem:s22+$0xFFFFFF20];
	[tilespmem:s20+$0xFFFFFE10] =	vst v2  }
0xc7: {  	[tilespmem:s20+$0x90] =	vst v3;
	v3 =	vld [tilespmem:s22+$0xFFFFFFA0]  }
0xc8: {  	[tilespmem:s20+$0x110] =	vst v4;
	v2 =	vld [tilespmem:s22+$0xFFFFFE20]  }
0xc9: {  	v4 =	vld [tilespmem:s22+$0x20];
	[tilespmem:s20+$0x1A0] =	vst v0  }
0xca: {  	[tilespmem:s20+$0xFFFFFEA0] =	vst v5;
	v0 =	vld [tilespmem:s22+$0x1B0]  }
0xcb: {  	v5 =	vld [tilespmem:s22+$0xA0];
	[tilespmem:s20+$0xFFFFFF20] =	vst v1  }
0xcc: {  	v6 =	vld [tilespmem:s22+$0x120];
	[tilespmem:s20+$0xFFFFFFA0] =	vst v3  }
0xcd: {  	v7 =	vld [tilespmem:s22+$0xFFFFFEB0];
	[tilespmem:s20+$0xFFFFFE20] =	vst v2  }
0xce: {  	[tilespmem:s20+$0x20] =	vst v4;
	v8 =	vld [tilespmem:s22+$0xFFFFFE30]  }
0xcf: {  	[tilespmem:s20+$0x1B0] =	vst v0;
	v0 =	vld [tilespmem:s22+$0xFFFFFF30]  }
0xd0: {  	v1 =	vld [tilespmem:s22+$0xFFFFFFB0];
	[tilespmem:s20+$0xA0] =	vst v5  }
0xd1: {  	v2 =	vld [tilespmem:s22+$0x30];
	[tilespmem:s20+$0x120] =	vst v6  }
0xd2: {  	[tilespmem:s20+$0xFFFFFEB0] =	vst v7;
	v3 =	vld [tilespmem:s22+$0xB0]  }
0xd3: {  	s21 =	simm.s32 $0x0;
	v4 =	vld [tilespmem:s22+$0x130];
	s22 =	simm.s32 $0x600;
	[tilespmem:s20+$0xFFFFFE30] =	vst v8  }
.LBB2_8:
0xd4: {  	v5 =	vld [tilespmem:s22+$0x180];
	s21 =	sadd.s32 $0x8, s21;
	[tilespmem:s20+$0xFFFFFF30] =	vst v0  }
0xd5: {  	v0 =	vld [tilespmem:s22+$0xFFFFFE80];
	p0 =	slt.u32 s21, $0xF8;
	[tilespmem:s20+$0xFFFFFFB0] =	vst v1  }
0xd6: {  	v1 =	vld [tilespmem:s22+$0xFFFFFF00];
	[tilespmem:s20+$0x30] =	vst v2  }
0xd7: {  	v2 =	vld [tilespmem:s22+$0xFFFFFF80];
	[tilespmem:s20+$0xB0] =	vst v3  }
0xd8: {  	v3 =	vld [tilespmem:s22+$0x0];
	[tilespmem:s20+$0x130] =	vst v4;
	s20 =	sadd.s32 $0x400, s20  }
0xd9: {  	v4 =	vld [tilespmem:s22+$0x80];
	[tilespmem:s20+$0x180] =	vst v5  }
0xda: {  	[tilespmem:s20+$0xFFFFFE80] =	vst v0;
	v0 =	vld [tilespmem:s22+$0x190]  }
0xdb: {  	[tilespmem:s20+$0xFFFFFF00] =	vst v1;
	v1 =	vld [tilespmem:s22+$0x100]  }
0xdc: {  	v5 =	vld [tilespmem:s22+$0xFFFFFE00];
	[tilespmem:s20+$0xFFFFFF80] =	vst v2  }
0xdd: {  	v2 =	vld [tilespmem:s22+$0xFFFFFE90];
	[tilespmem:s20+$0x0] =	vst v3  }
0xde: {  	v3 =	vld [tilespmem:s22+$0xFFFFFF10];
	[tilespmem:s20+$0x80] =	vst v4  }
0xdf: {  	v4 =	vld [tilespmem:s22+$0xFFFFFF90];
	[tilespmem:s20+$0x190] =	vst v0  }
0xe0: {  	[tilespmem:s20+$0x100] =	vst v1;
	v0 =	vld [tilespmem:s22+$0x1A0]  }
0xe1: {  	[tilespmem:s20+$0xFFFFFE00] =	vst v5;
	v1 =	vld [tilespmem:s22+$0x10]  }
0xe2: {  	v5 =	vld [tilespmem:s22+$0xFFFFFE10];
	[tilespmem:s20+$0xFFFFFE90] =	vst v2  }
0xe3: {  	[tilespmem:s20+$0xFFFFFF10] =	vst v3;
	v2 =	vld [tilespmem:s22+$0x90]  }
0xe4: {  	[tilespmem:s20+$0xFFFFFF90] =	vst v4;
	v3 =	vld [tilespmem:s22+$0x110]  }
0xe5: {  	v4 =	vld [tilespmem:s22+$0xFFFFFEA0];
	[tilespmem:s20+$0x1A0] =	vst v0  }
0xe6: {  	[tilespmem:s20+$0x10] =	vst v1;
	v0 =	vld [tilespmem:s22+$0x1B0]  }
0xe7: {  	[tilespmem:s20+$0xFFFFFE10] =	vst v5;
	v1 =	vld [tilespmem:s22+$0xFFFFFF20]  }
0xe8: {  	v5 =	vld [tilespmem:s22+$0xFFFFFE20];
	[tilespmem:s20+$0x90] =	vst v2  }
0xe9: {  	v2 =	vld [tilespmem:s22+$0xFFFFFFA0];
	[tilespmem:s20+$0x110] =	vst v3  }
0xea: {  	[tilespmem:s20+$0xFFFFFEA0] =	vst v4;
	v3 =	vld [tilespmem:s22+$0x20]  }
0xeb: {  	v4 =	vld [tilespmem:s22+$0xA0];
	[tilespmem:s20+$0x1B0] =	vst v0  }
0xec: {  	[tilespmem:s20+$0xFFFFFF20] =	vst v1;
	v6 =	vld [tilespmem:s22+$0x120]  }
0xed: {  	[tilespmem:s20+$0xFFFFFE20] =	vst v5;
	v5 =	vld [tilespmem:s22+$0xFFFFFEB0]  }
0xee: {  	v7 =	vld [tilespmem:s22+$0xFFFFFE30];
	[tilespmem:s20+$0xFFFFFFA0] =	vst v2  }
.Ltmp3:
0xef: {  	v0 =	vld [tilespmem:s22+$0xFFFFFF30];
	[tilespmem:s20+$0x20] =	vst v3;
	(pc) =	sbr.rel @p0 .LBB2_8-.Ltmp3, $4  }
0xf0: {  	v1 =	vld [tilespmem:s22+$0xFFFFFFB0];
	[tilespmem:s20+$0xA0] =	vst v4  }
0xf1: {  	v2 =	vld [tilespmem:s22+$0x30];
	[tilespmem:s20+$0x120] =	vst v6  }
0xf2: {  	[tilespmem:s20+$0xFFFFFEB0] =	vst v5;
	v3 =	vld [tilespmem:s22+$0xB0]  }
0xf3: {  	[tilespmem:s20+$0xFFFFFE30] =	vst v7;
	v4 =	vld [tilespmem:s22+$0x130];
	s22 =	sadd.s32 $0x400, s22  }
0xf4: {  	[tilespmem:s20+$0xFFFFFF30] =	vst v0  }
0xf5: {  	[tilespmem:s20+$0xFFFFFFB0] =	vst v1  }
0xf6: {  	[tilespmem:s20+$0x30] =	vst v2  }
0xf7: {  	[tilespmem:s20+$0xB0] =	vst v3  }
0xf8: {  	s19 =	sadd.s32 $0x1, s19;
	[tilespmem:s20+$0x130] =	vst v4  }
0xf9: {  	[hbm4b:s10+s2] =	stream.linear.scatter [tilespmem:s14], [sflag:$0x3], $0x8000, $0x38;
	v63 =	vld [tilespmem:$0x0]  }
0xfa: {  	p0 =	sne.s32 s19, s11;
	_ =	swait.ge [sflag:s18], $0x8000  }
.Ltmp4:
0xfb: {  	[sflag:s18] =	ssyncset.done $0x0;
	(pc) =	sbr.rel @p0 .LBB2_1-.Ltmp4, $4  }
0xfc: {  	[sflag:s18] =	ssyncadd.s32 $0xFFFF8000  }
0xfd: {  	_ =	swait.ge [sflag:s17], $0x8000  }
0xfe: {  	[sflag:s17] =	ssyncset.done $0x0  }
0xff: {  	[sflag:s17] =	ssyncadd.s32 $0xFFFF8000  }
0x100: {  	_ =	sfence.sel $0x180000  }
0x101: {  	[bflag:$0x0] =	sbarrier.arrive $0xFFFF  }
0x102: {  	p0 =	sne.s32 s0, $0x0;
	_ =	strace $0x90000047  }
0x103: {  	s0 =	sadd.s32 @!p0 $0x100000, s1;
	[bflag:$0x2] =	sbarrier.arrive $0xFFFF  }
0x104: {  	[sflag:s0] =	ssyncadd.tile.s32 @!p0 $0x1;
	_ =	shalt  }
.Lfunc_end2:
_tile_overlayer_lowered:
.L_overlay_start_2:
0x105: {  	(tag) =	ssettag $0x2  }
0x106: {  	s0 =	rddreg [dreg:$0x0];
	s2 =	stileid.u32  }
0x107: {  	s1 =	rddreg [dreg:$0x1];
	p0 =	sne.s32 s2, $0x0  }
0x108: {  	s3 =	rddreg [dreg:$0x2];
	[bflag:$0x3] =	sbarrier.arrive $0xFFFF;
	s2 =	simm.s32 @!p0 $0x1C05  }
0x109: {  	[timem:s3], [sflag:s2] =	dma.local @!p0 [hbm:s0], s1  }
0x10a: {  	s0 =	simm.s32 @!p0 $0x5  }
0x10b: {  	_ =	swait.ge @!p0 [sflag:s0], s1  }
0x10c: {  	s1 =	ssub.s32 @!p0 $0x0, s1;
	[sflag:s0] =	ssyncset.done @!p0 $0x0  }
0x10d: {  	[sflag:s0] =	ssyncadd.s32 @!p0 s1  }
0x10e: {  	[bflag:$0x3] =	sbarrier.arrive $0xFFFF  }
0x10f: {  	_ =	shalt  }

// kernel: kernel.8.cloned.1.call-start
scs
__scs_entry_jumppad:
0x0: {  	(pc) =	sbr.rel $0x88, $3  }
0x1: {  	(tag) =	ssettag $0x0;
	lr =	simm.s32 $0x1  }
0x2: {  	[smem:$0x3F9F] =	sst lr;
	_ =	strace $0xD0000000  }
0x3: {  	_ = 	snop  }
0x4: {  	_ = 	snop  }
0x5: {  	_ = 	snop  }
0x6: {  	_ = 	snop  }
0x7: {  	_ = 	snop  }
__scs_overlays_trampoline_lowered:
0x8: {  	[smem:$0x3FAE] =	sst s0  }
0x9: {  	[smem:$0x3FAF] =	sst s1  }
0xa: {  	[smem:$0x3FB0] =	sst s2  }
0xb: {  	[smem:$0x3FB1] =	sst s3  }
0xc: {  	[smem:$0x3FB2] =	sst s4  }
0xd: {  	[smem:$0x3FB3] =	sst s5  }
0xe: {  	[smem:$0x3FB4] =	sst s6  }
0xf: {  	[smem:$0x3FB5] =	sst s7  }
0x10: {  	[smem:$0x3FB6] =	sst s8  }
0x11: {  	[smem:$0x3FB7] =	sst s9;
	s0 =	simm.s32 @!p0 $0x0  }
0x12: {  	s1 =	sld [smem:$0x3F9D];
	s0 =	simm.s32 @p0 $0x1  }
0x13: {  	[smem:$0x3FB8] =	sst s0;
	s0 =	simm.s32 @!p1 $0x0  }
0x14: {  	s2 =	sld [smem:$0x3F9C];
	s0 =	simm.s32 @p1 $0x1  }
0x15: {  	[smem:$0x3FB9] =	sst s0;
	s0 =	simm.s32 @!p2 $0x0  }
0x16: {  	s3 =	sld [smem:$0x3FDB];
	s0 =	simm.s32 @p2 $0x1  }
0x17: {  	s4 =	simm.s32 $0x1BF5;
	[smem:$0x3FBB] =	sst s0  }
0x18: {  	s0 =	sld [smem:$0x3F9E];
	_ =	swait.ge [sflag:s4], $0x0  }
0x19: {  	s7 =	sld [smem:$0x3F9F]  }
0x1a: {  	s8 =	sadd.s32 $0xFFFFE003, lr  }
0x1b: {  	s9 =	sadd.s32 $0xFFFFFEF7, lr;
	s5 =	simm.s32 $0xFFFFFFFF;
	p2 =	slt.u32 s8, $0xFFFFF086  }
0x1c: {  	p1 =	slt.u32 s9, $0xF7A;
	s5 =	simm.s32 @!p2 $0x0  }
0x1d: {  	s5 =	simm.s32 @p1 $0x1;
	p0 =	seq.s32 s7, s2  }
0x1e: {  	s7 =	smul.u32 @!p0 $0xF7A, s2;
	p2 =	seq.s32 @!p0 s5, $0x0  }
0x1f: {  	s9 =	smul.u32 $0xF7A, s1;
	s8 =	simm.s32 @!p0 $0x1BF5;
	p2 =	por !p2, p0  }
0x20: {  	[sflag:s8] =	ssyncset.s32 @!p0 $0xFFFFF086;
	s6 =	sadd.s32 @!p0 s3, s7;
	s7 =	simm.s32 @!p0 $0x108  }
0x21: {  	s3 =	sadd.s32 s3, s9;
	s6 =	sadd.s32 @!p0 $0x88, s6;
	s7 =	simm.s32 @p2 $0x1082  }
0x22: {  	[simem:s7], [sflag:s8] =	dma.local @!p0 [hbm:s6], $0xF7A  }
0x23: {  	s9 =	sor.u32 $0xD0000000, s2;
	s6 =	simm.s32 $0x108;
	_ =	swait.ge @!p0 [sflag:s8], $0x0  }
0x24: {  	s3 =	sadd.s32 $0x88, s3;
	s6 =	simm.s32 @!p1 $0x1082;
	[sflag:s4] =	ssyncset.s32 $0xFFFFF086  }
0x25: {  	[simem:s6], [sflag:s4] =	dma.local [hbm:s3], $0xF7A  }
0x26: {  	[smem:$0x3F9F] =	sst s1;
	(tag) =	ssettag s2;
	_ =	strace s9  }
0x27: {  	s1 =	sld [smem:$0x3FAF]  }
0x28: {  	s2 =	sld [smem:$0x3FB0]  }
0x29: {  	s4 =	sld [smem:$0x3FB2]  }
0x2a: {  	p0 =	seq.s32 s5, $0x0;
	s5 =	sld [smem:$0x3FB3]  }
0x2b: {  	s6 =	sld [smem:$0x3FB4]  }
0x2c: {  	s7 =	sld [smem:$0x3FB5]  }
0x2d: {  	s3 =	simm.s32 $0x108;
	s8 =	sld [smem:$0x3FB6]  }
0x2e: {  	s3 =	simm.s32 @!p0 $0x1082;
	s9 =	sld [smem:$0x3FB7]  }
0x2f: {  	lr =	sadd.s32 s0, s3;
	s0 =	sld [smem:$0x3FAE]  }
0x30: {  	s3 =	sld [smem:$0x3FB1]  }
0x31: {  	[smem:$0x3FBA] =	sst s10  }
0x32: {  	s10 =	sld [smem:$0x3FB8];
	_ =	sdelay $0x3  }
0x33: {  	p0 =	seq.s32 s10, $0x1;
	s10 =	sld [smem:$0x3FBA];
	_ =	sdelay $0x3  }
0x34: {  	[smem:$0x3FBA] =	sst s10  }
0x35: {  	s10 =	sld [smem:$0x3FB9];
	_ =	sdelay $0x3  }
0x36: {  	p1 =	seq.s32 s10, $0x1;
	s10 =	sld [smem:$0x3FBA];
	_ =	sdelay $0x3  }
0x37: {  	[smem:$0x3FBA] =	sst s10  }
0x38: {  	s10 =	sld [smem:$0x3FBB]  }
0x39: {  	_ = 	snop;
	(pc) =	sbr.ind lr, $3  }
0x3a: {  	_ = 	snop  }
0x3b: {  	_ = 	snop  }
0x3c: {  	p2 =	seq.s32 s10, $0x1;
	s10 =	sld [smem:$0x3FBA]  }
0x3d: {  	_ =	shalt  }
0x3e: {  	_ =	shalt  }
0x3f: {  	_ =	shalt  }
0x40: {  	_ =	shalt  }
0x41: {  	_ =	shalt  }
0x42: {  	_ =	shalt  }
0x43: {  	_ =	shalt  }
0x44: {  	_ =	shalt  }
0x45: {  	_ =	shalt  }
0x46: {  	_ =	shalt  }
0x47: {  	_ =	shalt  }
0x48: {  	_ =	shalt  }
0x49: {  	_ =	shalt  }
0x4a: {  	_ =	shalt  }
0x4b: {  	_ =	shalt  }
0x4c: {  	_ =	shalt  }
0x4d: {  	_ =	shalt  }
0x4e: {  	_ =	shalt  }
0x4f: {  	_ =	shalt  }
0x50: {  	_ =	shalt  }
0x51: {  	_ =	shalt  }
0x52: {  	_ =	shalt  }
0x53: {  	_ =	shalt  }
0x54: {  	_ =	shalt  }
0x55: {  	_ =	shalt  }
0x56: {  	_ =	shalt  }
0x57: {  	_ =	shalt  }
0x58: {  	_ =	shalt  }
0x59: {  	_ =	shalt  }
0x5a: {  	_ =	shalt  }
0x5b: {  	_ =	shalt  }
0x5c: {  	_ =	shalt  }
0x5d: {  	_ =	shalt  }
0x5e: {  	_ =	shalt  }
0x5f: {  	_ =	shalt  }
0x60: {  	_ =	shalt  }
0x61: {  	_ =	shalt  }
0x62: {  	_ =	shalt  }
0x63: {  	_ =	shalt  }
0x64: {  	_ =	shalt  }
0x65: {  	_ =	shalt  }
0x66: {  	_ =	shalt  }
0x67: {  	_ =	shalt  }
0x68: {  	_ =	shalt  }
0x69: {  	_ =	shalt  }
0x6a: {  	_ =	shalt  }
0x6b: {  	_ =	shalt  }
0x6c: {  	_ =	shalt  }
0x6d: {  	_ =	shalt  }
0x6e: {  	_ =	shalt  }
0x6f: {  	_ =	shalt  }
0x70: {  	_ =	shalt  }
0x71: {  	_ =	shalt  }
0x72: {  	_ =	shalt  }
0x73: {  	_ =	shalt  }
0x74: {  	_ =	shalt  }
0x75: {  	_ =	shalt  }
0x76: {  	_ =	shalt  }
0x77: {  	_ =	shalt  }
0x78: {  	_ =	shalt  }
0x79: {  	_ =	shalt  }
0x7a: {  	_ =	shalt  }
0x7b: {  	_ =	shalt  }
0x7c: {  	_ =	shalt  }
0x7d: {  	_ =	shalt  }
0x7e: {  	_ =	shalt  }
0x7f: {  	_ =	shalt  }
0x80: {  	_ =	shalt  }
0x81: {  	_ =	shalt  }
0x82: {  	_ =	shalt  }
0x83: {  	_ =	shalt  }
0x84: {  	_ =	shalt  }
0x85: {  	_ =	shalt  }
0x86: {  	_ =	shalt  }
0x87: {  	_ =	shalt  }
.Lfunc_end0:
.L_simem_size_0:
called_computation.2_lowered:
.L_overlay_start_0:
0x88: {  	s2 =	sld [smem:$0x3FD9]  }
0x89: {  	s3 =	sld [smem:$0x3FFE];
	_ =	sdelay $0x1  }
0x8a: {  	s1 =	srdreg.scid  }
0x8b: {  	s0 =	sand.u32 $0x1, s1  }
0x8c: {  	s17 =	sshll.u32 s0, $0xA;
	s2 =	sadd.s32 s3, s2  }
0x8d: {  	s2 =	sadd.s32 s2, s17  }
0x8e: {  	[smem:$0x3FC6] =	sst s2  }
0x8f: {  	_ = 	snop  }
0x90: {  	s18 =	sld [smem:$0x3FD0];
	(tm) =	ssettm $0x1  }
0x91: {  	s19 =	sld [smem:$0x3FFB];
	_ =	sdelay $0x3  }
0x92: {  	_ =	strace s19  }
0x93: {  	s2 =	sld [smem:$0x3FFC];
	_ =	sdelay $0x3  }
0x94: {  	_ =	strace s2  }
0x95: {  	s2 =	sld [smem:$0x3FFD];
	_ =	sdelay $0x3  }
0x96: {  	_ =	strace s2  }
0x97: {  	_ =	strace $0x8FFFFFFF  }
0x98: {  	s20 =	sld [smem:$0x3FDB];
	_ =	sdelay $0x1  }
0x99: {  	s4 =	simm.s32 $_scs_section_size  }
0x9a: {  	s5 =	simm.s32 $_size__tile_overlayer_lowered;
	s6 =	simm.s32 $_tile_overlayer_lowered  }
0x9b: {  	s7 =	simm.s32 $0x1BFF;
	s21 =	sshll.u32 s6, $0x1;
	s4 =	sadd.s32 s4, s20  }
0x9c: {  	s22 =	simm.s32 $0x0;
	s5 =	sshll.u32 s5, $0x1;
	s6 =	sadd.s32 s21, s4  }
0x9d: {  	[timem:s22], [sflag:s7] =	dma.local [hbm:s6], s5  }
0x9e: {  	_ =	swait.ge [sflag:s7], s5  }
0x9f: {  	s5 =	ssub.s32 $0x0, s5;
	[sflag:s7] =	ssyncset.done $0x0  }
0xa0: {  	[sflag:s7] =	ssyncadd.s32 s5;
	_ =	sdelay $0x1  }
0xa1: {  	s23 =	simm.s32 $0x1B8B  }
0xa2: {  	_ =	swait.ge [sflag:s23], $0x1  }
0xa3: {  	[sflag:s23] =	ssyncset.done $0x0  }
0xa4: {  	[sflag:s23] =	ssyncadd.s32 $0xFFFFFFFF  }
0xa5: {  	s5 =	sld [smem:$0x0]  }
0xa6: {  	s6 =	sand.u32 $0xFFFFFFFE, s1  }
0xa7: {  	p0 =	sne.s32 s1, s6  }
0xa8: {  	s6 =	sshll.u32 @p0 s6, $0xE  }
0xa9: {  	s6 =	sadd.s32 @p0 $0x11B8D, s6;
	s7 =	sshll.u32 @p0 s5, $0x11  }
0xaa: {  	s6 =	sor.u32 @p0 s7, s6  }
0xab: {  	[sflag:s6] =	ssyncadd.remote.s32 @p0 $0x1;
	_ =	sdelay $0x1  }
0xac: {  	s6 =	simm.s32 @p0 $0x1B8D  }
0xad: {  	_ =	swait.eq @p0 [sflag:s6], $0x1  }
0xae: {  	[sflag:s6] =	ssyncadd.s32 @p0 $0xFFFFFFFF  }
0xaf: {  	s7 =	sshll.u32 @!p0 s1, $0xE  }
0xb0: {  	s7 =	sor.u32 @!p0 $0x4000, s7;
	s6 =	simm.s32 @!p0 $0x1B8D  }
0xb1: {  	s5 =	sshll.u32 @!p0 s5, $0x11;
	s7 =	sadd.s32 @!p0 $0x11B8D, s7;
	_ =	swait.eq @!p0 [sflag:s6], $0x1  }
0xb2: {  	s5 =	sor.u32 @!p0 s5, s7;
	[sflag:s6] =	ssyncadd.s32 @!p0 $0xFFFFFFFF  }
0xb3: {  	s25 =	simm.s32 $0x1B8E;
	s24 =	sld [smem:$0x3FFE];
	[sflag:s5] =	ssyncadd.remote.s32 @!p0 $0x1  }
0xb4: {  	s26 =	simm.s32 $execute0_lowered;
	[smem:$0x3FD2] =	sst s25  }
0xb5: {  	s6 =	sshll.u32 s26, $0x1;
	_ =	strace $0x80000049;
	[dreg:$0x1] =	wrdreg $0xFFFFFFFF  }
0xb6: {  	s28 =	simm.s32 $_size_execute0_lowered;
	s4 =	sadd.s32 s4, s6;
	[dreg:$0x0] =	wrdreg $0x0  }
0xb7: {  	s6 =	sshll.u32 s28, $0x1;
	[dreg:$0x2] =	wrdreg s4  }
0xb8: {  	[dreg:$0x3] =	wrdreg s6  }
0xb9: {  	[dreg:$0x4] =	wrdreg $0xC0  }
0xba: {  	_ =	task [dreg:s22], $0x5FFFF  }
0xbb: {  	[dreg:$0x1] =	wrdreg $0xFFFFFFFF  }
0xbc: {  	[dreg:$0x0] =	wrdreg $0x60  }
0xbd: {  	[dreg:$0x2] =	wrdreg s18  }
0xbe: {  	[dreg:$0x3] =	wrdreg s24  }
0xbf: {  	[dreg:$0x4] =	wrdreg $0xA  }
0xc0: {  	_ =	task.clear_ibuf [dreg:s22], $0x5FFFF;
	_ =	strace $0x90000049  }
0xc1: {  	s29 =	simm.s32 $0xA;
	_ =	strace $0x8000004B  }
0xc2: {  	_ =	swait.ge [sflag:s29], $0x1  }
0xc3: {  	[sflag:s29] =	ssyncadd.s32 $0xFFFFFFFF  }
0xc4: {  	_ =	strace $0x9000004B  }
0xc5: {  	_ =	sfence  }
0xc6: {  	s30 =	sld [smem:$0x0];
	_ =	sdelay $0x2  }
0xc7: {  	s31 =	sshll.u32 s1, $0xD;
	s1 =	sshrl.u32 s1, $0x2  }
0xc8: {  	s4 =	sand.u32 $0x4000, s31;
	s1 =	sadd.s32 s1, s30  }
0xc9: {  	s0 =	sor.u32 s4, s0;
	s1 =	sshll.u32 s1, $0x11  }
0xca: {  	s0 =	sor.u32 s1, s0  }
0xcb: {  	s0 =	sadd.s32 $0x8F2B, s0  }
0xcc: {  	[sflag:s0] =	ssyncadd.remote.s32 $0x1  }
0xcd: {  	_ =	sfence.sel $0xFFFF  }
0xce: {  	[dreg:$0x0] =	wrdreg $0xFFFFFFFF;
	(pc) =	sbr.abs _section_cstart, $3  }
0xcf: {  	[dreg:$0x1] =	wrdreg $0xFFFFFFFF  }
0xd0: {  	_ =	task.clear_ibuf [dreg:s22], $0x2FFFF;
	_ =	strace $0x9FFFFFFF  }
0xd1: {  	(tm) =	ssettm $0x7FFFFFFF  }
tec
execute0_lowered:
.L_overlay_start_1:
0x0: {  	(tag) =	ssettag $0x1  }
0x1: {  	s3 =	rddreg [dreg:$0x0]  }
0x2: {  	s1 =	srdreg.scid;
	s0 =	stileid.u32  }
0x3: {  	s4 =	rddreg [dreg:$0x1];
	s2 =	simm.s32 $0x0;
	s9 =	simm.s32 $0x0  }
0x4: {  	s5 =	sand.u32 $0x1, s1;
	s6 =	sshll.u32 s0, $0x1;
	s1 =	rddreg [dreg:$0x2]  }
0x5: {  	[smem:$0x7FF] =	sst s2;
	s6 =	sor.u32 s5, s6;
	s5 =	ssub.s32 $0x2, s5  }
0x6: {  	s7 =	smul.u32 $0xC80, s6;
	s8 =	sshrl.u32 s5, $0x1;
	s6 =	sshll.u32 s6, $0xC  }
0x7: {  	_ =	strace $0x8000004A;
	s8 =	ssub.s32 s5, s8;
	s3 =	sadd.s32 s3, s6  }
0x8: {  	s7 =	sadd.s32 s7, s4;
	s4 =	sadd.s32 $0x800, s3;
	s6 =	smax.u32 s8, $0x1  }
0x9: {  	v0 =	vlaneseq.u32;
	v1 =	vimm.s32 $0x0;
	s8 =	simm.s32 $0x4000;
	s5 =	sadd.s32 $0x1E85A00, s7;
	s7 =	simm.s32 $0x1  }
.LBB2_1:
0xa: {  	s10 =	simm.s32 $0x0  }
0xb: {  	v2 =	vor.u32 s10, v0  }
0xc: {  	v3 =	vmulhi.u32 $0x51EB851F, v2;
	_ =	sdelay $0x1  }
0xd: {  	v3 =	vshrl.u32 v3, $0x6  }
0xe: {  	v4 =	vmul.u32 $0xFFFFFF38, v3  }
0xf: {  	v5 =	vmov s10;
	v6 =	vsub.s32 $0x0, v2  }
0x10: {  	vm0 =	veq.s32 v5, v0;
	vm1 =	vne.s32 v4, v6  }
0x11: {  	vm0 =	vmand vm0, vm1  }
0x12: {  	v4 =	vsel vm0, $0xFFFFFFFF, v1  }
0x13: {  	v3 =	vadd.s32 v4, v3  }
0x14: {  	v4 =	vmul.u32 $0xFFFFFF38, v3  }
0x15: {  	s25 =	simm.s32 $0x10  }
0x16: {  	v2 =	vadd.s32 v2, v4;
	v4 =	vor.u32 s25, v0  }
0x17: {  	v5 =	vshll.u32 v3, $0x8;
	v6 =	vshll.u32 v2, $0x3;
	v7 =	vmulhi.u32 $0x51EB851F, v4  }
0x18: {  	v3 =	vshll.u32 v3, $0x7;
	v5 =	vand.u32 $0xFFFFF800, v5;
	v6 =	vand.u32 $0xFFFFFC00, v6  }
0x19: {  	v3 =	vand.u32 $0x380, v3;
	v5 =	vadd.s32 v5, v6;
	v6 =	vshrl.u32 v7, $0x6  }
0x1a: {  	v2 =	vand.u32 $0x7F, v2;
	v3 =	vor.u32 v3, v5;
	v5 =	vmul.u32 $0xFFFFFF38, v6  }
0x1b: {  	s26 =	simm.s32 $0x20;
	v2 =	vor.u32 v2, v3  }
0x1c: {  	[tilespmem:s2], [sflag:$0x1] =	stream.linear.gather [hbm4b:s3+s2], $0x4000, $0x38;
	v3 =	vor.u32 s26, v0;
	v4 =	vadd.s32 v4, v5;
	[tilespmem:$0xA400] =	vst v63  }
0x1d: {  	_ =	swait.ge [sflag:s7], $0x4000;
	v5 =	vshll.u32 v7, $0x2;
	v6 =	vmulhi.u32 $0x51EB851F, v3;
	v8 =	vshll.u32 v4, $0x3  }
0x1e: {  	[sflag:s7] =	ssyncset.done $0x0;
	v7 =	vshll.u32 v7, $0x1;
	v5 =	vand.u32 $0x7FFFF800, v5;
	v8 =	vand.u32 $0xFFFFFC00, v8  }
0x1f: {  	[sflag:s7] =	ssyncadd.s32 $0xFFFFC000;
	v7 =	vand.u32 $0x380, v7;
	v9 =	vshrl.u32 v6, $0x6;
	v5 =	vadd.s32 v5, v8  }
0x20: {  	v4 =	vand.u32 $0x7F, v4;
	v8 =	vmul.u32 $0xFFFFFF38, v9;
	v2 =	vld.idx.msk [tilespmem:v2+s2+$0x0], $0xffff;
	v5 =	vor.u32 v7, v5  }
0x21: {  	s28 =	simm.s32 $0x30;
	v4 =	vor.u32 v4, v5  }
0x22: {  	v3 =	vadd.s32 v3, v8;
	v5 =	vor.u32 s28, v0  }
0x23: {  	v7 =	vshll.u32 v6, $0x2;
	v8 =	vshll.u32 v3, $0x3;
	v9 =	vmulhi.u32 $0x51EB851F, v5  }
0x24: {  	s10 =	simm.s32 $0x4040;
	v6 =	vshll.u32 v6, $0x1;
	v7 =	vand.u32 $0x7FFFF800, v7;
	v8 =	vand.u32 $0xFFFFFC00, v8  }
0x25: {  	v6 =	vand.u32 $0x380, v6;
	v7 =	vadd.s32 v7, v8;
	v8 =	vshrl.u32 v9, $0x6;
	[tilespmem:s10+$0xFFFFFFC0] =	vst v2  }
0x26: {  	s11 =	simm.s32 $0x40;
	v2 =	vand.u32 $0x7F, v3;
	v3 =	vor.u32 v6, v7;
	v6 =	vmul.u32 $0xFFFFFF38, v8;
	v4 =	vld.idx.msk [tilespmem:v4+s2+$0x0], $0xffff  }
0x27: {  	v2 =	vor.u32 v2, v3;
	v3 =	vor.u32 s11, v0  }
0x28: {  	v5 =	vadd.s32 v5, v6;
	v7 =	vmulhi.u32 $0x51EB851F, v3  }
0x29: {  	v6 =	vshll.u32 v9, $0x2;
	v9 =	vshll.u32 v9, $0x1;
	v8 =	vshll.u32 v5, $0x3  }
0x2a: {  	v6 =	vand.u32 $0x7FFFF800, v6;
	v8 =	vand.u32 $0xFFFFFC00, v8;
	v10 =	vshrl.u32 v7, $0x6  }
0x2b: {  	s29 =	simm.s32 $0x50;
	v6 =	vadd.s32 v6, v8;
	v8 =	vand.u32 $0x380, v9;
	v9 =	vmul.u32 $0xFFFFFF38, v10;
	[tilespmem:s10+$0xFFFFFFD0] =	vst v4  }
0x2c: {  	v4 =	vand.u32 $0x7F, v5;
	v5 =	vor.u32 v8, v6;
	v6 =	vor.u32 s29, v0;
	v2 =	vld.idx.msk [tilespmem:v2+s2+$0x0], $0xffff  }
0x2d: {  	v3 =	vadd.s32 v3, v9;
	v9 =	vmulhi.u32 $0x51EB851F, v6;
	v4 =	vor.u32 v4, v5  }
0x2e: {  	v8 =	vshll.u32 v7, $0x2;
	v7 =	vshll.u32 v7, $0x1;
	v5 =	vshll.u32 v3, $0x3  }
0x2f: {  	v8 =	vand.u32 $0x7FFFF800, v8;
	v5 =	vand.u32 $0xFFFFFC00, v5;
	v10 =	vshrl.u32 v9, $0x6  }
0x30: {  	v7 =	vand.u32 $0x380, v7;
	v5 =	vadd.s32 v8, v5;
	v8 =	vmul.u32 $0xFFFFFF38, v10  }
0x31: {  	s30 =	simm.s32 $0x60;
	v3 =	vand.u32 $0x7F, v3;
	v5 =	vor.u32 v7, v5;
	[tilespmem:s10+$0xFFFFFFE0] =	vst v2  }
0x32: {  	v2 =	vor.u32 v3, v5;
	v3 =	vadd.s32 v6, v8;
	v5 =	vor.u32 s30, v0;
	v6 =	vld.idx.msk [tilespmem:v4+s2+$0x0], $0xffff  }
0x33: {  	v7 =	vshll.u32 v9, $0x2;
	v8 =	vshll.u32 v3, $0x3;
	v4 =	vmulhi.u32 $0x51EB851F, v5  }
0x34: {  	v9 =	vshll.u32 v9, $0x1;
	v7 =	vand.u32 $0x7FFFF800, v7;
	v8 =	vand.u32 $0xFFFFFC00, v8  }
0x35: {  	v7 =	vadd.s32 v7, v8;
	v8 =	vand.u32 $0x380, v9;
	v9 =	vshrl.u32 v4, $0x6  }
0x36: {  	v7 =	vor.u32 v8, v7;
	v8 =	vmul.u32 $0xFFFFFF38, v9  }
0x37: {  	[tilespmem:s10+$0xFFFFFFF0] =	vst v6  }
0x38: {  	v3 =	vand.u32 $0x7F, v3;
	v9 =	vadd.s32 v5, v8;
	v8 =	vld.idx.msk [tilespmem:v2+s2+$0x0], $0xffff  }
0x39: {  	v7 =	vor.u32 v3, v7  }
0x3a: {  	s31 =	simm.s32 $0x70;
	s12 =	simm.s32 $0x80  }
0x3b: {  	v10 =	vshll.u32 v4, $0x2;
	v3 =	vor.u32 s31, v0;
	v6 =	vmov s12  }
0x3c: {  	s11 =	simm.s32 $0xF0;
	v5 =	vmulhi.u32 $0x51EB851F, v3;
	v2 =	vor.u32 s12, v0;
	s12 =	simm.s32 $0x170;
	v11 =	vshll.u32 v9, $0x3  }
.LBB2_2:
0x3d: {  	p0 =	sne.s32 s12, $0x31F0;
	[tilespmem:s10+$0x0] =	vst v8;
	v8 =	vand.u32 $0x7FFFF800, v10;
	v10 =	vand.u32 $0xFFFFFC00, v11;
	v4 =	vshll.u32 v4, $0x1  }
0x3e: {  	v11 =	vmulhi.u32 $0x51EB851F, v2;
	v7 =	vld.idx.msk [tilespmem:v7+s2+$0x0], $0xffff;
	v8 =	vadd.s32 v8, v10;
	v4 =	vand.u32 $0x380, v4  }
0x3f: {  	v9 =	vand.u32 $0x7F, v9;
	v4 =	vor.u32 v4, v8;
	v8 =	vshrl.u32 v5, $0x6  }
0x40: {  	v10 =	vshrl.u32 v11, $0x6;
	v4 =	vor.u32 v9, v4;
	v8 =	vmul.u32 $0xFFFFFF38, v8  }
0x41: {  	vm0 =	veq.s32 v6, v0;
	v6 =	vmul.u32 $0xFFFFFF38, v10  }
0x42: {  	v9 =	vsub.s32 $0x0, v2;
	v3 =	vadd.s32 v3, v8;
	v8 =	vshll.u32 v5, $0x1  }
0x43: {  	vm1 =	vne.s32 v6, v9;
	v5 =	vshll.u32 v5, $0x2;
	v6 =	vshll.u32 v3, $0x3  }
0x44: {  	vm0 =	vmand vm0, vm1;
	v5 =	vand.u32 $0x7FFFF800, v5;
	[tilespmem:s10+$0x10] =	vst v7;
	v6 =	vand.u32 $0xFFFFFC00, v6  }
0x45: {  	v7 =	vsel vm0, $0xFFFFFFFF, v1;
	v4 =	vld.idx.msk [tilespmem:v4+s2+$0x0], $0xffff;
	v5 =	vadd.s32 v5, v6;
	v6 =	vand.u32 $0x380, v8  }
0x46: {  	v3 =	vand.u32 $0x7F, v3;
	v7 =	vadd.s32 v7, v10;
	v5 =	vor.u32 v6, v5  }
0x47: {  	v6 =	vmul.u32 $0xFFFFFF38, v7;
	v3 =	vor.u32 v3, v5  }
0x48: {  	s13 =	sadd.s32 $0xFFFFFFA0, s11  }
0x49: {  	v5 =	vor.u32 s13, v0;
	v2 =	vadd.s32 v2, v6  }
0x4a: {  	v6 =	vshll.u32 v7, $0x8;
	v9 =	vmulhi.u32 $0x51EB851F, v5;
	v8 =	vshll.u32 v2, $0x3  }
0x4b: {  	v7 =	vshll.u32 v7, $0x7;
	v6 =	vand.u32 $0xFFFFF800, v6;
	v8 =	vand.u32 $0xFFFFFC00, v8;
	[tilespmem:s10+$0x20] =	vst v4  }
0x4c: {  	v4 =	vadd.s32 v6, v8;
	v6 =	vand.u32 $0x380, v7;
	v3 =	vld.idx.msk [tilespmem:v3+s2+$0x0], $0xffff  }
0x4d: {  	v2 =	vand.u32 $0x7F, v2;
	v4 =	vor.u32 v6, v4;
	v6 =	vshrl.u32 v9, $0x6  }
0x4e: {  	v2 =	vor.u32 v2, v4;
	v4 =	vmul.u32 $0xFFFFFF38, v6  }
0x4f: {  	s13 =	sadd.s32 $0xFFFFFFB0, s11  }
0x50: {  	v4 =	vadd.s32 v5, v4;
	v5 =	vor.u32 s13, v0  }
0x51: {  	v6 =	vshll.u32 v9, $0x2;
	v7 =	vshll.u32 v4, $0x3;
	v8 =	vmulhi.u32 $0x51EB851F, v5  }
0x52: {  	v9 =	vshll.u32 v9, $0x1;
	v6 =	vand.u32 $0x7FFFF800, v6;
	v7 =	vand.u32 $0xFFFFFC00, v7;
	[tilespmem:s10+$0x30] =	vst v3  }
0x53: {  	v3 =	vadd.s32 v6, v7;
	v6 =	vand.u32 $0x380, v9;
	v2 =	vld.idx.msk [tilespmem:v2+s2+$0x0], $0xffff  }
0x54: {  	v4 =	vand.u32 $0x7F, v4;
	v3 =	vor.u32 v6, v3;
	v6 =	vshrl.u32 v8, $0x6  }
0x55: {  	v3 =	vor.u32 v4, v3;
	v4 =	vmul.u32 $0xFFFFFF38, v6  }
0x56: {  	s13 =	sadd.s32 $0xFFFFFFC0, s11  }
0x57: {  	v4 =	vadd.s32 v5, v4;
	v5 =	vor.u32 s13, v0  }
0x58: {  	s10 =	sadd.s32 $0x80, s10;
	v6 =	vshll.u32 v8, $0x2;
	v7 =	vshll.u32 v4, $0x3;
	v9 =	vmulhi.u32 $0x51EB851F, v5  }
0x59: {  	[tilespmem:s10+$0xFFFFFFC0] =	vst v2;
	v2 =	vand.u32 $0x7FFFF800, v6;
	v6 =	vand.u32 $0xFFFFFC00, v7;
	v7 =	vshll.u32 v8, $0x1  }
0x5a: {  	v3 =	vld.idx.msk [tilespmem:v3+s2+$0x0], $0xffff;
	v2 =	vadd.s32 v2, v6;
	v6 =	vand.u32 $0x380, v7  }
0x5b: {  	v4 =	vand.u32 $0x7F, v4;
	v2 =	vor.u32 v6, v2;
	v6 =	vshrl.u32 v9, $0x6  }
0x5c: {  	v2 =	vor.u32 v4, v2;
	v4 =	vmul.u32 $0xFFFFFF38, v6  }
0x5d: {  	s13 =	sadd.s32 $0xFFFFFFD0, s11  }
0x5e: {  	v4 =	vadd.s32 v5, v4;
	v5 =	vor.u32 s13, v0  }
0x5f: {  	v6 =	vshll.u32 v9, $0x2;
	v7 =	vshll.u32 v4, $0x3;
	v8 =	vmulhi.u32 $0x51EB851F, v5  }
0x60: {  	[tilespmem:s10+$0xFFFFFFD0] =	vst v3;
	v3 =	vand.u32 $0x7FFFF800, v6;
	v6 =	vand.u32 $0xFFFFFC00, v7;
	v7 =	vshll.u32 v9, $0x1  }
0x61: {  	v2 =	vld.idx.msk [tilespmem:v2+s2+$0x0], $0xffff;
	v3 =	vadd.s32 v3, v6;
	v6 =	vand.u32 $0x380, v7  }
0x62: {  	v4 =	vand.u32 $0x7F, v4;
	v3 =	vor.u32 v6, v3;
	v6 =	vshrl.u32 v8, $0x6  }
0x63: {  	v3 =	vor.u32 v4, v3;
	v4 =	vmul.u32 $0xFFFFFF38, v6  }
0x64: {  	s13 =	sadd.s32 $0xFFFFFFE0, s11  }
0x65: {  	v4 =	vadd.s32 v5, v4;
	v5 =	vor.u32 s13, v0  }
0x66: {  	v6 =	vshll.u32 v8, $0x2;
	v7 =	vshll.u32 v4, $0x3;
	v9 =	vmulhi.u32 $0x51EB851F, v5  }
0x67: {  	[tilespmem:s10+$0xFFFFFFE0] =	vst v2;
	v2 =	vand.u32 $0x7FFFF800, v6;
	v6 =	vand.u32 $0xFFFFFC00, v7;
	v7 =	vshll.u32 v8, $0x1  }
0x68: {  	v3 =	vld.idx.msk [tilespmem:v3+s2+$0x0], $0xffff;
	v2 =	vadd.s32 v2, v6;
	v6 =	vand.u32 $0x380, v7  }
0x69: {  	v4 =	vand.u32 $0x7F, v4;
	v2 =	vor.u32 v6, v2;
	v6 =	vshrl.u32 v9, $0x6  }
0x6a: {  	v2 =	vor.u32 v4, v2;
	v4 =	vmul.u32 $0xFFFFFF38, v6  }
0x6b: {  	s13 =	sadd.s32 $0xFFFFFFF0, s11  }
0x6c: {  	v10 =	vor.u32 s13, v0;
	v5 =	vadd.s32 v5, v4  }
0x6d: {  	v6 =	vshll.u32 v9, $0x2;
	v4 =	vmulhi.u32 $0x51EB851F, v10;
	v7 =	vshll.u32 v5, $0x3  }
0x6e: {  	[tilespmem:s10+$0xFFFFFFF0] =	vst v3;
	v3 =	vand.u32 $0x7FFFF800, v6;
	v6 =	vand.u32 $0xFFFFFC00, v7;
	v7 =	vshll.u32 v9, $0x1  }
0x6f: {  	v8 =	vld.idx.msk [tilespmem:v2+s2+$0x0], $0xffff;
	v2 =	vadd.s32 v3, v6;
	v3 =	vand.u32 $0x380, v7  }
.Ltmp0:
0x70: {  	v5 =	vand.u32 $0x7F, v5;
	v2 =	vor.u32 v3, v2;
	v3 =	vshrl.u32 v4, $0x6;
	(pc) =	sbr.rel @p0 .LBB2_2-.Ltmp0, $4  }
0x71: {  	v7 =	vor.u32 v5, v2;
	v2 =	vmul.u32 $0xFFFFFF38, v3  }
0x72: {  	s13 =	sadd.s32 $0xFFFFFF90, s12;
	v3 =	vor.u32 s11, v0;
	s11 =	smov.u32 s12  }
0x73: {  	v6 =	vmov s13;
	v5 =	vmulhi.u32 $0x51EB851F, v3;
	v9 =	vadd.s32 v10, v2  }
0x74: {  	s12 =	sadd.s32 $0x80, s12;
	v2 =	vor.u32 s13, v0;
	v10 =	vshll.u32 v4, $0x2;
	v11 =	vshll.u32 v9, $0x3  }
0x75: {  	_ = 	snop  }
0x76: {  	v10 =	vand.u32 $0x7FFFF800, v10;
	v11 =	vand.u32 $0xFFFFFC00, v11;
	v12 =	vmulhi.u32 $0x51EB851F, v2  }
0x77: {  	v4 =	vshll.u32 v4, $0x1;
	[tilespmem:s10+$0x0] =	vst v8;
	v8 =	vand.u32 $0x7F, v9;
	v50 =	vshrl.u32 v5, $0x6  }
0x78: {  	v10 =	vadd.s32 v10, v11;
	v4 =	vand.u32 $0x380, v4;
	v51 =	vshrl.u32 v12, $0x6  }
0x79: {  	v7 =	vld.idx.msk [tilespmem:v7+s2+$0x0], $0xffff;
	v9 =	vmul.u32 $0xFFFFFF38, v50;
	v4 =	vor.u32 v4, v10;
	v52 =	vmul.u32 $0xFFFFFF38, v51  }
0x7a: {  	vm0 =	veq.s32 v6, v0;
	v6 =	vsub.s32 $0x0, v2;
	v4 =	vor.u32 v8, v4  }
0x7b: {  	v3 =	vadd.s32 v3, v9;
	v8 =	vshll.u32 v5, $0x1;
	vm1 =	vne.s32 v52, v6  }
0x7c: {  	v5 =	vshll.u32 v5, $0x2;
	v6 =	vshll.u32 v3, $0x3;
	vm0 =	vmand vm0, vm1  }
0x7d: {  	v5 =	vand.u32 $0x7FFFF800, v5;
	v6 =	vand.u32 $0xFFFFFC00, v6;
	v53 =	vsel vm0, $0xFFFFFFFF, v1  }
0x7e: {  	[tilespmem:s10+$0x10] =	vst v7;
	v5 =	vadd.s32 v5, v6;
	v6 =	vand.u32 $0x380, v8;
	v7 =	vadd.s32 v53, v51  }
0x7f: {  	v3 =	vand.u32 $0x7F, v3;
	v4 =	vld.idx.msk [tilespmem:v4+s2+$0x0], $0xffff;
	v5 =	vor.u32 v6, v5;
	v6 =	vmul.u32 $0xFFFFFF38, v7  }
0x80: {  	s12 =	sadd.s32 $0xFFFFFFA0, s11;
	v3 =	vor.u32 v3, v5  }
0x81: {  	v5 =	vor.u32 s12, v0;
	v2 =	vadd.s32 v2, v6  }
0x82: {  	v54 =	vmulhi.u32 $0x51EB851F, v5;
	v6 =	vshll.u32 v7, $0x8;
	v8 =	vshll.u32 v2, $0x3  }
0x83: {  	v7 =	vshll.u32 v7, $0x7;
	v6 =	vand.u32 $0xFFFFF800, v6;
	v8 =	vand.u32 $0xFFFFFC00, v8  }
0x84: {  	[tilespmem:s10+$0x20] =	vst v4;
	v4 =	vadd.s32 v6, v8;
	v6 =	vand.u32 $0x380, v7;
	v7 =	vshrl.u32 v54, $0x6  }
0x85: {  	v2 =	vand.u32 $0x7F, v2;
	v3 =	vld.idx.msk [tilespmem:v3+s2+$0x0], $0xffff;
	v4 =	vor.u32 v6, v4;
	v6 =	vmul.u32 $0xFFFFFF38, v7  }
0x86: {  	s16 =	sadd.s32 $0xFFFFFFB0, s11;
	v2 =	vor.u32 v2, v4  }
0x87: {  	v4 =	vadd.s32 v5, v6;
	v5 =	vor.u32 s16, v0  }
0x88: {  	v6 =	vshll.u32 v54, $0x2;
	v7 =	vshll.u32 v4, $0x3;
	v8 =	vmulhi.u32 $0x51EB851F, v5  }
0x89: {  	v9 =	vshll.u32 v54, $0x1;
	v6 =	vand.u32 $0x7FFFF800, v6;
	v7 =	vand.u32 $0xFFFFFC00, v7  }
0x8a: {  	[tilespmem:s10+$0x30] =	vst v3;
	v3 =	vadd.s32 v6, v7;
	v6 =	vand.u32 $0x380, v9;
	v7 =	vshrl.u32 v8, $0x6  }
0x8b: {  	v4 =	vand.u32 $0x7F, v4;
	v2 =	vld.idx.msk [tilespmem:v2+s2+$0x0], $0xffff;
	v3 =	vor.u32 v6, v3;
	v6 =	vmul.u32 $0xFFFFFF38, v7  }
0x8c: {  	s17 =	sadd.s32 $0xFFFFFFC0, s11;
	v3 =	vor.u32 v4, v3  }
0x8d: {  	v4 =	vadd.s32 v5, v6;
	v5 =	vor.u32 s17, v0  }
0x8e: {  	v6 =	vshll.u32 v8, $0x2;
	v7 =	vshll.u32 v4, $0x3;
	v55 =	vmulhi.u32 $0x51EB851F, v5  }
0x8f: {  	s18 =	sadd.s32 $0x80, s10;
	v8 =	vshll.u32 v8, $0x1;
	v6 =	vand.u32 $0x7FFFF800, v6;
	v7 =	vand.u32 $0xFFFFFC00, v7  }
0x90: {  	[tilespmem:s18+$0xFFFFFFC0] =	vst v2;
	v2 =	vadd.s32 v6, v7;
	v6 =	vand.u32 $0x380, v8;
	v7 =	vshrl.u32 v55, $0x6  }
0x91: {  	v4 =	vand.u32 $0x7F, v4;
	v3 =	vld.idx.msk [tilespmem:v3+s2+$0x0], $0xffff;
	v2 =	vor.u32 v6, v2;
	v6 =	vmul.u32 $0xFFFFFF38, v7  }
0x92: {  	s19 =	sadd.s32 $0xFFFFFFD0, s11;
	v2 =	vor.u32 v4, v2  }
0x93: {  	v4 =	vadd.s32 v5, v6;
	v5 =	vor.u32 s19, v0  }
0x94: {  	v6 =	vshll.u32 v55, $0x2;
	v7 =	vshll.u32 v4, $0x3;
	v8 =	vmulhi.u32 $0x51EB851F, v5  }
0x95: {  	v9 =	vshll.u32 v55, $0x1;
	v6 =	vand.u32 $0x7FFFF800, v6;
	v7 =	vand.u32 $0xFFFFFC00, v7  }
0x96: {  	[tilespmem:s18+$0xFFFFFFD0] =	vst v3;
	v3 =	vadd.s32 v6, v7;
	v6 =	vand.u32 $0x380, v9;
	v7 =	vshrl.u32 v8, $0x6  }
0x97: {  	v4 =	vand.u32 $0x7F, v4;
	v2 =	vld.idx.msk [tilespmem:v2+s2+$0x0], $0xffff;
	v3 =	vor.u32 v6, v3;
	v6 =	vmul.u32 $0xFFFFFF38, v7  }
0x98: {  	s20 =	sadd.s32 $0xFFFFFFE0, s11;
	v3 =	vor.u32 v4, v3  }
0x99: {  	v4 =	vadd.s32 v5, v6;
	v5 =	vor.u32 s20, v0  }
0x9a: {  	v6 =	vshll.u32 v8, $0x2;
	v7 =	vshll.u32 v4, $0x3;
	v56 =	vmulhi.u32 $0x51EB851F, v5  }
0x9b: {  	v8 =	vshll.u32 v8, $0x1;
	v6 =	vand.u32 $0x7FFFF800, v6;
	v7 =	vand.u32 $0xFFFFFC00, v7  }
0x9c: {  	[tilespmem:s18+$0xFFFFFFE0] =	vst v2;
	v2 =	vadd.s32 v6, v7;
	v6 =	vand.u32 $0x380, v8;
	v7 =	vshrl.u32 v56, $0x6  }
0x9d: {  	v4 =	vand.u32 $0x7F, v4;
	v3 =	vld.idx.msk [tilespmem:v3+s2+$0x0], $0xffff;
	v2 =	vor.u32 v6, v2;
	v6 =	vmul.u32 $0xFFFFFF38, v7  }
0x9e: {  	s21 =	sadd.s32 $0xFFFFFFF0, s11;
	v2 =	vor.u32 v4, v2  }
0x9f: {  	v4 =	vadd.s32 v5, v6;
	v5 =	vor.u32 s21, v0  }
0xa0: {  	v6 =	vshll.u32 v56, $0x2;
	v7 =	vshll.u32 v4, $0x3;
	v8 =	vmulhi.u32 $0x51EB851F, v5  }
0xa1: {  	v9 =	vshll.u32 v56, $0x1;
	v6 =	vand.u32 $0x7FFFF800, v6;
	v7 =	vand.u32 $0xFFFFFC00, v7  }
0xa2: {  	[tilespmem:s18+$0xFFFFFFF0] =	vst v3;
	v3 =	vadd.s32 v6, v7;
	v6 =	vand.u32 $0x380, v9;
	v7 =	vshrl.u32 v8, $0x6  }
0xa3: {  	v4 =	vand.u32 $0x7F, v4;
	v2 =	vld.idx.msk [tilespmem:v2+s2+$0x0], $0xffff;
	v3 =	vor.u32 v6, v3;
	v6 =	vmul.u32 $0xFFFFFF38, v7  }
0xa4: {  	v3 =	vor.u32 v4, v3  }
0xa5: {  	v4 =	vor.u32 s11, v0;
	v5 =	vadd.s32 v5, v6  }
0xa6: {  	v7 =	vshll.u32 v8, $0x2;
	v6 =	vmulhi.u32 $0x51EB851F, v4;
	v57 =	vshll.u32 v5, $0x3  }
0xa7: {  	v8 =	vshll.u32 v8, $0x1;
	v7 =	vand.u32 $0x7FFFF800, v7;
	v9 =	vand.u32 $0xFFFFFC00, v57  }
0xa8: {  	[tilespmem:s18+$0x0] =	vst v2;
	v2 =	vadd.s32 v7, v9;
	v7 =	vand.u32 $0x380, v8;
	v8 =	vshrl.u32 v6, $0x6  }
0xa9: {  	v5 =	vand.u32 $0x7F, v5;
	v3 =	vld.idx.msk [tilespmem:v3+s2+$0x0], $0xffff;
	v2 =	vor.u32 v7, v2;
	v7 =	vmul.u32 $0xFFFFFF38, v8  }
0xaa: {  	v2 =	vor.u32 v5, v2  }
0xab: {  	v4 =	vadd.s32 v4, v7  }
0xac: {  	v5 =	vshll.u32 v6, $0x1;
	v6 =	vshll.u32 v6, $0x2;
	v7 =	vshll.u32 v4, $0x3  }
0xad: {  	s22 =	simm.s32 $0x3200;
	v6 =	vand.u32 $0x7FFFF800, v6;
	v7 =	vand.u32 $0xFFFFFC00, v7  }
0xae: {  	v8 =	vor.u32 s22, v0;
	v5 =	vand.u32 $0x380, v5;
	[tilespmem:s18+$0x10] =	vst v3;
	v3 =	vadd.s32 v6, v7  }
0xaf: {  	v58 =	vmulhi.u32 $0x51EB851F, v8;
	v4 =	vand.u32 $0x7F, v4;
	v2 =	vld.idx.msk [tilespmem:v2+s2+$0x0], $0xffff;
	v3 =	vor.u32 v5, v3  }
0xb0: {  	v3 =	vor.u32 v4, v3  }
0xb1: {  	v5 =	vshrl.u32 v58, $0x6  }
0xb2: {  	s23 =	simm.s32 $0x3210;
	v6 =	vshll.u32 v58, $0x1;
	v4 =	vmul.u32 $0xFFFFFF38, v5  }
0xb3: {  	v7 =	vor.u32 s23, v0;
	v6 =	vand.u32 $0x380, v6;
	v5 =	vshll.u32 v58, $0x2  }
0xb4: {  	v5 =	vand.u32 $0x7FFFF800, v5;
	v4 =	vadd.s32 v8, v4;
	v8 =	vmulhi.u32 $0x51EB851F, v7;
	[tilespmem:s18+$0x20] =	vst v2  }
0xb5: {  	v5 =	vor.u32 v6, v5;
	v3 =	vld.idx.msk [tilespmem:v3+s2+$0x0], $0xffff  }
0xb6: {  	v2 =	vand.u32 $0x7F, v4;
	v4 =	vshll.u32 v4, $0x3;
	v6 =	vshll.u32 v8, $0x1  }
0xb7: {  	v4 =	vand.u32 $0xFFFFFC00, v4;
	v2 =	vor.u32 v2, v5;
	v5 =	vshrl.u32 v8, $0x6  }
0xb8: {  	s24 =	simm.s32 $0x3220;
	v6 =	vand.u32 $0x380, v6;
	v2 =	vadd.s32 v4, v2;
	v4 =	vmul.u32 $0xFFFFFF38, v5  }
0xb9: {  	v5 =	vshll.u32 v8, $0x2;
	v8 =	vor.u32 s24, v0;
	v2 =	vadd.s32 $0xFFFFC000, v2  }
0xba: {  	v5 =	vand.u32 $0x7FFFF800, v5;
	v4 =	vadd.s32 v7, v4;
	v7 =	vmulhi.u32 $0x51EB851F, v8;
	[tilespmem:s18+$0x30] =	vst v3  }
0xbb: {  	v5 =	vor.u32 v6, v5;
	[tilespmem:s2], [sflag:$0x1] =	stream.linear.gather [hbm4b:s4+s2], $0x4000, $0x38;
	[tilespmem:$0xA400] =	vst v63  }
0xbc: {  	v3 =	vand.u32 $0x7F, v4;
	v4 =	vshll.u32 v4, $0x3;
	v6 =	vshll.u32 v7, $0x1;
	_ =	swait.ge [sflag:s7], $0x4000  }
0xbd: {  	v4 =	vand.u32 $0xFFFFFC00, v4;
	v3 =	vor.u32 v3, v5;
	v5 =	vshrl.u32 v7, $0x6;
	[sflag:s7] =	ssyncset.done $0x0  }
0xbe: {  	s25 =	simm.s32 $0x3230;
	v6 =	vand.u32 $0x380, v6;
	v3 =	vadd.s32 v4, v3;
	v4 =	vmul.u32 $0xFFFFFF38, v5;
	[sflag:s7] =	ssyncadd.s32 $0xFFFFC000  }
0xbf: {  	v5 =	vshll.u32 v7, $0x2;
	v7 =	vor.u32 s25, v0;
	v3 =	vadd.s32 $0xFFFFC000, v3;
	v2 =	vld.idx.msk [tilespmem:v2+s2+$0x0], $0xffff  }
0xc0: {  	v5 =	vand.u32 $0x7FFFF800, v5;
	v4 =	vadd.s32 v8, v4;
	v8 =	vmulhi.u32 $0x51EB851F, v7  }
0xc1: {  	v5 =	vor.u32 v6, v5;
	v59 =	vand.u32 $0x7F, v4;
	v4 =	vshll.u32 v4, $0x3  }
0xc2: {  	v4 =	vand.u32 $0xFFFFFC00, v4;
	v5 =	vor.u32 v59, v5;
	v6 =	vshrl.u32 v8, $0x6  }
0xc3: {  	s10 =	simm.s32 $0x7270;
	v4 =	vadd.s32 v4, v5;
	v5 =	vmul.u32 $0xFFFFFF38, v6  }
0xc4: {  	v6 =	vshll.u32 v8, $0x2;
	v4 =	vadd.s32 $0xFFFFC000, v4;
	[tilespmem:s10+$0xFFFFFF90] =	vst v2  }
0xc5: {  	s26 =	simm.s32 $0x3240;
	v6 =	vand.u32 $0x7FFFF800, v6;
	v5 =	vadd.s32 v7, v5;
	v2 =	vshll.u32 v8, $0x1;
	v3 =	vld.idx.msk [tilespmem:v3+s2+$0x0], $0xffff  }
0xc6: {  	v8 =	vor.u32 s26, v0;
	v60 =	vand.u32 $0x7F, v5;
	v2 =	vand.u32 $0x380, v2  }
0xc7: {  	v5 =	vshll.u32 v5, $0x3;
	v7 =	vmulhi.u32 $0x51EB851F, v8;
	v2 =	vor.u32 v2, v6  }
0xc8: {  	v5 =	vand.u32 $0xFFFFFC00, v5;
	v2 =	vor.u32 v60, v2  }
0xc9: {  	v6 =	vshrl.u32 v7, $0x6;
	v2 =	vadd.s32 v5, v2  }
0xca: {  	s28 =	simm.s32 $0x3250;
	v5 =	vmul.u32 $0xFFFFFF38, v6;
	v6 =	vshll.u32 v7, $0x2;
	v2 =	vadd.s32 $0xFFFFC000, v2;
	[tilespmem:s10+$0xFFFFFFA0] =	vst v3  }
0xcb: {  	v6 =	vand.u32 $0x7FFFF800, v6;
	v3 =	vshll.u32 v7, $0x1;
	v7 =	vor.u32 s28, v0;
	v4 =	vld.idx.msk [tilespmem:v4+s2+$0x0], $0xffff  }
0xcc: {  	v5 =	vadd.s32 v8, v5;
	v3 =	vand.u32 $0x380, v3;
	v8 =	vmulhi.u32 $0x51EB851F, v7  }
0xcd: {  	v61 =	vand.u32 $0x7F, v5;
	v5 =	vshll.u32 v5, $0x3;
	v3 =	vor.u32 v3, v6  }
0xce: {  	v5 =	vand.u32 $0xFFFFFC00, v5;
	v3 =	vor.u32 v61, v3  }
0xcf: {  	v6 =	vshrl.u32 v8, $0x6;
	v3 =	vadd.s32 v5, v3  }
0xd0: {  	s29 =	simm.s32 $0x3260;
	v5 =	vmul.u32 $0xFFFFFF38, v6;
	v6 =	vshll.u32 v8, $0x2;
	v3 =	vadd.s32 $0xFFFFC000, v3;
	[tilespmem:s10+$0xFFFFFFB0] =	vst v4  }
0xd1: {  	v6 =	vand.u32 $0x7FFFF800, v6;
	v4 =	vshll.u32 v8, $0x1;
	v8 =	vor.u32 s29, v0;
	v2 =	vld.idx.msk [tilespmem:v2+s2+$0x0], $0xffff  }
0xd2: {  	v5 =	vadd.s32 v7, v5;
	v4 =	vand.u32 $0x380, v4;
	v7 =	vmulhi.u32 $0x51EB851F, v8  }
0xd3: {  	v62 =	vand.u32 $0x7F, v5;
	v5 =	vshll.u32 v5, $0x3;
	v4 =	vor.u32 v4, v6  }
0xd4: {  	v5 =	vand.u32 $0xFFFFFC00, v5;
	v4 =	vor.u32 v62, v4;
	v6 =	vshrl.u32 v7, $0x6  }
0xd5: {  	v4 =	vadd.s32 v5, v4;
	v5 =	vmul.u32 $0xFFFFFF38, v6  }
0xd6: {  	[tilespmem:s10+$0xFFFFFFC0] =	vst v2  }
0xd7: {  	v5 =	vadd.s32 v8, v5;
	v8 =	vld.idx.msk [tilespmem:v3+s2+$0x0], $0xffff  }
0xd8: {  	v4 =	vadd.s32 $0xFFFFC000, v4  }
0xd9: {  	s30 =	simm.s32 $0x3270;
	v6 =	vshll.u32 v7, $0x2;
	v2 =	vshll.u32 v7, $0x1  }
0xda: {  	v7 =	vor.u32 s30, v0;
	v3 =	vand.u32 $0x7FFFF800, v6;
	v2 =	vand.u32 $0x380, v2  }
0xdb: {  	v6 =	vand.u32 $0x7F, v5;
	v2 =	vor.u32 v2, v3;
	v3 =	vshll.u32 v5, $0x3  }
0xdc: {  	v5 =	vmulhi.u32 $0x51EB851F, v7;
	v3 =	vand.u32 $0xFFFFFC00, v3;
	v2 =	vor.u32 v6, v2;
	[tilespmem:s10+$0xFFFFFFD0] =	vst v8  }
0xdd: {  	v2 =	vadd.s32 v3, v2;
	v4 =	vld.idx.msk [tilespmem:v4+s2+$0x0], $0xffff  }
0xde: {  	v6 =	vshrl.u32 v5, $0x6;
	v3 =	vadd.s32 $0xFFFFC000, v2  }
0xdf: {  	s31 =	simm.s32 $0x3280;
	v6 =	vmul.u32 $0xFFFFFF38, v6  }
0xe0: {  	v63 =	vshll.u32 v5, $0x1;
	v2 =	vor.u32 s31, v0;
	v8 =	vshll.u32 v5, $0x2  }
0xe1: {  	s12 =	simm.s32 $0x3370;
	s11 =	simm.s32 $0x32F0;
	v5 =	vadd.s32 v7, v6;
	v6 =	vand.u32 $0x7FFFF800, v8;
	v7 =	vand.u32 $0x380, v63  }
.LBB2_4:
0xe2: {  	p0 =	sne.s32 s12, $0x63F0;
	[tilespmem:s10+$0xFFFFFFE0] =	vst v4;
	v4 =	vand.u32 $0x7F, v5;
	v6 =	vor.u32 v7, v6;
	v5 =	vshll.u32 v5, $0x3  }
0xe3: {  	v7 =	vmulhi.u32 $0x51EB851F, v2;
	v3 =	vld.idx.msk [tilespmem:v3+s2+$0x0], $0xffff;
	v5 =	vand.u32 $0xFFFFFC00, v5;
	v4 =	vor.u32 v4, v6  }
0xe4: {  	v4 =	vadd.s32 v5, v4  }
0xe5: {  	v5 =	vshrl.u32 v7, $0x6;
	v4 =	vadd.s32 $0xFFFFC000, v4  }
0xe6: {  	s13 =	sadd.s32 $0xFFFFFFA0, s11;
	v5 =	vmul.u32 $0xFFFFFF38, v5  }
0xe7: {  	v8 =	vor.u32 s13, v0;
	v6 =	vshll.u32 v7, $0x2;
	v7 =	vshll.u32 v7, $0x1  }
0xe8: {  	v2 =	vadd.s32 v2, v5;
	v5 =	vand.u32 $0x7FFFF800, v6;
	v6 =	vand.u32 $0x380, v7  }
0xe9: {  	v7 =	vand.u32 $0x7F, v2;
	v5 =	vor.u32 v6, v5;
	v2 =	vshll.u32 v2, $0x3;
	[tilespmem:s10+$0xFFFFFFF0] =	vst v3  }
0xea: {  	v2 =	vand.u32 $0xFFFFFC00, v2;
	v3 =	vor.u32 v7, v5;
	v5 =	vmulhi.u32 $0x51EB851F, v8;
	v4 =	vld.idx.msk [tilespmem:v4+s2+$0x0], $0xffff  }
0xeb: {  	v2 =	vadd.s32 v2, v3  }
0xec: {  	v2 =	vadd.s32 $0xFFFFC000, v2;
	v3 =	vshrl.u32 v5, $0x6  }
0xed: {  	s13 =	sadd.s32 $0xFFFFFFB0, s11;
	v3 =	vmul.u32 $0xFFFFFF38, v3  }
0xee: {  	v7 =	vor.u32 s13, v0;
	v6 =	vshll.u32 v5, $0x2;
	v5 =	vshll.u32 v5, $0x1  }
0xef: {  	v6 =	vand.u32 $0x7FFFF800, v6;
	v5 =	vand.u32 $0x380, v5;
	v3 =	vadd.s32 v8, v3  }
0xf0: {  	v5 =	vor.u32 v5, v6;
	v8 =	vand.u32 $0x7F, v3;
	v3 =	vshll.u32 v3, $0x3;
	[tilespmem:s10+$0x0] =	vst v4  }
0xf1: {  	v3 =	vand.u32 $0xFFFFFC00, v3;
	v4 =	vor.u32 v8, v5;
	v5 =	vmulhi.u32 $0x51EB851F, v7;
	v2 =	vld.idx.msk [tilespmem:v2+s2+$0x0], $0xffff  }
0xf2: {  	v3 =	vadd.s32 v3, v4  }
0xf3: {  	v3 =	vadd.s32 $0xFFFFC000, v3;
	v4 =	vshrl.u32 v5, $0x6  }
0xf4: {  	s13 =	sadd.s32 $0xFFFFFFC0, s11;
	v4 =	vmul.u32 $0xFFFFFF38, v4  }
0xf5: {  	v8 =	vor.u32 s13, v0;
	v6 =	vshll.u32 v5, $0x2;
	v5 =	vshll.u32 v5, $0x1  }
0xf6: {  	s10 =	sadd.s32 $0x80, s10;
	v6 =	vand.u32 $0x7FFFF800, v6;
	v5 =	vand.u32 $0x380, v5;
	v4 =	vadd.s32 v7, v4  }
0xf7: {  	v5 =	vor.u32 v5, v6;
	[tilespmem:s10+$0xFFFFFF90] =	vst v2;
	v2 =	vand.u32 $0x7F, v4;
	v4 =	vshll.u32 v4, $0x3  }
0xf8: {  	v3 =	vld.idx.msk [tilespmem:v3+s2+$0x0], $0xffff;
	v4 =	vand.u32 $0xFFFFFC00, v4;
	v2 =	vor.u32 v2, v5;
	v5 =	vmulhi.u32 $0x51EB851F, v8  }
0xf9: {  	v2 =	vadd.s32 v4, v2  }
0xfa: {  	v2 =	vadd.s32 $0xFFFFC000, v2;
	v4 =	vshrl.u32 v5, $0x6  }
0xfb: {  	s13 =	sadd.s32 $0xFFFFFFD0, s11;
	v4 =	vmul.u32 $0xFFFFFF38, v4  }
0xfc: {  	v7 =	vor.u32 s13, v0;
	v6 =	vshll.u32 v5, $0x2;
	v5 =	vshll.u32 v5, $0x1  }
0xfd: {  	v6 =	vand.u32 $0x7FFFF800, v6;
	v5 =	vand.u32 $0x380, v5;
	v4 =	vadd.s32 v8, v4  }
0xfe: {  	v5 =	vor.u32 v5, v6;
	[tilespmem:s10+$0xFFFFFFA0] =	vst v3;
	v3 =	vand.u32 $0x7F, v4;
	v4 =	vshll.u32 v4, $0x3  }
0xff: {  	v2 =	vld.idx.msk [tilespmem:v2+s2+$0x0], $0xffff;
	v4 =	vand.u32 $0xFFFFFC00, v4;
	v3 =	vor.u32 v3, v5;
	v5 =	vmulhi.u32 $0x51EB851F, v7  }
0x100: {  	v3 =	vadd.s32 v4, v3  }
0x101: {  	v3 =	vadd.s32 $0xFFFFC000, v3;
	v4 =	vshrl.u32 v5, $0x6  }
0x102: {  	s13 =	sadd.s32 $0xFFFFFFE0, s11;
	v4 =	vmul.u32 $0xFFFFFF38, v4  }
0x103: {  	v8 =	vor.u32 s13, v0;
	v6 =	vshll.u32 v5, $0x2;
	v5 =	vshll.u32 v5, $0x1  }
0x104: {  	v6 =	vand.u32 $0x7FFFF800, v6;
	v5 =	vand.u32 $0x380, v5;
	v4 =	vadd.s32 v7, v4  }
0x105: {  	v5 =	vor.u32 v5, v6;
	[tilespmem:s10+$0xFFFFFFB0] =	vst v2;
	v2 =	vand.u32 $0x7F, v4;
	v4 =	vshll.u32 v4, $0x3  }
0x106: {  	v3 =	vld.idx.msk [tilespmem:v3+s2+$0x0], $0xffff;
	v4 =	vand.u32 $0xFFFFFC00, v4;
	v2 =	vor.u32 v2, v5;
	v5 =	vmulhi.u32 $0x51EB851F, v8  }
0x107: {  	v2 =	vadd.s32 v4, v2  }
0x108: {  	v2 =	vadd.s32 $0xFFFFC000, v2;
	v4 =	vshrl.u32 v5, $0x6  }
0x109: {  	s13 =	sadd.s32 $0xFFFFFFF0, s11;
	v4 =	vmul.u32 $0xFFFFFF38, v4  }
0x10a: {  	v7 =	vor.u32 s13, v0;
	v6 =	vshll.u32 v5, $0x2;
	v5 =	vshll.u32 v5, $0x1  }
0x10b: {  	v6 =	vand.u32 $0x7FFFF800, v6;
	v5 =	vand.u32 $0x380, v5;
	v4 =	vadd.s32 v8, v4  }
0x10c: {  	v5 =	vor.u32 v5, v6;
	[tilespmem:s10+$0xFFFFFFC0] =	vst v3;
	v3 =	vand.u32 $0x7F, v4;
	v4 =	vshll.u32 v4, $0x3  }
0x10d: {  	v2 =	vld.idx.msk [tilespmem:v2+s2+$0x0], $0xffff;
	v4 =	vand.u32 $0xFFFFFC00, v4;
	v3 =	vor.u32 v3, v5;
	v5 =	vmulhi.u32 $0x51EB851F, v7  }
0x10e: {  	v3 =	vadd.s32 v4, v3  }
0x10f: {  	v3 =	vadd.s32 $0xFFFFC000, v3;
	v4 =	vshrl.u32 v5, $0x6  }
0x110: {  	v4 =	vmul.u32 $0xFFFFFF38, v4  }
0x111: {  	v8 =	vor.u32 s11, v0;
	s11 =	smov.u32 s12;
	v6 =	vshll.u32 v5, $0x2;
	v5 =	vshll.u32 v5, $0x1  }
0x112: {  	v6 =	vand.u32 $0x7FFFF800, v6;
	v5 =	vand.u32 $0x380, v5;
	v4 =	vadd.s32 v7, v4  }
0x113: {  	v5 =	vor.u32 v5, v6;
	[tilespmem:s10+$0xFFFFFFD0] =	vst v2;
	v2 =	vand.u32 $0x7F, v4;
	v6 =	vshll.u32 v4, $0x3  }
0x114: {  	v4 =	vld.idx.msk [tilespmem:v3+s2+$0x0], $0xffff;
	v3 =	vand.u32 $0xFFFFFC00, v6;
	v2 =	vor.u32 v2, v5;
	v5 =	vmulhi.u32 $0x51EB851F, v8  }
.Ltmp1:
0x115: {  	v2 =	vadd.s32 v3, v2;
	(pc) =	sbr.rel @p0 .LBB2_4-.Ltmp1, $4  }
0x116: {  	v3 =	vadd.s32 $0xFFFFC000, v2;
	v2 =	vshrl.u32 v5, $0x6  }
0x117: {  	s13 =	sadd.s32 $0xFFFFFF90, s12;
	v6 =	vmul.u32 $0xFFFFFF38, v2  }
0x118: {  	v7 =	vshll.u32 v5, $0x2;
	v9 =	vshll.u32 v5, $0x1;
	v2 =	vor.u32 s13, v0  }
0x119: {  	s12 =	sadd.s32 $0x80, s12;
	v5 =	vadd.s32 v8, v6;
	v6 =	vand.u32 $0x7FFFF800, v7;
	v7 =	vand.u32 $0x380, v9  }
0x11a: {  	_ = 	snop  }
0x11b: {  	v8 =	vmulhi.u32 $0x51EB851F, v2  }
0x11c: {  	v6 =	vor.u32 v7, v6;
	v55 =	vand.u32 $0x7F, v5;
	v56 =	vshll.u32 v5, $0x3  }
0x11d: {  	[tilespmem:s10+$0xFFFFFFE0] =	vst v4;
	v57 =	vand.u32 $0xFFFFFC00, v56;
	v58 =	vor.u32 v55, v6  }
0x11e: {  	s12 =	sadd.s32 $0xFFFFFFA0, s11;
	v3 =	vld.idx.msk [tilespmem:v3+s2+$0x0], $0xffff;
	v59 =	vshrl.u32 v8, $0x6;
	v4 =	vadd.s32 v57, v58  }
0x11f: {  	v63 =	vor.u32 s12, v0;
	v60 =	vmul.u32 $0xFFFFFF38, v59;
	v4 =	vadd.s32 $0xFFFFC000, v4  }
0x120: {  	v61 =	vshll.u32 v8, $0x2;
	v62 =	vshll.u32 v8, $0x1;
	v12 =	vmulhi.u32 $0x51EB851F, v63  }
0x121: {  	v10 =	vand.u32 $0x7FFFF800, v61;
	v11 =	vand.u32 $0x380, v62;
	v2 =	vadd.s32 v2, v60  }
0x122: {  	v5 =	vor.u32 v11, v10;
	v13 =	vand.u32 $0x7F, v2;
	v2 =	vshll.u32 v2, $0x3  }
0x123: {  	[tilespmem:s10+$0xFFFFFFF0] =	vst v3;
	v2 =	vand.u32 $0xFFFFFC00, v2;
	v3 =	vor.u32 v13, v5  }
0x124: {  	s25 =	sadd.s32 $0xFFFFFFB0, s11;
	v14 =	vshrl.u32 v12, $0x6;
	v4 =	vld.idx.msk [tilespmem:v4+s2+$0x0], $0xffff;
	v2 =	vadd.s32 v2, v3  }
0x125: {  	v17 =	vor.u32 s25, v0;
	v3 =	vmul.u32 $0xFFFFFF38, v14;
	v2 =	vadd.s32 $0xFFFFC000, v2  }
0x126: {  	v18 =	vmulhi.u32 $0x51EB851F, v17;
	v15 =	vshll.u32 v12, $0x2;
	v16 =	vshll.u32 v12, $0x1  }
0x127: {  	v6 =	vand.u32 $0x380, v16;
	v5 =	vand.u32 $0x7FFFF800, v15;
	v3 =	vadd.s32 v63, v3  }
0x128: {  	v5 =	vor.u32 v6, v5;
	v19 =	vand.u32 $0x7F, v3;
	v3 =	vshll.u32 v3, $0x3  }
0x129: {  	v3 =	vand.u32 $0xFFFFFC00, v3;
	v20 =	vor.u32 v19, v5;
	[tilespmem:s10+$0x0] =	vst v4  }
0x12a: {  	s26 =	sadd.s32 $0xFFFFFFC0, s11;
	v21 =	vshrl.u32 v18, $0x6;
	v3 =	vadd.s32 v3, v20;
	v2 =	vld.idx.msk [tilespmem:v2+s2+$0x0], $0xffff  }
0x12b: {  	v25 =	vor.u32 s26, v0;
	v22 =	vmul.u32 $0xFFFFFF38, v21;
	v3 =	vadd.s32 $0xFFFFC000, v3  }
0x12c: {  	v26 =	vmulhi.u32 $0x51EB851F, v25;
	v23 =	vshll.u32 v18, $0x2;
	v24 =	vshll.u32 v18, $0x1  }
0x12d: {  	v6 =	vand.u32 $0x380, v24;
	v5 =	vand.u32 $0x7FFFF800, v23;
	v4 =	vadd.s32 v17, v22  }
0x12e: {  	s28 =	sadd.s32 $0x80, s10;
	v5 =	vor.u32 v6, v5;
	v27 =	vand.u32 $0x7F, v4;
	v4 =	vshll.u32 v4, $0x3  }
0x12f: {  	v28 =	vor.u32 v27, v5;
	[tilespmem:s28+$0xFFFFFF90] =	vst v2;
	v2 =	vand.u32 $0xFFFFFC00, v4  }
0x130: {  	s29 =	sadd.s32 $0xFFFFFFD0, s11;
	v29 =	vshrl.u32 v26, $0x6;
	v3 =	vld.idx.msk [tilespmem:v3+s2+$0x0], $0xffff;
	v2 =	vadd.s32 v2, v28  }
0x131: {  	v33 =	vor.u32 s29, v0;
	v30 =	vmul.u32 $0xFFFFFF38, v29;
	v2 =	vadd.s32 $0xFFFFC000, v2  }
0x132: {  	v34 =	vmulhi.u32 $0x51EB851F, v33;
	v31 =	vshll.u32 v26, $0x2;
	v32 =	vshll.u32 v26, $0x1  }
0x133: {  	v6 =	vand.u32 $0x380, v32;
	v5 =	vand.u32 $0x7FFFF800, v31;
	v4 =	vadd.s32 v25, v30  }
0x134: {  	v5 =	vor.u32 v6, v5;
	v35 =	vand.u32 $0x7F, v4;
	v4 =	vshll.u32 v4, $0x3  }
0x135: {  	v36 =	vor.u32 v35, v5;
	[tilespmem:s28+$0xFFFFFFA0] =	vst v3;
	v3 =	vand.u32 $0xFFFFFC00, v4  }
0x136: {  	s30 =	sadd.s32 $0xFFFFFFE0, s11;
	v37 =	vshrl.u32 v34, $0x6;
	v2 =	vld.idx.msk [tilespmem:v2+s2+$0x0], $0xffff;
	v3 =	vadd.s32 v3, v36  }
0x137: {  	v41 =	vor.u32 s30, v0;
	v38 =	vmul.u32 $0xFFFFFF38, v37;
	v3 =	vadd.s32 $0xFFFFC000, v3  }
0x138: {  	v42 =	vmulhi.u32 $0x51EB851F, v41;
	v39 =	vshll.u32 v34, $0x2;
	v40 =	vshll.u32 v34, $0x1  }
0x139: {  	v6 =	vand.u32 $0x380, v40;
	v5 =	vand.u32 $0x7FFFF800, v39;
	v4 =	vadd.s32 v33, v38  }
0x13a: {  	v5 =	vor.u32 v6, v5;
	v43 =	vand.u32 $0x7F, v4;
	v4 =	vshll.u32 v4, $0x3  }
0x13b: {  	v44 =	vor.u32 v43, v5;
	[tilespmem:s28+$0xFFFFFFB0] =	vst v2;
	v2 =	vand.u32 $0xFFFFFC00, v4  }
0x13c: {  	s31 =	sadd.s32 $0xFFFFFFF0, s11;
	v45 =	vshrl.u32 v42, $0x6;
	v3 =	vld.idx.msk [tilespmem:v3+s2+$0x0], $0xffff;
	v2 =	vadd.s32 v2, v44  }
0x13d: {  	v49 =	vor.u32 s31, v0;
	v46 =	vmul.u32 $0xFFFFFF38, v45;
	v2 =	vadd.s32 $0xFFFFC000, v2  }
0x13e: {  	v50 =	vmulhi.u32 $0x51EB851F, v49;
	v47 =	vshll.u32 v42, $0x2;
	v48 =	vshll.u32 v42, $0x1  }
0x13f: {  	v6 =	vand.u32 $0x380, v48;
	v5 =	vand.u32 $0x7FFFF800, v47;
	v4 =	vadd.s32 v41, v46  }
0x140: {  	v5 =	vor.u32 v6, v5;
	v51 =	vand.u32 $0x7F, v4;
	v4 =	vshll.u32 v4, $0x3  }
0x141: {  	v52 =	vor.u32 v51, v5;
	[tilespmem:s28+$0xFFFFFFC0] =	vst v3;
	v3 =	vand.u32 $0xFFFFFC00, v4  }
0x142: {  	v53 =	vshrl.u32 v50, $0x6;
	v2 =	vld.idx.msk [tilespmem:v2+s2+$0x0], $0xffff;
	v3 =	vadd.s32 v3, v52  }
0x143: {  	v57 =	vor.u32 s11, v0;
	v54 =	vmul.u32 $0xFFFFFF38, v53;
	v3 =	vadd.s32 $0xFFFFC000, v3  }
0x144: {  	v58 =	vmulhi.u32 $0x51EB851F, v57;
	v55 =	vshll.u32 v50, $0x2;
	v56 =	vshll.u32 v50, $0x1  }
0x145: {  	v6 =	vand.u32 $0x380, v56;
	v5 =	vand.u32 $0x7FFFF800, v55;
	v4 =	vadd.s32 v49, v54  }
0x146: {  	v5 =	vor.u32 v6, v5;
	v7 =	vand.u32 $0x7F, v4;
	v4 =	vshll.u32 v4, $0x3  }
0x147: {  	v59 =	vor.u32 v7, v5;
	[tilespmem:s28+$0xFFFFFFD0] =	vst v2;
	v2 =	vand.u32 $0xFFFFFC00, v4  }
0x148: {  	v60 =	vshrl.u32 v58, $0x6;
	v3 =	vld.idx.msk [tilespmem:v3+s2+$0x0], $0xffff;
	v2 =	vadd.s32 v2, v59  }
0x149: {  	v4 =	vmul.u32 $0xFFFFFF38, v60;
	v2 =	vadd.s32 $0xFFFFC000, v2  }
0x14a: {  	v61 =	vshll.u32 v58, $0x2;
	v6 =	vshll.u32 v58, $0x1  }
0x14b: {  	v6 =	vand.u32 $0x380, v6;
	v5 =	vand.u32 $0x7FFFF800, v61;
	v4 =	vadd.s32 v57, v4  }
0x14c: {  	v5 =	vor.u32 v6, v5;
	v62 =	vand.u32 $0x7F, v4;
	v4 =	vshll.u32 v4, $0x3  }
0x14d: {  	v63 =	vor.u32 v62, v5;
	[tilespmem:s28+$0xFFFFFFE0] =	vst v3;
	v3 =	vand.u32 $0xFFFFFC00, v4  }
0x14e: {  	v2 =	vld.idx.msk [tilespmem:v2+s2+$0x0], $0xffff;
	v3 =	vadd.s32 v3, v63  }
0x14f: {  	v3 =	vadd.s32 $0xFFFFC000, v3;
	_ =	sdelay $0x3  }
0x150: {  	[tilespmem:s28+$0xFFFFFFF0] =	vst v2  }
0x151: {  	v2 =	vld.idx.msk [tilespmem:v3+s2+$0x0], $0xffff;
	_ =	sdelay $0x2  }
0x152: {  	s9 =	sadd.s32 $0x1, s9  }
0x153: {  	p0 =	sne.s32 s9, s6  }
.Ltmp2:
0x154: {  	[tilespmem:s28+$0x0] =	vst v2;
	(pc) =	sbr.rel @p0 .LBB2_1-.Ltmp2, $4  }
0x155: {  	[hbm4b:s5+s2] =	stream.linear.scatter [tilespmem:s8], [sflag:$0x1], $0x6400, $0x38;
	[tilespmem:$0xA400] =	vst v63  }
0x156: {  	_ =	swait.ge [sflag:s7], $0x6400  }
0x157: {  	[sflag:s7] =	ssyncset.done $0x0  }
0x158: {  	[sflag:s7] =	ssyncadd.s32 $0xFFFF9C00  }
0x159: {  	_ =	sfence.sel $0x180000  }
0x15a: {  	[bflag:$0x0] =	sbarrier.arrive $0xFFFF  }
0x15b: {  	p0 =	sne.s32 s0, $0x0;
	_ =	strace $0x9000004A  }
0x15c: {  	s0 =	sadd.s32 @!p0 $0x100000, s1;
	[bflag:$0x2] =	sbarrier.arrive $0xFFFF  }
0x15d: {  	[sflag:s0] =	ssyncadd.tile.s32 @!p0 $0x1;
	_ =	shalt  }
.Lfunc_end2:
_tile_overlayer_lowered:
.L_overlay_start_2:
0x15e: {  	(tag) =	ssettag $0x2  }
0x15f: {  	s0 =	rddreg [dreg:$0x0];
	s2 =	stileid.u32  }
0x160: {  	s1 =	rddreg [dreg:$0x1];
	p0 =	sne.s32 s2, $0x0  }
0x161: {  	s3 =	rddreg [dreg:$0x2];
	[bflag:$0x3] =	sbarrier.arrive $0xFFFF;
	s2 =	simm.s32 @!p0 $0x1C01  }
0x162: {  	[timem:s3], [sflag:s2] =	dma.local @!p0 [hbm:s0], s1  }
0x163: {  	s0 =	simm.s32 @!p0 $0x1  }
0x164: {  	_ =	swait.ge @!p0 [sflag:s0], s1  }
0x165: {  	s1 =	ssub.s32 @!p0 $0x0, s1;
	[sflag:s0] =	ssyncset.done @!p0 $0x0  }
0x166: {  	[sflag:s0] =	ssyncadd.s32 @!p0 s1  }
0x167: {  	[bflag:$0x3] =	sbarrier.arrive $0xFFFF  }
0x168: {  	_ =	shalt  }

// kernel: sparse-core-data-format-call.cloned.1.call-start
scs
called_computation_lowered:
.L_overlay_start_0:
0x0: {  	s2 =	sld [smem:$0x3FD9]  }
0x1: {  	s3 =	sld [smem:$0x3FFE];
	_ =	sdelay $0x1  }
0x2: {  	s1 =	srdreg.scid  }
0x3: {  	s0 =	sand.u32 $0x1, s1  }
0x4: {  	s18 =	sshll.u32 s0, $0xA;
	s2 =	sadd.s32 s3, s2  }
0x5: {  	s2 =	sadd.s32 s2, s18  }
0x6: {  	[smem:$0x3FC6] =	sst s2  }
0x7: {  	_ = 	snop  }
0x8: {  	s2 =	sld [smem:$0x3FD0];
	(tm) =	ssettm $0x1  }
0x9: {  	s19 =	sld [smem:$0x3FFB];
	_ =	sdelay $0x3  }
0xa: {  	_ =	strace s19  }
0xb: {  	s3 =	sld [smem:$0x3FFC];
	_ =	sdelay $0x3  }
0xc: {  	_ =	strace s3  }
0xd: {  	s3 =	sld [smem:$0x3FFD];
	_ =	sdelay $0x3  }
0xe: {  	_ =	strace s3  }
0xf: {  	_ =	strace $0x8FFFFFFF  }
0x10: {  	s20 =	sld [smem:$0x3FDB];
	_ =	sdelay $0x1  }
0x11: {  	s4 =	simm.s32 $_scs_section_size  }
0x12: {  	s5 =	simm.s32 $_size__tile_overlayer_lowered;
	s6 =	simm.s32 $_tile_overlayer_lowered  }
0x13: {  	s23 =	simm.s32 $0x1BFF;
	s22 =	sshll.u32 s6, $0x1;
	s3 =	sadd.s32 s4, s20  }
0x14: {  	s7 =	simm.s32 $0x0;
	s21 =	sshll.u32 s5, $0x1;
	s5 =	sadd.s32 s22, s3  }
0x15: {  	[timem:s7], [sflag:s23] =	dma.local [hbm:s5], s21  }
0x16: {  	_ =	swait.ge [sflag:s23], s21  }
0x17: {  	s4 =	ssub.s32 $0x0, s21;
	[sflag:s23] =	ssyncset.done $0x0  }
0x18: {  	[sflag:s23] =	ssyncadd.s32 s4;
	_ =	sdelay $0x1  }
0x19: {  	s24 =	simm.s32 $0x1B8B  }
0x1a: {  	_ =	swait.ge [sflag:s24], $0x1  }
0x1b: {  	[sflag:s24] =	ssyncset.done $0x0  }
0x1c: {  	s26 =	simm.s32 $0x1B8E;
	s25 =	sld [smem:$0x3FFE];
	[sflag:s24] =	ssyncadd.s32 $0xFFFFFFFF  }
0x1d: {  	s27 =	simm.s32 $execute0_lowered;
	[smem:$0x3FD2] =	sst s26  }
0x1e: {  	s5 =	sshll.u32 s27, $0x1;
	_ =	strace $0x8000004F;
	[dreg:$0x1] =	wrdreg $0xFFFFFFFF  }
0x1f: {  	s28 =	simm.s32 $_size_execute0_lowered;
	s3 =	sadd.s32 s3, s5;
	[dreg:$0x0] =	wrdreg $0x0  }
0x20: {  	s5 =	sshll.u32 s28, $0x1;
	[dreg:$0x2] =	wrdreg s3  }
0x21: {  	[dreg:$0x3] =	wrdreg s5  }
0x22: {  	[dreg:$0x4] =	wrdreg $0xC0  }
0x23: {  	_ =	task [dreg:s7], $0x5FFFF  }
0x24: {  	[dreg:$0x1] =	wrdreg $0xFFFFFFFF  }
0x25: {  	[dreg:$0x0] =	wrdreg $0x60  }
0x26: {  	[dreg:$0x2] =	wrdreg s25  }
0x27: {  	[dreg:$0x3] =	wrdreg s2  }
0x28: {  	[dreg:$0x4] =	wrdreg $0x9  }
0x29: {  	_ =	task.clear_ibuf [dreg:s7], $0x5FFFF;
	_ =	strace $0x9000004F  }
0x2a: {  	s29 =	simm.s32 $0x9;
	_ =	strace $0x80000051  }
0x2b: {  	_ =	swait.ge [sflag:s29], $0x1  }
0x2c: {  	[sflag:s29] =	ssyncadd.s32 $0xFFFFFFFF  }
0x2d: {  	_ =	strace $0x90000051  }
0x2e: {  	_ =	sfence  }
0x2f: {  	s30 =	sld [smem:$0x0];
	_ =	sdelay $0x2  }
0x30: {  	s31 =	sshll.u32 s1, $0xD;
	s1 =	sshrl.u32 s1, $0x2  }
0x31: {  	s3 =	sand.u32 $0x4000, s31;
	s1 =	sadd.s32 s1, s30  }
0x32: {  	s0 =	sor.u32 s3, s0;
	s1 =	sshll.u32 s1, $0x11  }
0x33: {  	s0 =	sor.u32 s1, s0  }
0x34: {  	s0 =	sadd.s32 $0x8F2B, s0  }
0x35: {  	[sflag:s0] =	ssyncadd.remote.s32 $0x1  }
0x36: {  	_ =	sfence.sel $0xFFFF  }
0x37: {  	[dreg:$0x0] =	wrdreg $0xFFFFFFFF;
	(pc) =	sbr.abs _section_cstart, $3  }
0x38: {  	[dreg:$0x1] =	wrdreg $0xFFFFFFFF  }
0x39: {  	_ =	task.clear_ibuf [dreg:s7], $0x2FFFF;
	_ =	strace $0x9FFFFFFF  }
0x3a: {  	(tm) =	ssettm $0x7FFFFFFF  }
0x3b: {  	_ =	shalt  }
tec
execute0_lowered:
.L_overlay_start_1:
0x0: {  	(tag) =	ssettag $0x1  }
0x1: {  	s0 =	srdreg.scid  }
0x2: {  	s1 =	sshll.u32 s0, $0x4  }
0x3: {  	s0 =	stileid.u32;
	s1 =	sand.u32 $0x10, s1  }
0x4: {  	s1 =	sor.u32 s0, s1  }
0x5: {  	s6 =	rddreg [dreg:$0x0];
	s4 =	simm.s32 $0x1;
	s2 =	sshll.u32 s1, $0x7  }
0x6: {  	s7 =	simm.s32 $0x2;
	s12 =	simm.s32 $0x0;
	s1 =	ssub.s32 $0x1000, s2  }
0x7: {  	s8 =	simm.s32 $0x8000;
	s13 =	simm.s32 $0x0;
	s3 =	sand.u32 $0xF80, s1  }
0x8: {  	s9 =	simm.s32 $0x0;
	s5 =	sshrl.u32 s1, $0xC;
	p0 =	sne.s32 s3, $0x0  }
.Ltmp0:
0x9: {  	s1 =	rddreg [dreg:$0x2];
	s4 =	simm.s32 @!p0 $0x0;
	(pc) =	sbr.rel .LBB1_1-.Ltmp0, $4  }
0xa: {  	s11 =	simm.s32 $0x0;
	s3 =	rddreg [dreg:$0x1];
	s5 =	sadd.s32 s4, s5  }
0xb: {  	_ =	strace $0x80000050;
	s4 =	simm.s32 $0x1;
	s5 =	smul.u32 $0xC8, s5  }
0xc: {  	s6 =	sadd.s32 $0x1200, s6;
	s10 =	smov.u32 s2;
	[sflag:s4] =	ssyncpa.u1 $0x0  }
0xd: {  	p0 =	por $0x0, $0x0;
	[sflag:s7] =	ssyncpa.u1 $0x0;
	s7 =	sor.u32 $0x1, s5  }
.LBB1_4:
0xe: {  	s16 =	sshll.u32 s13, $0x3;
	s17 =	sand.u32 $0x78, s13  }
0xf: {  	s30 =	sand.u32 $0x7E00, s13;
	s12 =	sshll.u32 s12, $0xF;
	s16 =	sand.u32 $0xC00, s16  }
0x10: {  	[tilespmem:s15+$0x810 ss:$0x81] =	vst.msk $0xffff, v2;
	s31 =	sand.u32 $0x7, s13;
	s16 =	sor.u32 s17, s16;
	s17 =	sadd.s32 s3, s30  }
0x11: {  	[tilespmem:s15+$0x1020 ss:$0x81] =	vst.msk $0xffff, v0;
	s13 =	sshll.u32 s31, $0x12;
	s12 =	sadd.s32 s12, s17;
	s16 =	sshrl.u32 s16, $0x3  }
0x12: {  	[tilespmem:s15+$0x0 ss:$0x81] =	vst.msk $0xffff, v1;
	s13 =	sor.u32 $0x400, s13;
	s12 =	sadd.s32 s16, s12  }
0x13: {  	[hbm4b:s12+s13] =	stream.strided.scatter [tilespmem:s14], [sflag:$0x2], $0x2000, s8, s13, $0x20;
	[tilespmem:$0x8080] =	vst v63  }
.LBB1_5:
0x14: {  	s14 =	sadd.s32 $0x1, s9  }
0x15: {  	s12 =	sadd.s32 $0x1000, s10;
	s16 =	smov.u32 s10;
	p2 =	sgt.s32 s14, $0xC7  }
0x16: {  	s16 =	smov.u32 @p2 s12  }
0x17: {  	s14 =	simm.s32 @p2 $0x0;
	p2 =	sgt.s32 s16, $0xFFF  }
0x18: {  	s16 =	smov.u32 @p2 s2;
	p2 =	sne.s32 s11, s7  }
.Ltmp1:
0x19: {  	p1 =	slt.u32 s11, $0x2;
	(pc) =	sbr.rel @!p2 .LBB1_6-.Ltmp1, $4  }
0x1a: {  	s15 =	simm.s32 @!p1 $0x2  }
0x1b: {  	s13 =	smov.u32 s10;
	p0 =	por !p0, !p0;
	_ =	swait.ge @!p1 [sflag:s15], $0x2000  }
0x1c: {  	s12 =	smov.u32 s9;
	[sflag:s15] =	ssyncset.done @!p1 $0x0;
	s9 =	smov.u32 s14  }
0x1d: {  	s11 =	sadd.s32 $0x1, s11;
	[sflag:s15] =	ssyncadd.s32 @!p1 $0xFFFFE000;
	s10 =	smov.u32 s16  }
.LBB1_1:
0x1e: {  	p1 =	sge.u32 s11, s5  }
0x1f: {  	s14 =	sand.u32 @!p1 $0x1FFFFFF, s9  }
0x20: {  	s15 =	smulhi.u32 @!p1 $0x147AE15, s14;
	_ =	sdelay $0x1  }
0x21: {  	s15 =	smul.u32 @!p1 $0xC8, s15  }
0x22: {  	s16 =	sxor.u32 @!p1 $0xFFFFFFFF, s11;
	s17 =	smul.u32 @!p1 $0xC80, s10  }
0x23: {  	s31 =	sadd.s32 $0xFFFFFFFF, s11;
	s16 =	sshll.u32 @!p1 s16, $0xD;
	s14 =	ssub.s32 @!p1 s14, s15  }
0x24: {  	s15 =	sand.u32 @!p1 $0x2000, s16;
	s16 =	sadd.s32 @!p1 s6, s17;
	s14 =	sshll.u32 @!p1 s14, $0x4  }
0x25: {  	s17 =	simm.s32 @!p1 $0x6400;
	s14 =	sadd.s32 @!p1 s14, s16;
	s16 =	simm.s32 @!p1 $0x40  }
0x26: {  	[tilespmem:s15], [sflag:$0x1] =	stream.strided.gather @!p1 [hbm4b:s14+s16], $0x2000, s17, s16, $0x38;
	[tilespmem:$0x8080] =	vst v63  }
0x27: {  	p1 =	sge.u32 s31, s5  }
.Ltmp2:
0x28: {  	_ = 	snop;
	(pc) =	sbr.rel @p1 .LBB1_5-.Ltmp2, $1  }
0x29: {  	_ =	sdelay $0x3  }
0x2a: {  	s14 =	simm.s32 $0x1  }
0x2b: {  	_ =	swait.ge [sflag:s4], $0x2000;
	s14 =	simm.s32 @!p0 $0x0  }
0x2c: {  	[sflag:s4] =	ssyncset.done $0x0;
	s15 =	sshll.u32 s14, $0xD  }
0x2d: {  	[sflag:s4] =	ssyncadd.s32 $0xFFFFE000;
	s18 =	sor.u32 $0x20, s15  }
0x2e: {  	s14 =	smul.u32 $0x8100, s14;
	v3 =	vld [tilespmem:s18+$0x10]  }
0x2f: {  	s30 =	sand.u32 $0x1, s11;
	v2 =	vld [tilespmem:s18+$0xFFFFFFF0]  }
0x30: {  	s15 =	smul.u32 $0x8100, s30;
	s14 =	sshrl.u32 s14, $0x2;
	v0 =	vld [tilespmem:s18+$0x0]  }
0x31: {  	v1 =	vld [tilespmem:s18+$0xFFFFFFE0];
	s16 =	sor.u32 $0x4000, s14  }
0x32: {  	s31 =	sshrl.u32 s15, $0x2;
	s15 =	sadd.s32 $0x0, s16  }
0x33: {  	s17 =	simm.s32 $0x4;
	s18 =	sadd.s32 $0x40, s18;
	s14 =	sor.u32 $0x4000, s31;
	[tilespmem:s15+$0x1830 ss:$0x81] =	vst.msk $0xffff, v3  }
.LBB1_3:
0x34: {  	v3 =	vld [tilespmem:s18+$0x10];
	p1 =	sne.s32 s17, $0x1FC;
	[tilespmem:s15+$0x810 ss:$0x81] =	vst.msk $0xffff, v2;
	s19 =	smov.u32 s17;
	s17 =	sadd.s32 $0x4, s17  }
.Ltmp3:
0x35: {  	v2 =	vld [tilespmem:s18+$0xFFFFFFF0];
	[tilespmem:s15+$0x1020 ss:$0x81] =	vst.msk $0xffff, v0;
	(pc) =	sbr.rel @p1 .LBB1_3-.Ltmp3, $4  }
0x36: {  	v0 =	vld [tilespmem:s18+$0x0];
	[tilespmem:s15+$0x0 ss:$0x81] =	vst.msk $0xffff, v1  }
0x37: {  	s15 =	sshra.s32 s19, $0x2;
	v1 =	vld [tilespmem:s18+$0xFFFFFFE0]  }
0x38: {  	s15 =	sadd.s32 s15, s16  }
0x39: {  	s18 =	sadd.s32 $0x40, s18;
	[tilespmem:s15+$0x1830 ss:$0x81] =	vst.msk $0xffff, v3  }
.Ltmp4:
0x3a: {  	_ = 	snop;
	(pc) =	sbr.rel .LBB1_4-.Ltmp4, $1  }
0x3b: {  	_ =	sdelay $0x3  }
.LBB1_6:
0x3c: {  	_ =	sfence.sel $0x180000  }
0x3d: {  	s2 =	simm.s32 $0x1;
	[bflag:$0x0] =	sbarrier.arrive $0xFFFF  }
0x3e: {  	s31 =	simm.s32 $0x2;
	[sflag:s2] =	ssyncpa.u1 $0x1  }
0x3f: {  	[sflag:s31] =	ssyncpa.u1 $0x1  }
0x40: {  	p0 =	sne.s32 s0, $0x0;
	_ =	strace $0x90000050  }
0x41: {  	s0 =	sadd.s32 @!p0 $0x100000, s1;
	[bflag:$0x2] =	sbarrier.arrive $0xFFFF  }
0x42: {  	[sflag:s0] =	ssyncadd.tile.s32 @!p0 $0x1;
	_ =	shalt  }
.Lfunc_end1:
_tile_overlayer_lowered:
.L_overlay_start_2:
0x43: {  	(tag) =	ssettag $0x2  }
0x44: {  	s0 =	rddreg [dreg:$0x0];
	s2 =	stileid.u32  }
0x45: {  	s1 =	rddreg [dreg:$0x1];
	p0 =	sne.s32 s2, $0x0  }
0x46: {  	s3 =	rddreg [dreg:$0x2];
	[bflag:$0x3] =	sbarrier.arrive $0xFFFF;
	s2 =	simm.s32 @!p0 $0x1C01  }
0x47: {  	[timem:s3], [sflag:s2] =	dma.local @!p0 [hbm:s0], s1  }
0x48: {  	s0 =	simm.s32 @!p0 $0x1  }
0x49: {  	_ =	swait.ge @!p0 [sflag:s0], s1  }
0x4a: {  	s1 =	ssub.s32 @!p0 $0x0, s1;
	[sflag:s0] =	ssyncset.done @!p0 $0x0  }
0x4b: {  	[sflag:s0] =	ssyncadd.s32 @!p0 s1  }
0x4c: {  	[bflag:$0x3] =	sbarrier.arrive $0xFFFF  }
0x4d: {  	_ =	shalt  }

</sc_bundles>
